<compile_context>
chip_gen: v7x
topology: tpu7x:2x2x1
jax: 0.10.2.dev20260603
libtpu: 0.0.44.dev20260713+nightly
codegen_flags: <defaults>
</compile_context>

<pallas_src>
import functools

import jax
import jax.numpy as jnp
from jax import lax
from jax.experimental import pallas as pl
from jax.experimental.pallas import tpu as pltpu
from jax.experimental.pallas import tpu_sc as plsc

N, D, B = 32768, 128, 16
PAD = 34
NC, NS, L = 2, 16, 16
NW = NC * NS
RPT = N // NW
CH = 256
NCHUNK = RPT // CH
NG = D // L


def _zero_rows(ref, nrows, ngroups):
    z = jnp.zeros((L,), jnp.float32)
    for r in range(nrows):
        for d in range(ngroups):
            ref[r, pl.ds(d * L, L)] = z


def _stage_ptr(ptr_hbm, ptrv):
    nvec = jnp.full((L,), N, jnp.int32)
    ptrv[pl.ds(8, L)] = nvec
    ptrv[pl.ds(24, L)] = nvec
    pltpu.sync_copy(ptr_hbm, ptrv.at[pl.ds(0, 17)])


def _ptr_scalar(ptrv, j):
    return ptrv[pl.ds(j, L)][0]


_mesh = plsc.VectorSubcoreMesh(core_axis_name="c", subcore_axis_name="s")


@functools.partial(
    pl.kernel,
    out_type=jax.ShapeDtypeStruct((NC, B, D), jnp.float32),
    mesh=_mesh,
    scratch_types=[
        pltpu.VMEM((CH, D), jnp.float32),
        pltpu.VMEM((CH, D), jnp.float32),
        pltpu.VMEM((B, D), jnp.float32),
        pltpu.VMEM((B, D), jnp.float32),
        pltpu.VMEM((40,), jnp.int32),
        pltpu.VMEM((B,), jnp.int32),
        pltpu.VMEM_SHARED((B, D), jnp.float32),
        pltpu.SemaphoreType.DMA,
        pltpu.SemaphoreType.DMA,
    ],
)
def _seg_sums(x_hbm, ptr_hbm, part_hbm, buf0, buf1, acc, zbuf, ptrv, idv,
              shared, sem0, sem1):
    c = lax.axis_index("c")
    s = lax.axis_index("s")

    _stage_ptr(ptr_hbm, ptrv)
    idv[...] = lax.iota(jnp.int32, L)
    _zero_rows(acc, B, NG)

    wid = s * NC + c
    row0 = wid * RPT
    bufs, sems = (buf0, buf1), (sem0, sem1)

    @pl.when(s == 0)
    def _init_shared():
        _zero_rows(zbuf, B, NG)
        pltpu.sync_copy(zbuf, shared)

    zero8 = tuple(jnp.zeros((L,), jnp.float32) for _ in range(NG))

    def _dma(chunk, bsel):
        base = row0 + chunk * CH
        return pltpu.make_async_copy(
            x_hbm.at[pl.ds(base, CH), :], bufs[bsel], sems[bsel])

    def _process(buf, base):
        def seg_body(j, _):
            a = jnp.maximum(ptrv[pl.ds(j, L)][0], base) - base
            b = jnp.minimum(ptrv[pl.ds(j + 1, L)][0], base + CH) - base

            @pl.when(b > a)
            def _run():
                def row_body(r, carry):
                    return tuple(carry[d] + buf[r, pl.ds(d * L, L)]
                                 for d in range(NG))

                part = plsc.parallel_loop(a, b, unroll=4,
                                          carry=zero8)(row_body)
                for d in range(NG):
                    acc[j, pl.ds(d * L, L)] += part[d]
            return 0

        lax.fori_loop(0, B, seg_body, 0)

    _dma(0, 0).start()

    def pair_body(i2, _):
        for bsel in range(2):
            chunk = i2 * 2 + bsel

            @pl.when(chunk + 1 < NCHUNK)
            def _prefetch():
                _dma(chunk + 1, 1 - bsel).start()

            _dma(chunk, bsel).wait()
            _process(bufs[bsel], row0 + chunk * CH)
        return 0

    lax.fori_loop(0, NCHUNK // 2, pair_body, 0)

    for j in range(B):
        cnt = _ptr_scalar(ptrv, j + 1) - _ptr_scalar(ptrv, j)
        cnt_v = jnp.broadcast_to(cnt, (L,)).astype(jnp.float32)
        inv_v = 1.0 / jnp.maximum(cnt_v, 1.0)
        for d in range(NG):
            acc[j, pl.ds(d * L, L)] *= inv_v

    plsc.subcore_barrier()
    pltpu.sync_copy(acc, shared.at[idv], add=True)
    plsc.subcore_barrier()

    @pl.when(s == 0)
    def _write_part():
        pltpu.sync_copy(shared, part_hbm.at[c])


def _tc_combine_body(part_ref, out_ref):
    tot = part_ref[0] + part_ref[1]
    pad = jnp.zeros((B, PAD), jnp.float32)
    out_ref[...] = jnp.concatenate([tot, pad], axis=1)


_tc_combine = pl.pallas_call(
    _tc_combine_body,
    out_shape=jax.ShapeDtypeStruct((B, D + PAD), jnp.float32),
)


def kernel(x, ptr):
    part = _seg_sums(x, ptr)
    return _tc_combine(part)

# --- scband reference (transcript-rebuilt; emitter-appended) ---
"""Pipeline reference for scband-column-dataset-encoder-31525059953249 (READ-ONLY COPY).

The authoritative reference and input builder live on the scoring server;
editing this copy changes nothing except your own understanding.
"""

import jax, jax.numpy as jnp
import numpy as np

N, D, B = 32768, 128, 16
PAD = 34

def setup_inputs(seed: int = 0) -> dict:
    key = jax.random.key(seed)
    k1, k2 = jax.random.split(key)
    x = jax.random.normal(k1, (N, D), dtype=jnp.float32)
    inner = jnp.sort(jax.random.randint(k2, (B - 1,), 0, N, dtype=jnp.int32))
    ptr = jnp.concatenate([jnp.array([0], dtype=jnp.int32), inner, jnp.array([N], dtype=jnp.int32)])
    return {"x": x, "ptr": ptr}

def reference(x, ptr):
    # ColumnDatasetEncoder.forward with aggr_type=['mean'], aggr_mode='cat':
    # multi_aggr reduces x per-segment (CSR ptr) with mean, then pads last dim by self.pad=34 zeros.
    n = x.shape[0]
    num_seg = ptr.shape[0] - 1
    # segment id of token i: number of interior boundaries <= i
    seg = jnp.searchsorted(ptr[1:], jnp.arange(n, dtype=ptr.dtype), side='right')
    sums = jax.ops.segment_sum(x, seg, num_segments=num_seg)
    counts = jax.ops.segment_sum(jnp.ones((n,), dtype=x.dtype), seg, num_segments=num_seg)
    mean = sums / jnp.maximum(counts, 1.0)[:, None]  # empty segments -> 0
    out = jnp.pad(mean, ((0, 0), (0, PAD)))
    return out

if __name__ == "__main__":
    import jax
    _d = setup_inputs()
    print(jax.jit(kernel)(*tuple(_d.values())))

</pallas_src>

<mosaic_0001>
#map = affine_map<(d0, d1) -> (0, 0)>
#map1 = affine_map<(d0, d1) -> (0)>
#map2 = affine_map<(d0, d1) -> (0, 0, 0)>
module attributes {stable_mosaic.version = 14 : i64} {
  func.func @_seg_sums(%arg0: i32, %arg1: i32, %arg2: memref<32768x128xf32, #tpu.memory_space<hbm>>, %arg3: memref<17xi32, #tpu.memory_space<hbm>>, %arg4: memref<2x16x128xf32, #tpu.memory_space<hbm>>, %arg5: memref<256x128xf32, #tpu.memory_space<vmem>>, %arg6: memref<256x128xf32, #tpu.memory_space<vmem>>, %arg7: memref<16x128xf32, #tpu.memory_space<vmem>>, %arg8: memref<16x128xf32, #tpu.memory_space<vmem>>, %arg9: memref<40xi32, #tpu.memory_space<vmem>>, %arg10: memref<16xi32, #tpu.memory_space<vmem>>, %arg11: memref<16x128xf32, #tpu.memory_space<vmem_shared>>, %arg12: memref<!tpu.dma_semaphore, #tpu.memory_space<semaphore_mem>>, %arg13: memref<!tpu.dma_semaphore, #tpu.memory_space<semaphore_mem>>) attributes {dimension_semantics = [#tpu.dimension_semantics<core_parallel>, #tpu.dimension_semantics<subcore_parallel>], iteration_bounds = array<i64: 2, 16>, scalar_prefetch = 0 : i64, scratch_operands = 9 : i64, tpu.core_type = #tpu.core_type<sc_vector_subcore>, window_params = [{transform_indices = #map}, {transform_indices = #map1}, {transform_indices = #map2}]} {
    %broadcast_in_dim3A = arith.constant 32768 : i32
    %broadcast_in_dim3A_0 = vector.broadcast %broadcast_in_dim3A : i32 to vector<16xi32>
    %swap3A = arith.constant 8 : index
    %swap3A_1 = tpu.vector_load %arg9[%swap3A] {strides = array<i32>} : memref<40xi32, #tpu.memory_space<vmem>>, vector<16xi32>,
    %swap3A_2 = vector.shape_cast %swap3A_1 : vector<16xi32> to vector<16xi32>
    %swap3A_3 = vector.shape_cast %broadcast_in_dim3A_0 : vector<16xi32> to vector<16xi32>
    tpu.vector_store %arg9[%swap3A], %swap3A_3 {strides = array<i32>} : memref<40xi32, #tpu.memory_space<vmem>>, vector<16xi32>,
    %swap3A_4 = arith.constant 24 : index
    %swap3A_5 = tpu.vector_load %arg9[%swap3A_4] {strides = array<i32>} : memref<40xi32, #tpu.memory_space<vmem>>, vector<16xi32>,
    %swap3A_6 = vector.shape_cast %swap3A_5 : vector<16xi32> to vector<16xi32>
    %swap3A_7 = vector.shape_cast %broadcast_in_dim3A_0 : vector<16xi32> to vector<16xi32>
    tpu.vector_store %arg9[%swap3A_4], %swap3A_7 {strides = array<i32>} : memref<40xi32, #tpu.memory_space<vmem>>, vector<16xi32>,
    "tpu.region"() ({
      %run_scoped3A = tpu.sem_alloc : memref<!tpu.dma_semaphore, #tpu.memory_space<semaphore_mem>>
      %dma_start3A_2654 = arith.constant 0 : i32
      %dma_start3A_2655 = tpu.memref_slice %arg9[%dma_start3A_2654] : memref<40xi32, #tpu.memory_space<vmem>> -> memref<17xi32, #tpu.memory_space<vmem>>
      %dma_start3A_2656 = arith.constant 0 : i32
      %dma_start3A_2657 = tpu.memref_slice %arg9[%dma_start3A_2656] : memref<40xi32, #tpu.memory_space<vmem>> -> memref<17xi32, #tpu.memory_space<vmem>>
      tpu.enqueue_dma source(%arg3 : memref<17xi32, #tpu.memory_space<hbm>>) target(%dma_start3A_2657 : memref<17xi32, #tpu.memory_space<vmem>>) target_semaphore(%run_scoped3A : memref<!tpu.dma_semaphore, #tpu.memory_space<semaphore_mem>>)
      %dma_wait3A = arith.constant 0 : i32
      %dma_wait3A_2658 = tpu.memref_slice %arg9[%dma_wait3A] : memref<40xi32, #tpu.memory_space<vmem>> -> memref<17xi32, #tpu.memory_space<vmem>>
      %dma_wait3A_2659 = arith.constant 0 : i32
      %dma_wait3A_2660 = tpu.memref_slice %arg9[%dma_wait3A_2659] : memref<40xi32, #tpu.memory_space<vmem>> -> memref<17xi32, #tpu.memory_space<vmem>>
      tpu.wait_dma2 semaphore(%run_scoped3A : memref<!tpu.dma_semaphore, #tpu.memory_space<semaphore_mem>>) src(%arg3 : memref<17xi32, #tpu.memory_space<hbm>>) dst(%dma_wait3A_2660 : memref<17xi32, #tpu.memory_space<vmem>>)
      tpu.yield
    }) : () -> ()
    %iota3A = tpu.iota {dimensions = array<i32: 0>} : vector<16xi32>
    %swap3A_8 = arith.constant 0 : index
    %swap3A_9 = tpu.vector_load %arg10[%swap3A_8] {strides = array<i32>} : memref<16xi32, #tpu.memory_space<vmem>>, vector<16xi32>,
    %swap3A_10 = vector.shape_cast %swap3A_9 : vector<16xi32> to vector<16xi32>
    %swap3A_11 = vector.shape_cast %iota3A : vector<16xi32> to vector<16xi32>
    tpu.vector_store %arg10[%swap3A_8], %swap3A_11 {strides = array<i32>} : memref<16xi32, #tpu.memory_space<vmem>>, vector<16xi32>,
    %broadcast_in_dim3A_12 = arith.constant 0.000000e+00 : f32
    %broadcast_in_dim3A_13 = vector.broadcast %broadcast_in_dim3A_12 : f32 to vector<16xf32>
    %swap3A_14 = arith.constant 0 : i32
    %swap3A_15 = arith.index_cast %swap3A_14 : i32 to index
    %swap3A_16 = arith.constant 0 : index
    %swap3A_17 = tpu.vector_load %arg7[%swap3A_15, %swap3A_16] {strides = array<i32>} : memref<16x128xf32, #tpu.memory_space<vmem>>, vector<1x16xf32>,
    %swap3A_18 = vector.shape_cast %swap3A_17 : vector<1x16xf32> to vector<16xf32>
    %swap3A_19 = vector.shape_cast %broadcast_in_dim3A_13 : vector<16xf32> to vector<1x16xf32>
    tpu.vector_store %arg7[%swap3A_15, %swap3A_16], %swap3A_19 {strides = array<i32>} : memref<16x128xf32, #tpu.memory_space<vmem>>, vector<1x16xf32>,
    %swap3A_20 = arith.constant 0 : i32
    %swap3A_21 = arith.index_cast %swap3A_20 : i32 to index
    %swap3A_22 = arith.constant 16 : index
    %swap3A_23 = tpu.vector_load %arg7[%swap3A_21, %swap3A_22] {strides = array<i32>} : memref<16x128xf32, #tpu.memory_space<vmem>>, vector<1x16xf32>,
    %swap3A_24 = vector.shape_cast %swap3A_23 : vector<1x16xf32> to vector<16xf32>
    %swap3A_25 = vector.shape_cast %broadcast_in_dim3A_13 : vector<16xf32> to vector<1x16xf32>
    tpu.vector_store %arg7[%swap3A_21, %swap3A_22], %swap3A_25 {strides = array<i32>} : memref<16x128xf32, #tpu.memory_space<vmem>>, vector<1x16xf32>,
    %swap3A_26 = arith.constant 0 : i32
    %swap3A_27 = arith.index_cast %swap3A_26 : i32 to index
    %swap3A_28 = arith.constant 32 : index
    %swap3A_29 = tpu.vector_load %arg7[%swap3A_27, %swap3A_28] {strides = array<i32>} : memref<16x128xf32, #tpu.memory_space<vmem>>, vector<1x16xf32>,
    %swap3A_30 = vector.shape_cast %swap3A_29 : vector<1x16xf32> to vector<16xf32>
    %swap3A_31 = vector.shape_cast %broadcast_in_dim3A_13 : vector<16xf32> to vector<1x16xf32>
    tpu.vector_store %arg7[%swap3A_27, %swap3A_28], %swap3A_31 {strides = array<i32>} : memref<16x128xf32, #tpu.memory_space<vmem>>, vector<1x16xf32>,
    %swap3A_32 = arith.constant 0 : i32
    %swap3A_33 = arith.index_cast %swap3A_32 : i32 to index
    %swap3A_34 = arith.constant 48 : index
    %swap3A_35 = tpu.vector_load %arg7[%swap3A_33, %swap3A_34] {strides = array<i32>} : memref<16x128xf32, #tpu.memory_space<vmem>>, vector<1x16xf32>,
    %swap3A_36 = vector.shape_cast %swap3A_35 : vector<1x16xf32> to vector<16xf32>
    %swap3A_37 = vector.shape_cast %broadcast_in_dim3A_13 : vector<16xf32> to vector<1x16xf32>
    tpu.vector_store %arg7[%swap3A_33, %swap3A_34], %swap3A_37 {strides = array<i32>} : memref<16x128xf32, #tpu.memory_space<vmem>>, vector<1x16xf32>,
    %swap3A_38 = arith.constant 0 : i32
    %swap3A_39 = arith.index_cast %swap3A_38 : i32 to index
    %swap3A_40 = arith.constant 64 : index
    %swap3A_41 = tpu.vector_load %arg7[%swap3A_39, %swap3A_40] {strides = array<i32>} : memref<16x128xf32, #tpu.memory_space<vmem>>, vector<1x16xf32>,
    %swap3A_42 = vector.shape_cast %swap3A_41 : vector<1x16xf32> to vector<16xf32>
    %swap3A_43 = vector.shape_cast %broadcast_in_dim3A_13 : vector<16xf32> to vector<1x16xf32>
    tpu.vector_store %arg7[%swap3A_39, %swap3A_40], %swap3A_43 {strides = array<i32>} : memref<16x128xf32, #tpu.memory_space<vmem>>, vector<1x16xf32>,
    %swap3A_44 = arith.constant 0 : i32
    %swap3A_45 = arith.index_cast %swap3A_44 : i32 to index
    %swap3A_46 = arith.constant 80 : index
    %swap3A_47 = tpu.vector_load %arg7[%swap3A_45, %swap3A_46] {strides = array<i32>} : memref<16x128xf32, #tpu.memory_space<vmem>>, vector<1x16xf32>,
    %swap3A_48 = vector.shape_cast %swap3A_47 : vector<1x16xf32> to vector<16xf32>
    %swap3A_49 = vector.shape_cast %broadcast_in_dim3A_13 : vector<16xf32> to vector<1x16xf32>
    tpu.vector_store %arg7[%swap3A_45, %swap3A_46], %swap3A_49 {strides = array<i32>} : memref<16x128xf32, #tpu.memory_space<vmem>>, vector<1x16xf32>,
    %swap3A_50 = arith.constant 0 : i32
    %swap3A_51 = arith.index_cast %swap3A_50 : i32 to index
    %swap3A_52 = arith.constant 96 : index
    %swap3A_53 = tpu.vector_load %arg7[%swap3A_51, %swap3A_52] {strides = array<i32>} : memref<16x128xf32, #tpu.memory_space<vmem>>, vector<1x16xf32>,
    %swap3A_54 = vector.shape_cast %swap3A_53 : vector<1x16xf32> to vector<16xf32>
    %swap3A_55 = vector.shape_cast %broadcast_in_dim3A_13 : vector<16xf32> to vector<1x16xf32>
    tpu.vector_store %arg7[%swap3A_51, %swap3A_52], %swap3A_55 {strides = array<i32>} : memref<16x128xf32, #tpu.memory_space<vmem>>, vector<1x16xf32>,
    %swap3A_56 = arith.constant 0 : i32
    %swap3A_57 = arith.index_cast %swap3A_56 : i32 to index
    %swap3A_58 = arith.constant 112 : index
    %swap3A_59 = tpu.vector_load %arg7[%swap3A_57, %swap3A_58] {strides = array<i32>} : memref<16x128xf32, #tpu.memory_space<vmem>>, vector<1x16xf32>,
    %swap3A_60 = vector.shape_cast %swap3A_59 : vector<1x16xf32> to vector<16xf32>
    %swap3A_61 = vector.shape_cast %broadcast_in_dim3A_13 : vector<16xf32> to vector<1x16xf32>
    tpu.vector_store %arg7[%swap3A_57, %swap3A_58], %swap3A_61 {strides = array<i32>} : memref<16x128xf32, #tpu.memory_space<vmem>>, vector<1x16xf32>,
    %swap3A_62 = arith.constant 1 : i32
    %swap3A_63 = arith.index_cast %swap3A_62 : i32 to index
    %swap3A_64 = arith.constant 0 : index
    %swap3A_65 = tpu.vector_load %arg7[%swap3A_63, %swap3A_64] {strides = array<i32>} : memref<16x128xf32, #tpu.memory_space<vmem>>, vector<1x16xf32>,
    %swap3A_66 = vector.shape_cast %swap3A_65 : vector<1x16xf32> to vector<16xf32>
    %swap3A_67 = vector.shape_cast %broadcast_in_dim3A_13 : vector<16xf32> to vector<1x16xf32>
    tpu.vector_store %arg7[%swap3A_63, %swap3A_64], %swap3A_67 {strides = array<i32>} : memref<16x128xf32, #tpu.memory_space<vmem>>, vector<1x16xf32>,
    %swap3A_68 = arith.constant 1 : i32
    %swap3A_69 = arith.index_cast %swap3A_68 : i32 to index
    %swap3A_70 = arith.constant 16 : index
    %swap3A_71 = tpu.vector_load %arg7[%swap3A_69, %swap3A_70] {strides = array<i32>} : memref<16x128xf32, #tpu.memory_space<vmem>>, vector<1x16xf32>,
    %swap3A_72 = vector.shape_cast %swap3A_71 : vector<1x16xf32> to vector<16xf32>
    %swap3A_73 = vector.shape_cast %broadcast_in_dim3A_13 : vector<16xf32> to vector<1x16xf32>
    tpu.vector_store %arg7[%swap3A_69, %swap3A_70], %swap3A_73 {strides = array<i32>} : memref<16x128xf32, #tpu.memory_space<vmem>>, vector<1x16xf32>,
    %swap3A_74 = arith.constant 1 : i32
    %swap3A_75 = arith.index_cast %swap3A_74 : i32 to index
    %swap3A_76 = arith.constant 32 : index
    %swap3A_77 = tpu.vector_load %arg7[%swap3A_75, %swap3A_76] {strides = array<i32>} : memref<16x128xf32, #tpu.memory_space<vmem>>, vector<1x16xf32>,
    %swap3A_78 = vector.shape_cast %swap3A_77 : vector<1x16xf32> to vector<16xf32>
    %swap3A_79 = vector.shape_cast %broadcast_in_dim3A_13 : vector<16xf32> to vector<1x16xf32>
    tpu.vector_store %arg7[%swap3A_75, %swap3A_76], %swap3A_79 {strides = array<i32>} : memref<16x128xf32, #tpu.memory_space<vmem>>, vector<1x16xf32>,
    %swap3A_80 = arith.constant 1 : i32
    %swap3A_81 = arith.index_cast %swap3A_80 : i32 to index
    %swap3A_82 = arith.constant 48 : index
    %swap3A_83 = tpu.vector_load %arg7[%swap3A_81, %swap3A_82] {strides = array<i32>} : memref<16x128xf32, #tpu.memory_space<vmem>>, vector<1x16xf32>,
    %swap3A_84 = vector.shape_cast %swap3A_83 : vector<1x16xf32> to vector<16xf32>
    %swap3A_85 = vector.shape_cast %broadcast_in_dim3A_13 : vector<16xf32> to vector<1x16xf32>
    tpu.vector_store %arg7[%swap3A_81, %swap3A_82], %swap3A_85 {strides = array<i32>} : memref<16x128xf32, #tpu.memory_space<vmem>>, vector<1x16xf32>,
    %swap3A_86 = arith.constant 1 : i32
    %swap3A_87 = arith.index_cast %swap3A_86 : i32 to index
    %swap3A_88 = arith.constant 64 : index
    %swap3A_89 = tpu.vector_load %arg7[%swap3A_87, %swap3A_88] {strides = array<i32>} : memref<16x128xf32, #tpu.memory_space<vmem>>, vector<1x16xf32>,
    %swap3A_90 = vector.shape_cast %swap3A_89 : vector<1x16xf32> to vector<16xf32>
    %swap3A_91 = vector.shape_cast %broadcast_in_dim3A_13 : vector<16xf32> to vector<1x16xf32>
    tpu.vector_store %arg7[%swap3A_87, %swap3A_88], %swap3A_91 {strides = array<i32>} : memref<16x128xf32, #tpu.memory_space<vmem>>, vector<1x16xf32>,
    %swap3A_92 = arith.constant 1 : i32
    %swap3A_93 = arith.index_cast %swap3A_92 : i32 to index
    %swap3A_94 = arith.constant 80 : index
    %swap3A_95 = tpu.vector_load %arg7[%swap3A_93, %swap3A_94] {strides = array<i32>} : memref<16x128xf32, #tpu.memory_space<vmem>>, vector<1x16xf32>,
    %swap3A_96 = vector.shape_cast %swap3A_95 : vector<1x16xf32> to vector<16xf32>
    %swap3A_97 = vector.shape_cast %broadcast_in_dim3A_13 : vector<16xf32> to vector<1x16xf32>
    tpu.vector_store %arg7[%swap3A_93, %swap3A_94], %swap3A_97 {strides = array<i32>} : memref<16x128xf32, #tpu.memory_space<vmem>>, vector<1x16xf32>,
    %swap3A_98 = arith.constant 1 : i32
    %swap3A_99 = arith.index_cast %swap3A_98 : i32 to index
    %swap3A_100 = arith.constant 96 : index
    %swap3A_101 = tpu.vector_load %arg7[%swap3A_99, %swap3A_100] {strides = array<i32>} : memref<16x128xf32, #tpu.memory_space<vmem>>, vector<1x16xf32>,
    %swap3A_102 = vector.shape_cast %swap3A_101 : vector<1x16xf32> to vector<16xf32>
    %swap3A_103 = vector.shape_cast %broadcast_in_dim3A_13 : vector<16xf32> to vector<1x16xf32>
    tpu.vector_store %arg7[%swap3A_99, %swap3A_100], %swap3A_103 {strides = array<i32>} : memref<16x128xf32, #tpu.memory_space<vmem>>, vector<1x16xf32>,
    %swap3A_104 = arith.constant 1 : i32
    %swap3A_105 = arith.index_cast %swap3A_104 : i32 to index
    %swap3A_106 = arith.constant 112 : index
    %swap3A_107 = tpu.vector_load %arg7[%swap3A_105, %swap3A_106] {strides = array<i32>} : memref<16x128xf32, #tpu.memory_space<vmem>>, vector<1x16xf32>,
    %swap3A_108 = vector.shape_cast %swap3A_107 : vector<1x16xf32> to vector<16xf32>
    %swap3A_109 = vector.shape_cast %broadcast_in_dim3A_13 : vector<16xf32> to vector<1x16xf32>
    tpu.vector_store %arg7[%swap3A_105, %swap3A_106], %swap3A_109 {strides = array<i32>} : memref<16x128xf32, #tpu.memory_space<vmem>>, vector<1x16xf32>,
    %swap3A_110 = arith.constant 2 : i32
    %swap3A_111 = arith.index_cast %swap3A_110 : i32 to index
    %swap3A_112 = arith.constant 0 : index
    %swap3A_113 = tpu.vector_load %arg7[%swap3A_111, %swap3A_112] {strides = array<i32>} : memref<16x128xf32, #tpu.memory_space<vmem>>, vector<1x16xf32>,
    %swap3A_114 = vector.shape_cast %swap3A_113 : vector<1x16xf32> to vector<16xf32>
    %swap3A_115 = vector.shape_cast %broadcast_in_dim3A_13 : vector<16xf32> to vector<1x16xf32>
    tpu.vector_store %arg7[%swap3A_111, %swap3A_112], %swap3A_115 {strides = array<i32>} : memref<16x128xf32, #tpu.memory_space<vmem>>, vector<1x16xf32>,
    %swap3A_116 = arith.constant 2 : i32
    %swap3A_117 = arith.index_cast %swap3A_116 : i32 to index
    %swap3A_118 = arith.constant 16 : index
    %swap3A_119 = tpu.vector_load %arg7[%swap3A_117, %swap3A_118] {strides = array<i32>} : memref<16x128xf32, #tpu.memory_space<vmem>>, vector<1x16xf32>,
    %swap3A_120 = vector.shape_cast %swap3A_119 : vector<1x16xf32> to vector<16xf32>
    %swap3A_121 = vector.shape_cast %broadcast_in_dim3A_13 : vector<16xf32> to vector<1x16xf32>
    tpu.vector_store %arg7[%swap3A_117, %swap3A_118], %swap3A_121 {strides = array<i32>} : memref<16x128xf32, #tpu.memory_space<vmem>>, vector<1x16xf32>,
    %swap3A_122 = arith.constant 2 : i32
    %swap3A_123 = arith.index_cast %swap3A_122 : i32 to index
    %swap3A_124 = arith.constant 32 : index
    %swap3A_125 = tpu.vector_load %arg7[%swap3A_123, %swap3A_124] {strides = array<i32>} : memref<16x128xf32, #tpu.memory_space<vmem>>, vector<1x16xf32>,
    %swap3A_126 = vector.shape_cast %swap3A_125 : vector<1x16xf32> to vector<16xf32>
    %swap3A_127 = vector.shape_cast %broadcast_in_dim3A_13 : vector<16xf32> to vector<1x16xf32>
    tpu.vector_store %arg7[%swap3A_123, %swap3A_124], %swap3A_127 {strides = array<i32>} : memref<16x128xf32, #tpu.memory_space<vmem>>, vector<1x16xf32>,
    %swap3A_128 = arith.constant 2 : i32
    %swap3A_129 = arith.index_cast %swap3A_128 : i32 to index
    %swap3A_130 = arith.constant 48 : index
    %swap3A_131 = tpu.vector_load %arg7[%swap3A_129, %swap3A_130] {strides = array<i32>} : memref<16x128xf32, #tpu.memory_space<vmem>>, vector<1x16xf32>,
    %swap3A_132 = vector.shape_cast %swap3A_131 : vector<1x16xf32> to vector<16xf32>
    %swap3A_133 = vector.shape_cast %broadcast_in_dim3A_13 : vector<16xf32> to vector<1x16xf32>
    tpu.vector_store %arg7[%swap3A_129, %swap3A_130], %swap3A_133 {strides = array<i32>} : memref<16x128xf32, #tpu.memory_space<vmem>>, vector<1x16xf32>,
    %swap3A_134 = arith.constant 2 : i32
    %swap3A_135 = arith.index_cast %swap3A_134 : i32 to index
    %swap3A_136 = arith.constant 64 : index
    %swap3A_137 = tpu.vector_load %arg7[%swap3A_135, %swap3A_136] {strides = array<i32>} : memref<16x128xf32, #tpu.memory_space<vmem>>, vector<1x16xf32>,
    %swap3A_138 = vector.shape_cast %swap3A_137 : vector<1x16xf32> to vector<16xf32>
    %swap3A_139 = vector.shape_cast %broadcast_in_dim3A_13 : vector<16xf32> to vector<1x16xf32>
    tpu.vector_store %arg7[%swap3A_135, %swap3A_136], %swap3A_139 {strides = array<i32>} : memref<16x128xf32, #tpu.memory_space<vmem>>, vector<1x16xf32>,
    %swap3A_140 = arith.constant 2 : i32
    %swap3A_141 = arith.index_cast %swap3A_140 : i32 to index
    %swap3A_142 = arith.constant 80 : index
    %swap3A_143 = tpu.vector_load %arg7[%swap3A_141, %swap3A_142] {strides = array<i32>} : memref<16x128xf32, #tpu.memory_space<vmem>>, vector<1x16xf32>,
    %swap3A_144 = vector.shape_cast %swap3A_143 : vector<1x16xf32> to vector<16xf32>
    %swap3A_145 = vector.shape_cast %broadcast_in_dim3A_13 : vector<16xf32> to vector<1x16xf32>
    tpu.vector_store %arg7[%swap3A_141, %swap3A_142], %swap3A_145 {strides = array<i32>} : memref<16x128xf32, #tpu.memory_space<vmem>>, vector<1x16xf32>,
    %swap3A_146 = arith.constant 2 : i32
    %swap3A_147 = arith.index_cast %swap3A_146 : i32 to index
    %swap3A_148 = arith.constant 96 : index
    %swap3A_149 = tpu.vector_load %arg7[%swap3A_147, %swap3A_148] {strides = array<i32>} : memref<16x128xf32, #tpu.memory_space<vmem>>, vector<1x16xf32>,
    %swap3A_150 = vector.shape_cast %swap3A_149 : vector<1x16xf32> to vector<16xf32>
    %swap3A_151 = vector.shape_cast %broadcast_in_dim3A_13 : vector<16xf32> to vector<1x16xf32>
    tpu.vector_store %arg7[%swap3A_147, %swap3A_148], %swap3A_151 {strides = array<i32>} : memref<16x128xf32, #tpu.memory_space<vmem>>, vector<1x16xf32>,
    %swap3A_152 = arith.constant 2 : i32
    %swap3A_153 = arith.index_cast %swap3A_152 : i32 to index
    %swap3A_154 = arith.constant 112 : index
    %swap3A_155 = tpu.vector_load %arg7[%swap3A_153, %swap3A_154] {strides = array<i32>} : memref<16x128xf32, #tpu.memory_space<vmem>>, vector<1x16xf32>,
    %swap3A_156 = vector.shape_cast %swap3A_155 : vector<1x16xf32> to vector<16xf32>
    %swap3A_157 = vector.shape_cast %broadcast_in_dim3A_13 : vector<16xf32> to vector<1x16xf32>
    tpu.vector_store %arg7[%swap3A_153, %swap3A_154], %swap3A_157 {strides = array<i32>} : memref<16x128xf32, #tpu.memory_space<vmem>>, vector<1x16xf32>,
    %swap3A_158 = arith.constant 3 : i32
    %swap3A_159 = arith.index_cast %swap3A_158 : i32 to index
    %swap3A_160 = arith.constant 0 : index
    %swap3A_161 = tpu.vector_load %arg7[%swap3A_159, %swap3A_160] {strides = array<i32>} : memref<16x128xf32, #tpu.memory_space<vmem>>, vector<1x16xf32>,
    %swap3A_162 = vector.shape_cast %swap3A_161 : vector<1x16xf32> to vector<16xf32>
    %swap3A_163 = vector.shape_cast %broadcast_in_dim3A_13 : vector<16xf32> to vector<1x16xf32>
    tpu.vector_store %arg7[%swap3A_159, %swap3A_160], %swap3A_163 {strides = array<i32>} : memref<16x128xf32, #tpu.memory_space<vmem>>, vector<1x16xf32>,
    %swap3A_164 = arith.constant 3 : i32
    %swap3A_165 = arith.index_cast %swap3A_164 : i32 to index
    %swap3A_166 = arith.constant 16 : index
    %swap3A_167 = tpu.vector_load %arg7[%swap3A_165, %swap3A_166] {strides = array<i32>} : memref<16x128xf32, #tpu.memory_space<vmem>>, vector<1x16xf32>,
    %swap3A_168 = vector.shape_cast %swap3A_167 : vector<1x16xf32> to vector<16xf32>
    %swap3A_169 = vector.shape_cast %broadcast_in_dim3A_13 : vector<16xf32> to vector<1x16xf32>
    tpu.vector_store %arg7[%swap3A_165, %swap3A_166], %swap3A_169 {strides = array<i32>} : memref<16x128xf32, #tpu.memory_space<vmem>>, vector<1x16xf32>,
    %swap3A_170 = arith.constant 3 : i32
    %swap3A_171 = arith.index_cast %swap3A_170 : i32 to index
    %swap3A_172 = arith.constant 32 : index
    %swap3A_173 = tpu.vector_load %arg7[%swap3A_171, %swap3A_172] {strides = array<i32>} : memref<16x128xf32, #tpu.memory_space<vmem>>, vector<1x16xf32>,
    %swap3A_174 = vector.shape_cast %swap3A_173 : vector<1x16xf32> to vector<16xf32>
    %swap3A_175 = vector.shape_cast %broadcast_in_dim3A_13 : vector<16xf32> to vector<1x16xf32>
    tpu.vector_store %arg7[%swap3A_171, %swap3A_172], %swap3A_175 {strides = array<i32>} : memref<16x128xf32, #tpu.memory_space<vmem>>, vector<1x16xf32>,
    %swap3A_176 = arith.constant 3 : i32
    %swap3A_177 = arith.index_cast %swap3A_176 : i32 to index
    %swap3A_178 = arith.constant 48 : index
    %swap3A_179 = tpu.vector_load %arg7[%swap3A_177, %swap3A_178] {strides = array<i32>} : memref<16x128xf32, #tpu.memory_space<vmem>>, vector<1x16xf32>,
    %swap3A_180 = vector.shape_cast %swap3A_179 : vector<1x16xf32> to vector<16xf32>
    %swap3A_181 = vector.shape_cast %broadcast_in_dim3A_13 : vector<16xf32> to vector<1x16xf32>
    tpu.vector_store %arg7[%swap3A_177, %swap3A_178], %swap3A_181 {strides = array<i32>} : memref<16x128xf32, #tpu.memory_space<vmem>>, vector<1x16xf32>,
    %swap3A_182 = arith.constant 3 : i32
    %swap3A_183 = arith.index_cast %swap3A_182 : i32 to index
    %swap3A_184 = arith.constant 64 : index
    %swap3A_185 = tpu.vector_load %arg7[%swap3A_183, %swap3A_184] {strides = array<i32>} : memref<16x128xf32, #tpu.memory_space<vmem>>, vector<1x16xf32>,
    %swap3A_186 = vector.shape_cast %swap3A_185 : vector<1x16xf32> to vector<16xf32>
    %swap3A_187 = vector.shape_cast %broadcast_in_dim3A_13 : vector<16xf32> to vector<1x16xf32>
    tpu.vector_store %arg7[%swap3A_183, %swap3A_184], %swap3A_187 {strides = array<i32>} : memref<16x128xf32, #tpu.memory_space<vmem>>, vector<1x16xf32>,
    %swap3A_188 = arith.constant 3 : i32
    %swap3A_189 = arith.index_cast %swap3A_188 : i32 to index
    %swap3A_190 = arith.constant 80 : index
    %swap3A_191 = tpu.vector_load %arg7[%swap3A_189, %swap3A_190] {strides = array<i32>} : memref<16x128xf32, #tpu.memory_space<vmem>>, vector<1x16xf32>,
    %swap3A_192 = vector.shape_cast %swap3A_191 : vector<1x16xf32> to vector<16xf32>
    %swap3A_193 = vector.shape_cast %broadcast_in_dim3A_13 : vector<16xf32> to vector<1x16xf32>
    tpu.vector_store %arg7[%swap3A_189, %swap3A_190], %swap3A_193 {strides = array<i32>} : memref<16x128xf32, #tpu.memory_space<vmem>>, vector<1x16xf32>,
    %swap3A_194 = arith.constant 3 : i32
    %swap3A_195 = arith.index_cast %swap3A_194 : i32 to index
    %swap3A_196 = arith.constant 96 : index
    %swap3A_197 = tpu.vector_load %arg7[%swap3A_195, %swap3A_196] {strides = array<i32>} : memref<16x128xf32, #tpu.memory_space<vmem>>, vector<1x16xf32>,
    %swap3A_198 = vector.shape_cast %swap3A_197 : vector<1x16xf32> to vector<16xf32>
    %swap3A_199 = vector.shape_cast %broadcast_in_dim3A_13 : vector<16xf32> to vector<1x16xf32>
    tpu.vector_store %arg7[%swap3A_195, %swap3A_196], %swap3A_199 {strides = array<i32>} : memref<16x128xf32, #tpu.memory_space<vmem>>, vector<1x16xf32>,
    %swap3A_200 = arith.constant 3 : i32
    %swap3A_201 = arith.index_cast %swap3A_200 : i32 to index
    %swap3A_202 = arith.constant 112 : index
    %swap3A_203 = tpu.vector_load %arg7[%swap3A_201, %swap3A_202] {strides = array<i32>} : memref<16x128xf32, #tpu.memory_space<vmem>>, vector<1x16xf32>,
    %swap3A_204 = vector.shape_cast %swap3A_203 : vector<1x16xf32> to vector<16xf32>
    %swap3A_205 = vector.shape_cast %broadcast_in_dim3A_13 : vector<16xf32> to vector<1x16xf32>
    tpu.vector_store %arg7[%swap3A_201, %swap3A_202], %swap3A_205 {strides = array<i32>} : memref<16x128xf32, #tpu.memory_space<vmem>>, vector<1x16xf32>,
    %swap3A_206 = arith.constant 4 : i32
    %swap3A_207 = arith.index_cast %swap3A_206 : i32 to index
    %swap3A_208 = arith.constant 0 : index
    %swap3A_209 = tpu.vector_load %arg7[%swap3A_207, %swap3A_208] {strides = array<i32>} : memref<16x128xf32, #tpu.memory_space<vmem>>, vector<1x16xf32>,
    %swap3A_210 = vector.shape_cast %swap3A_209 : vector<1x16xf32> to vector<16xf32>
    %swap3A_211 = vector.shape_cast %broadcast_in_dim3A_13 : vector<16xf32> to vector<1x16xf32>
    tpu.vector_store %arg7[%swap3A_207, %swap3A_208], %swap3A_211 {strides = array<i32>} : memref<16x128xf32, #tpu.memory_space<vmem>>, vector<1x16xf32>,
    %swap3A_212 = arith.constant 4 : i32
    %swap3A_213 = arith.index_cast %swap3A_212 : i32 to index
    %swap3A_214 = arith.constant 16 : index
    %swap3A_215 = tpu.vector_load %arg7[%swap3A_213, %swap3A_214] {strides = array<i32>} : memref<16x128xf32, #tpu.memory_space<vmem>>, vector<1x16xf32>,
    %swap3A_216 = vector.shape_cast %swap3A_215 : vector<1x16xf32> to vector<16xf32>
    %swap3A_217 = vector.shape_cast %broadcast_in_dim3A_13 : vector<16xf32> to vector<1x16xf32>
    tpu.vector_store %arg7[%swap3A_213, %swap3A_214], %swap3A_217 {strides = array<i32>} : memref<16x128xf32, #tpu.memory_space<vmem>>, vector<1x16xf32>,
    %swap3A_218 = arith.constant 4 : i32
    %swap3A_219 = arith.index_cast %swap3A_218 : i32 to index
    %swap3A_220 = arith.constant 32 : index
    %swap3A_221 = tpu.vector_load %arg7[%swap3A_219, %swap3A_220] {strides = array<i32>} : memref<16x128xf32, #tpu.memory_space<vmem>>, vector<1x16xf32>,
    %swap3A_222 = vector.shape_cast %swap3A_221 : vector<1x16xf32> to vector<16xf32>
    %swap3A_223 = vector.shape_cast %broadcast_in_dim3A_13 : vector<16xf32> to vector<1x16xf32>
    tpu.vector_store %arg7[%swap3A_219, %swap3A_220], %swap3A_223 {strides = array<i32>} : memref<16x128xf32, #tpu.memory_space<vmem>>, vector<1x16xf32>,
    %swap3A_224 = arith.constant 4 : i32
    %swap3A_225 = arith.index_cast %swap3A_224 : i32 to index
    %swap3A_226 = arith.constant 48 : index
    %swap3A_227 = tpu.vector_load %arg7[%swap3A_225, %swap3A_226] {strides = array<i32>} : memref<16x128xf32, #tpu.memory_space<vmem>>, vector<1x16xf32>,
    %swap3A_228 = vector.shape_cast %swap3A_227 : vector<1x16xf32> to vector<16xf32>
    %swap3A_229 = vector.shape_cast %broadcast_in_dim3A_13 : vector<16xf32> to vector<1x16xf32>
    tpu.vector_store %arg7[%swap3A_225, %swap3A_226], %swap3A_229 {strides = array<i32>} : memref<16x128xf32, #tpu.memory_space<vmem>>, vector<1x16xf32>,
    %swap3A_230 = arith.constant 4 : i32
    %swap3A_231 = arith.index_cast %swap3A_230 : i32 to index
    %swap3A_232 = arith.constant 64 : index
    %swap3A_233 = tpu.vector_load %arg7[%swap3A_231, %swap3A_232] {strides = array<i32>} : memref<16x128xf32, #tpu.memory_space<vmem>>, vector<1x16xf32>,
    %swap3A_234 = vector.shape_cast %swap3A_233 : vector<1x16xf32> to vector<16xf32>
    %swap3A_235 = vector.shape_cast %broadcast_in_dim3A_13 : vector<16xf32> to vector<1x16xf32>
    tpu.vector_store %arg7[%swap3A_231, %swap3A_232], %swap3A_235 {strides = array<i32>} : memref<16x128xf32, #tpu.memory_space<vmem>>, vector<1x16xf32>,
    %swap3A_236 = arith.constant 4 : i32
    %swap3A_237 = arith.index_cast %swap3A_236 : i32 to index
    %swap3A_238 = arith.constant 80 : index
    %swap3A_239 = tpu.vector_load %arg7[%swap3A_237, %swap3A_238] {strides = array<i32>} : memref<16x128xf32, #tpu.memory_space<vmem>>, vector<1x16xf32>,
    %swap3A_240 = vector.shape_cast %swap3A_239 : vector<1x16xf32> to vector<16xf32>
    %swap3A_241 = vector.shape_cast %broadcast_in_dim3A_13 : vector<16xf32> to vector<1x16xf32>
    tpu.vector_store %arg7[%swap3A_237, %swap3A_238], %swap3A_241 {strides = array<i32>} : memref<16x128xf32, #tpu.memory_space<vmem>>, vector<1x16xf32>,
    %swap3A_242 = arith.constant 4 : i32
    %swap3A_243 = arith.index_cast %swap3A_242 : i32 to index
    %swap3A_244 = arith.constant 96 : index
    %swap3A_245 = tpu.vector_load %arg7[%swap3A_243, %swap3A_244] {strides = array<i32>} : memref<16x128xf32, #tpu.memory_space<vmem>>, vector<1x16xf32>,
    %swap3A_246 = vector.shape_cast %swap3A_245 : vector<1x16xf32> to vector<16xf32>
    %swap3A_247 = vector.shape_cast %broadcast_in_dim3A_13 : vector<16xf32> to vector<1x16xf32>
    tpu.vector_store %arg7[%swap3A_243, %swap3A_244], %swap3A_247 {strides = array<i32>} : memref<16x128xf32, #tpu.memory_space<vmem>>, vector<1x16xf32>,
    %swap3A_248 = arith.constant 4 : i32
    %swap3A_249 = arith.index_cast %swap3A_248 : i32 to index
    %swap3A_250 = arith.constant 112 : index
    %swap3A_251 = tpu.vector_load %arg7[%swap3A_249, %swap3A_250] {strides = array<i32>} : memref<16x128xf32, #tpu.memory_space<vmem>>, vector<1x16xf32>,
    %swap3A_252 = vector.shape_cast %swap3A_251 : vector<1x16xf32> to vector<16xf32>
    %swap3A_253 = vector.shape_cast %broadcast_in_dim3A_13 : vector<16xf32> to vector<1x16xf32>
    tpu.vector_store %arg7[%swap3A_249, %swap3A_250], %swap3A_253 {strides = array<i32>} : memref<16x128xf32, #tpu.memory_space<vmem>>, vector<1x16xf32>,
    %swap3A_254 = arith.constant 5 : i32
    %swap3A_255 = arith.index_cast %swap3A_254 : i32 to index
    %swap3A_256 = arith.constant 0 : index
    %swap3A_257 = tpu.vector_load %arg7[%swap3A_255, %swap3A_256] {strides = array<i32>} : memref<16x128xf32, #tpu.memory_space<vmem>>, vector<1x16xf32>,
    %swap3A_258 = vector.shape_cast %swap3A_257 : vector<1x16xf32> to vector<16xf32>
    %swap3A_259 = vector.shape_cast %broadcast_in_dim3A_13 : vector<16xf32> to vector<1x16xf32>
    tpu.vector_store %arg7[%swap3A_255, %swap3A_256], %swap3A_259 {strides = array<i32>} : memref<16x128xf32, #tpu.memory_space<vmem>>, vector<1x16xf32>,
    %swap3A_260 = arith.constant 5 : i32
    %swap3A_261 = arith.index_cast %swap3A_260 : i32 to index
    %swap3A_262 = arith.constant 16 : index
    %swap3A_263 = tpu.vector_load %arg7[%swap3A_261, %swap3A_262] {strides = array<i32>} : memref<16x128xf32, #tpu.memory_space<vmem>>, vector<1x16xf32>,
    %swap3A_264 = vector.shape_cast %swap3A_263 : vector<1x16xf32> to vector<16xf32>
    %swap3A_265 = vector.shape_cast %broadcast_in_dim3A_13 : vector<16xf32> to vector<1x16xf32>
    tpu.vector_store %arg7[%swap3A_261, %swap3A_262], %swap3A_265 {strides = array<i32>} : memref<16x128xf32, #tpu.memory_space<vmem>>, vector<1x16xf32>,
    %swap3A_266 = arith.constant 5 : i32
    %swap3A_267 = arith.index_cast %swap3A_266 : i32 to index
    %swap3A_268 = arith.constant 32 : index
    %swap3A_269 = tpu.vector_load %arg7[%swap3A_267, %swap3A_268] {strides = array<i32>} : memref<16x128xf32, #tpu.memory_space<vmem>>, vector<1x16xf32>,
    %swap3A_270 = vector.shape_cast %swap3A_269 : vector<1x16xf32> to vector<16xf32>
    %swap3A_271 = vector.shape_cast %broadcast_in_dim3A_13 : vector<16xf32> to vector<1x16xf32>
    tpu.vector_store %arg7[%swap3A_267, %swap3A_268], %swap3A_271 {strides = array<i32>} : memref<16x128xf32, #tpu.memory_space<vmem>>, vector<1x16xf32>,
    %swap3A_272 = arith.constant 5 : i32
    %swap3A_273 = arith.index_cast %swap3A_272 : i32 to index
    %swap3A_274 = arith.constant 48 : index
    %swap3A_275 = tpu.vector_load %arg7[%swap3A_273, %swap3A_274] {strides = array<i32>} : memref<16x128xf32, #tpu.memory_space<vmem>>, vector<1x16xf32>,
    %swap3A_276 = vector.shape_cast %swap3A_275 : vector<1x16xf32> to vector<16xf32>
    %swap3A_277 = vector.shape_cast %broadcast_in_dim3A_13 : vector<16xf32> to vector<1x16xf32>
    tpu.vector_store %arg7[%swap3A_273, %swap3A_274], %swap3A_277 {strides = array<i32>} : memref<16x128xf32, #tpu.memory_space<vmem>>, vector<1x16xf32>,
    %swap3A_278 = arith.constant 5 : i32
    %swap3A_279 = arith.index_cast %swap3A_278 : i32 to index
    %swap3A_280 = arith.constant 64 : index
    %swap3A_281 = tpu.vector_load %arg7[%swap3A_279, %swap3A_280] {strides = array<i32>} : memref<16x128xf32, #tpu.memory_space<vmem>>, vector<1x16xf32>,
    %swap3A_282 = vector.shape_cast %swap3A_281 : vector<1x16xf32> to vector<16xf32>
    %swap3A_283 = vector.shape_cast %broadcast_in_dim3A_13 : vector<16xf32> to vector<1x16xf32>
    tpu.vector_store %arg7[%swap3A_279, %swap3A_280], %swap3A_283 {strides = array<i32>} : memref<16x128xf32, #tpu.memory_space<vmem>>, vector<1x16xf32>,
    %swap3A_284 = arith.constant 5 : i32
    %swap3A_285 = arith.index_cast %swap3A_284 : i32 to index
    %swap3A_286 = arith.constant 80 : index
    %swap3A_287 = tpu.vector_load %arg7[%swap3A_285, %swap3A_286] {strides = array<i32>} : memref<16x128xf32, #tpu.memory_space<vmem>>, vector<1x16xf32>,
    %swap3A_288 = vector.shape_cast %swap3A_287 : vector<1x16xf32> to vector<16xf32>
    %swap3A_289 = vector.shape_cast %broadcast_in_dim3A_13 : vector<16xf32> to vector<1x16xf32>
    tpu.vector_store %arg7[%swap3A_285, %swap3A_286], %swap3A_289 {strides = array<i32>} : memref<16x128xf32, #tpu.memory_space<vmem>>, vector<1x16xf32>,
    %swap3A_290 = arith.constant 5 : i32
    %swap3A_291 = arith.index_cast %swap3A_290 : i32 to index
    %swap3A_292 = arith.constant 96 : index
    %swap3A_293 = tpu.vector_load %arg7[%swap3A_291, %swap3A_292] {strides = array<i32>} : memref<16x128xf32, #tpu.memory_space<vmem>>, vector<1x16xf32>,
    %swap3A_294 = vector.shape_cast %swap3A_293 : vector<1x16xf32> to vector<16xf32>
    %swap3A_295 = vector.shape_cast %broadcast_in_dim3A_13 : vector<16xf32> to vector<1x16xf32>
    tpu.vector_store %arg7[%swap3A_291, %swap3A_292], %swap3A_295 {strides = array<i32>} : memref<16x128xf32, #tpu.memory_space<vmem>>, vector<1x16xf32>,
    %swap3A_296 = arith.constant 5 : i32
    %swap3A_297 = arith.index_cast %swap3A_296 : i32 to index
    %swap3A_298 = arith.constant 112 : index
    %swap3A_299 = tpu.vector_load %arg7[%swap3A_297, %swap3A_298] {strides = array<i32>} : memref<16x128xf32, #tpu.memory_space<vmem>>, vector<1x16xf32>,
    %swap3A_300 = vector.shape_cast %swap3A_299 : vector<1x16xf32> to vector<16xf32>
    %swap3A_301 = vector.shape_cast %broadcast_in_dim3A_13 : vector<16xf32> to vector<1x16xf32>
    tpu.vector_store %arg7[%swap3A_297, %swap3A_298], %swap3A_301 {strides = array<i32>} : memref<16x128xf32, #tpu.memory_space<vmem>>, vector<1x16xf32>,
    %swap3A_302 = arith.constant 6 : i32
    %swap3A_303 = arith.index_cast %swap3A_302 : i32 to index
    %swap3A_304 = arith.constant 0 : index
    %swap3A_305 = tpu.vector_load %arg7[%swap3A_303, %swap3A_304] {strides = array<i32>} : memref<16x128xf32, #tpu.memory_space<vmem>>, vector<1x16xf32>,
    %swap3A_306 = vector.shape_cast %swap3A_305 : vector<1x16xf32> to vector<16xf32>
    %swap3A_307 = vector.shape_cast %broadcast_in_dim3A_13 : vector<16xf32> to vector<1x16xf32>
    tpu.vector_store %arg7[%swap3A_303, %swap3A_304], %swap3A_307 {strides = array<i32>} : memref<16x128xf32, #tpu.memory_space<vmem>>, vector<1x16xf32>,
    %swap3A_308 = arith.constant 6 : i32
    %swap3A_309 = arith.index_cast %swap3A_308 : i32 to index
    %swap3A_310 = arith.constant 16 : index
    %swap3A_311 = tpu.vector_load %arg7[%swap3A_309, %swap3A_310] {strides = array<i32>} : memref<16x128xf32, #tpu.memory_space<vmem>>, vector<1x16xf32>,
    %swap3A_312 = vector.shape_cast %swap3A_311 : vector<1x16xf32> to vector<16xf32>
    %swap3A_313 = vector.shape_cast %broadcast_in_dim3A_13 : vector<16xf32> to vector<1x16xf32>
    tpu.vector_store %arg7[%swap3A_309, %swap3A_310], %swap3A_313 {strides = array<i32>} : memref<16x128xf32, #tpu.memory_space<vmem>>, vector<1x16xf32>,
    %swap3A_314 = arith.constant 6 : i32
    %swap3A_315 = arith.index_cast %swap3A_314 : i32 to index
    %swap3A_316 = arith.constant 32 : index
    %swap3A_317 = tpu.vector_load %arg7[%swap3A_315, %swap3A_316] {strides = array<i32>} : memref<16x128xf32, #tpu.memory_space<vmem>>, vector<1x16xf32>,
    %swap3A_318 = vector.shape_cast %swap3A_317 : vector<1x16xf32> to vector<16xf32>
    %swap3A_319 = vector.shape_cast %broadcast_in_dim3A_13 : vector<16xf32> to vector<1x16xf32>
    tpu.vector_store %arg7[%swap3A_315, %swap3A_316], %swap3A_319 {strides = array<i32>} : memref<16x128xf32, #tpu.memory_space<vmem>>, vector<1x16xf32>,
    %swap3A_320 = arith.constant 6 : i32
    %swap3A_321 = arith.index_cast %swap3A_320 : i32 to index
    %swap3A_322 = arith.constant 48 : index
    %swap3A_323 = tpu.vector_load %arg7[%swap3A_321, %swap3A_322] {strides = array<i32>} : memref<16x128xf32, #tpu.memory_space<vmem>>, vector<1x16xf32>,
    %swap3A_324 = vector.shape_cast %swap3A_323 : vector<1x16xf32> to vector<16xf32>
    %swap3A_325 = vector.shape_cast %broadcast_in_dim3A_13 : vector<16xf32> to vector<1x16xf32>
    tpu.vector_store %arg7[%swap3A_321, %swap3A_322], %swap3A_325 {strides = array<i32>} : memref<16x128xf32, #tpu.memory_space<vmem>>, vector<1x16xf32>,
    %swap3A_326 = arith.constant 6 : i32
    %swap3A_327 = arith.index_cast %swap3A_326 : i32 to index
    %swap3A_328 = arith.constant 64 : index
    %swap3A_329 = tpu.vector_load %arg7[%swap3A_327, %swap3A_328] {strides = array<i32>} : memref<16x128xf32, #tpu.memory_space<vmem>>, vector<1x16xf32>,
    %swap3A_330 = vector.shape_cast %swap3A_329 : vector<1x16xf32> to vector<16xf32>
    %swap3A_331 = vector.shape_cast %broadcast_in_dim3A_13 : vector<16xf32> to vector<1x16xf32>
    tpu.vector_store %arg7[%swap3A_327, %swap3A_328], %swap3A_331 {strides = array<i32>} : memref<16x128xf32, #tpu.memory_space<vmem>>, vector<1x16xf32>,
    %swap3A_332 = arith.constant 6 : i32
    %swap3A_333 = arith.index_cast %swap3A_332 : i32 to index
    %swap3A_334 = arith.constant 80 : index
    %swap3A_335 = tpu.vector_load %arg7[%swap3A_333, %swap3A_334] {strides = array<i32>} : memref<16x128xf32, #tpu.memory_space<vmem>>, vector<1x16xf32>,
    %swap3A_336 = vector.shape_cast %swap3A_335 : vector<1x16xf32> to vector<16xf32>
    %swap3A_337 = vector.shape_cast %broadcast_in_dim3A_13 : vector<16xf32> to vector<1x16xf32>
    tpu.vector_store %arg7[%swap3A_333, %swap3A_334], %swap3A_337 {strides = array<i32>} : memref<16x128xf32, #tpu.memory_space<vmem>>, vector<1x16xf32>,
    %swap3A_338 = arith.constant 6 : i32
    %swap3A_339 = arith.index_cast %swap3A_338 : i32 to index
    %swap3A_340 = arith.constant 96 : index
    %swap3A_341 = tpu.vector_load %arg7[%swap3A_339, %swap3A_340] {strides = array<i32>} : memref<16x128xf32, #tpu.memory_space<vmem>>, vector<1x16xf32>,
    %swap3A_342 = vector.shape_cast %swap3A_341 : vector<1x16xf32> to vector<16xf32>
    %swap3A_343 = vector.shape_cast %broadcast_in_dim3A_13 : vector<16xf32> to vector<1x16xf32>
    tpu.vector_store %arg7[%swap3A_339, %swap3A_340], %swap3A_343 {strides = array<i32>} : memref<16x128xf32, #tpu.memory_space<vmem>>, vector<1x16xf32>,
    %swap3A_344 = arith.constant 6 : i32
    %swap3A_345 = arith.index_cast %swap3A_344 : i32 to index
    %swap3A_346 = arith.constant 112 : index
    %swap3A_347 = tpu.vector_load %arg7[%swap3A_345, %swap3A_346] {strides = array<i32>} : memref<16x128xf32, #tpu.memory_space<vmem>>, vector<1x16xf32>,
    %swap3A_348 = vector.shape_cast %swap3A_347 : vector<1x16xf32> to vector<16xf32>
    %swap3A_349 = vector.shape_cast %broadcast_in_dim3A_13 : vector<16xf32> to vector<1x16xf32>
    tpu.vector_store %arg7[%swap3A_345, %swap3A_346], %swap3A_349 {strides = array<i32>} : memref<16x128xf32, #tpu.memory_space<vmem>>, vector<1x16xf32>,
    %swap3A_350 = arith.constant 7 : i32
    %swap3A_351 = arith.index_cast %swap3A_350 : i32 to index
    %swap3A_352 = arith.constant 0 : index
    %swap3A_353 = tpu.vector_load %arg7[%swap3A_351, %swap3A_352] {strides = array<i32>} : memref<16x128xf32, #tpu.memory_space<vmem>>, vector<1x16xf32>,
    %swap3A_354 = vector.shape_cast %swap3A_353 : vector<1x16xf32> to vector<16xf32>
    %swap3A_355 = vector.shape_cast %broadcast_in_dim3A_13 : vector<16xf32> to vector<1x16xf32>
    tpu.vector_store %arg7[%swap3A_351, %swap3A_352], %swap3A_355 {strides = array<i32>} : memref<16x128xf32, #tpu.memory_space<vmem>>, vector<1x16xf32>,
    %swap3A_356 = arith.constant 7 : i32
    %swap3A_357 = arith.index_cast %swap3A_356 : i32 to index
    %swap3A_358 = arith.constant 16 : index
    %swap3A_359 = tpu.vector_load %arg7[%swap3A_357, %swap3A_358] {strides = array<i32>} : memref<16x128xf32, #tpu.memory_space<vmem>>, vector<1x16xf32>,
    %swap3A_360 = vector.shape_cast %swap3A_359 : vector<1x16xf32> to vector<16xf32>
    %swap3A_361 = vector.shape_cast %broadcast_in_dim3A_13 : vector<16xf32> to vector<1x16xf32>
    tpu.vector_store %arg7[%swap3A_357, %swap3A_358], %swap3A_361 {strides = array<i32>} : memref<16x128xf32, #tpu.memory_space<vmem>>, vector<1x16xf32>,
    %swap3A_362 = arith.constant 7 : i32
    %swap3A_363 = arith.index_cast %swap3A_362 : i32 to index
    %swap3A_364 = arith.constant 32 : index
    %swap3A_365 = tpu.vector_load %arg7[%swap3A_363, %swap3A_364] {strides = array<i32>} : memref<16x128xf32, #tpu.memory_space<vmem>>, vector<1x16xf32>,
    %swap3A_366 = vector.shape_cast %swap3A_365 : vector<1x16xf32> to vector<16xf32>
    %swap3A_367 = vector.shape_cast %broadcast_in_dim3A_13 : vector<16xf32> to vector<1x16xf32>
    tpu.vector_store %arg7[%swap3A_363, %swap3A_364], %swap3A_367 {strides = array<i32>} : memref<16x128xf32, #tpu.memory_space<vmem>>, vector<1x16xf32>,
    %swap3A_368 = arith.constant 7 : i32
    %swap3A_369 = arith.index_cast %swap3A_368 : i32 to index
    %swap3A_370 = arith.constant 48 : index
    %swap3A_371 = tpu.vector_load %arg7[%swap3A_369, %swap3A_370] {strides = array<i32>} : memref<16x128xf32, #tpu.memory_space<vmem>>, vector<1x16xf32>,
    %swap3A_372 = vector.shape_cast %swap3A_371 : vector<1x16xf32> to vector<16xf32>
    %swap3A_373 = vector.shape_cast %broadcast_in_dim3A_13 : vector<16xf32> to vector<1x16xf32>
    tpu.vector_store %arg7[%swap3A_369, %swap3A_370], %swap3A_373 {strides = array<i32>} : memref<16x128xf32, #tpu.memory_space<vmem>>, vector<1x16xf32>,
    %swap3A_374 = arith.constant 7 : i32
    %swap3A_375 = arith.index_cast %swap3A_374 : i32 to index
    %swap3A_376 = arith.constant 64 : index
    %swap3A_377 = tpu.vector_load %arg7[%swap3A_375, %swap3A_376] {strides = array<i32>} : memref<16x128xf32, #tpu.memory_space<vmem>>, vector<1x16xf32>,
    %swap3A_378 = vector.shape_cast %swap3A_377 : vector<1x16xf32> to vector<16xf32>
    %swap3A_379 = vector.shape_cast %broadcast_in_dim3A_13 : vector<16xf32> to vector<1x16xf32>
    tpu.vector_store %arg7[%swap3A_375, %swap3A_376], %swap3A_379 {strides = array<i32>} : memref<16x128xf32, #tpu.memory_space<vmem>>, vector<1x16xf32>,
    %swap3A_380 = arith.constant 7 : i32
    %swap3A_381 = arith.index_cast %swap3A_380 : i32 to index
    %swap3A_382 = arith.constant 80 : index
    %swap3A_383 = tpu.vector_load %arg7[%swap3A_381, %swap3A_382] {strides = array<i32>} : memref<16x128xf32, #tpu.memory_space<vmem>>, vector<1x16xf32>,
    %swap3A_384 = vector.shape_cast %swap3A_383 : vector<1x16xf32> to vector<16xf32>
    %swap3A_385 = vector.shape_cast %broadcast_in_dim3A_13 : vector<16xf32> to vector<1x16xf32>
    tpu.vector_store %arg7[%swap3A_381, %swap3A_382], %swap3A_385 {strides = array<i32>} : memref<16x128xf32, #tpu.memory_space<vmem>>, vector<1x16xf32>,
    %swap3A_386 = arith.constant 7 : i32
    %swap3A_387 = arith.index_cast %swap3A_386 : i32 to index
    %swap3A_388 = arith.constant 96 : index
    %swap3A_389 = tpu.vector_load %arg7[%swap3A_387, %swap3A_388] {strides = array<i32>} : memref<16x128xf32, #tpu.memory_space<vmem>>, vector<1x16xf32>,
    %swap3A_390 = vector.shape_cast %swap3A_389 : vector<1x16xf32> to vector<16xf32>
    %swap3A_391 = vector.shape_cast %broadcast_in_dim3A_13 : vector<16xf32> to vector<1x16xf32>
    tpu.vector_store %arg7[%swap3A_387, %swap3A_388], %swap3A_391 {strides = array<i32>} : memref<16x128xf32, #tpu.memory_space<vmem>>, vector<1x16xf32>,
    %swap3A_392 = arith.constant 7 : i32
    %swap3A_393 = arith.index_cast %swap3A_392 : i32 to index
    %swap3A_394 = arith.constant 112 : index
    %swap3A_395 = tpu.vector_load %arg7[%swap3A_393, %swap3A_394] {strides = array<i32>} : memref<16x128xf32, #tpu.memory_space<vmem>>, vector<1x16xf32>,
    %swap3A_396 = vector.shape_cast %swap3A_395 : vector<1x16xf32> to vector<16xf32>
    %swap3A_397 = vector.shape_cast %broadcast_in_dim3A_13 : vector<16xf32> to vector<1x16xf32>
    tpu.vector_store %arg7[%swap3A_393, %swap3A_394], %swap3A_397 {strides = array<i32>} : memref<16x128xf32, #tpu.memory_space<vmem>>, vector<1x16xf32>,
    %swap3A_398 = arith.constant 8 : i32
    %swap3A_399 = arith.index_cast %swap3A_398 : i32 to index
    %swap3A_400 = arith.constant 0 : index
    %swap3A_401 = tpu.vector_load %arg7[%swap3A_399, %swap3A_400] {strides = array<i32>} : memref<16x128xf32, #tpu.memory_space<vmem>>, vector<1x16xf32>,
    %swap3A_402 = vector.shape_cast %swap3A_401 : vector<1x16xf32> to vector<16xf32>
    %swap3A_403 = vector.shape_cast %broadcast_in_dim3A_13 : vector<16xf32> to vector<1x16xf32>
    tpu.vector_store %arg7[%swap3A_399, %swap3A_400], %swap3A_403 {strides = array<i32>} : memref<16x128xf32, #tpu.memory_space<vmem>>, vector<1x16xf32>,
    %swap3A_404 = arith.constant 8 : i32
    %swap3A_405 = arith.index_cast %swap3A_404 : i32 to index
    %swap3A_406 = arith.constant 16 : index
    %swap3A_407 = tpu.vector_load %arg7[%swap3A_405, %swap3A_406] {strides = array<i32>} : memref<16x128xf32, #tpu.memory_space<vmem>>, vector<1x16xf32>,
    %swap3A_408 = vector.shape_cast %swap3A_407 : vector<1x16xf32> to vector<16xf32>
    %swap3A_409 = vector.shape_cast %broadcast_in_dim3A_13 : vector<16xf32> to vector<1x16xf32>
    tpu.vector_store %arg7[%swap3A_405, %swap3A_406], %swap3A_409 {strides = array<i32>} : memref<16x128xf32, #tpu.memory_space<vmem>>, vector<1x16xf32>,
    %swap3A_410 = arith.constant 8 : i32
    %swap3A_411 = arith.index_cast %swap3A_410 : i32 to index
    %swap3A_412 = arith.constant 32 : index
    %swap3A_413 = tpu.vector_load %arg7[%swap3A_411, %swap3A_412] {strides = array<i32>} : memref<16x128xf32, #tpu.memory_space<vmem>>, vector<1x16xf32>,
    %swap3A_414 = vector.shape_cast %swap3A_413 : vector<1x16xf32> to vector<16xf32>
    %swap3A_415 = vector.shape_cast %broadcast_in_dim3A_13 : vector<16xf32> to vector<1x16xf32>
    tpu.vector_store %arg7[%swap3A_411, %swap3A_412], %swap3A_415 {strides = array<i32>} : memref<16x128xf32, #tpu.memory_space<vmem>>, vector<1x16xf32>,
    %swap3A_416 = arith.constant 8 : i32
    %swap3A_417 = arith.index_cast %swap3A_416 : i32 to index
    %swap3A_418 = arith.constant 48 : index
    %swap3A_419 = tpu.vector_load %arg7[%swap3A_417, %swap3A_418] {strides = array<i32>} : memref<16x128xf32, #tpu.memory_space<vmem>>, vector<1x16xf32>,
    %swap3A_420 = vector.shape_cast %swap3A_419 : vector<1x16xf32> to vector<16xf32>
    %swap3A_421 = vector.shape_cast %broadcast_in_dim3A_13 : vector<16xf32> to vector<1x16xf32>
    tpu.vector_store %arg7[%swap3A_417, %swap3A_418], %swap3A_421 {strides = array<i32>} : memref<16x128xf32, #tpu.memory_space<vmem>>, vector<1x16xf32>,
    %swap3A_422 = arith.constant 8 : i32
    %swap3A_423 = arith.index_cast %swap3A_422 : i32 to index
    %swap3A_424 = arith.constant 64 : index
    %swap3A_425 = tpu.vector_load %arg7[%swap3A_423, %swap3A_424] {strides = array<i32>} : memref<16x128xf32, #tpu.memory_space<vmem>>, vector<1x16xf32>,
    %swap3A_426 = vector.shape_cast %swap3A_425 : vector<1x16xf32> to vector<16xf32>
    %swap3A_427 = vector.shape_cast %broadcast_in_dim3A_13 : vector<16xf32> to vector<1x16xf32>
    tpu.vector_store %arg7[%swap3A_423, %swap3A_424], %swap3A_427 {strides = array<i32>} : memref<16x128xf32, #tpu.memory_space<vmem>>, vector<1x16xf32>,
    %swap3A_428 = arith.constant 8 : i32
    %swap3A_429 = arith.index_cast %swap3A_428 : i32 to index
    %swap3A_430 = arith.constant 80 : index
    %swap3A_431 = tpu.vector_load %arg7[%swap3A_429, %swap3A_430] {strides = array<i32>} : memref<16x128xf32, #tpu.memory_space<vmem>>, vector<1x16xf32>,
    %swap3A_432 = vector.shape_cast %swap3A_431 : vector<1x16xf32> to vector<16xf32>
    %swap3A_433 = vector.shape_cast %broadcast_in_dim3A_13 : vector<16xf32> to vector<1x16xf32>
    tpu.vector_store %arg7[%swap3A_429, %swap3A_430], %swap3A_433 {strides = array<i32>} : memref<16x128xf32, #tpu.memory_space<vmem>>, vector<1x16xf32>,
    %swap3A_434 = arith.constant 8 : i32
    %swap3A_435 = arith.index_cast %swap3A_434 : i32 to index
    %swap3A_436 = arith.constant 96 : index
    %swap3A_437 = tpu.vector_load %arg7[%swap3A_435, %swap3A_436] {strides = array<i32>} : memref<16x128xf32, #tpu.memory_space<vmem>>, vector<1x16xf32>,
    %swap3A_438 = vector.shape_cast %swap3A_437 : vector<1x16xf32> to vector<16xf32>
    %swap3A_439 = vector.shape_cast %broadcast_in_dim3A_13 : vector<16xf32> to vector<1x16xf32>
    tpu.vector_store %arg7[%swap3A_435, %swap3A_436], %swap3A_439 {strides = array<i32>} : memref<16x128xf32, #tpu.memory_space<vmem>>, vector<1x16xf32>,
    %swap3A_440 = arith.constant 8 : i32
    %swap3A_441 = arith.index_cast %swap3A_440 : i32 to index
    %swap3A_442 = arith.constant 112 : index
    %swap3A_443 = tpu.vector_load %arg7[%swap3A_441, %swap3A_442] {strides = array<i32>} : memref<16x128xf32, #tpu.memory_space<vmem>>, vector<1x16xf32>,
    %swap3A_444 = vector.shape_cast %swap3A_443 : vector<1x16xf32> to vector<16xf32>
    %swap3A_445 = vector.shape_cast %broadcast_in_dim3A_13 : vector<16xf32> to vector<1x16xf32>
    tpu.vector_store %arg7[%swap3A_441, %swap3A_442], %swap3A_445 {strides = array<i32>} : memref<16x128xf32, #tpu.memory_space<vmem>>, vector<1x16xf32>,
    %swap3A_446 = arith.constant 9 : i32
    %swap3A_447 = arith.index_cast %swap3A_446 : i32 to index
    %swap3A_448 = arith.constant 0 : index
    %swap3A_449 = tpu.vector_load %arg7[%swap3A_447, %swap3A_448] {strides = array<i32>} : memref<16x128xf32, #tpu.memory_space<vmem>>, vector<1x16xf32>,
    %swap3A_450 = vector.shape_cast %swap3A_449 : vector<1x16xf32> to vector<16xf32>
    %swap3A_451 = vector.shape_cast %broadcast_in_dim3A_13 : vector<16xf32> to vector<1x16xf32>
    tpu.vector_store %arg7[%swap3A_447, %swap3A_448], %swap3A_451 {strides = array<i32>} : memref<16x128xf32, #tpu.memory_space<vmem>>, vector<1x16xf32>,
    %swap3A_452 = arith.constant 9 : i32
    %swap3A_453 = arith.index_cast %swap3A_452 : i32 to index
    %swap3A_454 = arith.constant 16 : index
    %swap3A_455 = tpu.vector_load %arg7[%swap3A_453, %swap3A_454] {strides = array<i32>} : memref<16x128xf32, #tpu.memory_space<vmem>>, vector<1x16xf32>,
    %swap3A_456 = vector.shape_cast %swap3A_455 : vector<1x16xf32> to vector<16xf32>
    %swap3A_457 = vector.shape_cast %broadcast_in_dim3A_13 : vector<16xf32> to vector<1x16xf32>
    tpu.vector_store %arg7[%swap3A_453, %swap3A_454], %swap3A_457 {strides = array<i32>} : memref<16x128xf32, #tpu.memory_space<vmem>>, vector<1x16xf32>,
    %swap3A_458 = arith.constant 9 : i32
    %swap3A_459 = arith.index_cast %swap3A_458 : i32 to index
    %swap3A_460 = arith.constant 32 : index
    %swap3A_461 = tpu.vector_load %arg7[%swap3A_459, %swap3A_460] {strides = array<i32>} : memref<16x128xf32, #tpu.memory_space<vmem>>, vector<1x16xf32>,
    %swap3A_462 = vector.shape_cast %swap3A_461 : vector<1x16xf32> to vector<16xf32>
    %swap3A_463 = vector.shape_cast %broadcast_in_dim3A_13 : vector<16xf32> to vector<1x16xf32>
    tpu.vector_store %arg7[%swap3A_459, %swap3A_460], %swap3A_463 {strides = array<i32>} : memref<16x128xf32, #tpu.memory_space<vmem>>, vector<1x16xf32>,
    %swap3A_464 = arith.constant 9 : i32
    %swap3A_465 = arith.index_cast %swap3A_464 : i32 to index
    %swap3A_466 = arith.constant 48 : index
    %swap3A_467 = tpu.vector_load %arg7[%swap3A_465, %swap3A_466] {strides = array<i32>} : memref<16x128xf32, #tpu.memory_space<vmem>>, vector<1x16xf32>,
    %swap3A_468 = vector.shape_cast %swap3A_467 : vector<1x16xf32> to vector<16xf32>
    %swap3A_469 = vector.shape_cast %broadcast_in_dim3A_13 : vector<16xf32> to vector<1x16xf32>
    tpu.vector_store %arg7[%swap3A_465, %swap3A_466], %swap3A_469 {strides = array<i32>} : memref<16x128xf32, #tpu.memory_space<vmem>>, vector<1x16xf32>,
    %swap3A_470 = arith.constant 9 : i32
    %swap3A_471 = arith.index_cast %swap3A_470 : i32 to index
    %swap3A_472 = arith.constant 64 : index
    %swap3A_473 = tpu.vector_load %arg7[%swap3A_471, %swap3A_472] {strides = array<i32>} : memref<16x128xf32, #tpu.memory_space<vmem>>, vector<1x16xf32>,
    %swap3A_474 = vector.shape_cast %swap3A_473 : vector<1x16xf32> to vector<16xf32>
    %swap3A_475 = vector.shape_cast %broadcast_in_dim3A_13 : vector<16xf32> to vector<1x16xf32>
    tpu.vector_store %arg7[%swap3A_471, %swap3A_472], %swap3A_475 {strides = array<i32>} : memref<16x128xf32, #tpu.memory_space<vmem>>, vector<1x16xf32>,
    %swap3A_476 = arith.constant 9 : i32
    %swap3A_477 = arith.index_cast %swap3A_476 : i32 to index
    %swap3A_478 = arith.constant 80 : index
    %swap3A_479 = tpu.vector_load %arg7[%swap3A_477, %swap3A_478] {strides = array<i32>} : memref<16x128xf32, #tpu.memory_space<vmem>>, vector<1x16xf32>,
    %swap3A_480 = vector.shape_cast %swap3A_479 : vector<1x16xf32> to vector<16xf32>
    %swap3A_481 = vector.shape_cast %broadcast_in_dim3A_13 : vector<16xf32> to vector<1x16xf32>
    tpu.vector_store %arg7[%swap3A_477, %swap3A_478], %swap3A_481 {strides = array<i32>} : memref<16x128xf32, #tpu.memory_space<vmem>>, vector<1x16xf32>,
    %swap3A_482 = arith.constant 9 : i32
    %swap3A_483 = arith.index_cast %swap3A_482 : i32 to index
    %swap3A_484 = arith.constant 96 : index
    %swap3A_485 = tpu.vector_load %arg7[%swap3A_483, %swap3A_484] {strides = array<i32>} : memref<16x128xf32, #tpu.memory_space<vmem>>, vector<1x16xf32>,
    %swap3A_486 = vector.shape_cast %swap3A_485 : vector<1x16xf32> to vector<16xf32>
    %swap3A_487 = vector.shape_cast %broadcast_in_dim3A_13 : vector<16xf32> to vector<1x16xf32>
    tpu.vector_store %arg7[%swap3A_483, %swap3A_484], %swap3A_487 {strides = array<i32>} : memref<16x128xf32, #tpu.memory_space<vmem>>, vector<1x16xf32>,
    %swap3A_488 = arith.constant 9 : i32
    %swap3A_489 = arith.index_cast %swap3A_488 : i32 to index
    %swap3A_490 = arith.constant 112 : index
    %swap3A_491 = tpu.vector_load %arg7[%swap3A_489, %swap3A_490] {strides = array<i32>} : memref<16x128xf32, #tpu.memory_space<vmem>>, vector<1x16xf32>,
    %swap3A_492 = vector.shape_cast %swap3A_491 : vector<1x16xf32> to vector<16xf32>
    %swap3A_493 = vector.shape_cast %broadcast_in_dim3A_13 : vector<16xf32> to vector<1x16xf32>
    tpu.vector_store %arg7[%swap3A_489, %swap3A_490], %swap3A_493 {strides = array<i32>} : memref<16x128xf32, #tpu.memory_space<vmem>>, vector<1x16xf32>,
    %swap3A_494 = arith.constant 10 : i32
    %swap3A_495 = arith.index_cast %swap3A_494 : i32 to index
    %swap3A_496 = arith.constant 0 : index
    %swap3A_497 = tpu.vector_load %arg7[%swap3A_495, %swap3A_496] {strides = array<i32>} : memref<16x128xf32, #tpu.memory_space<vmem>>, vector<1x16xf32>,
    %swap3A_498 = vector.shape_cast %swap3A_497 : vector<1x16xf32> to vector<16xf32>
    %swap3A_499 = vector.shape_cast %broadcast_in_dim3A_13 : vector<16xf32> to vector<1x16xf32>
    tpu.vector_store %arg7[%swap3A_495, %swap3A_496], %swap3A_499 {strides = array<i32>} : memref<16x128xf32, #tpu.memory_space<vmem>>, vector<1x16xf32>,
    %swap3A_500 = arith.constant 10 : i32
    %swap3A_501 = arith.index_cast %swap3A_500 : i32 to index
    %swap3A_502 = arith.constant 16 : index
    %swap3A_503 = tpu.vector_load %arg7[%swap3A_501, %swap3A_502] {strides = array<i32>} : memref<16x128xf32, #tpu.memory_space<vmem>>, vector<1x16xf32>,
    %swap3A_504 = vector.shape_cast %swap3A_503 : vector<1x16xf32> to vector<16xf32>
    %swap3A_505 = vector.shape_cast %broadcast_in_dim3A_13 : vector<16xf32> to vector<1x16xf32>
    tpu.vector_store %arg7[%swap3A_501, %swap3A_502], %swap3A_505 {strides = array<i32>} : memref<16x128xf32, #tpu.memory_space<vmem>>, vector<1x16xf32>,
    %swap3A_506 = arith.constant 10 : i32
    %swap3A_507 = arith.index_cast %swap3A_506 : i32 to index
    %swap3A_508 = arith.constant 32 : index
    %swap3A_509 = tpu.vector_load %arg7[%swap3A_507, %swap3A_508] {strides = array<i32>} : memref<16x128xf32, #tpu.memory_space<vmem>>, vector<1x16xf32>,
    %swap3A_510 = vector.shape_cast %swap3A_509 : vector<1x16xf32> to vector<16xf32>
    %swap3A_511 = vector.shape_cast %broadcast_in_dim3A_13 : vector<16xf32> to vector<1x16xf32>
    tpu.vector_store %arg7[%swap3A_507, %swap3A_508], %swap3A_511 {strides = array<i32>} : memref<16x128xf32, #tpu.memory_space<vmem>>, vector<1x16xf32>,
    %swap3A_512 = arith.constant 10 : i32
    %swap3A_513 = arith.index_cast %swap3A_512 : i32 to index
    %swap3A_514 = arith.constant 48 : index
    %swap3A_515 = tpu.vector_load %arg7[%swap3A_513, %swap3A_514] {strides = array<i32>} : memref<16x128xf32, #tpu.memory_space<vmem>>, vector<1x16xf32>,
    %swap3A_516 = vector.shape_cast %swap3A_515 : vector<1x16xf32> to vector<16xf32>
    %swap3A_517 = vector.shape_cast %broadcast_in_dim3A_13 : vector<16xf32> to vector<1x16xf32>
    tpu.vector_store %arg7[%swap3A_513, %swap3A_514], %swap3A_517 {strides = array<i32>} : memref<16x128xf32, #tpu.memory_space<vmem>>, vector<1x16xf32>,
    %swap3A_518 = arith.constant 10 : i32
    %swap3A_519 = arith.index_cast %swap3A_518 : i32 to index
    %swap3A_520 = arith.constant 64 : index
    %swap3A_521 = tpu.vector_load %arg7[%swap3A_519, %swap3A_520] {strides = array<i32>} : memref<16x128xf32, #tpu.memory_space<vmem>>, vector<1x16xf32>,
    %swap3A_522 = vector.shape_cast %swap3A_521 : vector<1x16xf32> to vector<16xf32>
    %swap3A_523 = vector.shape_cast %broadcast_in_dim3A_13 : vector<16xf32> to vector<1x16xf32>
    tpu.vector_store %arg7[%swap3A_519, %swap3A_520], %swap3A_523 {strides = array<i32>} : memref<16x128xf32, #tpu.memory_space<vmem>>, vector<1x16xf32>,
    %swap3A_524 = arith.constant 10 : i32
    %swap3A_525 = arith.index_cast %swap3A_524 : i32 to index
    %swap3A_526 = arith.constant 80 : index
    %swap3A_527 = tpu.vector_load %arg7[%swap3A_525, %swap3A_526] {strides = array<i32>} : memref<16x128xf32, #tpu.memory_space<vmem>>, vector<1x16xf32>,
    %swap3A_528 = vector.shape_cast %swap3A_527 : vector<1x16xf32> to vector<16xf32>
    %swap3A_529 = vector.shape_cast %broadcast_in_dim3A_13 : vector<16xf32> to vector<1x16xf32>
    tpu.vector_store %arg7[%swap3A_525, %swap3A_526], %swap3A_529 {strides = array<i32>} : memref<16x128xf32, #tpu.memory_space<vmem>>, vector<1x16xf32>,
    %swap3A_530 = arith.constant 10 : i32
    %swap3A_531 = arith.index_cast %swap3A_530 : i32 to index
    %swap3A_532 = arith.constant 96 : index
    %swap3A_533 = tpu.vector_load %arg7[%swap3A_531, %swap3A_532] {strides = array<i32>} : memref<16x128xf32, #tpu.memory_space<vmem>>, vector<1x16xf32>,
    %swap3A_534 = vector.shape_cast %swap3A_533 : vector<1x16xf32> to vector<16xf32>
    %swap3A_535 = vector.shape_cast %broadcast_in_dim3A_13 : vector<16xf32> to vector<1x16xf32>
    tpu.vector_store %arg7[%swap3A_531, %swap3A_532], %swap3A_535 {strides = array<i32>} : memref<16x128xf32, #tpu.memory_space<vmem>>, vector<1x16xf32>,
    %swap3A_536 = arith.constant 10 : i32
    %swap3A_537 = arith.index_cast %swap3A_536 : i32 to index
    %swap3A_538 = arith.constant 112 : index
    %swap3A_539 = tpu.vector_load %arg7[%swap3A_537, %swap3A_538] {strides = array<i32>} : memref<16x128xf32, #tpu.memory_space<vmem>>, vector<1x16xf32>,
    %swap3A_540 = vector.shape_cast %swap3A_539 : vector<1x16xf32> to vector<16xf32>
    %swap3A_541 = vector.shape_cast %broadcast_in_dim3A_13 : vector<16xf32> to vector<1x16xf32>
    tpu.vector_store %arg7[%swap3A_537, %swap3A_538], %swap3A_541 {strides = array<i32>} : memref<16x128xf32, #tpu.memory_space<vmem>>, vector<1x16xf32>,
    %swap3A_542 = arith.constant 11 : i32
    %swap3A_543 = arith.index_cast %swap3A_542 : i32 to index
    %swap3A_544 = arith.constant 0 : index
    %swap3A_545 = tpu.vector_load %arg7[%swap3A_543, %swap3A_544] {strides = array<i32>} : memref<16x128xf32, #tpu.memory_space<vmem>>, vector<1x16xf32>,
    %swap3A_546 = vector.shape_cast %swap3A_545 : vector<1x16xf32> to vector<16xf32>
    %swap3A_547 = vector.shape_cast %broadcast_in_dim3A_13 : vector<16xf32> to vector<1x16xf32>
    tpu.vector_store %arg7[%swap3A_543, %swap3A_544], %swap3A_547 {strides = array<i32>} : memref<16x128xf32, #tpu.memory_space<vmem>>, vector<1x16xf32>,
    %swap3A_548 = arith.constant 11 : i32
    %swap3A_549 = arith.index_cast %swap3A_548 : i32 to index
    %swap3A_550 = arith.constant 16 : index
    %swap3A_551 = tpu.vector_load %arg7[%swap3A_549, %swap3A_550] {strides = array<i32>} : memref<16x128xf32, #tpu.memory_space<vmem>>, vector<1x16xf32>,
    %swap3A_552 = vector.shape_cast %swap3A_551 : vector<1x16xf32> to vector<16xf32>
    %swap3A_553 = vector.shape_cast %broadcast_in_dim3A_13 : vector<16xf32> to vector<1x16xf32>
    tpu.vector_store %arg7[%swap3A_549, %swap3A_550], %swap3A_553 {strides = array<i32>} : memref<16x128xf32, #tpu.memory_space<vmem>>, vector<1x16xf32>,
    %swap3A_554 = arith.constant 11 : i32
    %swap3A_555 = arith.index_cast %swap3A_554 : i32 to index
    %swap3A_556 = arith.constant 32 : index
    %swap3A_557 = tpu.vector_load %arg7[%swap3A_555, %swap3A_556] {strides = array<i32>} : memref<16x128xf32, #tpu.memory_space<vmem>>, vector<1x16xf32>,
    %swap3A_558 = vector.shape_cast %swap3A_557 : vector<1x16xf32> to vector<16xf32>
    %swap3A_559 = vector.shape_cast %broadcast_in_dim3A_13 : vector<16xf32> to vector<1x16xf32>
    tpu.vector_store %arg7[%swap3A_555, %swap3A_556], %swap3A_559 {strides = array<i32>} : memref<16x128xf32, #tpu.memory_space<vmem>>, vector<1x16xf32>,
    %swap3A_560 = arith.constant 11 : i32
    %swap3A_561 = arith.index_cast %swap3A_560 : i32 to index
    %swap3A_562 = arith.constant 48 : index
    %swap3A_563 = tpu.vector_load %arg7[%swap3A_561, %swap3A_562] {strides = array<i32>} : memref<16x128xf32, #tpu.memory_space<vmem>>, vector<1x16xf32>,
    %swap3A_564 = vector.shape_cast %swap3A_563 : vector<1x16xf32> to vector<16xf32>
    %swap3A_565 = vector.shape_cast %broadcast_in_dim3A_13 : vector<16xf32> to vector<1x16xf32>
    tpu.vector_store %arg7[%swap3A_561, %swap3A_562], %swap3A_565 {strides = array<i32>} : memref<16x128xf32, #tpu.memory_space<vmem>>, vector<1x16xf32>,
    %swap3A_566 = arith.constant 11 : i32
    %swap3A_567 = arith.index_cast %swap3A_566 : i32 to index
    %swap3A_568 = arith.constant 64 : index
    %swap3A_569 = tpu.vector_load %arg7[%swap3A_567, %swap3A_568] {strides = array<i32>} : memref<16x128xf32, #tpu.memory_space<vmem>>, vector<1x16xf32>,
    %swap3A_570 = vector.shape_cast %swap3A_569 : vector<1x16xf32> to vector<16xf32>
    %swap3A_571 = vector.shape_cast %broadcast_in_dim3A_13 : vector<16xf32> to vector<1x16xf32>
    tpu.vector_store %arg7[%swap3A_567, %swap3A_568], %swap3A_571 {strides = array<i32>} : memref<16x128xf32, #tpu.memory_space<vmem>>, vector<1x16xf32>,
    %swap3A_572 = arith.constant 11 : i32
    %swap3A_573 = arith.index_cast %swap3A_572 : i32 to index
    %swap3A_574 = arith.constant 80 : index
    %swap3A_575 = tpu.vector_load %arg7[%swap3A_573, %swap3A_574] {strides = array<i32>} : memref<16x128xf32, #tpu.memory_space<vmem>>, vector<1x16xf32>,
    %swap3A_576 = vector.shape_cast %swap3A_575 : vector<1x16xf32> to vector<16xf32>
    %swap3A_577 = vector.shape_cast %broadcast_in_dim3A_13 : vector<16xf32> to vector<1x16xf32>
    tpu.vector_store %arg7[%swap3A_573, %swap3A_574], %swap3A_577 {strides = array<i32>} : memref<16x128xf32, #tpu.memory_space<vmem>>, vector<1x16xf32>,
    %swap3A_578 = arith.constant 11 : i32
    %swap3A_579 = arith.index_cast %swap3A_578 : i32 to index
    %swap3A_580 = arith.constant 96 : index
    %swap3A_581 = tpu.vector_load %arg7[%swap3A_579, %swap3A_580] {strides = array<i32>} : memref<16x128xf32, #tpu.memory_space<vmem>>, vector<1x16xf32>,
    %swap3A_582 = vector.shape_cast %swap3A_581 : vector<1x16xf32> to vector<16xf32>
    %swap3A_583 = vector.shape_cast %broadcast_in_dim3A_13 : vector<16xf32> to vector<1x16xf32>
    tpu.vector_store %arg7[%swap3A_579, %swap3A_580], %swap3A_583 {strides = array<i32>} : memref<16x128xf32, #tpu.memory_space<vmem>>, vector<1x16xf32>,
    %swap3A_584 = arith.constant 11 : i32
    %swap3A_585 = arith.index_cast %swap3A_584 : i32 to index
    %swap3A_586 = arith.constant 112 : index
    %swap3A_587 = tpu.vector_load %arg7[%swap3A_585, %swap3A_586] {strides = array<i32>} : memref<16x128xf32, #tpu.memory_space<vmem>>, vector<1x16xf32>,
    %swap3A_588 = vector.shape_cast %swap3A_587 : vector<1x16xf32> to vector<16xf32>
    %swap3A_589 = vector.shape_cast %broadcast_in_dim3A_13 : vector<16xf32> to vector<1x16xf32>
    tpu.vector_store %arg7[%swap3A_585, %swap3A_586], %swap3A_589 {strides = array<i32>} : memref<16x128xf32, #tpu.memory_space<vmem>>, vector<1x16xf32>,
    %swap3A_590 = arith.constant 12 : i32
    %swap3A_591 = arith.index_cast %swap3A_590 : i32 to index
    %swap3A_592 = arith.constant 0 : index
    %swap3A_593 = tpu.vector_load %arg7[%swap3A_591, %swap3A_592] {strides = array<i32>} : memref<16x128xf32, #tpu.memory_space<vmem>>, vector<1x16xf32>,
    %swap3A_594 = vector.shape_cast %swap3A_593 : vector<1x16xf32> to vector<16xf32>
    %swap3A_595 = vector.shape_cast %broadcast_in_dim3A_13 : vector<16xf32> to vector<1x16xf32>
    tpu.vector_store %arg7[%swap3A_591, %swap3A_592], %swap3A_595 {strides = array<i32>} : memref<16x128xf32, #tpu.memory_space<vmem>>, vector<1x16xf32>,
    %swap3A_596 = arith.constant 12 : i32
    %swap3A_597 = arith.index_cast %swap3A_596 : i32 to index
    %swap3A_598 = arith.constant 16 : index
    %swap3A_599 = tpu.vector_load %arg7[%swap3A_597, %swap3A_598] {strides = array<i32>} : memref<16x128xf32, #tpu.memory_space<vmem>>, vector<1x16xf32>,
    %swap3A_600 = vector.shape_cast %swap3A_599 : vector<1x16xf32> to vector<16xf32>
    %swap3A_601 = vector.shape_cast %broadcast_in_dim3A_13 : vector<16xf32> to vector<1x16xf32>
    tpu.vector_store %arg7[%swap3A_597, %swap3A_598], %swap3A_601 {strides = array<i32>} : memref<16x128xf32, #tpu.memory_space<vmem>>, vector<1x16xf32>,
    %swap3A_602 = arith.constant 12 : i32
    %swap3A_603 = arith.index_cast %swap3A_602 : i32 to index
    %swap3A_604 = arith.constant 32 : index
    %swap3A_605 = tpu.vector_load %arg7[%swap3A_603, %swap3A_604] {strides = array<i32>} : memref<16x128xf32, #tpu.memory_space<vmem>>, vector<1x16xf32>,
    %swap3A_606 = vector.shape_cast %swap3A_605 : vector<1x16xf32> to vector<16xf32>
    %swap3A_607 = vector.shape_cast %broadcast_in_dim3A_13 : vector<16xf32> to vector<1x16xf32>
    tpu.vector_store %arg7[%swap3A_603, %swap3A_604], %swap3A_607 {strides = array<i32>} : memref<16x128xf32, #tpu.memory_space<vmem>>, vector<1x16xf32>,
    %swap3A_608 = arith.constant 12 : i32
    %swap3A_609 = arith.index_cast %swap3A_608 : i32 to index
    %swap3A_610 = arith.constant 48 : index
    %swap3A_611 = tpu.vector_load %arg7[%swap3A_609, %swap3A_610] {strides = array<i32>} : memref<16x128xf32, #tpu.memory_space<vmem>>, vector<1x16xf32>,
    %swap3A_612 = vector.shape_cast %swap3A_611 : vector<1x16xf32> to vector<16xf32>
    %swap3A_613 = vector.shape_cast %broadcast_in_dim3A_13 : vector<16xf32> to vector<1x16xf32>
    tpu.vector_store %arg7[%swap3A_609, %swap3A_610], %swap3A_613 {strides = array<i32>} : memref<16x128xf32, #tpu.memory_space<vmem>>, vector<1x16xf32>,
    %swap3A_614 = arith.constant 12 : i32
    %swap3A_615 = arith.index_cast %swap3A_614 : i32 to index
    %swap3A_616 = arith.constant 64 : index
    %swap3A_617 = tpu.vector_load %arg7[%swap3A_615, %swap3A_616] {strides = array<i32>} : memref<16x128xf32, #tpu.memory_space<vmem>>, vector<1x16xf32>,
    %swap3A_618 = vector.shape_cast %swap3A_617 : vector<1x16xf32> to vector<16xf32>
    %swap3A_619 = vector.shape_cast %broadcast_in_dim3A_13 : vector<16xf32> to vector<1x16xf32>
    tpu.vector_store %arg7[%swap3A_615, %swap3A_616], %swap3A_619 {strides = array<i32>} : memref<16x128xf32, #tpu.memory_space<vmem>>, vector<1x16xf32>,
    %swap3A_620 = arith.constant 12 : i32
    %swap3A_621 = arith.index_cast %swap3A_620 : i32 to index
    %swap3A_622 = arith.constant 80 : index
    %swap3A_623 = tpu.vector_load %arg7[%swap3A_621, %swap3A_622] {strides = array<i32>} : memref<16x128xf32, #tpu.memory_space<vmem>>, vector<1x16xf32>,
    %swap3A_624 = vector.shape_cast %swap3A_623 : vector<1x16xf32> to vector<16xf32>
    %swap3A_625 = vector.shape_cast %broadcast_in_dim3A_13 : vector<16xf32> to vector<1x16xf32>
    tpu.vector_store %arg7[%swap3A_621, %swap3A_622], %swap3A_625 {strides = array<i32>} : memref<16x128xf32, #tpu.memory_space<vmem>>, vector<1x16xf32>,
    %swap3A_626 = arith.constant 12 : i32
    %swap3A_627 = arith.index_cast %swap3A_626 : i32 to index
    %swap3A_628 = arith.constant 96 : index
    %swap3A_629 = tpu.vector_load %arg7[%swap3A_627, %swap3A_628] {strides = array<i32>} : memref<16x128xf32, #tpu.memory_space<vmem>>, vector<1x16xf32>,
    %swap3A_630 = vector.shape_cast %swap3A_629 : vector<1x16xf32> to vector<16xf32>
    %swap3A_631 = vector.shape_cast %broadcast_in_dim3A_13 : vector<16xf32> to vector<1x16xf32>
    tpu.vector_store %arg7[%swap3A_627, %swap3A_628], %swap3A_631 {strides = array<i32>} : memref<16x128xf32, #tpu.memory_space<vmem>>, vector<1x16xf32>,
    %swap3A_632 = arith.constant 12 : i32
    %swap3A_633 = arith.index_cast %swap3A_632 : i32 to index
    %swap3A_634 = arith.constant 112 : index
    %swap3A_635 = tpu.vector_load %arg7[%swap3A_633, %swap3A_634] {strides = array<i32>} : memref<16x128xf32, #tpu.memory_space<vmem>>, vector<1x16xf32>,
    %swap3A_636 = vector.shape_cast %swap3A_635 : vector<1x16xf32> to vector<16xf32>
    %swap3A_637 = vector.shape_cast %broadcast_in_dim3A_13 : vector<16xf32> to vector<1x16xf32>
    tpu.vector_store %arg7[%swap3A_633, %swap3A_634], %swap3A_637 {strides = array<i32>} : memref<16x128xf32, #tpu.memory_space<vmem>>, vector<1x16xf32>,
    %swap3A_638 = arith.constant 13 : i32
    %swap3A_639 = arith.index_cast %swap3A_638 : i32 to index
    %swap3A_640 = arith.constant 0 : index
    %swap3A_641 = tpu.vector_load %arg7[%swap3A_639, %swap3A_640] {strides = array<i32>} : memref<16x128xf32, #tpu.memory_space<vmem>>, vector<1x16xf32>,
    %swap3A_642 = vector.shape_cast %swap3A_641 : vector<1x16xf32> to vector<16xf32>
    %swap3A_643 = vector.shape_cast %broadcast_in_dim3A_13 : vector<16xf32> to vector<1x16xf32>
    tpu.vector_store %arg7[%swap3A_639, %swap3A_640], %swap3A_643 {strides = array<i32>} : memref<16x128xf32, #tpu.memory_space<vmem>>, vector<1x16xf32>,
    %swap3A_644 = arith.constant 13 : i32
    %swap3A_645 = arith.index_cast %swap3A_644 : i32 to index
    %swap3A_646 = arith.constant 16 : index
    %swap3A_647 = tpu.vector_load %arg7[%swap3A_645, %swap3A_646] {strides = array<i32>} : memref<16x128xf32, #tpu.memory_space<vmem>>, vector<1x16xf32>,
    %swap3A_648 = vector.shape_cast %swap3A_647 : vector<1x16xf32> to vector<16xf32>
    %swap3A_649 = vector.shape_cast %broadcast_in_dim3A_13 : vector<16xf32> to vector<1x16xf32>
    tpu.vector_store %arg7[%swap3A_645, %swap3A_646], %swap3A_649 {strides = array<i32>} : memref<16x128xf32, #tpu.memory_space<vmem>>, vector<1x16xf32>,
    %swap3A_650 = arith.constant 13 : i32
    %swap3A_651 = arith.index_cast %swap3A_650 : i32 to index
    %swap3A_652 = arith.constant 32 : index
    %swap3A_653 = tpu.vector_load %arg7[%swap3A_651, %swap3A_652] {strides = array<i32>} : memref<16x128xf32, #tpu.memory_space<vmem>>, vector<1x16xf32>,
    %swap3A_654 = vector.shape_cast %swap3A_653 : vector<1x16xf32> to vector<16xf32>
    %swap3A_655 = vector.shape_cast %broadcast_in_dim3A_13 : vector<16xf32> to vector<1x16xf32>
    tpu.vector_store %arg7[%swap3A_651, %swap3A_652], %swap3A_655 {strides = array<i32>} : memref<16x128xf32, #tpu.memory_space<vmem>>, vector<1x16xf32>,
    %swap3A_656 = arith.constant 13 : i32
    %swap3A_657 = arith.index_cast %swap3A_656 : i32 to index
    %swap3A_658 = arith.constant 48 : index
    %swap3A_659 = tpu.vector_load %arg7[%swap3A_657, %swap3A_658] {strides = array<i32>} : memref<16x128xf32, #tpu.memory_space<vmem>>, vector<1x16xf32>,
    %swap3A_660 = vector.shape_cast %swap3A_659 : vector<1x16xf32> to vector<16xf32>
    %swap3A_661 = vector.shape_cast %broadcast_in_dim3A_13 : vector<16xf32> to vector<1x16xf32>
    tpu.vector_store %arg7[%swap3A_657, %swap3A_658], %swap3A_661 {strides = array<i32>} : memref<16x128xf32, #tpu.memory_space<vmem>>, vector<1x16xf32>,
    %swap3A_662 = arith.constant 13 : i32
    %swap3A_663 = arith.index_cast %swap3A_662 : i32 to index
    %swap3A_664 = arith.constant 64 : index
    %swap3A_665 = tpu.vector_load %arg7[%swap3A_663, %swap3A_664] {strides = array<i32>} : memref<16x128xf32, #tpu.memory_space<vmem>>, vector<1x16xf32>,
    %swap3A_666 = vector.shape_cast %swap3A_665 : vector<1x16xf32> to vector<16xf32>
    %swap3A_667 = vector.shape_cast %broadcast_in_dim3A_13 : vector<16xf32> to vector<1x16xf32>
    tpu.vector_store %arg7[%swap3A_663, %swap3A_664], %swap3A_667 {strides = array<i32>} : memref<16x128xf32, #tpu.memory_space<vmem>>, vector<1x16xf32>,
    %swap3A_668 = arith.constant 13 : i32
    %swap3A_669 = arith.index_cast %swap3A_668 : i32 to index
    %swap3A_670 = arith.constant 80 : index
    %swap3A_671 = tpu.vector_load %arg7[%swap3A_669, %swap3A_670] {strides = array<i32>} : memref<16x128xf32, #tpu.memory_space<vmem>>, vector<1x16xf32>,
    %swap3A_672 = vector.shape_cast %swap3A_671 : vector<1x16xf32> to vector<16xf32>
    %swap3A_673 = vector.shape_cast %broadcast_in_dim3A_13 : vector<16xf32> to vector<1x16xf32>
    tpu.vector_store %arg7[%swap3A_669, %swap3A_670], %swap3A_673 {strides = array<i32>} : memref<16x128xf32, #tpu.memory_space<vmem>>, vector<1x16xf32>,
    %swap3A_674 = arith.constant 13 : i32
    %swap3A_675 = arith.index_cast %swap3A_674 : i32 to index
    %swap3A_676 = arith.constant 96 : index
    %swap3A_677 = tpu.vector_load %arg7[%swap3A_675, %swap3A_676] {strides = array<i32>} : memref<16x128xf32, #tpu.memory_space<vmem>>, vector<1x16xf32>,
    %swap3A_678 = vector.shape_cast %swap3A_677 : vector<1x16xf32> to vector<16xf32>
    %swap3A_679 = vector.shape_cast %broadcast_in_dim3A_13 : vector<16xf32> to vector<1x16xf32>
    tpu.vector_store %arg7[%swap3A_675, %swap3A_676], %swap3A_679 {strides = array<i32>} : memref<16x128xf32, #tpu.memory_space<vmem>>, vector<1x16xf32>,
    %swap3A_680 = arith.constant 13 : i32
    %swap3A_681 = arith.index_cast %swap3A_680 : i32 to index
    %swap3A_682 = arith.constant 112 : index
    %swap3A_683 = tpu.vector_load %arg7[%swap3A_681, %swap3A_682] {strides = array<i32>} : memref<16x128xf32, #tpu.memory_space<vmem>>, vector<1x16xf32>,
    %swap3A_684 = vector.shape_cast %swap3A_683 : vector<1x16xf32> to vector<16xf32>
    %swap3A_685 = vector.shape_cast %broadcast_in_dim3A_13 : vector<16xf32> to vector<1x16xf32>
    tpu.vector_store %arg7[%swap3A_681, %swap3A_682], %swap3A_685 {strides = array<i32>} : memref<16x128xf32, #tpu.memory_space<vmem>>, vector<1x16xf32>,
    %swap3A_686 = arith.constant 14 : i32
    %swap3A_687 = arith.index_cast %swap3A_686 : i32 to index
    %swap3A_688 = arith.constant 0 : index
    %swap3A_689 = tpu.vector_load %arg7[%swap3A_687, %swap3A_688] {strides = array<i32>} : memref<16x128xf32, #tpu.memory_space<vmem>>, vector<1x16xf32>,
    %swap3A_690 = vector.shape_cast %swap3A_689 : vector<1x16xf32> to vector<16xf32>
    %swap3A_691 = vector.shape_cast %broadcast_in_dim3A_13 : vector<16xf32> to vector<1x16xf32>
    tpu.vector_store %arg7[%swap3A_687, %swap3A_688], %swap3A_691 {strides = array<i32>} : memref<16x128xf32, #tpu.memory_space<vmem>>, vector<1x16xf32>,
    %swap3A_692 = arith.constant 14 : i32
    %swap3A_693 = arith.index_cast %swap3A_692 : i32 to index
    %swap3A_694 = arith.constant 16 : index
    %swap3A_695 = tpu.vector_load %arg7[%swap3A_693, %swap3A_694] {strides = array<i32>} : memref<16x128xf32, #tpu.memory_space<vmem>>, vector<1x16xf32>,
    %swap3A_696 = vector.shape_cast %swap3A_695 : vector<1x16xf32> to vector<16xf32>
    %swap3A_697 = vector.shape_cast %broadcast_in_dim3A_13 : vector<16xf32> to vector<1x16xf32>
    tpu.vector_store %arg7[%swap3A_693, %swap3A_694], %swap3A_697 {strides = array<i32>} : memref<16x128xf32, #tpu.memory_space<vmem>>, vector<1x16xf32>,
    %swap3A_698 = arith.constant 14 : i32
    %swap3A_699 = arith.index_cast %swap3A_698 : i32 to index
    %swap3A_700 = arith.constant 32 : index
    %swap3A_701 = tpu.vector_load %arg7[%swap3A_699, %swap3A_700] {strides = array<i32>} : memref<16x128xf32, #tpu.memory_space<vmem>>, vector<1x16xf32>,
    %swap3A_702 = vector.shape_cast %swap3A_701 : vector<1x16xf32> to vector<16xf32>
    %swap3A_703 = vector.shape_cast %broadcast_in_dim3A_13 : vector<16xf32> to vector<1x16xf32>
    tpu.vector_store %arg7[%swap3A_699, %swap3A_700], %swap3A_703 {strides = array<i32>} : memref<16x128xf32, #tpu.memory_space<vmem>>, vector<1x16xf32>,
    %swap3A_704 = arith.constant 14 : i32
    %swap3A_705 = arith.index_cast %swap3A_704 : i32 to index
    %swap3A_706 = arith.constant 48 : index
    %swap3A_707 = tpu.vector_load %arg7[%swap3A_705, %swap3A_706] {strides = array<i32>} : memref<16x128xf32, #tpu.memory_space<vmem>>, vector<1x16xf32>,
    %swap3A_708 = vector.shape_cast %swap3A_707 : vector<1x16xf32> to vector<16xf32>
    %swap3A_709 = vector.shape_cast %broadcast_in_dim3A_13 : vector<16xf32> to vector<1x16xf32>
    tpu.vector_store %arg7[%swap3A_705, %swap3A_706], %swap3A_709 {strides = array<i32>} : memref<16x128xf32, #tpu.memory_space<vmem>>, vector<1x16xf32>,
    %swap3A_710 = arith.constant 14 : i32
    %swap3A_711 = arith.index_cast %swap3A_710 : i32 to index
    %swap3A_712 = arith.constant 64 : index
    %swap3A_713 = tpu.vector_load %arg7[%swap3A_711, %swap3A_712] {strides = array<i32>} : memref<16x128xf32, #tpu.memory_space<vmem>>, vector<1x16xf32>,
    %swap3A_714 = vector.shape_cast %swap3A_713 : vector<1x16xf32> to vector<16xf32>
    %swap3A_715 = vector.shape_cast %broadcast_in_dim3A_13 : vector<16xf32> to vector<1x16xf32>
    tpu.vector_store %arg7[%swap3A_711, %swap3A_712], %swap3A_715 {strides = array<i32>} : memref<16x128xf32, #tpu.memory_space<vmem>>, vector<1x16xf32>,
    %swap3A_716 = arith.constant 14 : i32
    %swap3A_717 = arith.index_cast %swap3A_716 : i32 to index
    %swap3A_718 = arith.constant 80 : index
    %swap3A_719 = tpu.vector_load %arg7[%swap3A_717, %swap3A_718] {strides = array<i32>} : memref<16x128xf32, #tpu.memory_space<vmem>>, vector<1x16xf32>,
    %swap3A_720 = vector.shape_cast %swap3A_719 : vector<1x16xf32> to vector<16xf32>
    %swap3A_721 = vector.shape_cast %broadcast_in_dim3A_13 : vector<16xf32> to vector<1x16xf32>
    tpu.vector_store %arg7[%swap3A_717, %swap3A_718], %swap3A_721 {strides = array<i32>} : memref<16x128xf32, #tpu.memory_space<vmem>>, vector<1x16xf32>,
    %swap3A_722 = arith.constant 14 : i32
    %swap3A_723 = arith.index_cast %swap3A_722 : i32 to index
    %swap3A_724 = arith.constant 96 : index
    %swap3A_725 = tpu.vector_load %arg7[%swap3A_723, %swap3A_724] {strides = array<i32>} : memref<16x128xf32, #tpu.memory_space<vmem>>, vector<1x16xf32>,
    %swap3A_726 = vector.shape_cast %swap3A_725 : vector<1x16xf32> to vector<16xf32>
    %swap3A_727 = vector.shape_cast %broadcast_in_dim3A_13 : vector<16xf32> to vector<1x16xf32>
    tpu.vector_store %arg7[%swap3A_723, %swap3A_724], %swap3A_727 {strides = array<i32>} : memref<16x128xf32, #tpu.memory_space<vmem>>, vector<1x16xf32>,
    %swap3A_728 = arith.constant 14 : i32
    %swap3A_729 = arith.index_cast %swap3A_728 : i32 to index
    %swap3A_730 = arith.constant 112 : index
    %swap3A_731 = tpu.vector_load %arg7[%swap3A_729, %swap3A_730] {strides = array<i32>} : memref<16x128xf32, #tpu.memory_space<vmem>>, vector<1x16xf32>,
    %swap3A_732 = vector.shape_cast %swap3A_731 : vector<1x16xf32> to vector<16xf32>
    %swap3A_733 = vector.shape_cast %broadcast_in_dim3A_13 : vector<16xf32> to vector<1x16xf32>
    tpu.vector_store %arg7[%swap3A_729, %swap3A_730], %swap3A_733 {strides = array<i32>} : memref<16x128xf32, #tpu.memory_space<vmem>>, vector<1x16xf32>,
    %swap3A_734 = arith.constant 15 : i32
    %swap3A_735 = arith.index_cast %swap3A_734 : i32 to index
    %swap3A_736 = arith.constant 0 : index
    %swap3A_737 = tpu.vector_load %arg7[%swap3A_735, %swap3A_736] {strides = array<i32>} : memref<16x128xf32, #tpu.memory_space<vmem>>, vector<1x16xf32>,
    %swap3A_738 = vector.shape_cast %swap3A_737 : vector<1x16xf32> to vector<16xf32>
    %swap3A_739 = vector.shape_cast %broadcast_in_dim3A_13 : vector<16xf32> to vector<1x16xf32>
    tpu.vector_store %arg7[%swap3A_735, %swap3A_736], %swap3A_739 {strides = array<i32>} : memref<16x128xf32, #tpu.memory_space<vmem>>, vector<1x16xf32>,
    %swap3A_740 = arith.constant 15 : i32
    %swap3A_741 = arith.index_cast %swap3A_740 : i32 to index
    %swap3A_742 = arith.constant 16 : index
    %swap3A_743 = tpu.vector_load %arg7[%swap3A_741, %swap3A_742] {strides = array<i32>} : memref<16x128xf32, #tpu.memory_space<vmem>>, vector<1x16xf32>,
    %swap3A_744 = vector.shape_cast %swap3A_743 : vector<1x16xf32> to vector<16xf32>
    %swap3A_745 = vector.shape_cast %broadcast_in_dim3A_13 : vector<16xf32> to vector<1x16xf32>
    tpu.vector_store %arg7[%swap3A_741, %swap3A_742], %swap3A_745 {strides = array<i32>} : memref<16x128xf32, #tpu.memory_space<vmem>>, vector<1x16xf32>,
    %swap3A_746 = arith.constant 15 : i32
    %swap3A_747 = arith.index_cast %swap3A_746 : i32 to index
    %swap3A_748 = arith.constant 32 : index
    %swap3A_749 = tpu.vector_load %arg7[%swap3A_747, %swap3A_748] {strides = array<i32>} : memref<16x128xf32, #tpu.memory_space<vmem>>, vector<1x16xf32>,
    %swap3A_750 = vector.shape_cast %swap3A_749 : vector<1x16xf32> to vector<16xf32>
    %swap3A_751 = vector.shape_cast %broadcast_in_dim3A_13 : vector<16xf32> to vector<1x16xf32>
    tpu.vector_store %arg7[%swap3A_747, %swap3A_748], %swap3A_751 {strides = array<i32>} : memref<16x128xf32, #tpu.memory_space<vmem>>, vector<1x16xf32>,
    %swap3A_752 = arith.constant 15 : i32
    %swap3A_753 = arith.index_cast %swap3A_752 : i32 to index
    %swap3A_754 = arith.constant 48 : index
    %swap3A_755 = tpu.vector_load %arg7[%swap3A_753, %swap3A_754] {strides = array<i32>} : memref<16x128xf32, #tpu.memory_space<vmem>>, vector<1x16xf32>,
    %swap3A_756 = vector.shape_cast %swap3A_755 : vector<1x16xf32> to vector<16xf32>
    %swap3A_757 = vector.shape_cast %broadcast_in_dim3A_13 : vector<16xf32> to vector<1x16xf32>
    tpu.vector_store %arg7[%swap3A_753, %swap3A_754], %swap3A_757 {strides = array<i32>} : memref<16x128xf32, #tpu.memory_space<vmem>>, vector<1x16xf32>,
    %swap3A_758 = arith.constant 15 : i32
    %swap3A_759 = arith.index_cast %swap3A_758 : i32 to index
    %swap3A_760 = arith.constant 64 : index
    %swap3A_761 = tpu.vector_load %arg7[%swap3A_759, %swap3A_760] {strides = array<i32>} : memref<16x128xf32, #tpu.memory_space<vmem>>, vector<1x16xf32>,
    %swap3A_762 = vector.shape_cast %swap3A_761 : vector<1x16xf32> to vector<16xf32>
    %swap3A_763 = vector.shape_cast %broadcast_in_dim3A_13 : vector<16xf32> to vector<1x16xf32>
    tpu.vector_store %arg7[%swap3A_759, %swap3A_760], %swap3A_763 {strides = array<i32>} : memref<16x128xf32, #tpu.memory_space<vmem>>, vector<1x16xf32>,
    %swap3A_764 = arith.constant 15 : i32
    %swap3A_765 = arith.index_cast %swap3A_764 : i32 to index
    %swap3A_766 = arith.constant 80 : index
    %swap3A_767 = tpu.vector_load %arg7[%swap3A_765, %swap3A_766] {strides = array<i32>} : memref<16x128xf32, #tpu.memory_space<vmem>>, vector<1x16xf32>,
    %swap3A_768 = vector.shape_cast %swap3A_767 : vector<1x16xf32> to vector<16xf32>
    %swap3A_769 = vector.shape_cast %broadcast_in_dim3A_13 : vector<16xf32> to vector<1x16xf32>
    tpu.vector_store %arg7[%swap3A_765, %swap3A_766], %swap3A_769 {strides = array<i32>} : memref<16x128xf32, #tpu.memory_space<vmem>>, vector<1x16xf32>,
    %swap3A_770 = arith.constant 15 : i32
    %swap3A_771 = arith.index_cast %swap3A_770 : i32 to index
    %swap3A_772 = arith.constant 96 : index
    %swap3A_773 = tpu.vector_load %arg7[%swap3A_771, %swap3A_772] {strides = array<i32>} : memref<16x128xf32, #tpu.memory_space<vmem>>, vector<1x16xf32>,
    %swap3A_774 = vector.shape_cast %swap3A_773 : vector<1x16xf32> to vector<16xf32>
    %swap3A_775 = vector.shape_cast %broadcast_in_dim3A_13 : vector<16xf32> to vector<1x16xf32>
    tpu.vector_store %arg7[%swap3A_771, %swap3A_772], %swap3A_775 {strides = array<i32>} : memref<16x128xf32, #tpu.memory_space<vmem>>, vector<1x16xf32>,
    %swap3A_776 = arith.constant 15 : i32
    %swap3A_777 = arith.index_cast %swap3A_776 : i32 to index
    %swap3A_778 = arith.constant 112 : index
    %swap3A_779 = tpu.vector_load %arg7[%swap3A_777, %swap3A_778] {strides = array<i32>} : memref<16x128xf32, #tpu.memory_space<vmem>>, vector<1x16xf32>,
    %swap3A_780 = vector.shape_cast %swap3A_779 : vector<1x16xf32> to vector<16xf32>
    %swap3A_781 = vector.shape_cast %broadcast_in_dim3A_13 : vector<16xf32> to vector<1x16xf32>
    tpu.vector_store %arg7[%swap3A_777, %swap3A_778], %swap3A_781 {strides = array<i32>} : memref<16x128xf32, #tpu.memory_space<vmem>>, vector<1x16xf32>,
    %mul3A = arith.constant 2 : i32
    %mul3A_782 = arith.muli %arg1, %mul3A : i32
    %add3A = arith.addi %mul3A_782, %arg0 : i32
    %mul3A_783 = arith.constant 1024 : i32
    %mul3A_784 = arith.muli %add3A, %mul3A_783 : i32
    %eq3A = arith.constant 0 : i32
    %eq3A_785 = arith.cmpi eq, %arg1, %eq3A : i32
    %convert_element_type3A = arith.extui %eq3A_785 : i1 to i32
    %cond3A = arith.constant 0 : i32
    %cond3A_786 = arith.cmpi ne, %convert_element_type3A, %cond3A : i32
    scf.if %cond3A_786 {
      %broadcast_in_dim3A_2654 = arith.constant 0.000000e+00 : f32
      %broadcast_in_dim3A_2655 = vector.broadcast %broadcast_in_dim3A_2654 : f32 to vector<16xf32>
      %swap3A_2656 = arith.constant 0 : i32
      %swap3A_2657 = arith.index_cast %swap3A_2656 : i32 to index
      %swap3A_2658 = arith.constant 0 : index
      %swap3A_2659 = tpu.vector_load %arg8[%swap3A_2657, %swap3A_2658] {strides = array<i32>} : memref<16x128xf32, #tpu.memory_space<vmem>>, vector<1x16xf32>,
      %swap3A_2660 = vector.shape_cast %swap3A_2659 : vector<1x16xf32> to vector<16xf32>
      %swap3A_2661 = vector.shape_cast %broadcast_in_dim3A_2655 : vector<16xf32> to vector<1x16xf32>
      tpu.vector_store %arg8[%swap3A_2657, %swap3A_2658], %swap3A_2661 {strides = array<i32>} : memref<16x128xf32, #tpu.memory_space<vmem>>, vector<1x16xf32>,
      %swap3A_2662 = arith.constant 0 : i32
      %swap3A_2663 = arith.index_cast %swap3A_2662 : i32 to index
      %swap3A_2664 = arith.constant 16 : index
      %swap3A_2665 = tpu.vector_load %arg8[%swap3A_2663, %swap3A_2664] {strides = array<i32>} : memref<16x128xf32, #tpu.memory_space<vmem>>, vector<1x16xf32>,
      %swap3A_2666 = vector.shape_cast %swap3A_2665 : vector<1x16xf32> to vector<16xf32>
      %swap3A_2667 = vector.shape_cast %broadcast_in_dim3A_2655 : vector<16xf32> to vector<1x16xf32>
      tpu.vector_store %arg8[%swap3A_2663, %swap3A_2664], %swap3A_2667 {strides = array<i32>} : memref<16x128xf32, #tpu.memory_space<vmem>>, vector<1x16xf32>,
      %swap3A_2668 = arith.constant 0 : i32
      %swap3A_2669 = arith.index_cast %swap3A_2668 : i32 to index
      %swap3A_2670 = arith.constant 32 : index
      %swap3A_2671 = tpu.vector_load %arg8[%swap3A_2669, %swap3A_2670] {strides = array<i32>} : memref<16x128xf32, #tpu.memory_space<vmem>>, vector<1x16xf32>,
      %swap3A_2672 = vector.shape_cast %swap3A_2671 : vector<1x16xf32> to vector<16xf32>
      %swap3A_2673 = vector.shape_cast %broadcast_in_dim3A_2655 : vector<16xf32> to vector<1x16xf32>
      tpu.vector_store %arg8[%swap3A_2669, %swap3A_2670], %swap3A_2673 {strides = array<i32>} : memref<16x128xf32, #tpu.memory_space<vmem>>, vector<1x16xf32>,
      %swap3A_2674 = arith.constant 0 : i32
      %swap3A_2675 = arith.index_cast %swap3A_2674 : i32 to index
      %swap3A_2676 = arith.constant 48 : index
      %swap3A_2677 = tpu.vector_load %arg8[%swap3A_2675, %swap3A_2676] {strides = array<i32>} : memref<16x128xf32, #tpu.memory_space<vmem>>, vector<1x16xf32>,
      %swap3A_2678 = vector.shape_cast %swap3A_2677 : vector<1x16xf32> to vector<16xf32>
      %swap3A_2679 = vector.shape_cast %broadcast_in_dim3A_2655 : vector<16xf32> to vector<1x16xf32>
      tpu.vector_store %arg8[%swap3A_2675, %swap3A_2676], %swap3A_2679 {strides = array<i32>} : memref<16x128xf32, #tpu.memory_space<vmem>>, vector<1x16xf32>,
      %swap3A_2680 = arith.constant 0 : i32
      %swap3A_2681 = arith.index_cast %swap3A_2680 : i32 to index
      %swap3A_2682 = arith.constant 64 : index
      %swap3A_2683 = tpu.vector_load %arg8[%swap3A_2681, %swap3A_2682] {strides = array<i32>} : memref<16x128xf32, #tpu.memory_space<vmem>>, vector<1x16xf32>,
      %swap3A_2684 = vector.shape_cast %swap3A_2683 : vector<1x16xf32> to vector<16xf32>
      %swap3A_2685 = vector.shape_cast %broadcast_in_dim3A_2655 : vector<16xf32> to vector<1x16xf32>
      tpu.vector_store %arg8[%swap3A_2681, %swap3A_2682], %swap3A_2685 {strides = array<i32>} : memref<16x128xf32, #tpu.memory_space<vmem>>, vector<1x16xf32>,
      %swap3A_2686 = arith.constant 0 : i32
      %swap3A_2687 = arith.index_cast %swap3A_2686 : i32 to index
      %swap3A_2688 = arith.constant 80 : index
      %swap3A_2689 = tpu.vector_load %arg8[%swap3A_2687, %swap3A_2688] {strides = array<i32>} : memref<16x128xf32, #tpu.memory_space<vmem>>, vector<1x16xf32>,
      %swap3A_2690 = vector.shape_cast %swap3A_2689 : vector<1x16xf32> to vector<16xf32>
      %swap3A_2691 = vector.shape_cast %broadcast_in_dim3A_2655 : vector<16xf32> to vector<1x16xf32>
      tpu.vector_store %arg8[%swap3A_2687, %swap3A_2688], %swap3A_2691 {strides = array<i32>} : memref<16x128xf32, #tpu.memory_space<vmem>>, vector<1x16xf32>,
      %swap3A_2692 = arith.constant 0 : i32
      %swap3A_2693 = arith.index_cast %swap3A_2692 : i32 to index
      %swap3A_2694 = arith.constant 96 : index
      %swap3A_2695 = tpu.vector_load %arg8[%swap3A_2693, %swap3A_2694] {strides = array<i32>} : memref<16x128xf32, #tpu.memory_space<vmem>>, vector<1x16xf32>,
      %swap3A_2696 = vector.shape_cast %swap3A_2695 : vector<1x16xf32> to vector<16xf32>
      %swap3A_2697 = vector.shape_cast %broadcast_in_dim3A_2655 : vector<16xf32> to vector<1x16xf32>
      tpu.vector_store %arg8[%swap3A_2693, %swap3A_2694], %swap3A_2697 {strides = array<i32>} : memref<16x128xf32, #tpu.memory_space<vmem>>, vector<1x16xf32>,
      %swap3A_2698 = arith.constant 0 : i32
      %swap3A_2699 = arith.index_cast %swap3A_2698 : i32 to index
      %swap3A_2700 = arith.constant 112 : index
      %swap3A_2701 = tpu.vector_load %arg8[%swap3A_2699, %swap3A_2700] {strides = array<i32>} : memref<16x128xf32, #tpu.memory_space<vmem>>, vector<1x16xf32>,
      %swap3A_2702 = vector.shape_cast %swap3A_2701 : vector<1x16xf32> to vector<16xf32>
      %swap3A_2703 = vector.shape_cast %broadcast_in_dim3A_2655 : vector<16xf32> to vector<1x16xf32>
      tpu.vector_store %arg8[%swap3A_2699, %swap3A_2700], %swap3A_2703 {strides = array<i32>} : memref<16x128xf32, #tpu.memory_space<vmem>>, vector<1x16xf32>,
      %swap3A_2704 = arith.constant 1 : i32
      %swap3A_2705 = arith.index_cast %swap3A_2704 : i32 to index
      %swap3A_2706 = arith.constant 0 : index
      %swap3A_2707 = tpu.vector_load %arg8[%swap3A_2705, %swap3A_2706] {strides = array<i32>} : memref<16x128xf32, #tpu.memory_space<vmem>>, vector<1x16xf32>,
      %swap3A_2708 = vector.shape_cast %swap3A_2707 : vector<1x16xf32> to vector<16xf32>
      %swap3A_2709 = vector.shape_cast %broadcast_in_dim3A_2655 : vector<16xf32> to vector<1x16xf32>
      tpu.vector_store %arg8[%swap3A_2705, %swap3A_2706], %swap3A_2709 {strides = array<i32>} : memref<16x128xf32, #tpu.memory_space<vmem>>, vector<1x16xf32>,
      %swap3A_2710 = arith.constant 1 : i32
      %swap3A_2711 = arith.index_cast %swap3A_2710 : i32 to index
      %swap3A_2712 = arith.constant 16 : index
      %swap3A_2713 = tpu.vector_load %arg8[%swap3A_2711, %swap3A_2712] {strides = array<i32>} : memref<16x128xf32, #tpu.memory_space<vmem>>, vector<1x16xf32>,
      %swap3A_2714 = vector.shape_cast %swap3A_2713 : vector<1x16xf32> to vector<16xf32>
      %swap3A_2715 = vector.shape_cast %broadcast_in_dim3A_2655 : vector<16xf32> to vector<1x16xf32>
      tpu.vector_store %arg8[%swap3A_2711, %swap3A_2712], %swap3A_2715 {strides = array<i32>} : memref<16x128xf32, #tpu.memory_space<vmem>>, vector<1x16xf32>,
      %swap3A_2716 = arith.constant 1 : i32
      %swap3A_2717 = arith.index_cast %swap3A_2716 : i32 to index
      %swap3A_2718 = arith.constant 32 : index
      %swap3A_2719 = tpu.vector_load %arg8[%swap3A_2717, %swap3A_2718] {strides = array<i32>} : memref<16x128xf32, #tpu.memory_space<vmem>>, vector<1x16xf32>,
      %swap3A_2720 = vector.shape_cast %swap3A_2719 : vector<1x16xf32> to vector<16xf32>
      %swap3A_2721 = vector.shape_cast %broadcast_in_dim3A_2655 : vector<16xf32> to vector<1x16xf32>
      tpu.vector_store %arg8[%swap3A_2717, %swap3A_2718], %swap3A_2721 {strides = array<i32>} : memref<16x128xf32, #tpu.memory_space<vmem>>, vector<1x16xf32>,
      %swap3A_2722 = arith.constant 1 : i32
      %swap3A_2723 = arith.index_cast %swap3A_2722 : i32 to index
      %swap3A_2724 = arith.constant 48 : index
      %swap3A_2725 = tpu.vector_load %arg8[%swap3A_2723, %swap3A_2724] {strides = array<i32>} : memref<16x128xf32, #tpu.memory_space<vmem>>, vector<1x16xf32>,
      %swap3A_2726 = vector.shape_cast %swap3A_2725 : vector<1x16xf32> to vector<16xf32>
      %swap3A_2727 = vector.shape_cast %broadcast_in_dim3A_2655 : vector<16xf32> to vector<1x16xf32>
      tpu.vector_store %arg8[%swap3A_2723, %swap3A_2724], %swap3A_2727 {strides = array<i32>} : memref<16x128xf32, #tpu.memory_space<vmem>>, vector<1x16xf32>,
      %swap3A_2728 = arith.constant 1 : i32
      %swap3A_2729 = arith.index_cast %swap3A_2728 : i32 to index
      %swap3A_2730 = arith.constant 64 : index
      %swap3A_2731 = tpu.vector_load %arg8[%swap3A_2729, %swap3A_2730] {strides = array<i32>} : memref<16x128xf32, #tpu.memory_space<vmem>>, vector<1x16xf32>,
      %swap3A_2732 = vector.shape_cast %swap3A_2731 : vector<1x16xf32> to vector<16xf32>
      %swap3A_2733 = vector.shape_cast %broadcast_in_dim3A_2655 : vector<16xf32> to vector<1x16xf32>
      tpu.vector_store %arg8[%swap3A_2729, %swap3A_2730], %swap3A_2733 {strides = array<i32>} : memref<16x128xf32, #tpu.memory_space<vmem>>, vector<1x16xf32>,
      %swap3A_2734 = arith.constant 1 : i32
      %swap3A_2735 = arith.index_cast %swap3A_2734 : i32 to index
      %swap3A_2736 = arith.constant 80 : index
      %swap3A_2737 = tpu.vector_load %arg8[%swap3A_2735, %swap3A_2736] {strides = array<i32>} : memref<16x128xf32, #tpu.memory_space<vmem>>, vector<1x16xf32>,
      %swap3A_2738 = vector.shape_cast %swap3A_2737 : vector<1x16xf32> to vector<16xf32>
      %swap3A_2739 = vector.shape_cast %broadcast_in_dim3A_2655 : vector<16xf32> to vector<1x16xf32>
      tpu.vector_store %arg8[%swap3A_2735, %swap3A_2736], %swap3A_2739 {strides = array<i32>} : memref<16x128xf32, #tpu.memory_space<vmem>>, vector<1x16xf32>,
      %swap3A_2740 = arith.constant 1 : i32
      %swap3A_2741 = arith.index_cast %swap3A_2740 : i32 to index
      %swap3A_2742 = arith.constant 96 : index
      %swap3A_2743 = tpu.vector_load %arg8[%swap3A_2741, %swap3A_2742] {strides = array<i32>} : memref<16x128xf32, #tpu.memory_space<vmem>>, vector<1x16xf32>,
      %swap3A_2744 = vector.shape_cast %swap3A_2743 : vector<1x16xf32> to vector<16xf32>
      %swap3A_2745 = vector.shape_cast %broadcast_in_dim3A_2655 : vector<16xf32> to vector<1x16xf32>
      tpu.vector_store %arg8[%swap3A_2741, %swap3A_2742], %swap3A_2745 {strides = array<i32>} : memref<16x128xf32, #tpu.memory_space<vmem>>, vector<1x16xf32>,
      %swap3A_2746 = arith.constant 1 : i32
      %swap3A_2747 = arith.index_cast %swap3A_2746 : i32 to index
      %swap3A_2748 = arith.constant 112 : index
      %swap3A_2749 = tpu.vector_load %arg8[%swap3A_2747, %swap3A_2748] {strides = array<i32>} : memref<16x128xf32, #tpu.memory_space<vmem>>, vector<1x16xf32>,
      %swap3A_2750 = vector.shape_cast %swap3A_2749 : vector<1x16xf32> to vector<16xf32>
      %swap3A_2751 = vector.shape_cast %broadcast_in_dim3A_2655 : vector<16xf32> to vector<1x16xf32>
      tpu.vector_store %arg8[%swap3A_2747, %swap3A_2748], %swap3A_2751 {strides = array<i32>} : memref<16x128xf32, #tpu.memory_space<vmem>>, vector<1x16xf32>,
      %swap3A_2752 = arith.constant 2 : i32
      %swap3A_2753 = arith.index_cast %swap3A_2752 : i32 to index
      %swap3A_2754 = arith.constant 0 : index
      %swap3A_2755 = tpu.vector_load %arg8[%swap3A_2753, %swap3A_2754] {strides = array<i32>} : memref<16x128xf32, #tpu.memory_space<vmem>>, vector<1x16xf32>,
      %swap3A_2756 = vector.shape_cast %swap3A_2755 : vector<1x16xf32> to vector<16xf32>
      %swap3A_2757 = vector.shape_cast %broadcast_in_dim3A_2655 : vector<16xf32> to vector<1x16xf32>
      tpu.vector_store %arg8[%swap3A_2753, %swap3A_2754], %swap3A_2757 {strides = array<i32>} : memref<16x128xf32, #tpu.memory_space<vmem>>, vector<1x16xf32>,
      %swap3A_2758 = arith.constant 2 : i32
      %swap3A_2759 = arith.index_cast %swap3A_2758 : i32 to index
      %swap3A_2760 = arith.constant 16 : index
      %swap3A_2761 = tpu.vector_load %arg8[%swap3A_2759, %swap3A_2760] {strides = array<i32>} : memref<16x128xf32, #tpu.memory_space<vmem>>, vector<1x16xf32>,
      %swap3A_2762 = vector.shape_cast %swap3A_2761 : vector<1x16xf32> to vector<16xf32>
      %swap3A_2763 = vector.shape_cast %broadcast_in_dim3A_2655 : vector<16xf32> to vector<1x16xf32>
      tpu.vector_store %arg8[%swap3A_2759, %swap3A_2760], %swap3A_2763 {strides = array<i32>} : memref<16x128xf32, #tpu.memory_space<vmem>>, vector<1x16xf32>,
      %swap3A_2764 = arith.constant 2 : i32
      %swap3A_2765 = arith.index_cast %swap3A_2764 : i32 to index
      %swap3A_2766 = arith.constant 32 : index
      %swap3A_2767 = tpu.vector_load %arg8[%swap3A_2765, %swap3A_2766] {strides = array<i32>} : memref<16x128xf32, #tpu.memory_space<vmem>>, vector<1x16xf32>,
      %swap3A_2768 = vector.shape_cast %swap3A_2767 : vector<1x16xf32> to vector<16xf32>
      %swap3A_2769 = vector.shape_cast %broadcast_in_dim3A_2655 : vector<16xf32> to vector<1x16xf32>
      tpu.vector_store %arg8[%swap3A_2765, %swap3A_2766], %swap3A_2769 {strides = array<i32>} : memref<16x128xf32, #tpu.memory_space<vmem>>, vector<1x16xf32>,
      %swap3A_2770 = arith.constant 2 : i32
      %swap3A_2771 = arith.index_cast %swap3A_2770 : i32 to index
      %swap3A_2772 = arith.constant 48 : index
      %swap3A_2773 = tpu.vector_load %arg8[%swap3A_2771, %swap3A_2772] {strides = array<i32>} : memref<16x128xf32, #tpu.memory_space<vmem>>, vector<1x16xf32>,
      %swap3A_2774 = vector.shape_cast %swap3A_2773 : vector<1x16xf32> to vector<16xf32>
      %swap3A_2775 = vector.shape_cast %broadcast_in_dim3A_2655 : vector<16xf32> to vector<1x16xf32>
      tpu.vector_store %arg8[%swap3A_2771, %swap3A_2772], %swap3A_2775 {strides = array<i32>} : memref<16x128xf32, #tpu.memory_space<vmem>>, vector<1x16xf32>,
      %swap3A_2776 = arith.constant 2 : i32
      %swap3A_2777 = arith.index_cast %swap3A_2776 : i32 to index
      %swap3A_2778 = arith.constant 64 : index
      %swap3A_2779 = tpu.vector_load %arg8[%swap3A_2777, %swap3A_2778] {strides = array<i32>} : memref<16x128xf32, #tpu.memory_space<vmem>>, vector<1x16xf32>,
      %swap3A_2780 = vector.shape_cast %swap3A_2779 : vector<1x16xf32> to vector<16xf32>
      %swap3A_2781 = vector.shape_cast %broadcast_in_dim3A_2655 : vector<16xf32> to vector<1x16xf32>
      tpu.vector_store %arg8[%swap3A_2777, %swap3A_2778], %swap3A_2781 {strides = array<i32>} : memref<16x128xf32, #tpu.memory_space<vmem>>, vector<1x16xf32>,
      %swap3A_2782 = arith.constant 2 : i32
      %swap3A_2783 = arith.index_cast %swap3A_2782 : i32 to index
      %swap3A_2784 = arith.constant 80 : index
      %swap3A_2785 = tpu.vector_load %arg8[%swap3A_2783, %swap3A_2784] {strides = array<i32>} : memref<16x128xf32, #tpu.memory_space<vmem>>, vector<1x16xf32>,
      %swap3A_2786 = vector.shape_cast %swap3A_2785 : vector<1x16xf32> to vector<16xf32>
      %swap3A_2787 = vector.shape_cast %broadcast_in_dim3A_2655 : vector<16xf32> to vector<1x16xf32>
      tpu.vector_store %arg8[%swap3A_2783, %swap3A_2784], %swap3A_2787 {strides = array<i32>} : memref<16x128xf32, #tpu.memory_space<vmem>>, vector<1x16xf32>,
      %swap3A_2788 = arith.constant 2 : i32
      %swap3A_2789 = arith.index_cast %swap3A_2788 : i32 to index
      %swap3A_2790 = arith.constant 96 : index
      %swap3A_2791 = tpu.vector_load %arg8[%swap3A_2789, %swap3A_2790] {strides = array<i32>} : memref<16x128xf32, #tpu.memory_space<vmem>>, vector<1x16xf32>,
      %swap3A_2792 = vector.shape_cast %swap3A_2791 : vector<1x16xf32> to vector<16xf32>
      %swap3A_2793 = vector.shape_cast %broadcast_in_dim3A_2655 : vector<16xf32> to vector<1x16xf32>
      tpu.vector_store %arg8[%swap3A_2789, %swap3A_2790], %swap3A_2793 {strides = array<i32>} : memref<16x128xf32, #tpu.memory_space<vmem>>, vector<1x16xf32>,
      %swap3A_2794 = arith.constant 2 : i32
      %swap3A_2795 = arith.index_cast %swap3A_2794 : i32 to index
      %swap3A_2796 = arith.constant 112 : index
      %swap3A_2797 = tpu.vector_load %arg8[%swap3A_2795, %swap3A_2796] {strides = array<i32>} : memref<16x128xf32, #tpu.memory_space<vmem>>, vector<1x16xf32>,
      %swap3A_2798 = vector.shape_cast %swap3A_2797 : vector<1x16xf32> to vector<16xf32>
      %swap3A_2799 = vector.shape_cast %broadcast_in_dim3A_2655 : vector<16xf32> to vector<1x16xf32>
      tpu.vector_store %arg8[%swap3A_2795, %swap3A_2796], %swap3A_2799 {strides = array<i32>} : memref<16x128xf32, #tpu.memory_space<vmem>>, vector<1x16xf32>,
      %swap3A_2800 = arith.constant 3 : i32
      %swap3A_2801 = arith.index_cast %swap3A_2800 : i32 to index
      %swap3A_2802 = arith.constant 0 : index
      %swap3A_2803 = tpu.vector_load %arg8[%swap3A_2801, %swap3A_2802] {strides = array<i32>} : memref<16x128xf32, #tpu.memory_space<vmem>>, vector<1x16xf32>,
      %swap3A_2804 = vector.shape_cast %swap3A_2803 : vector<1x16xf32> to vector<16xf32>
      %swap3A_2805 = vector.shape_cast %broadcast_in_dim3A_2655 : vector<16xf32> to vector<1x16xf32>
      tpu.vector_store %arg8[%swap3A_2801, %swap3A_2802], %swap3A_2805 {strides = array<i32>} : memref<16x128xf32, #tpu.memory_space<vmem>>, vector<1x16xf32>,
      %swap3A_2806 = arith.constant 3 : i32
      %swap3A_2807 = arith.index_cast %swap3A_2806 : i32 to index
      %swap3A_2808 = arith.constant 16 : index
      %swap3A_2809 = tpu.vector_load %arg8[%swap3A_2807, %swap3A_2808] {strides = array<i32>} : memref<16x128xf32, #tpu.memory_space<vmem>>, vector<1x16xf32>,
      %swap3A_2810 = vector.shape_cast %swap3A_2809 : vector<1x16xf32> to vector<16xf32>
      %swap3A_2811 = vector.shape_cast %broadcast_in_dim3A_2655 : vector<16xf32> to vector<1x16xf32>
      tpu.vector_store %arg8[%swap3A_2807, %swap3A_2808], %swap3A_2811 {strides = array<i32>} : memref<16x128xf32, #tpu.memory_space<vmem>>, vector<1x16xf32>,
      %swap3A_2812 = arith.constant 3 : i32
      %swap3A_2813 = arith.index_cast %swap3A_2812 : i32 to index
      %swap3A_2814 = arith.constant 32 : index
      %swap3A_2815 = tpu.vector_load %arg8[%swap3A_2813, %swap3A_2814] {strides = array<i32>} : memref<16x128xf32, #tpu.memory_space<vmem>>, vector<1x16xf32>,
      %swap3A_2816 = vector.shape_cast %swap3A_2815 : vector<1x16xf32> to vector<16xf32>
      %swap3A_2817 = vector.shape_cast %broadcast_in_dim3A_2655 : vector<16xf32> to vector<1x16xf32>
      tpu.vector_store %arg8[%swap3A_2813, %swap3A_2814], %swap3A_2817 {strides = array<i32>} : memref<16x128xf32, #tpu.memory_space<vmem>>, vector<1x16xf32>,
      %swap3A_2818 = arith.constant 3 : i32
      %swap3A_2819 = arith.index_cast %swap3A_2818 : i32 to index
      %swap3A_2820 = arith.constant 48 : index
      %swap3A_2821 = tpu.vector_load %arg8[%swap3A_2819, %swap3A_2820] {strides = array<i32>} : memref<16x128xf32, #tpu.memory_space<vmem>>, vector<1x16xf32>,
      %swap3A_2822 = vector.shape_cast %swap3A_2821 : vector<1x16xf32> to vector<16xf32>
      %swap3A_2823 = vector.shape_cast %broadcast_in_dim3A_2655 : vector<16xf32> to vector<1x16xf32>
      tpu.vector_store %arg8[%swap3A_2819, %swap3A_2820], %swap3A_2823 {strides = array<i32>} : memref<16x128xf32, #tpu.memory_space<vmem>>, vector<1x16xf32>,
      %swap3A_2824 = arith.constant 3 : i32
      %swap3A_2825 = arith.index_cast %swap3A_2824 : i32 to index
      %swap3A_2826 = arith.constant 64 : index
      %swap3A_2827 = tpu.vector_load %arg8[%swap3A_2825, %swap3A_2826] {strides = array<i32>} : memref<16x128xf32, #tpu.memory_space<vmem>>, vector<1x16xf32>,
      %swap3A_2828 = vector.shape_cast %swap3A_2827 : vector<1x16xf32> to vector<16xf32>
      %swap3A_2829 = vector.shape_cast %broadcast_in_dim3A_2655 : vector<16xf32> to vector<1x16xf32>
      tpu.vector_store %arg8[%swap3A_2825, %swap3A_2826], %swap3A_2829 {strides = array<i32>} : memref<16x128xf32, #tpu.memory_space<vmem>>, vector<1x16xf32>,
      %swap3A_2830 = arith.constant 3 : i32
      %swap3A_2831 = arith.index_cast %swap3A_2830 : i32 to index
      %swap3A_2832 = arith.constant 80 : index
      %swap3A_2833 = tpu.vector_load %arg8[%swap3A_2831, %swap3A_2832] {strides = array<i32>} : memref<16x128xf32, #tpu.memory_space<vmem>>, vector<1x16xf32>,
      %swap3A_2834 = vector.shape_cast %swap3A_2833 : vector<1x16xf32> to vector<16xf32>
      %swap3A_2835 = vector.shape_cast %broadcast_in_dim3A_2655 : vector<16xf32> to vector<1x16xf32>
      tpu.vector_store %arg8[%swap3A_2831, %swap3A_2832], %swap3A_2835 {strides = array<i32>} : memref<16x128xf32, #tpu.memory_space<vmem>>, vector<1x16xf32>,
      %swap3A_2836 = arith.constant 3 : i32
      %swap3A_2837 = arith.index_cast %swap3A_2836 : i32 to index
      %swap3A_2838 = arith.constant 96 : index
      %swap3A_2839 = tpu.vector_load %arg8[%swap3A_2837, %swap3A_2838] {strides = array<i32>} : memref<16x128xf32, #tpu.memory_space<vmem>>, vector<1x16xf32>,
      %swap3A_2840 = vector.shape_cast %swap3A_2839 : vector<1x16xf32> to vector<16xf32>
      %swap3A_2841 = vector.shape_cast %broadcast_in_dim3A_2655 : vector<16xf32> to vector<1x16xf32>
      tpu.vector_store %arg8[%swap3A_2837, %swap3A_2838], %swap3A_2841 {strides = array<i32>} : memref<16x128xf32, #tpu.memory_space<vmem>>, vector<1x16xf32>,
      %swap3A_2842 = arith.constant 3 : i32
      %swap3A_2843 = arith.index_cast %swap3A_2842 : i32 to index
      %swap3A_2844 = arith.constant 112 : index
      %swap3A_2845 = tpu.vector_load %arg8[%swap3A_2843, %swap3A_2844] {strides = array<i32>} : memref<16x128xf32, #tpu.memory_space<vmem>>, vector<1x16xf32>,
      %swap3A_2846 = vector.shape_cast %swap3A_2845 : vector<1x16xf32> to vector<16xf32>
      %swap3A_2847 = vector.shape_cast %broadcast_in_dim3A_2655 : vector<16xf32> to vector<1x16xf32>
      tpu.vector_store %arg8[%swap3A_2843, %swap3A_2844], %swap3A_2847 {strides = array<i32>} : memref<16x128xf32, #tpu.memory_space<vmem>>, vector<1x16xf32>,
      %swap3A_2848 = arith.constant 4 : i32
      %swap3A_2849 = arith.index_cast %swap3A_2848 : i32 to index
      %swap3A_2850 = arith.constant 0 : index
      %swap3A_2851 = tpu.vector_load %arg8[%swap3A_2849, %swap3A_2850] {strides = array<i32>} : memref<16x128xf32, #tpu.memory_space<vmem>>, vector<1x16xf32>,
      %swap3A_2852 = vector.shape_cast %swap3A_2851 : vector<1x16xf32> to vector<16xf32>
      %swap3A_2853 = vector.shape_cast %broadcast_in_dim3A_2655 : vector<16xf32> to vector<1x16xf32>
      tpu.vector_store %arg8[%swap3A_2849, %swap3A_2850], %swap3A_2853 {strides = array<i32>} : memref<16x128xf32, #tpu.memory_space<vmem>>, vector<1x16xf32>,
      %swap3A_2854 = arith.constant 4 : i32
      %swap3A_2855 = arith.index_cast %swap3A_2854 : i32 to index
      %swap3A_2856 = arith.constant 16 : index
      %swap3A_2857 = tpu.vector_load %arg8[%swap3A_2855, %swap3A_2856] {strides = array<i32>} : memref<16x128xf32, #tpu.memory_space<vmem>>, vector<1x16xf32>,
      %swap3A_2858 = vector.shape_cast %swap3A_2857 : vector<1x16xf32> to vector<16xf32>
      %swap3A_2859 = vector.shape_cast %broadcast_in_dim3A_2655 : vector<16xf32> to vector<1x16xf32>
      tpu.vector_store %arg8[%swap3A_2855, %swap3A_2856], %swap3A_2859 {strides = array<i32>} : memref<16x128xf32, #tpu.memory_space<vmem>>, vector<1x16xf32>,
      %swap3A_2860 = arith.constant 4 : i32
      %swap3A_2861 = arith.index_cast %swap3A_2860 : i32 to index
      %swap3A_2862 = arith.constant 32 : index
      %swap3A_2863 = tpu.vector_load %arg8[%swap3A_2861, %swap3A_2862] {strides = array<i32>} : memref<16x128xf32, #tpu.memory_space<vmem>>, vector<1x16xf32>,
      %swap3A_2864 = vector.shape_cast %swap3A_2863 : vector<1x16xf32> to vector<16xf32>
      %swap3A_2865 = vector.shape_cast %broadcast_in_dim3A_2655 : vector<16xf32> to vector<1x16xf32>
      tpu.vector_store %arg8[%swap3A_2861, %swap3A_2862], %swap3A_2865 {strides = array<i32>} : memref<16x128xf32, #tpu.memory_space<vmem>>, vector<1x16xf32>,
      %swap3A_2866 = arith.constant 4 : i32
      %swap3A_2867 = arith.index_cast %swap3A_2866 : i32 to index
      %swap3A_2868 = arith.constant 48 : index
      %swap3A_2869 = tpu.vector_load %arg8[%swap3A_2867, %swap3A_2868] {strides = array<i32>} : memref<16x128xf32, #tpu.memory_space<vmem>>, vector<1x16xf32>,
      %swap3A_2870 = vector.shape_cast %swap3A_2869 : vector<1x16xf32> to vector<16xf32>
      %swap3A_2871 = vector.shape_cast %broadcast_in_dim3A_2655 : vector<16xf32> to vector<1x16xf32>
      tpu.vector_store %arg8[%swap3A_2867, %swap3A_2868], %swap3A_2871 {strides = array<i32>} : memref<16x128xf32, #tpu.memory_space<vmem>>, vector<1x16xf32>,
      %swap3A_2872 = arith.constant 4 : i32
      %swap3A_2873 = arith.index_cast %swap3A_2872 : i32 to index
      %swap3A_2874 = arith.constant 64 : index
      %swap3A_2875 = tpu.vector_load %arg8[%swap3A_2873, %swap3A_2874] {strides = array<i32>} : memref<16x128xf32, #tpu.memory_space<vmem>>, vector<1x16xf32>,
      %swap3A_2876 = vector.shape_cast %swap3A_2875 : vector<1x16xf32> to vector<16xf32>
      %swap3A_2877 = vector.shape_cast %broadcast_in_dim3A_2655 : vector<16xf32> to vector<1x16xf32>
      tpu.vector_store %arg8[%swap3A_2873, %swap3A_2874], %swap3A_2877 {strides = array<i32>} : memref<16x128xf32, #tpu.memory_space<vmem>>, vector<1x16xf32>,
      %swap3A_2878 = arith.constant 4 : i32
      %swap3A_2879 = arith.index_cast %swap3A_2878 : i32 to index
      %swap3A_2880 = arith.constant 80 : index
      %swap3A_2881 = tpu.vector_load %arg8[%swap3A_2879, %swap3A_2880] {strides = array<i32>} : memref<16x128xf32, #tpu.memory_space<vmem>>, vector<1x16xf32>,
      %swap3A_2882 = vector.shape_cast %swap3A_2881 : vector<1x16xf32> to vector<16xf32>
      %swap3A_2883 = vector.shape_cast %broadcast_in_dim3A_2655 : vector<16xf32> to vector<1x16xf32>
      tpu.vector_store %arg8[%swap3A_2879, %swap3A_2880], %swap3A_2883 {strides = array<i32>} : memref<16x128xf32, #tpu.memory_space<vmem>>, vector<1x16xf32>,
      %swap3A_2884 = arith.constant 4 : i32
      %swap3A_2885 = arith.index_cast %swap3A_2884 : i32 to index
      %swap3A_2886 = arith.constant 96 : index
      %swap3A_2887 = tpu.vector_load %arg8[%swap3A_2885, %swap3A_2886] {strides = array<i32>} : memref<16x128xf32, #tpu.memory_space<vmem>>, vector<1x16xf32>,
      %swap3A_2888 = vector.shape_cast %swap3A_2887 : vector<1x16xf32> to vector<16xf32>
      %swap3A_2889 = vector.shape_cast %broadcast_in_dim3A_2655 : vector<16xf32> to vector<1x16xf32>
      tpu.vector_store %arg8[%swap3A_2885, %swap3A_2886], %swap3A_2889 {strides = array<i32>} : memref<16x128xf32, #tpu.memory_space<vmem>>, vector<1x16xf32>,
      %swap3A_2890 = arith.constant 4 : i32
      %swap3A_2891 = arith.index_cast %swap3A_2890 : i32 to index
      %swap3A_2892 = arith.constant 112 : index
      %swap3A_2893 = tpu.vector_load %arg8[%swap3A_2891, %swap3A_2892] {strides = array<i32>} : memref<16x128xf32, #tpu.memory_space<vmem>>, vector<1x16xf32>,
      %swap3A_2894 = vector.shape_cast %swap3A_2893 : vector<1x16xf32> to vector<16xf32>
      %swap3A_2895 = vector.shape_cast %broadcast_in_dim3A_2655 : vector<16xf32> to vector<1x16xf32>
      tpu.vector_store %arg8[%swap3A_2891, %swap3A_2892], %swap3A_2895 {strides = array<i32>} : memref<16x128xf32, #tpu.memory_space<vmem>>, vector<1x16xf32>,
      %swap3A_2896 = arith.constant 5 : i32
      %swap3A_2897 = arith.index_cast %swap3A_2896 : i32 to index
      %swap3A_2898 = arith.constant 0 : index
      %swap3A_2899 = tpu.vector_load %arg8[%swap3A_2897, %swap3A_2898] {strides = array<i32>} : memref<16x128xf32, #tpu.memory_space<vmem>>, vector<1x16xf32>,
      %swap3A_2900 = vector.shape_cast %swap3A_2899 : vector<1x16xf32> to vector<16xf32>
      %swap3A_2901 = vector.shape_cast %broadcast_in_dim3A_2655 : vector<16xf32> to vector<1x16xf32>
      tpu.vector_store %arg8[%swap3A_2897, %swap3A_2898], %swap3A_2901 {strides = array<i32>} : memref<16x128xf32, #tpu.memory_space<vmem>>, vector<1x16xf32>,
      %swap3A_2902 = arith.constant 5 : i32
      %swap3A_2903 = arith.index_cast %swap3A_2902 : i32 to index
      %swap3A_2904 = arith.constant 16 : index
      %swap3A_2905 = tpu.vector_load %arg8[%swap3A_2903, %swap3A_2904] {strides = array<i32>} : memref<16x128xf32, #tpu.memory_space<vmem>>, vector<1x16xf32>,
      %swap3A_2906 = vector.shape_cast %swap3A_2905 : vector<1x16xf32> to vector<16xf32>
      %swap3A_2907 = vector.shape_cast %broadcast_in_dim3A_2655 : vector<16xf32> to vector<1x16xf32>
      tpu.vector_store %arg8[%swap3A_2903, %swap3A_2904], %swap3A_2907 {strides = array<i32>} : memref<16x128xf32, #tpu.memory_space<vmem>>, vector<1x16xf32>,
      %swap3A_2908 = arith.constant 5 : i32
      %swap3A_2909 = arith.index_cast %swap3A_2908 : i32 to index
      %swap3A_2910 = arith.constant 32 : index
      %swap3A_2911 = tpu.vector_load %arg8[%swap3A_2909, %swap3A_2910] {strides = array<i32>} : memref<16x128xf32, #tpu.memory_space<vmem>>, vector<1x16xf32>,
      %swap3A_2912 = vector.shape_cast %swap3A_2911 : vector<1x16xf32> to vector<16xf32>
      %swap3A_2913 = vector.shape_cast %broadcast_in_dim3A_2655 : vector<16xf32> to vector<1x16xf32>
      tpu.vector_store %arg8[%swap3A_2909, %swap3A_2910], %swap3A_2913 {strides = array<i32>} : memref<16x128xf32, #tpu.memory_space<vmem>>, vector<1x16xf32>,
      %swap3A_2914 = arith.constant 5 : i32
      %swap3A_2915 = arith.index_cast %swap3A_2914 : i32 to index
      %swap3A_2916 = arith.constant 48 : index
      %swap3A_2917 = tpu.vector_load %arg8[%swap3A_2915, %swap3A_2916] {strides = array<i32>} : memref<16x128xf32, #tpu.memory_space<vmem>>, vector<1x16xf32>,
      %swap3A_2918 = vector.shape_cast %swap3A_2917 : vector<1x16xf32> to vector<16xf32>
      %swap3A_2919 = vector.shape_cast %broadcast_in_dim3A_2655 : vector<16xf32> to vector<1x16xf32>
      tpu.vector_store %arg8[%swap3A_2915, %swap3A_2916], %swap3A_2919 {strides = array<i32>} : memref<16x128xf32, #tpu.memory_space<vmem>>, vector<1x16xf32>,
      %swap3A_2920 = arith.constant 5 : i32
      %swap3A_2921 = arith.index_cast %swap3A_2920 : i32 to index
      %swap3A_2922 = arith.constant 64 : index
      %swap3A_2923 = tpu.vector_load %arg8[%swap3A_2921, %swap3A_2922] {strides = array<i32>} : memref<16x128xf32, #tpu.memory_space<vmem>>, vector<1x16xf32>,
      %swap3A_2924 = vector.shape_cast %swap3A_2923 : vector<1x16xf32> to vector<16xf32>
      %swap3A_2925 = vector.shape_cast %broadcast_in_dim3A_2655 : vector<16xf32> to vector<1x16xf32>
      tpu.vector_store %arg8[%swap3A_2921, %swap3A_2922], %swap3A_2925 {strides = array<i32>} : memref<16x128xf32, #tpu.memory_space<vmem>>, vector<1x16xf32>,
      %swap3A_2926 = arith.constant 5 : i32
      %swap3A_2927 = arith.index_cast %swap3A_2926 : i32 to index
      %swap3A_2928 = arith.constant 80 : index
      %swap3A_2929 = tpu.vector_load %arg8[%swap3A_2927, %swap3A_2928] {strides = array<i32>} : memref<16x128xf32, #tpu.memory_space<vmem>>, vector<1x16xf32>,
      %swap3A_2930 = vector.shape_cast %swap3A_2929 : vector<1x16xf32> to vector<16xf32>
      %swap3A_2931 = vector.shape_cast %broadcast_in_dim3A_2655 : vector<16xf32> to vector<1x16xf32>
      tpu.vector_store %arg8[%swap3A_2927, %swap3A_2928], %swap3A_2931 {strides = array<i32>} : memref<16x128xf32, #tpu.memory_space<vmem>>, vector<1x16xf32>,
      %swap3A_2932 = arith.constant 5 : i32
      %swap3A_2933 = arith.index_cast %swap3A_2932 : i32 to index
      %swap3A_2934 = arith.constant 96 : index
      %swap3A_2935 = tpu.vector_load %arg8[%swap3A_2933, %swap3A_2934] {strides = array<i32>} : memref<16x128xf32, #tpu.memory_space<vmem>>, vector<1x16xf32>,
      %swap3A_2936 = vector.shape_cast %swap3A_2935 : vector<1x16xf32> to vector<16xf32>
      %swap3A_2937 = vector.shape_cast %broadcast_in_dim3A_2655 : vector<16xf32> to vector<1x16xf32>
      tpu.vector_store %arg8[%swap3A_2933, %swap3A_2934], %swap3A_2937 {strides = array<i32>} : memref<16x128xf32, #tpu.memory_space<vmem>>, vector<1x16xf32>,
      %swap3A_2938 = arith.constant 5 : i32
      %swap3A_2939 = arith.index_cast %swap3A_2938 : i32 to index
      %swap3A_2940 = arith.constant 112 : index
      %swap3A_2941 = tpu.vector_load %arg8[%swap3A_2939, %swap3A_2940] {strides = array<i32>} : memref<16x128xf32, #tpu.memory_space<vmem>>, vector<1x16xf32>,
      %swap3A_2942 = vector.shape_cast %swap3A_2941 : vector<1x16xf32> to vector<16xf32>
      %swap3A_2943 = vector.shape_cast %broadcast_in_dim3A_2655 : vector<16xf32> to vector<1x16xf32>
      tpu.vector_store %arg8[%swap3A_2939, %swap3A_2940], %swap3A_2943 {strides = array<i32>} : memref<16x128xf32, #tpu.memory_space<vmem>>, vector<1x16xf32>,
      %swap3A_2944 = arith.constant 6 : i32
      %swap3A_2945 = arith.index_cast %swap3A_2944 : i32 to index
      %swap3A_2946 = arith.constant 0 : index
      %swap3A_2947 = tpu.vector_load %arg8[%swap3A_2945, %swap3A_2946] {strides = array<i32>} : memref<16x128xf32, #tpu.memory_space<vmem>>, vector<1x16xf32>,
      %swap3A_2948 = vector.shape_cast %swap3A_2947 : vector<1x16xf32> to vector<16xf32>
      %swap3A_2949 = vector.shape_cast %broadcast_in_dim3A_2655 : vector<16xf32> to vector<1x16xf32>
      tpu.vector_store %arg8[%swap3A_2945, %swap3A_2946], %swap3A_2949 {strides = array<i32>} : memref<16x128xf32, #tpu.memory_space<vmem>>, vector<1x16xf32>,
      %swap3A_2950 = arith.constant 6 : i32
      %swap3A_2951 = arith.index_cast %swap3A_2950 : i32 to index
      %swap3A_2952 = arith.constant 16 : index
      %swap3A_2953 = tpu.vector_load %arg8[%swap3A_2951, %swap3A_2952] {strides = array<i32>} : memref<16x128xf32, #tpu.memory_space<vmem>>, vector<1x16xf32>,
      %swap3A_2954 = vector.shape_cast %swap3A_2953 : vector<1x16xf32> to vector<16xf32>
      %swap3A_2955 = vector.shape_cast %broadcast_in_dim3A_2655 : vector<16xf32> to vector<1x16xf32>
      tpu.vector_store %arg8[%swap3A_2951, %swap3A_2952], %swap3A_2955 {strides = array<i32>} : memref<16x128xf32, #tpu.memory_space<vmem>>, vector<1x16xf32>,
      %swap3A_2956 = arith.constant 6 : i32
      %swap3A_2957 = arith.index_cast %swap3A_2956 : i32 to index
      %swap3A_2958 = arith.constant 32 : index
      %swap3A_2959 = tpu.vector_load %arg8[%swap3A_2957, %swap3A_2958] {strides = array<i32>} : memref<16x128xf32, #tpu.memory_space<vmem>>, vector<1x16xf32>,
      %swap3A_2960 = vector.shape_cast %swap3A_2959 : vector<1x16xf32> to vector<16xf32>
      %swap3A_2961 = vector.shape_cast %broadcast_in_dim3A_2655 : vector<16xf32> to vector<1x16xf32>
      tpu.vector_store %arg8[%swap3A_2957, %swap3A_2958], %swap3A_2961 {strides = array<i32>} : memref<16x128xf32, #tpu.memory_space<vmem>>, vector<1x16xf32>,
      %swap3A_2962 = arith.constant 6 : i32
      %swap3A_2963 = arith.index_cast %swap3A_2962 : i32 to index
      %swap3A_2964 = arith.constant 48 : index
      %swap3A_2965 = tpu.vector_load %arg8[%swap3A_2963, %swap3A_2964] {strides = array<i32>} : memref<16x128xf32, #tpu.memory_space<vmem>>, vector<1x16xf32>,
      %swap3A_2966 = vector.shape_cast %swap3A_2965 : vector<1x16xf32> to vector<16xf32>
      %swap3A_2967 = vector.shape_cast %broadcast_in_dim3A_2655 : vector<16xf32> to vector<1x16xf32>
      tpu.vector_store %arg8[%swap3A_2963, %swap3A_2964], %swap3A_2967 {strides = array<i32>} : memref<16x128xf32, #tpu.memory_space<vmem>>, vector<1x16xf32>,
      %swap3A_2968 = arith.constant 6 : i32
      %swap3A_2969 = arith.index_cast %swap3A_2968 : i32 to index
      %swap3A_2970 = arith.constant 64 : index
      %swap3A_2971 = tpu.vector_load %arg8[%swap3A_2969, %swap3A_2970] {strides = array<i32>} : memref<16x128xf32, #tpu.memory_space<vmem>>, vector<1x16xf32>,
      %swap3A_2972 = vector.shape_cast %swap3A_2971 : vector<1x16xf32> to vector<16xf32>
      %swap3A_2973 = vector.shape_cast %broadcast_in_dim3A_2655 : vector<16xf32> to vector<1x16xf32>
      tpu.vector_store %arg8[%swap3A_2969, %swap3A_2970], %swap3A_2973 {strides = array<i32>} : memref<16x128xf32, #tpu.memory_space<vmem>>, vector<1x16xf32>,
      %swap3A_2974 = arith.constant 6 : i32
      %swap3A_2975 = arith.index_cast %swap3A_2974 : i32 to index
      %swap3A_2976 = arith.constant 80 : index
      %swap3A_2977 = tpu.vector_load %arg8[%swap3A_2975, %swap3A_2976] {strides = array<i32>} : memref<16x128xf32, #tpu.memory_space<vmem>>, vector<1x16xf32>,
      %swap3A_2978 = vector.shape_cast %swap3A_2977 : vector<1x16xf32> to vector<16xf32>
      %swap3A_2979 = vector.shape_cast %broadcast_in_dim3A_2655 : vector<16xf32> to vector<1x16xf32>
      tpu.vector_store %arg8[%swap3A_2975, %swap3A_2976], %swap3A_2979 {strides = array<i32>} : memref<16x128xf32, #tpu.memory_space<vmem>>, vector<1x16xf32>,
      %swap3A_2980 = arith.constant 6 : i32
      %swap3A_2981 = arith.index_cast %swap3A_2980 : i32 to index
      %swap3A_2982 = arith.constant 96 : index
      %swap3A_2983 = tpu.vector_load %arg8[%swap3A_2981, %swap3A_2982] {strides = array<i32>} : memref<16x128xf32, #tpu.memory_space<vmem>>, vector<1x16xf32>,
      %swap3A_2984 = vector.shape_cast %swap3A_2983 : vector<1x16xf32> to vector<16xf32>
      %swap3A_2985 = vector.shape_cast %broadcast_in_dim3A_2655 : vector<16xf32> to vector<1x16xf32>
      tpu.vector_store %arg8[%swap3A_2981, %swap3A_2982], %swap3A_2985 {strides = array<i32>} : memref<16x128xf32, #tpu.memory_space<vmem>>, vector<1x16xf32>,
      %swap3A_2986 = arith.constant 6 : i32
      %swap3A_2987 = arith.index_cast %swap3A_2986 : i32 to index
      %swap3A_2988 = arith.constant 112 : index
      %swap3A_2989 = tpu.vector_load %arg8[%swap3A_2987, %swap3A_2988] {strides = array<i32>} : memref<16x128xf32, #tpu.memory_space<vmem>>, vector<1x16xf32>,
      %swap3A_2990 = vector.shape_cast %swap3A_2989 : vector<1x16xf32> to vector<16xf32>
      %swap3A_2991 = vector.shape_cast %broadcast_in_dim3A_2655 : vector<16xf32> to vector<1x16xf32>
      tpu.vector_store %arg8[%swap3A_2987, %swap3A_2988], %swap3A_2991 {strides = array<i32>} : memref<16x128xf32, #tpu.memory_space<vmem>>, vector<1x16xf32>,
      %swap3A_2992 = arith.constant 7 : i32
      %swap3A_2993 = arith.index_cast %swap3A_2992 : i32 to index
      %swap3A_2994 = arith.constant 0 : index
      %swap3A_2995 = tpu.vector_load %arg8[%swap3A_2993, %swap3A_2994] {strides = array<i32>} : memref<16x128xf32, #tpu.memory_space<vmem>>, vector<1x16xf32>,
      %swap3A_2996 = vector.shape_cast %swap3A_2995 : vector<1x16xf32> to vector<16xf32>
      %swap3A_2997 = vector.shape_cast %broadcast_in_dim3A_2655 : vector<16xf32> to vector<1x16xf32>
      tpu.vector_store %arg8[%swap3A_2993, %swap3A_2994], %swap3A_2997 {strides = array<i32>} : memref<16x128xf32, #tpu.memory_space<vmem>>, vector<1x16xf32>,
      %swap3A_2998 = arith.constant 7 : i32
      %swap3A_2999 = arith.index_cast %swap3A_2998 : i32 to index
      %swap3A_3000 = arith.constant 16 : index
      %swap3A_3001 = tpu.vector_load %arg8[%swap3A_2999, %swap3A_3000] {strides = array<i32>} : memref<16x128xf32, #tpu.memory_space<vmem>>, vector<1x16xf32>,
      %swap3A_3002 = vector.shape_cast %swap3A_3001 : vector<1x16xf32> to vector<16xf32>
      %swap3A_3003 = vector.shape_cast %broadcast_in_dim3A_2655 : vector<16xf32> to vector<1x16xf32>
      tpu.vector_store %arg8[%swap3A_2999, %swap3A_3000], %swap3A_3003 {strides = array<i32>} : memref<16x128xf32, #tpu.memory_space<vmem>>, vector<1x16xf32>,
      %swap3A_3004 = arith.constant 7 : i32
      %swap3A_3005 = arith.index_cast %swap3A_3004 : i32 to index
      %swap3A_3006 = arith.constant 32 : index
      %swap3A_3007 = tpu.vector_load %arg8[%swap3A_3005, %swap3A_3006] {strides = array<i32>} : memref<16x128xf32, #tpu.memory_space<vmem>>, vector<1x16xf32>,
      %swap3A_3008 = vector.shape_cast %swap3A_3007 : vector<1x16xf32> to vector<16xf32>
      %swap3A_3009 = vector.shape_cast %broadcast_in_dim3A_2655 : vector<16xf32> to vector<1x16xf32>
      tpu.vector_store %arg8[%swap3A_3005, %swap3A_3006], %swap3A_3009 {strides = array<i32>} : memref<16x128xf32, #tpu.memory_space<vmem>>, vector<1x16xf32>,
      %swap3A_3010 = arith.constant 7 : i32
      %swap3A_3011 = arith.index_cast %swap3A_3010 : i32 to index
      %swap3A_3012 = arith.constant 48 : index
      %swap3A_3013 = tpu.vector_load %arg8[%swap3A_3011, %swap3A_3012] {strides = array<i32>} : memref<16x128xf32, #tpu.memory_space<vmem>>, vector<1x16xf32>,
      %swap3A_3014 = vector.shape_cast %swap3A_3013 : vector<1x16xf32> to vector<16xf32>
      %swap3A_3015 = vector.shape_cast %broadcast_in_dim3A_2655 : vector<16xf32> to vector<1x16xf32>
      tpu.vector_store %arg8[%swap3A_3011, %swap3A_3012], %swap3A_3015 {strides = array<i32>} : memref<16x128xf32, #tpu.memory_space<vmem>>, vector<1x16xf32>,
      %swap3A_3016 = arith.constant 7 : i32
      %swap3A_3017 = arith.index_cast %swap3A_3016 : i32 to index
      %swap3A_3018 = arith.constant 64 : index
      %swap3A_3019 = tpu.vector_load %arg8[%swap3A_3017, %swap3A_3018] {strides = array<i32>} : memref<16x128xf32, #tpu.memory_space<vmem>>, vector<1x16xf32>,
      %swap3A_3020 = vector.shape_cast %swap3A_3019 : vector<1x16xf32> to vector<16xf32>
      %swap3A_3021 = vector.shape_cast %broadcast_in_dim3A_2655 : vector<16xf32> to vector<1x16xf32>
      tpu.vector_store %arg8[%swap3A_3017, %swap3A_3018], %swap3A_3021 {strides = array<i32>} : memref<16x128xf32, #tpu.memory_space<vmem>>, vector<1x16xf32>,
      %swap3A_3022 = arith.constant 7 : i32
      %swap3A_3023 = arith.index_cast %swap3A_3022 : i32 to index
      %swap3A_3024 = arith.constant 80 : index
      %swap3A_3025 = tpu.vector_load %arg8[%swap3A_3023, %swap3A_3024] {strides = array<i32>} : memref<16x128xf32, #tpu.memory_space<vmem>>, vector<1x16xf32>,
      %swap3A_3026 = vector.shape_cast %swap3A_3025 : vector<1x16xf32> to vector<16xf32>
      %swap3A_3027 = vector.shape_cast %broadcast_in_dim3A_2655 : vector<16xf32> to vector<1x16xf32>
      tpu.vector_store %arg8[%swap3A_3023, %swap3A_3024], %swap3A_3027 {strides = array<i32>} : memref<16x128xf32, #tpu.memory_space<vmem>>, vector<1x16xf32>,
      %swap3A_3028 = arith.constant 7 : i32
      %swap3A_3029 = arith.index_cast %swap3A_3028 : i32 to index
      %swap3A_3030 = arith.constant 96 : index
      %swap3A_3031 = tpu.vector_load %arg8[%swap3A_3029, %swap3A_3030] {strides = array<i32>} : memref<16x128xf32, #tpu.memory_space<vmem>>, vector<1x16xf32>,
      %swap3A_3032 = vector.shape_cast %swap3A_3031 : vector<1x16xf32> to vector<16xf32>
      %swap3A_3033 = vector.shape_cast %broadcast_in_dim3A_2655 : vector<16xf32> to vector<1x16xf32>
      tpu.vector_store %arg8[%swap3A_3029, %swap3A_3030], %swap3A_3033 {strides = array<i32>} : memref<16x128xf32, #tpu.memory_space<vmem>>, vector<1x16xf32>,
      %swap3A_3034 = arith.constant 7 : i32
      %swap3A_3035 = arith.index_cast %swap3A_3034 : i32 to index
      %swap3A_3036 = arith.constant 112 : index
      %swap3A_3037 = tpu.vector_load %arg8[%swap3A_3035, %swap3A_3036] {strides = array<i32>} : memref<16x128xf32, #tpu.memory_space<vmem>>, vector<1x16xf32>,
      %swap3A_3038 = vector.shape_cast %swap3A_3037 : vector<1x16xf32> to vector<16xf32>
      %swap3A_3039 = vector.shape_cast %broadcast_in_dim3A_2655 : vector<16xf32> to vector<1x16xf32>
      tpu.vector_store %arg8[%swap3A_3035, %swap3A_3036], %swap3A_3039 {strides = array<i32>} : memref<16x128xf32, #tpu.memory_space<vmem>>, vector<1x16xf32>,
      %swap3A_3040 = arith.constant 8 : i32
      %swap3A_3041 = arith.index_cast %swap3A_3040 : i32 to index
      %swap3A_3042 = arith.constant 0 : index
      %swap3A_3043 = tpu.vector_load %arg8[%swap3A_3041, %swap3A_3042] {strides = array<i32>} : memref<16x128xf32, #tpu.memory_space<vmem>>, vector<1x16xf32>,
      %swap3A_3044 = vector.shape_cast %swap3A_3043 : vector<1x16xf32> to vector<16xf32>
      %swap3A_3045 = vector.shape_cast %broadcast_in_dim3A_2655 : vector<16xf32> to vector<1x16xf32>
      tpu.vector_store %arg8[%swap3A_3041, %swap3A_3042], %swap3A_3045 {strides = array<i32>} : memref<16x128xf32, #tpu.memory_space<vmem>>, vector<1x16xf32>,
      %swap3A_3046 = arith.constant 8 : i32
      %swap3A_3047 = arith.index_cast %swap3A_3046 : i32 to index
      %swap3A_3048 = arith.constant 16 : index
      %swap3A_3049 = tpu.vector_load %arg8[%swap3A_3047, %swap3A_3048] {strides = array<i32>} : memref<16x128xf32, #tpu.memory_space<vmem>>, vector<1x16xf32>,
      %swap3A_3050 = vector.shape_cast %swap3A_3049 : vector<1x16xf32> to vector<16xf32>
      %swap3A_3051 = vector.shape_cast %broadcast_in_dim3A_2655 : vector<16xf32> to vector<1x16xf32>
      tpu.vector_store %arg8[%swap3A_3047, %swap3A_3048], %swap3A_3051 {strides = array<i32>} : memref<16x128xf32, #tpu.memory_space<vmem>>, vector<1x16xf32>,
      %swap3A_3052 = arith.constant 8 : i32
      %swap3A_3053 = arith.index_cast %swap3A_3052 : i32 to index
      %swap3A_3054 = arith.constant 32 : index
      %swap3A_3055 = tpu.vector_load %arg8[%swap3A_3053, %swap3A_3054] {strides = array<i32>} : memref<16x128xf32, #tpu.memory_space<vmem>>, vector<1x16xf32>,
      %swap3A_3056 = vector.shape_cast %swap3A_3055 : vector<1x16xf32> to vector<16xf32>
      %swap3A_3057 = vector.shape_cast %broadcast_in_dim3A_2655 : vector<16xf32> to vector<1x16xf32>
      tpu.vector_store %arg8[%swap3A_3053, %swap3A_3054], %swap3A_3057 {strides = array<i32>} : memref<16x128xf32, #tpu.memory_space<vmem>>, vector<1x16xf32>,
      %swap3A_3058 = arith.constant 8 : i32
      %swap3A_3059 = arith.index_cast %swap3A_3058 : i32 to index
      %swap3A_3060 = arith.constant 48 : index
      %swap3A_3061 = tpu.vector_load %arg8[%swap3A_3059, %swap3A_3060] {strides = array<i32>} : memref<16x128xf32, #tpu.memory_space<vmem>>, vector<1x16xf32>,
      %swap3A_3062 = vector.shape_cast %swap3A_3061 : vector<1x16xf32> to vector<16xf32>
      %swap3A_3063 = vector.shape_cast %broadcast_in_dim3A_2655 : vector<16xf32> to vector<1x16xf32>
      tpu.vector_store %arg8[%swap3A_3059, %swap3A_3060], %swap3A_3063 {strides = array<i32>} : memref<16x128xf32, #tpu.memory_space<vmem>>, vector<1x16xf32>,
      %swap3A_3064 = arith.constant 8 : i32
      %swap3A_3065 = arith.index_cast %swap3A_3064 : i32 to index
      %swap3A_3066 = arith.constant 64 : index
      %swap3A_3067 = tpu.vector_load %arg8[%swap3A_3065, %swap3A_3066] {strides = array<i32>} : memref<16x128xf32, #tpu.memory_space<vmem>>, vector<1x16xf32>,
      %swap3A_3068 = vector.shape_cast %swap3A_3067 : vector<1x16xf32> to vector<16xf32>
      %swap3A_3069 = vector.shape_cast %broadcast_in_dim3A_2655 : vector<16xf32> to vector<1x16xf32>
      tpu.vector_store %arg8[%swap3A_3065, %swap3A_3066], %swap3A_3069 {strides = array<i32>} : memref<16x128xf32, #tpu.memory_space<vmem>>, vector<1x16xf32>,
      %swap3A_3070 = arith.constant 8 : i32
      %swap3A_3071 = arith.index_cast %swap3A_3070 : i32 to index
      %swap3A_3072 = arith.constant 80 : index
      %swap3A_3073 = tpu.vector_load %arg8[%swap3A_3071, %swap3A_3072] {strides = array<i32>} : memref<16x128xf32, #tpu.memory_space<vmem>>, vector<1x16xf32>,
      %swap3A_3074 = vector.shape_cast %swap3A_3073 : vector<1x16xf32> to vector<16xf32>
      %swap3A_3075 = vector.shape_cast %broadcast_in_dim3A_2655 : vector<16xf32> to vector<1x16xf32>
      tpu.vector_store %arg8[%swap3A_3071, %swap3A_3072], %swap3A_3075 {strides = array<i32>} : memref<16x128xf32, #tpu.memory_space<vmem>>, vector<1x16xf32>,
      %swap3A_3076 = arith.constant 8 : i32
      %swap3A_3077 = arith.index_cast %swap3A_3076 : i32 to index
      %swap3A_3078 = arith.constant 96 : index
      %swap3A_3079 = tpu.vector_load %arg8[%swap3A_3077, %swap3A_3078] {strides = array<i32>} : memref<16x128xf32, #tpu.memory_space<vmem>>, vector<1x16xf32>,
      %swap3A_3080 = vector.shape_cast %swap3A_3079 : vector<1x16xf32> to vector<16xf32>
      %swap3A_3081 = vector.shape_cast %broadcast_in_dim3A_2655 : vector<16xf32> to vector<1x16xf32>
      tpu.vector_store %arg8[%swap3A_3077, %swap3A_3078], %swap3A_3081 {strides = array<i32>} : memref<16x128xf32, #tpu.memory_space<vmem>>, vector<1x16xf32>,
      %swap3A_3082 = arith.constant 8 : i32
      %swap3A_3083 = arith.index_cast %swap3A_3082 : i32 to index
      %swap3A_3084 = arith.constant 112 : index
      %swap3A_3085 = tpu.vector_load %arg8[%swap3A_3083, %swap3A_3084] {strides = array<i32>} : memref<16x128xf32, #tpu.memory_space<vmem>>, vector<1x16xf32>,
      %swap3A_3086 = vector.shape_cast %swap3A_3085 : vector<1x16xf32> to vector<16xf32>
      %swap3A_3087 = vector.shape_cast %broadcast_in_dim3A_2655 : vector<16xf32> to vector<1x16xf32>
      tpu.vector_store %arg8[%swap3A_3083, %swap3A_3084], %swap3A_3087 {strides = array<i32>} : memref<16x128xf32, #tpu.memory_space<vmem>>, vector<1x16xf32>,
      %swap3A_3088 = arith.constant 9 : i32
      %swap3A_3089 = arith.index_cast %swap3A_3088 : i32 to index
      %swap3A_3090 = arith.constant 0 : index
      %swap3A_3091 = tpu.vector_load %arg8[%swap3A_3089, %swap3A_3090] {strides = array<i32>} : memref<16x128xf32, #tpu.memory_space<vmem>>, vector<1x16xf32>,
      %swap3A_3092 = vector.shape_cast %swap3A_3091 : vector<1x16xf32> to vector<16xf32>
      %swap3A_3093 = vector.shape_cast %broadcast_in_dim3A_2655 : vector<16xf32> to vector<1x16xf32>
      tpu.vector_store %arg8[%swap3A_3089, %swap3A_3090], %swap3A_3093 {strides = array<i32>} : memref<16x128xf32, #tpu.memory_space<vmem>>, vector<1x16xf32>,
      %swap3A_3094 = arith.constant 9 : i32
      %swap3A_3095 = arith.index_cast %swap3A_3094 : i32 to index
      %swap3A_3096 = arith.constant 16 : index
      %swap3A_3097 = tpu.vector_load %arg8[%swap3A_3095, %swap3A_3096] {strides = array<i32>} : memref<16x128xf32, #tpu.memory_space<vmem>>, vector<1x16xf32>,
      %swap3A_3098 = vector.shape_cast %swap3A_3097 : vector<1x16xf32> to vector<16xf32>
      %swap3A_3099 = vector.shape_cast %broadcast_in_dim3A_2655 : vector<16xf32> to vector<1x16xf32>
      tpu.vector_store %arg8[%swap3A_3095, %swap3A_3096], %swap3A_3099 {strides = array<i32>} : memref<16x128xf32, #tpu.memory_space<vmem>>, vector<1x16xf32>,
      %swap3A_3100 = arith.constant 9 : i32
      %swap3A_3101 = arith.index_cast %swap3A_3100 : i32 to index
      %swap3A_3102 = arith.constant 32 : index
      %swap3A_3103 = tpu.vector_load %arg8[%swap3A_3101, %swap3A_3102] {strides = array<i32>} : memref<16x128xf32, #tpu.memory_space<vmem>>, vector<1x16xf32>,
      %swap3A_3104 = vector.shape_cast %swap3A_3103 : vector<1x16xf32> to vector<16xf32>
      %swap3A_3105 = vector.shape_cast %broadcast_in_dim3A_2655 : vector<16xf32> to vector<1x16xf32>
      tpu.vector_store %arg8[%swap3A_3101, %swap3A_3102], %swap3A_3105 {strides = array<i32>} : memref<16x128xf32, #tpu.memory_space<vmem>>, vector<1x16xf32>,
      %swap3A_3106 = arith.constant 9 : i32
      %swap3A_3107 = arith.index_cast %swap3A_3106 : i32 to index
      %swap3A_3108 = arith.constant 48 : index
      %swap3A_3109 = tpu.vector_load %arg8[%swap3A_3107, %swap3A_3108] {strides = array<i32>} : memref<16x128xf32, #tpu.memory_space<vmem>>, vector<1x16xf32>,
      %swap3A_3110 = vector.shape_cast %swap3A_3109 : vector<1x16xf32> to vector<16xf32>
      %swap3A_3111 = vector.shape_cast %broadcast_in_dim3A_2655 : vector<16xf32> to vector<1x16xf32>
      tpu.vector_store %arg8[%swap3A_3107, %swap3A_3108], %swap3A_3111 {strides = array<i32>} : memref<16x128xf32, #tpu.memory_space<vmem>>, vector<1x16xf32>,
      %swap3A_3112 = arith.constant 9 : i32
      %swap3A_3113 = arith.index_cast %swap3A_3112 : i32 to index
      %swap3A_3114 = arith.constant 64 : index
      %swap3A_3115 = tpu.vector_load %arg8[%swap3A_3113, %swap3A_3114] {strides = array<i32>} : memref<16x128xf32, #tpu.memory_space<vmem>>, vector<1x16xf32>,
      %swap3A_3116 = vector.shape_cast %swap3A_3115 : vector<1x16xf32> to vector<16xf32>
      %swap3A_3117 = vector.shape_cast %broadcast_in_dim3A_2655 : vector<16xf32> to vector<1x16xf32>
      tpu.vector_store %arg8[%swap3A_3113, %swap3A_3114], %swap3A_3117 {strides = array<i32>} : memref<16x128xf32, #tpu.memory_space<vmem>>, vector<1x16xf32>,
      %swap3A_3118 = arith.constant 9 : i32
      %swap3A_3119 = arith.index_cast %swap3A_3118 : i32 to index
      %swap3A_3120 = arith.constant 80 : index
      %swap3A_3121 = tpu.vector_load %arg8[%swap3A_3119, %swap3A_3120] {strides = array<i32>} : memref<16x128xf32, #tpu.memory_space<vmem>>, vector<1x16xf32>,
      %swap3A_3122 = vector.shape_cast %swap3A_3121 : vector<1x16xf32> to vector<16xf32>
      %swap3A_3123 = vector.shape_cast %broadcast_in_dim3A_2655 : vector<16xf32> to vector<1x16xf32>
      tpu.vector_store %arg8[%swap3A_3119, %swap3A_3120], %swap3A_3123 {strides = array<i32>} : memref<16x128xf32, #tpu.memory_space<vmem>>, vector<1x16xf32>,
      %swap3A_3124 = arith.constant 9 : i32
      %swap3A_3125 = arith.index_cast %swap3A_3124 : i32 to index
      %swap3A_3126 = arith.constant 96 : index
      %swap3A_3127 = tpu.vector_load %arg8[%swap3A_3125, %swap3A_3126] {strides = array<i32>} : memref<16x128xf32, #tpu.memory_space<vmem>>, vector<1x16xf32>,
      %swap3A_3128 = vector.shape_cast %swap3A_3127 : vector<1x16xf32> to vector<16xf32>
      %swap3A_3129 = vector.shape_cast %broadcast_in_dim3A_2655 : vector<16xf32> to vector<1x16xf32>
      tpu.vector_store %arg8[%swap3A_3125, %swap3A_3126], %swap3A_3129 {strides = array<i32>} : memref<16x128xf32, #tpu.memory_space<vmem>>, vector<1x16xf32>,
      %swap3A_3130 = arith.constant 9 : i32
      %swap3A_3131 = arith.index_cast %swap3A_3130 : i32 to index
      %swap3A_3132 = arith.constant 112 : index
      %swap3A_3133 = tpu.vector_load %arg8[%swap3A_3131, %swap3A_3132] {strides = array<i32>} : memref<16x128xf32, #tpu.memory_space<vmem>>, vector<1x16xf32>,
      %swap3A_3134 = vector.shape_cast %swap3A_3133 : vector<1x16xf32> to vector<16xf32>
      %swap3A_3135 = vector.shape_cast %broadcast_in_dim3A_2655 : vector<16xf32> to vector<1x16xf32>
      tpu.vector_store %arg8[%swap3A_3131, %swap3A_3132], %swap3A_3135 {strides = array<i32>} : memref<16x128xf32, #tpu.memory_space<vmem>>, vector<1x16xf32>,
      %swap3A_3136 = arith.constant 10 : i32
      %swap3A_3137 = arith.index_cast %swap3A_3136 : i32 to index
      %swap3A_3138 = arith.constant 0 : index
      %swap3A_3139 = tpu.vector_load %arg8[%swap3A_3137, %swap3A_3138] {strides = array<i32>} : memref<16x128xf32, #tpu.memory_space<vmem>>, vector<1x16xf32>,
      %swap3A_3140 = vector.shape_cast %swap3A_3139 : vector<1x16xf32> to vector<16xf32>
      %swap3A_3141 = vector.shape_cast %broadcast_in_dim3A_2655 : vector<16xf32> to vector<1x16xf32>
      tpu.vector_store %arg8[%swap3A_3137, %swap3A_3138], %swap3A_3141 {strides = array<i32>} : memref<16x128xf32, #tpu.memory_space<vmem>>, vector<1x16xf32>,
      %swap3A_3142 = arith.constant 10 : i32
      %swap3A_3143 = arith.index_cast %swap3A_3142 : i32 to index
      %swap3A_3144 = arith.constant 16 : index
      %swap3A_3145 = tpu.vector_load %arg8[%swap3A_3143, %swap3A_3144] {strides = array<i32>} : memref<16x128xf32, #tpu.memory_space<vmem>>, vector<1x16xf32>,
      %swap3A_3146 = vector.shape_cast %swap3A_3145 : vector<1x16xf32> to vector<16xf32>
      %swap3A_3147 = vector.shape_cast %broadcast_in_dim3A_2655 : vector<16xf32> to vector<1x16xf32>
      tpu.vector_store %arg8[%swap3A_3143, %swap3A_3144], %swap3A_3147 {strides = array<i32>} : memref<16x128xf32, #tpu.memory_space<vmem>>, vector<1x16xf32>,
      %swap3A_3148 = arith.constant 10 : i32
      %swap3A_3149 = arith.index_cast %swap3A_3148 : i32 to index
      %swap3A_3150 = arith.constant 32 : index
      %swap3A_3151 = tpu.vector_load %arg8[%swap3A_3149, %swap3A_3150] {strides = array<i32>} : memref<16x128xf32, #tpu.memory_space<vmem>>, vector<1x16xf32>,
      %swap3A_3152 = vector.shape_cast %swap3A_3151 : vector<1x16xf32> to vector<16xf32>
      %swap3A_3153 = vector.shape_cast %broadcast_in_dim3A_2655 : vector<16xf32> to vector<1x16xf32>
      tpu.vector_store %arg8[%swap3A_3149, %swap3A_3150], %swap3A_3153 {strides = array<i32>} : memref<16x128xf32, #tpu.memory_space<vmem>>, vector<1x16xf32>,
      %swap3A_3154 = arith.constant 10 : i32
      %swap3A_3155 = arith.index_cast %swap3A_3154 : i32 to index
      %swap3A_3156 = arith.constant 48 : index
      %swap3A_3157 = tpu.vector_load %arg8[%swap3A_3155, %swap3A_3156] {strides = array<i32>} : memref<16x128xf32, #tpu.memory_space<vmem>>, vector<1x16xf32>,
      %swap3A_3158 = vector.shape_cast %swap3A_3157 : vector<1x16xf32> to vector<16xf32>
      %swap3A_3159 = vector.shape_cast %broadcast_in_dim3A_2655 : vector<16xf32> to vector<1x16xf32>
      tpu.vector_store %arg8[%swap3A_3155, %swap3A_3156], %swap3A_3159 {strides = array<i32>} : memref<16x128xf32, #tpu.memory_space<vmem>>, vector<1x16xf32>,
      %swap3A_3160 = arith.constant 10 : i32
      %swap3A_3161 = arith.index_cast %swap3A_3160 : i32 to index
      %swap3A_3162 = arith.constant 64 : index
      %swap3A_3163 = tpu.vector_load %arg8[%swap3A_3161, %swap3A_3162] {strides = array<i32>} : memref<16x128xf32, #tpu.memory_space<vmem>>, vector<1x16xf32>,
      %swap3A_3164 = vector.shape_cast %swap3A_3163 : vector<1x16xf32> to vector<16xf32>
      %swap3A_3165 = vector.shape_cast %broadcast_in_dim3A_2655 : vector<16xf32> to vector<1x16xf32>
      tpu.vector_store %arg8[%swap3A_3161, %swap3A_3162], %swap3A_3165 {strides = array<i32>} : memref<16x128xf32, #tpu.memory_space<vmem>>, vector<1x16xf32>,
      %swap3A_3166 = arith.constant 10 : i32
      %swap3A_3167 = arith.index_cast %swap3A_3166 : i32 to index
      %swap3A_3168 = arith.constant 80 : index
      %swap3A_3169 = tpu.vector_load %arg8[%swap3A_3167, %swap3A_3168] {strides = array<i32>} : memref<16x128xf32, #tpu.memory_space<vmem>>, vector<1x16xf32>,
      %swap3A_3170 = vector.shape_cast %swap3A_3169 : vector<1x16xf32> to vector<16xf32>
      %swap3A_3171 = vector.shape_cast %broadcast_in_dim3A_2655 : vector<16xf32> to vector<1x16xf32>
      tpu.vector_store %arg8[%swap3A_3167, %swap3A_3168], %swap3A_3171 {strides = array<i32>} : memref<16x128xf32, #tpu.memory_space<vmem>>, vector<1x16xf32>,
      %swap3A_3172 = arith.constant 10 : i32
      %swap3A_3173 = arith.index_cast %swap3A_3172 : i32 to index
      %swap3A_3174 = arith.constant 96 : index
      %swap3A_3175 = tpu.vector_load %arg8[%swap3A_3173, %swap3A_3174] {strides = array<i32>} : memref<16x128xf32, #tpu.memory_space<vmem>>, vector<1x16xf32>,
      %swap3A_3176 = vector.shape_cast %swap3A_3175 : vector<1x16xf32> to vector<16xf32>
      %swap3A_3177 = vector.shape_cast %broadcast_in_dim3A_2655 : vector<16xf32> to vector<1x16xf32>
      tpu.vector_store %arg8[%swap3A_3173, %swap3A_3174], %swap3A_3177 {strides = array<i32>} : memref<16x128xf32, #tpu.memory_space<vmem>>, vector<1x16xf32>,
      %swap3A_3178 = arith.constant 10 : i32
      %swap3A_3179 = arith.index_cast %swap3A_3178 : i32 to index
      %swap3A_3180 = arith.constant 112 : index
      %swap3A_3181 = tpu.vector_load %arg8[%swap3A_3179, %swap3A_3180] {strides = array<i32>} : memref<16x128xf32, #tpu.memory_space<vmem>>, vector<1x16xf32>,
      %swap3A_3182 = vector.shape_cast %swap3A_3181 : vector<1x16xf32> to vector<16xf32>
      %swap3A_3183 = vector.shape_cast %broadcast_in_dim3A_2655 : vector<16xf32> to vector<1x16xf32>
      tpu.vector_store %arg8[%swap3A_3179, %swap3A_3180], %swap3A_3183 {strides = array<i32>} : memref<16x128xf32, #tpu.memory_space<vmem>>, vector<1x16xf32>,
      %swap3A_3184 = arith.constant 11 : i32
      %swap3A_3185 = arith.index_cast %swap3A_3184 : i32 to index
      %swap3A_3186 = arith.constant 0 : index
      %swap3A_3187 = tpu.vector_load %arg8[%swap3A_3185, %swap3A_3186] {strides = array<i32>} : memref<16x128xf32, #tpu.memory_space<vmem>>, vector<1x16xf32>,
      %swap3A_3188 = vector.shape_cast %swap3A_3187 : vector<1x16xf32> to vector<16xf32>
      %swap3A_3189 = vector.shape_cast %broadcast_in_dim3A_2655 : vector<16xf32> to vector<1x16xf32>
      tpu.vector_store %arg8[%swap3A_3185, %swap3A_3186], %swap3A_3189 {strides = array<i32>} : memref<16x128xf32, #tpu.memory_space<vmem>>, vector<1x16xf32>,
      %swap3A_3190 = arith.constant 11 : i32
      %swap3A_3191 = arith.index_cast %swap3A_3190 : i32 to index
      %swap3A_3192 = arith.constant 16 : index
      %swap3A_3193 = tpu.vector_load %arg8[%swap3A_3191, %swap3A_3192] {strides = array<i32>} : memref<16x128xf32, #tpu.memory_space<vmem>>, vector<1x16xf32>,
      %swap3A_3194 = vector.shape_cast %swap3A_3193 : vector<1x16xf32> to vector<16xf32>
      %swap3A_3195 = vector.shape_cast %broadcast_in_dim3A_2655 : vector<16xf32> to vector<1x16xf32>
      tpu.vector_store %arg8[%swap3A_3191, %swap3A_3192], %swap3A_3195 {strides = array<i32>} : memref<16x128xf32, #tpu.memory_space<vmem>>, vector<1x16xf32>,
      %swap3A_3196 = arith.constant 11 : i32
      %swap3A_3197 = arith.index_cast %swap3A_3196 : i32 to index
      %swap3A_3198 = arith.constant 32 : index
      %swap3A_3199 = tpu.vector_load %arg8[%swap3A_3197, %swap3A_3198] {strides = array<i32>} : memref<16x128xf32, #tpu.memory_space<vmem>>, vector<1x16xf32>,
      %swap3A_3200 = vector.shape_cast %swap3A_3199 : vector<1x16xf32> to vector<16xf32>
      %swap3A_3201 = vector.shape_cast %broadcast_in_dim3A_2655 : vector<16xf32> to vector<1x16xf32>
      tpu.vector_store %arg8[%swap3A_3197, %swap3A_3198], %swap3A_3201 {strides = array<i32>} : memref<16x128xf32, #tpu.memory_space<vmem>>, vector<1x16xf32>,
      %swap3A_3202 = arith.constant 11 : i32
      %swap3A_3203 = arith.index_cast %swap3A_3202 : i32 to index
      %swap3A_3204 = arith.constant 48 : index
      %swap3A_3205 = tpu.vector_load %arg8[%swap3A_3203, %swap3A_3204] {strides = array<i32>} : memref<16x128xf32, #tpu.memory_space<vmem>>, vector<1x16xf32>,
      %swap3A_3206 = vector.shape_cast %swap3A_3205 : vector<1x16xf32> to vector<16xf32>
      %swap3A_3207 = vector.shape_cast %broadcast_in_dim3A_2655 : vector<16xf32> to vector<1x16xf32>
      tpu.vector_store %arg8[%swap3A_3203, %swap3A_3204], %swap3A_3207 {strides = array<i32>} : memref<16x128xf32, #tpu.memory_space<vmem>>, vector<1x16xf32>,
      %swap3A_3208 = arith.constant 11 : i32
      %swap3A_3209 = arith.index_cast %swap3A_3208 : i32 to index
      %swap3A_3210 = arith.constant 64 : index
      %swap3A_3211 = tpu.vector_load %arg8[%swap3A_3209, %swap3A_3210] {strides = array<i32>} : memref<16x128xf32, #tpu.memory_space<vmem>>, vector<1x16xf32>,
      %swap3A_3212 = vector.shape_cast %swap3A_3211 : vector<1x16xf32> to vector<16xf32>
      %swap3A_3213 = vector.shape_cast %broadcast_in_dim3A_2655 : vector<16xf32> to vector<1x16xf32>
      tpu.vector_store %arg8[%swap3A_3209, %swap3A_3210], %swap3A_3213 {strides = array<i32>} : memref<16x128xf32, #tpu.memory_space<vmem>>, vector<1x16xf32>,
      %swap3A_3214 = arith.constant 11 : i32
      %swap3A_3215 = arith.index_cast %swap3A_3214 : i32 to index
      %swap3A_3216 = arith.constant 80 : index
      %swap3A_3217 = tpu.vector_load %arg8[%swap3A_3215, %swap3A_3216] {strides = array<i32>} : memref<16x128xf32, #tpu.memory_space<vmem>>, vector<1x16xf32>,
      %swap3A_3218 = vector.shape_cast %swap3A_3217 : vector<1x16xf32> to vector<16xf32>
      %swap3A_3219 = vector.shape_cast %broadcast_in_dim3A_2655 : vector<16xf32> to vector<1x16xf32>
      tpu.vector_store %arg8[%swap3A_3215, %swap3A_3216], %swap3A_3219 {strides = array<i32>} : memref<16x128xf32, #tpu.memory_space<vmem>>, vector<1x16xf32>,
      %swap3A_3220 = arith.constant 11 : i32
      %swap3A_3221 = arith.index_cast %swap3A_3220 : i32 to index
      %swap3A_3222 = arith.constant 96 : index
      %swap3A_3223 = tpu.vector_load %arg8[%swap3A_3221, %swap3A_3222] {strides = array<i32>} : memref<16x128xf32, #tpu.memory_space<vmem>>, vector<1x16xf32>,
      %swap3A_3224 = vector.shape_cast %swap3A_3223 : vector<1x16xf32> to vector<16xf32>
      %swap3A_3225 = vector.shape_cast %broadcast_in_dim3A_2655 : vector<16xf32> to vector<1x16xf32>
      tpu.vector_store %arg8[%swap3A_3221, %swap3A_3222], %swap3A_3225 {strides = array<i32>} : memref<16x128xf32, #tpu.memory_space<vmem>>, vector<1x16xf32>,
      %swap3A_3226 = arith.constant 11 : i32
      %swap3A_3227 = arith.index_cast %swap3A_3226 : i32 to index
      %swap3A_3228 = arith.constant 112 : index
      %swap3A_3229 = tpu.vector_load %arg8[%swap3A_3227, %swap3A_3228] {strides = array<i32>} : memref<16x128xf32, #tpu.memory_space<vmem>>, vector<1x16xf32>,
      %swap3A_3230 = vector.shape_cast %swap3A_3229 : vector<1x16xf32> to vector<16xf32>
      %swap3A_3231 = vector.shape_cast %broadcast_in_dim3A_2655 : vector<16xf32> to vector<1x16xf32>
      tpu.vector_store %arg8[%swap3A_3227, %swap3A_3228], %swap3A_3231 {strides = array<i32>} : memref<16x128xf32, #tpu.memory_space<vmem>>, vector<1x16xf32>,
      %swap3A_3232 = arith.constant 12 : i32
      %swap3A_3233 = arith.index_cast %swap3A_3232 : i32 to index
      %swap3A_3234 = arith.constant 0 : index
      %swap3A_3235 = tpu.vector_load %arg8[%swap3A_3233, %swap3A_3234] {strides = array<i32>} : memref<16x128xf32, #tpu.memory_space<vmem>>, vector<1x16xf32>,
      %swap3A_3236 = vector.shape_cast %swap3A_3235 : vector<1x16xf32> to vector<16xf32>
      %swap3A_3237 = vector.shape_cast %broadcast_in_dim3A_2655 : vector<16xf32> to vector<1x16xf32>
      tpu.vector_store %arg8[%swap3A_3233, %swap3A_3234], %swap3A_3237 {strides = array<i32>} : memref<16x128xf32, #tpu.memory_space<vmem>>, vector<1x16xf32>,
      %swap3A_3238 = arith.constant 12 : i32
      %swap3A_3239 = arith.index_cast %swap3A_3238 : i32 to index
      %swap3A_3240 = arith.constant 16 : index
      %swap3A_3241 = tpu.vector_load %arg8[%swap3A_3239, %swap3A_3240] {strides = array<i32>} : memref<16x128xf32, #tpu.memory_space<vmem>>, vector<1x16xf32>,
      %swap3A_3242 = vector.shape_cast %swap3A_3241 : vector<1x16xf32> to vector<16xf32>
      %swap3A_3243 = vector.shape_cast %broadcast_in_dim3A_2655 : vector<16xf32> to vector<1x16xf32>
      tpu.vector_store %arg8[%swap3A_3239, %swap3A_3240], %swap3A_3243 {strides = array<i32>} : memref<16x128xf32, #tpu.memory_space<vmem>>, vector<1x16xf32>,
      %swap3A_3244 = arith.constant 12 : i32
      %swap3A_3245 = arith.index_cast %swap3A_3244 : i32 to index
      %swap3A_3246 = arith.constant 32 : index
      %swap3A_3247 = tpu.vector_load %arg8[%swap3A_3245, %swap3A_3246] {strides = array<i32>} : memref<16x128xf32, #tpu.memory_space<vmem>>, vector<1x16xf32>,
      %swap3A_3248 = vector.shape_cast %swap3A_3247 : vector<1x16xf32> to vector<16xf32>
      %swap3A_3249 = vector.shape_cast %broadcast_in_dim3A_2655 : vector<16xf32> to vector<1x16xf32>
      tpu.vector_store %arg8[%swap3A_3245, %swap3A_3246], %swap3A_3249 {strides = array<i32>} : memref<16x128xf32, #tpu.memory_space<vmem>>, vector<1x16xf32>,
      %swap3A_3250 = arith.constant 12 : i32
      %swap3A_3251 = arith.index_cast %swap3A_3250 : i32 to index
      %swap3A_3252 = arith.constant 48 : index
      %swap3A_3253 = tpu.vector_load %arg8[%swap3A_3251, %swap3A_3252] {strides = array<i32>} : memref<16x128xf32, #tpu.memory_space<vmem>>, vector<1x16xf32>,
      %swap3A_3254 = vector.shape_cast %swap3A_3253 : vector<1x16xf32> to vector<16xf32>
      %swap3A_3255 = vector.shape_cast %broadcast_in_dim3A_2655 : vector<16xf32> to vector<1x16xf32>
      tpu.vector_store %arg8[%swap3A_3251, %swap3A_3252], %swap3A_3255 {strides = array<i32>} : memref<16x128xf32, #tpu.memory_space<vmem>>, vector<1x16xf32>,
      %swap3A_3256 = arith.constant 12 : i32
      %swap3A_3257 = arith.index_cast %swap3A_3256 : i32 to index
      %swap3A_3258 = arith.constant 64 : index
      %swap3A_3259 = tpu.vector_load %arg8[%swap3A_3257, %swap3A_3258] {strides = array<i32>} : memref<16x128xf32, #tpu.memory_space<vmem>>, vector<1x16xf32>,
      %swap3A_3260 = vector.shape_cast %swap3A_3259 : vector<1x16xf32> to vector<16xf32>
      %swap3A_3261 = vector.shape_cast %broadcast_in_dim3A_2655 : vector<16xf32> to vector<1x16xf32>
      tpu.vector_store %arg8[%swap3A_3257, %swap3A_3258], %swap3A_3261 {strides = array<i32>} : memref<16x128xf32, #tpu.memory_space<vmem>>, vector<1x16xf32>,
      %swap3A_3262 = arith.constant 12 : i32
      %swap3A_3263 = arith.index_cast %swap3A_3262 : i32 to index
      %swap3A_3264 = arith.constant 80 : index
      %swap3A_3265 = tpu.vector_load %arg8[%swap3A_3263, %swap3A_3264] {strides = array<i32>} : memref<16x128xf32, #tpu.memory_space<vmem>>, vector<1x16xf32>,
      %swap3A_3266 = vector.shape_cast %swap3A_3265 : vector<1x16xf32> to vector<16xf32>
      %swap3A_3267 = vector.shape_cast %broadcast_in_dim3A_2655 : vector<16xf32> to vector<1x16xf32>
      tpu.vector_store %arg8[%swap3A_3263, %swap3A_3264], %swap3A_3267 {strides = array<i32>} : memref<16x128xf32, #tpu.memory_space<vmem>>, vector<1x16xf32>,
      %swap3A_3268 = arith.constant 12 : i32
      %swap3A_3269 = arith.index_cast %swap3A_3268 : i32 to index
      %swap3A_3270 = arith.constant 96 : index
      %swap3A_3271 = tpu.vector_load %arg8[%swap3A_3269, %swap3A_3270] {strides = array<i32>} : memref<16x128xf32, #tpu.memory_space<vmem>>, vector<1x16xf32>,
      %swap3A_3272 = vector.shape_cast %swap3A_3271 : vector<1x16xf32> to vector<16xf32>
      %swap3A_3273 = vector.shape_cast %broadcast_in_dim3A_2655 : vector<16xf32> to vector<1x16xf32>
      tpu.vector_store %arg8[%swap3A_3269, %swap3A_3270], %swap3A_3273 {strides = array<i32>} : memref<16x128xf32, #tpu.memory_space<vmem>>, vector<1x16xf32>,
      %swap3A_3274 = arith.constant 12 : i32
      %swap3A_3275 = arith.index_cast %swap3A_3274 : i32 to index
      %swap3A_3276 = arith.constant 112 : index
      %swap3A_3277 = tpu.vector_load %arg8[%swap3A_3275, %swap3A_3276] {strides = array<i32>} : memref<16x128xf32, #tpu.memory_space<vmem>>, vector<1x16xf32>,
      %swap3A_3278 = vector.shape_cast %swap3A_3277 : vector<1x16xf32> to vector<16xf32>
      %swap3A_3279 = vector.shape_cast %broadcast_in_dim3A_2655 : vector<16xf32> to vector<1x16xf32>
      tpu.vector_store %arg8[%swap3A_3275, %swap3A_3276], %swap3A_3279 {strides = array<i32>} : memref<16x128xf32, #tpu.memory_space<vmem>>, vector<1x16xf32>,
      %swap3A_3280 = arith.constant 13 : i32
      %swap3A_3281 = arith.index_cast %swap3A_3280 : i32 to index
      %swap3A_3282 = arith.constant 0 : index
      %swap3A_3283 = tpu.vector_load %arg8[%swap3A_3281, %swap3A_3282] {strides = array<i32>} : memref<16x128xf32, #tpu.memory_space<vmem>>, vector<1x16xf32>,
      %swap3A_3284 = vector.shape_cast %swap3A_3283 : vector<1x16xf32> to vector<16xf32>
      %swap3A_3285 = vector.shape_cast %broadcast_in_dim3A_2655 : vector<16xf32> to vector<1x16xf32>
      tpu.vector_store %arg8[%swap3A_3281, %swap3A_3282], %swap3A_3285 {strides = array<i32>} : memref<16x128xf32, #tpu.memory_space<vmem>>, vector<1x16xf32>,
      %swap3A_3286 = arith.constant 13 : i32
      %swap3A_3287 = arith.index_cast %swap3A_3286 : i32 to index
      %swap3A_3288 = arith.constant 16 : index
      %swap3A_3289 = tpu.vector_load %arg8[%swap3A_3287, %swap3A_3288] {strides = array<i32>} : memref<16x128xf32, #tpu.memory_space<vmem>>, vector<1x16xf32>,
      %swap3A_3290 = vector.shape_cast %swap3A_3289 : vector<1x16xf32> to vector<16xf32>
      %swap3A_3291 = vector.shape_cast %broadcast_in_dim3A_2655 : vector<16xf32> to vector<1x16xf32>
      tpu.vector_store %arg8[%swap3A_3287, %swap3A_3288], %swap3A_3291 {strides = array<i32>} : memref<16x128xf32, #tpu.memory_space<vmem>>, vector<1x16xf32>,
      %swap3A_3292 = arith.constant 13 : i32
      %swap3A_3293 = arith.index_cast %swap3A_3292 : i32 to index
      %swap3A_3294 = arith.constant 32 : index
      %swap3A_3295 = tpu.vector_load %arg8[%swap3A_3293, %swap3A_3294] {strides = array<i32>} : memref<16x128xf32, #tpu.memory_space<vmem>>, vector<1x16xf32>,
      %swap3A_3296 = vector.shape_cast %swap3A_3295 : vector<1x16xf32> to vector<16xf32>
      %swap3A_3297 = vector.shape_cast %broadcast_in_dim3A_2655 : vector<16xf32> to vector<1x16xf32>
      tpu.vector_store %arg8[%swap3A_3293, %swap3A_3294], %swap3A_3297 {strides = array<i32>} : memref<16x128xf32, #tpu.memory_space<vmem>>, vector<1x16xf32>,
      %swap3A_3298 = arith.constant 13 : i32
      %swap3A_3299 = arith.index_cast %swap3A_3298 : i32 to index
      %swap3A_3300 = arith.constant 48 : index
      %swap3A_3301 = tpu.vector_load %arg8[%swap3A_3299, %swap3A_3300] {strides = array<i32>} : memref<16x128xf32, #tpu.memory_space<vmem>>, vector<1x16xf32>,
      %swap3A_3302 = vector.shape_cast %swap3A_3301 : vector<1x16xf32> to vector<16xf32>
      %swap3A_3303 = vector.shape_cast %broadcast_in_dim3A_2655 : vector<16xf32> to vector<1x16xf32>
      tpu.vector_store %arg8[%swap3A_3299, %swap3A_3300], %swap3A_3303 {strides = array<i32>} : memref<16x128xf32, #tpu.memory_space<vmem>>, vector<1x16xf32>,
      %swap3A_3304 = arith.constant 13 : i32
      %swap3A_3305 = arith.index_cast %swap3A_3304 : i32 to index
      %swap3A_3306 = arith.constant 64 : index
      %swap3A_3307 = tpu.vector_load %arg8[%swap3A_3305, %swap3A_3306] {strides = array<i32>} : memref<16x128xf32, #tpu.memory_space<vmem>>, vector<1x16xf32>,
      %swap3A_3308 = vector.shape_cast %swap3A_3307 : vector<1x16xf32> to vector<16xf32>
      %swap3A_3309 = vector.shape_cast %broadcast_in_dim3A_2655 : vector<16xf32> to vector<1x16xf32>
      tpu.vector_store %arg8[%swap3A_3305, %swap3A_3306], %swap3A_3309 {strides = array<i32>} : memref<16x128xf32, #tpu.memory_space<vmem>>, vector<1x16xf32>,
      %swap3A_3310 = arith.constant 13 : i32
      %swap3A_3311 = arith.index_cast %swap3A_3310 : i32 to index
      %swap3A_3312 = arith.constant 80 : index
      %swap3A_3313 = tpu.vector_load %arg8[%swap3A_3311, %swap3A_3312] {strides = array<i32>} : memref<16x128xf32, #tpu.memory_space<vmem>>, vector<1x16xf32>,
      %swap3A_3314 = vector.shape_cast %swap3A_3313 : vector<1x16xf32> to vector<16xf32>
      %swap3A_3315 = vector.shape_cast %broadcast_in_dim3A_2655 : vector<16xf32> to vector<1x16xf32>
      tpu.vector_store %arg8[%swap3A_3311, %swap3A_3312], %swap3A_3315 {strides = array<i32>} : memref<16x128xf32, #tpu.memory_space<vmem>>, vector<1x16xf32>,
      %swap3A_3316 = arith.constant 13 : i32
      %swap3A_3317 = arith.index_cast %swap3A_3316 : i32 to index
      %swap3A_3318 = arith.constant 96 : index
      %swap3A_3319 = tpu.vector_load %arg8[%swap3A_3317, %swap3A_3318] {strides = array<i32>} : memref<16x128xf32, #tpu.memory_space<vmem>>, vector<1x16xf32>,
      %swap3A_3320 = vector.shape_cast %swap3A_3319 : vector<1x16xf32> to vector<16xf32>
      %swap3A_3321 = vector.shape_cast %broadcast_in_dim3A_2655 : vector<16xf32> to vector<1x16xf32>
      tpu.vector_store %arg8[%swap3A_3317, %swap3A_3318], %swap3A_3321 {strides = array<i32>} : memref<16x128xf32, #tpu.memory_space<vmem>>, vector<1x16xf32>,
      %swap3A_3322 = arith.constant 13 : i32
      %swap3A_3323 = arith.index_cast %swap3A_3322 : i32 to index
      %swap3A_3324 = arith.constant 112 : index
      %swap3A_3325 = tpu.vector_load %arg8[%swap3A_3323, %swap3A_3324] {strides = array<i32>} : memref<16x128xf32, #tpu.memory_space<vmem>>, vector<1x16xf32>,
      %swap3A_3326 = vector.shape_cast %swap3A_3325 : vector<1x16xf32> to vector<16xf32>
      %swap3A_3327 = vector.shape_cast %broadcast_in_dim3A_2655 : vector<16xf32> to vector<1x16xf32>
      tpu.vector_store %arg8[%swap3A_3323, %swap3A_3324], %swap3A_3327 {strides = array<i32>} : memref<16x128xf32, #tpu.memory_space<vmem>>, vector<1x16xf32>,
      %swap3A_3328 = arith.constant 14 : i32
      %swap3A_3329 = arith.index_cast %swap3A_3328 : i32 to index
      %swap3A_3330 = arith.constant 0 : index
      %swap3A_3331 = tpu.vector_load %arg8[%swap3A_3329, %swap3A_3330] {strides = array<i32>} : memref<16x128xf32, #tpu.memory_space<vmem>>, vector<1x16xf32>,
      %swap3A_3332 = vector.shape_cast %swap3A_3331 : vector<1x16xf32> to vector<16xf32>
      %swap3A_3333 = vector.shape_cast %broadcast_in_dim3A_2655 : vector<16xf32> to vector<1x16xf32>
      tpu.vector_store %arg8[%swap3A_3329, %swap3A_3330], %swap3A_3333 {strides = array<i32>} : memref<16x128xf32, #tpu.memory_space<vmem>>, vector<1x16xf32>,
      %swap3A_3334 = arith.constant 14 : i32
      %swap3A_3335 = arith.index_cast %swap3A_3334 : i32 to index
      %swap3A_3336 = arith.constant 16 : index
      %swap3A_3337 = tpu.vector_load %arg8[%swap3A_3335, %swap3A_3336] {strides = array<i32>} : memref<16x128xf32, #tpu.memory_space<vmem>>, vector<1x16xf32>,
      %swap3A_3338 = vector.shape_cast %swap3A_3337 : vector<1x16xf32> to vector<16xf32>
      %swap3A_3339 = vector.shape_cast %broadcast_in_dim3A_2655 : vector<16xf32> to vector<1x16xf32>
      tpu.vector_store %arg8[%swap3A_3335, %swap3A_3336], %swap3A_3339 {strides = array<i32>} : memref<16x128xf32, #tpu.memory_space<vmem>>, vector<1x16xf32>,
      %swap3A_3340 = arith.constant 14 : i32
      %swap3A_3341 = arith.index_cast %swap3A_3340 : i32 to index
      %swap3A_3342 = arith.constant 32 : index
      %swap3A_3343 = tpu.vector_load %arg8[%swap3A_3341, %swap3A_3342] {strides = array<i32>} : memref<16x128xf32, #tpu.memory_space<vmem>>, vector<1x16xf32>,
      %swap3A_3344 = vector.shape_cast %swap3A_3343 : vector<1x16xf32> to vector<16xf32>
      %swap3A_3345 = vector.shape_cast %broadcast_in_dim3A_2655 : vector<16xf32> to vector<1x16xf32>
      tpu.vector_store %arg8[%swap3A_3341, %swap3A_3342], %swap3A_3345 {strides = array<i32>} : memref<16x128xf32, #tpu.memory_space<vmem>>, vector<1x16xf32>,
      %swap3A_3346 = arith.constant 14 : i32
      %swap3A_3347 = arith.index_cast %swap3A_3346 : i32 to index
      %swap3A_3348 = arith.constant 48 : index
      %swap3A_3349 = tpu.vector_load %arg8[%swap3A_3347, %swap3A_3348] {strides = array<i32>} : memref<16x128xf32, #tpu.memory_space<vmem>>, vector<1x16xf32>,
      %swap3A_3350 = vector.shape_cast %swap3A_3349 : vector<1x16xf32> to vector<16xf32>
      %swap3A_3351 = vector.shape_cast %broadcast_in_dim3A_2655 : vector<16xf32> to vector<1x16xf32>
      tpu.vector_store %arg8[%swap3A_3347, %swap3A_3348], %swap3A_3351 {strides = array<i32>} : memref<16x128xf32, #tpu.memory_space<vmem>>, vector<1x16xf32>,
      %swap3A_3352 = arith.constant 14 : i32
      %swap3A_3353 = arith.index_cast %swap3A_3352 : i32 to index
      %swap3A_3354 = arith.constant 64 : index
      %swap3A_3355 = tpu.vector_load %arg8[%swap3A_3353, %swap3A_3354] {strides = array<i32>} : memref<16x128xf32, #tpu.memory_space<vmem>>, vector<1x16xf32>,
      %swap3A_3356 = vector.shape_cast %swap3A_3355 : vector<1x16xf32> to vector<16xf32>
      %swap3A_3357 = vector.shape_cast %broadcast_in_dim3A_2655 : vector<16xf32> to vector<1x16xf32>
      tpu.vector_store %arg8[%swap3A_3353, %swap3A_3354], %swap3A_3357 {strides = array<i32>} : memref<16x128xf32, #tpu.memory_space<vmem>>, vector<1x16xf32>,
      %swap3A_3358 = arith.constant 14 : i32
      %swap3A_3359 = arith.index_cast %swap3A_3358 : i32 to index
      %swap3A_3360 = arith.constant 80 : index
      %swap3A_3361 = tpu.vector_load %arg8[%swap3A_3359, %swap3A_3360] {strides = array<i32>} : memref<16x128xf32, #tpu.memory_space<vmem>>, vector<1x16xf32>,
      %swap3A_3362 = vector.shape_cast %swap3A_3361 : vector<1x16xf32> to vector<16xf32>
      %swap3A_3363 = vector.shape_cast %broadcast_in_dim3A_2655 : vector<16xf32> to vector<1x16xf32>
      tpu.vector_store %arg8[%swap3A_3359, %swap3A_3360], %swap3A_3363 {strides = array<i32>} : memref<16x128xf32, #tpu.memory_space<vmem>>, vector<1x16xf32>,
      %swap3A_3364 = arith.constant 14 : i32
      %swap3A_3365 = arith.index_cast %swap3A_3364 : i32 to index
      %swap3A_3366 = arith.constant 96 : index
      %swap3A_3367 = tpu.vector_load %arg8[%swap3A_3365, %swap3A_3366] {strides = array<i32>} : memref<16x128xf32, #tpu.memory_space<vmem>>, vector<1x16xf32>,
      %swap3A_3368 = vector.shape_cast %swap3A_3367 : vector<1x16xf32> to vector<16xf32>
      %swap3A_3369 = vector.shape_cast %broadcast_in_dim3A_2655 : vector<16xf32> to vector<1x16xf32>
      tpu.vector_store %arg8[%swap3A_3365, %swap3A_3366], %swap3A_3369 {strides = array<i32>} : memref<16x128xf32, #tpu.memory_space<vmem>>, vector<1x16xf32>,
      %swap3A_3370 = arith.constant 14 : i32
      %swap3A_3371 = arith.index_cast %swap3A_3370 : i32 to index
      %swap3A_3372 = arith.constant 112 : index
      %swap3A_3373 = tpu.vector_load %arg8[%swap3A_3371, %swap3A_3372] {strides = array<i32>} : memref<16x128xf32, #tpu.memory_space<vmem>>, vector<1x16xf32>,
      %swap3A_3374 = vector.shape_cast %swap3A_3373 : vector<1x16xf32> to vector<16xf32>
      %swap3A_3375 = vector.shape_cast %broadcast_in_dim3A_2655 : vector<16xf32> to vector<1x16xf32>
      tpu.vector_store %arg8[%swap3A_3371, %swap3A_3372], %swap3A_3375 {strides = array<i32>} : memref<16x128xf32, #tpu.memory_space<vmem>>, vector<1x16xf32>,
      %swap3A_3376 = arith.constant 15 : i32
      %swap3A_3377 = arith.index_cast %swap3A_3376 : i32 to index
      %swap3A_3378 = arith.constant 0 : index
      %swap3A_3379 = tpu.vector_load %arg8[%swap3A_3377, %swap3A_3378] {strides = array<i32>} : memref<16x128xf32, #tpu.memory_space<vmem>>, vector<1x16xf32>,
      %swap3A_3380 = vector.shape_cast %swap3A_3379 : vector<1x16xf32> to vector<16xf32>
      %swap3A_3381 = vector.shape_cast %broadcast_in_dim3A_2655 : vector<16xf32> to vector<1x16xf32>
      tpu.vector_store %arg8[%swap3A_3377, %swap3A_3378], %swap3A_3381 {strides = array<i32>} : memref<16x128xf32, #tpu.memory_space<vmem>>, vector<1x16xf32>,
      %swap3A_3382 = arith.constant 15 : i32
      %swap3A_3383 = arith.index_cast %swap3A_3382 : i32 to index
      %swap3A_3384 = arith.constant 16 : index
      %swap3A_3385 = tpu.vector_load %arg8[%swap3A_3383, %swap3A_3384] {strides = array<i32>} : memref<16x128xf32, #tpu.memory_space<vmem>>, vector<1x16xf32>,
      %swap3A_3386 = vector.shape_cast %swap3A_3385 : vector<1x16xf32> to vector<16xf32>
      %swap3A_3387 = vector.shape_cast %broadcast_in_dim3A_2655 : vector<16xf32> to vector<1x16xf32>
      tpu.vector_store %arg8[%swap3A_3383, %swap3A_3384], %swap3A_3387 {strides = array<i32>} : memref<16x128xf32, #tpu.memory_space<vmem>>, vector<1x16xf32>,
      %swap3A_3388 = arith.constant 15 : i32
      %swap3A_3389 = arith.index_cast %swap3A_3388 : i32 to index
      %swap3A_3390 = arith.constant 32 : index
      %swap3A_3391 = tpu.vector_load %arg8[%swap3A_3389, %swap3A_3390] {strides = array<i32>} : memref<16x128xf32, #tpu.memory_space<vmem>>, vector<1x16xf32>,
      %swap3A_3392 = vector.shape_cast %swap3A_3391 : vector<1x16xf32> to vector<16xf32>
      %swap3A_3393 = vector.shape_cast %broadcast_in_dim3A_2655 : vector<16xf32> to vector<1x16xf32>
      tpu.vector_store %arg8[%swap3A_3389, %swap3A_3390], %swap3A_3393 {strides = array<i32>} : memref<16x128xf32, #tpu.memory_space<vmem>>, vector<1x16xf32>,
      %swap3A_3394 = arith.constant 15 : i32
      %swap3A_3395 = arith.index_cast %swap3A_3394 : i32 to index
      %swap3A_3396 = arith.constant 48 : index
      %swap3A_3397 = tpu.vector_load %arg8[%swap3A_3395, %swap3A_3396] {strides = array<i32>} : memref<16x128xf32, #tpu.memory_space<vmem>>, vector<1x16xf32>,
      %swap3A_3398 = vector.shape_cast %swap3A_3397 : vector<1x16xf32> to vector<16xf32>
      %swap3A_3399 = vector.shape_cast %broadcast_in_dim3A_2655 : vector<16xf32> to vector<1x16xf32>
      tpu.vector_store %arg8[%swap3A_3395, %swap3A_3396], %swap3A_3399 {strides = array<i32>} : memref<16x128xf32, #tpu.memory_space<vmem>>, vector<1x16xf32>,
      %swap3A_3400 = arith.constant 15 : i32
      %swap3A_3401 = arith.index_cast %swap3A_3400 : i32 to index
      %swap3A_3402 = arith.constant 64 : index
      %swap3A_3403 = tpu.vector_load %arg8[%swap3A_3401, %swap3A_3402] {strides = array<i32>} : memref<16x128xf32, #tpu.memory_space<vmem>>, vector<1x16xf32>,
      %swap3A_3404 = vector.shape_cast %swap3A_3403 : vector<1x16xf32> to vector<16xf32>
      %swap3A_3405 = vector.shape_cast %broadcast_in_dim3A_2655 : vector<16xf32> to vector<1x16xf32>
      tpu.vector_store %arg8[%swap3A_3401, %swap3A_3402], %swap3A_3405 {strides = array<i32>} : memref<16x128xf32, #tpu.memory_space<vmem>>, vector<1x16xf32>,
      %swap3A_3406 = arith.constant 15 : i32
      %swap3A_3407 = arith.index_cast %swap3A_3406 : i32 to index
      %swap3A_3408 = arith.constant 80 : index
      %swap3A_3409 = tpu.vector_load %arg8[%swap3A_3407, %swap3A_3408] {strides = array<i32>} : memref<16x128xf32, #tpu.memory_space<vmem>>, vector<1x16xf32>,
      %swap3A_3410 = vector.shape_cast %swap3A_3409 : vector<1x16xf32> to vector<16xf32>
      %swap3A_3411 = vector.shape_cast %broadcast_in_dim3A_2655 : vector<16xf32> to vector<1x16xf32>
      tpu.vector_store %arg8[%swap3A_3407, %swap3A_3408], %swap3A_3411 {strides = array<i32>} : memref<16x128xf32, #tpu.memory_space<vmem>>, vector<1x16xf32>,
      %swap3A_3412 = arith.constant 15 : i32
      %swap3A_3413 = arith.index_cast %swap3A_3412 : i32 to index
      %swap3A_3414 = arith.constant 96 : index
      %swap3A_3415 = tpu.vector_load %arg8[%swap3A_3413, %swap3A_3414] {strides = array<i32>} : memref<16x128xf32, #tpu.memory_space<vmem>>, vector<1x16xf32>,
      %swap3A_3416 = vector.shape_cast %swap3A_3415 : vector<1x16xf32> to vector<16xf32>
      %swap3A_3417 = vector.shape_cast %broadcast_in_dim3A_2655 : vector<16xf32> to vector<1x16xf32>
      tpu.vector_store %arg8[%swap3A_3413, %swap3A_3414], %swap3A_3417 {strides = array<i32>} : memref<16x128xf32, #tpu.memory_space<vmem>>, vector<1x16xf32>,
      %swap3A_3418 = arith.constant 15 : i32
      %swap3A_3419 = arith.index_cast %swap3A_3418 : i32 to index
      %swap3A_3420 = arith.constant 112 : index
      %swap3A_3421 = tpu.vector_load %arg8[%swap3A_3419, %swap3A_3420] {strides = array<i32>} : memref<16x128xf32, #tpu.memory_space<vmem>>, vector<1x16xf32>,
      %swap3A_3422 = vector.shape_cast %swap3A_3421 : vector<1x16xf32> to vector<16xf32>
      %swap3A_3423 = vector.shape_cast %broadcast_in_dim3A_2655 : vector<16xf32> to vector<1x16xf32>
      tpu.vector_store %arg8[%swap3A_3419, %swap3A_3420], %swap3A_3423 {strides = array<i32>} : memref<16x128xf32, #tpu.memory_space<vmem>>, vector<1x16xf32>,
      "tpu.region"() ({
        %run_scoped3A = tpu.sem_alloc : memref<!tpu.dma_semaphore, #tpu.memory_space<semaphore_mem>>
        tpu.enqueue_dma source(%arg8 : memref<16x128xf32, #tpu.memory_space<vmem>>) target(%arg11 : memref<16x128xf32, #tpu.memory_space<vmem_shared>>) target_semaphore(%run_scoped3A : memref<!tpu.dma_semaphore, #tpu.memory_space<semaphore_mem>>)
        tpu.wait_dma2 semaphore(%run_scoped3A : memref<!tpu.dma_semaphore, #tpu.memory_space<semaphore_mem>>) src(%arg8 : memref<16x128xf32, #tpu.memory_space<vmem>>) dst(%arg11 : memref<16x128xf32, #tpu.memory_space<vmem_shared>>)
        tpu.yield
      }) : () -> ()
    } else {
    }
    %broadcast_in_dim3A_787 = arith.constant 0.000000e+00 : f32
    %broadcast_in_dim3A_788 = vector.broadcast %broadcast_in_dim3A_787 : f32 to vector<16xf32>
    %broadcast_in_dim3A_789 = arith.constant 0.000000e+00 : f32
    %broadcast_in_dim3A_790 = vector.broadcast %broadcast_in_dim3A_789 : f32 to vector<16xf32>
    %broadcast_in_dim3A_791 = arith.constant 0.000000e+00 : f32
    %broadcast_in_dim3A_792 = vector.broadcast %broadcast_in_dim3A_791 : f32 to vector<16xf32>
    %broadcast_in_dim3A_793 = arith.constant 0.000000e+00 : f32
    %broadcast_in_dim3A_794 = vector.broadcast %broadcast_in_dim3A_793 : f32 to vector<16xf32>
    %broadcast_in_dim3A_795 = arith.constant 0.000000e+00 : f32
    %broadcast_in_dim3A_796 = vector.broadcast %broadcast_in_dim3A_795 : f32 to vector<16xf32>
    %broadcast_in_dim3A_797 = arith.constant 0.000000e+00 : f32
    %broadcast_in_dim3A_798 = vector.broadcast %broadcast_in_dim3A_797 : f32 to vector<16xf32>
    %broadcast_in_dim3A_799 = arith.constant 0.000000e+00 : f32
    %broadcast_in_dim3A_800 = vector.broadcast %broadcast_in_dim3A_799 : f32 to vector<16xf32>
    %broadcast_in_dim3A_801 = arith.constant 0.000000e+00 : f32
    %broadcast_in_dim3A_802 = vector.broadcast %broadcast_in_dim3A_801 : f32 to vector<16xf32>
    %add3A_803 = arith.constant 0 : i32
    %add3A_804 = arith.addi %mul3A_784, %add3A_803 : i32
    %dma_start3A = arith.constant 0 : i32
    %dma_start3A_805 = tpu.memref_slice %arg2[%add3A_804, %dma_start3A] : memref<32768x128xf32, #tpu.memory_space<hbm>> -> memref<256x128xf32, #tpu.memory_space<hbm>>
    %dma_start3A_806 = arith.constant 0 : i32
    %dma_start3A_807 = tpu.memref_slice %arg2[%add3A_804, %dma_start3A_806] : memref<32768x128xf32, #tpu.memory_space<hbm>> -> memref<256x128xf32, #tpu.memory_space<hbm>>
    tpu.enqueue_dma source(%dma_start3A_807 : memref<256x128xf32, #tpu.memory_space<hbm>>) target(%arg5 : memref<256x128xf32, #tpu.memory_space<vmem>>) target_semaphore(%arg12 : memref<!tpu.dma_semaphore, #tpu.memory_space<semaphore_mem>>)
    %scan3A = arith.constant 0 : i32
    %scan3A_808 = arith.constant 0 : i32
    %scan3A_809 = arith.constant 2 : i32
    %scan3A_810 = arith.addi %scan3A_808, %scan3A_809 : i32
    %scan3A_811 = arith.constant 1 : i32
    %scan3A_812 = scf.for %scan3A_2654 = %scan3A_808 to %scan3A_810 step %scan3A_811 iter_args(%scan3A_2655 = %scan3A) -> (i32)  : i32 {
      %mul3A_2656 = arith.constant 2 : i32
      %mul3A_2657 = arith.muli %scan3A_2654, %mul3A_2656 : i32
      %add3A_2658 = arith.constant 0 : i32
      %add3A_2659 = arith.addi %mul3A_2657, %add3A_2658 : i32
      %add3A_2660 = arith.constant 1 : i32
      %add3A_2661 = arith.addi %add3A_2659, %add3A_2660 : i32
      %lt3A = arith.constant 4 : i32
      %lt3A_2662 = arith.cmpi slt, %add3A_2661, %lt3A : i32
      %convert_element_type3A_2663 = arith.extui %lt3A_2662 : i1 to i32
      %cond3A_2664 = arith.constant 0 : i32
      %cond3A_2665 = arith.cmpi ne, %convert_element_type3A_2663, %cond3A_2664 : i32
      scf.if %cond3A_2665 {
        %add3A_2711 = arith.constant 1 : i32
        %add3A_2712 = arith.addi %add3A_2659, %add3A_2711 : i32
        %mul3A_2713 = arith.constant 256 : i32
        %mul3A_2714 = arith.muli %add3A_2712, %mul3A_2713 : i32
        %add3A_2715 = arith.addi %mul3A_784, %mul3A_2714 : i32
        %dma_start3A_2716 = arith.constant 0 : i32
        %dma_start3A_2717 = tpu.memref_slice %arg2[%add3A_2715, %dma_start3A_2716] : memref<32768x128xf32, #tpu.memory_space<hbm>> -> memref<256x128xf32, #tpu.memory_space<hbm>>
        %dma_start3A_2718 = arith.constant 0 : i32
        %dma_start3A_2719 = tpu.memref_slice %arg2[%add3A_2715, %dma_start3A_2718] : memref<32768x128xf32, #tpu.memory_space<hbm>> -> memref<256x128xf32, #tpu.memory_space<hbm>>
        tpu.enqueue_dma source(%dma_start3A_2719 : memref<256x128xf32, #tpu.memory_space<hbm>>) target(%arg6 : memref<256x128xf32, #tpu.memory_space<vmem>>) target_semaphore(%arg13 : memref<!tpu.dma_semaphore, #tpu.memory_space<semaphore_mem>>)
      } else {
      }
      %mul3A_2666 = arith.constant 256 : i32
      %mul3A_2667 = arith.muli %add3A_2659, %mul3A_2666 : i32
      %add3A_2668 = arith.addi %mul3A_784, %mul3A_2667 : i32
      %dma_wait3A = arith.constant 0 : i32
      %dma_wait3A_2669 = tpu.memref_slice %arg2[%add3A_2668, %dma_wait3A] : memref<32768x128xf32, #tpu.memory_space<hbm>> -> memref<256x128xf32, #tpu.memory_space<hbm>>
      %dma_wait3A_2670 = arith.constant 0 : i32
      %dma_wait3A_2671 = tpu.memref_slice %arg2[%add3A_2668, %dma_wait3A_2670] : memref<32768x128xf32, #tpu.memory_space<hbm>> -> memref<256x128xf32, #tpu.memory_space<hbm>>
      tpu.wait_dma2 semaphore(%arg12 : memref<!tpu.dma_semaphore, #tpu.memory_space<semaphore_mem>>) src(%dma_wait3A_2671 : memref<256x128xf32, #tpu.memory_space<hbm>>) dst(%arg5 : memref<256x128xf32, #tpu.memory_space<vmem>>)
      %mul3A_2672 = arith.constant 256 : i32
      %mul3A_2673 = arith.muli %add3A_2659, %mul3A_2672 : i32
      %add3A_2674 = arith.addi %mul3A_784, %mul3A_2673 : i32
      %scan3A_2675 = arith.constant 0 : i32
      %scan3A_2676 = arith.constant 0 : i32
      %scan3A_2677 = arith.constant 16 : i32
      %scan3A_2678 = arith.addi %scan3A_2676, %scan3A_2677 : i32
      %scan3A_2679 = arith.constant 1 : i32
      %scan3A_2680 = scf.for %scan3A_2711 = %scan3A_2676 to %scan3A_2678 step %scan3A_2679 iter_args(%scan3A_2712 = %scan3A_2675) -> (i32)  : i32 {
        %get3A_2713 = arith.index_cast %scan3A_2711 : i32 to index
        %get3A_2714 = tpu.vector_load %arg9[%get3A_2713] {strides = array<i32>} : memref<40xi32, #tpu.memory_space<vmem>>, vector<16xi32>,
        %get3A_2715 = vector.shape_cast %get3A_2714 : vector<16xi32> to vector<16xi32>
        %slice3A_2716 = vector.extract_strided_slice %get3A_2715 {offsets = [0], sizes = [1], strides = [1]} : vector<16xi32> to vector<1xi32>
        %squeeze3A_2717 = vector.extract %slice3A_2716[0] : i32 from vector<1xi32>
        %max3A_2718 = arith.maxsi %squeeze3A_2717, %add3A_2674 : i32
        %sub3A_2719 = arith.subi %max3A_2718, %add3A_2674 : i32
        %add3A_2720 = arith.constant 1 : i32
        %add3A_2721 = arith.addi %scan3A_2711, %add3A_2720 : i32
        %get3A_2722 = arith.index_cast %add3A_2721 : i32 to index
        %get3A_2723 = tpu.vector_load %arg9[%get3A_2722] {strides = array<i32>} : memref<40xi32, #tpu.memory_space<vmem>>, vector<16xi32>,
        %get3A_2724 = vector.shape_cast %get3A_2723 : vector<16xi32> to vector<16xi32>
        %slice3A_2725 = vector.extract_strided_slice %get3A_2724 {offsets = [0], sizes = [1], strides = [1]} : vector<16xi32> to vector<1xi32>
        %squeeze3A_2726 = vector.extract %slice3A_2725[0] : i32 from vector<1xi32>
        %add3A_2727 = arith.constant 256 : i32
        %add3A_2728 = arith.addi %add3A_2674, %add3A_2727 : i32
        %min3A = arith.minsi %squeeze3A_2726, %add3A_2728 : i32
        %sub3A_2729 = arith.subi %min3A, %add3A_2674 : i32
        %gt3A = arith.cmpi sgt, %sub3A_2729, %sub3A_2719 : i32
        %convert_element_type3A_2730 = arith.extui %gt3A : i1 to i32
        %cond3A_2731 = arith.constant 0 : i32
        %cond3A_2732 = arith.cmpi ne, %convert_element_type3A_2730, %cond3A_2731 : i32
        scf.if %cond3A_2732 {
          %parallel_loop3A = arith.constant 1 : i32
          %parallel_loop3A_2734:8 = scf.for %parallel_loop3A_2815 = %sub3A_2719 to %sub3A_2729 step %parallel_loop3A iter_args(%parallel_loop3A_2816 = %broadcast_in_dim3A_788, %parallel_loop3A_2817 = %broadcast_in_dim3A_790, %parallel_loop3A_2818 = %broadcast_in_dim3A_792, %parallel_loop3A_2819 = %broadcast_in_dim3A_794, %parallel_loop3A_2820 = %broadcast_in_dim3A_796, %parallel_loop3A_2821 = %broadcast_in_dim3A_798, %parallel_loop3A_2822 = %broadcast_in_dim3A_800, %parallel_loop3A_2823 = %broadcast_in_dim3A_802) -> (vector<16xf32>, vector<16xf32>, vector<16xf32>, vector<16xf32>, vector<16xf32>, vector<16xf32>, vector<16xf32>, vector<16xf32>)  : i32 {
            %parallel_loop3A_2824 = arith.index_cast %parallel_loop3A_2815 : i32 to index
            %parallel_loop3A_2825 = arith.constant 0 : index
            %parallel_loop3A_2826 = tpu.vector_load %arg5[%parallel_loop3A_2824, %parallel_loop3A_2825] {strides = array<i32>} : memref<256x128xf32, #tpu.memory_space<vmem>>, vector<1x16xf32>,
            %parallel_loop3A_2827 = vector.shape_cast %parallel_loop3A_2826 : vector<1x16xf32> to vector<16xf32>
            %parallel_loop3A_2828 = arith.addf %parallel_loop3A_2816, %parallel_loop3A_2827 : vector<16xf32>
            %parallel_loop3A_2829 = arith.index_cast %parallel_loop3A_2815 : i32 to index
            %parallel_loop3A_2830 = arith.constant 16 : index
            %parallel_loop3A_2831 = tpu.vector_load %arg5[%parallel_loop3A_2829, %parallel_loop3A_2830] {strides = array<i32>} : memref<256x128xf32, #tpu.memory_space<vmem>>, vector<1x16xf32>,
            %parallel_loop3A_2832 = vector.shape_cast %parallel_loop3A_2831 : vector<1x16xf32> to vector<16xf32>
            %parallel_loop3A_2833 = arith.addf %parallel_loop3A_2817, %parallel_loop3A_2832 : vector<16xf32>
            %parallel_loop3A_2834 = arith.index_cast %parallel_loop3A_2815 : i32 to index
            %parallel_loop3A_2835 = arith.constant 32 : index
            %parallel_loop3A_2836 = tpu.vector_load %arg5[%parallel_loop3A_2834, %parallel_loop3A_2835] {strides = array<i32>} : memref<256x128xf32, #tpu.memory_space<vmem>>, vector<1x16xf32>,
            %parallel_loop3A_2837 = vector.shape_cast %parallel_loop3A_2836 : vector<1x16xf32> to vector<16xf32>
            %parallel_loop3A_2838 = arith.addf %parallel_loop3A_2818, %parallel_loop3A_2837 : vector<16xf32>
            %parallel_loop3A_2839 = arith.index_cast %parallel_loop3A_2815 : i32 to index
            %parallel_loop3A_2840 = arith.constant 48 : index
            %parallel_loop3A_2841 = tpu.vector_load %arg5[%parallel_loop3A_2839, %parallel_loop3A_2840] {strides = array<i32>} : memref<256x128xf32, #tpu.memory_space<vmem>>, vector<1x16xf32>,
            %parallel_loop3A_2842 = vector.shape_cast %parallel_loop3A_2841 : vector<1x16xf32> to vector<16xf32>
            %parallel_loop3A_2843 = arith.addf %parallel_loop3A_2819, %parallel_loop3A_2842 : vector<16xf32>
            %parallel_loop3A_2844 = arith.index_cast %parallel_loop3A_2815 : i32 to index
            %parallel_loop3A_2845 = arith.constant 64 : index
            %parallel_loop3A_2846 = tpu.vector_load %arg5[%parallel_loop3A_2844, %parallel_loop3A_2845] {strides = array<i32>} : memref<256x128xf32, #tpu.memory_space<vmem>>, vector<1x16xf32>,
            %parallel_loop3A_2847 = vector.shape_cast %parallel_loop3A_2846 : vector<1x16xf32> to vector<16xf32>
            %parallel_loop3A_2848 = arith.addf %parallel_loop3A_2820, %parallel_loop3A_2847 : vector<16xf32>
            %parallel_loop3A_2849 = arith.index_cast %parallel_loop3A_2815 : i32 to index
            %parallel_loop3A_2850 = arith.constant 80 : index
            %parallel_loop3A_2851 = tpu.vector_load %arg5[%parallel_loop3A_2849, %parallel_loop3A_2850] {strides = array<i32>} : memref<256x128xf32, #tpu.memory_space<vmem>>, vector<1x16xf32>,
            %parallel_loop3A_2852 = vector.shape_cast %parallel_loop3A_2851 : vector<1x16xf32> to vector<16xf32>
            %parallel_loop3A_2853 = arith.addf %parallel_loop3A_2821, %parallel_loop3A_2852 : vector<16xf32>
            %parallel_loop3A_2854 = arith.index_cast %parallel_loop3A_2815 : i32 to index
            %parallel_loop3A_2855 = arith.constant 96 : index
            %parallel_loop3A_2856 = tpu.vector_load %arg5[%parallel_loop3A_2854, %parallel_loop3A_2855] {strides = array<i32>} : memref<256x128xf32, #tpu.memory_space<vmem>>, vector<1x16xf32>,
            %parallel_loop3A_2857 = vector.shape_cast %parallel_loop3A_2856 : vector<1x16xf32> to vector<16xf32>
            %parallel_loop3A_2858 = arith.addf %parallel_loop3A_2822, %parallel_loop3A_2857 : vector<16xf32>
            %parallel_loop3A_2859 = arith.index_cast %parallel_loop3A_2815 : i32 to index
            %parallel_loop3A_2860 = arith.constant 112 : index
            %parallel_loop3A_2861 = tpu.vector_load %arg5[%parallel_loop3A_2859, %parallel_loop3A_2860] {strides = array<i32>} : memref<256x128xf32, #tpu.memory_space<vmem>>, vector<1x16xf32>,
            %parallel_loop3A_2862 = vector.shape_cast %parallel_loop3A_2861 : vector<1x16xf32> to vector<16xf32>
            %parallel_loop3A_2863 = arith.addf %parallel_loop3A_2823, %parallel_loop3A_2862 : vector<16xf32>
            scf.yield %parallel_loop3A_2828, %parallel_loop3A_2833, %parallel_loop3A_2838, %parallel_loop3A_2843, %parallel_loop3A_2848, %parallel_loop3A_2853, %parallel_loop3A_2858, %parallel_loop3A_2863 : vector<16xf32>, vector<16xf32>, vector<16xf32>, vector<16xf32>, vector<16xf32>, vector<16xf32>, vector<16xf32>, vector<16xf32>
          } {sc.loop_unroll_factor = 4 : i64, sc.parallel_access}
          %get3A_2735 = arith.index_cast %scan3A_2711 : i32 to index
          %get3A_2736 = arith.constant 0 : index
          %get3A_2737 = tpu.vector_load %arg7[%get3A_2735, %get3A_2736] {strides = array<i32>} : memref<16x128xf32, #tpu.memory_space<vmem>>, vector<1x16xf32>,
          %get3A_2738 = vector.shape_cast %get3A_2737 : vector<1x16xf32> to vector<16xf32>
          %add3A_2739 = arith.addf %get3A_2738, %parallel_loop3A_2734#0 : vector<16xf32>
          %swap3A_2740 = arith.index_cast %scan3A_2711 : i32 to index
          %swap3A_2741 = arith.constant 0 : index
          %swap3A_2742 = tpu.vector_load %arg7[%swap3A_2740, %swap3A_2741] {strides = array<i32>} : memref<16x128xf32, #tpu.memory_space<vmem>>, vector<1x16xf32>,
          %swap3A_2743 = vector.shape_cast %swap3A_2742 : vector<1x16xf32> to vector<16xf32>
          %swap3A_2744 = vector.shape_cast %add3A_2739 : vector<16xf32> to vector<1x16xf32>
          tpu.vector_store %arg7[%swap3A_2740, %swap3A_2741], %swap3A_2744 {strides = array<i32>} : memref<16x128xf32, #tpu.memory_space<vmem>>, vector<1x16xf32>,
          %get3A_2745 = arith.index_cast %scan3A_2711 : i32 to index
          %get3A_2746 = arith.constant 16 : index
          %get3A_2747 = tpu.vector_load %arg7[%get3A_2745, %get3A_2746] {strides = array<i32>} : memref<16x128xf32, #tpu.memory_space<vmem>>, vector<1x16xf32>,
          %get3A_2748 = vector.shape_cast %get3A_2747 : vector<1x16xf32> to vector<16xf32>
          %add3A_2749 = arith.addf %get3A_2748, %parallel_loop3A_2734#1 : vector<16xf32>
          %swap3A_2750 = arith.index_cast %scan3A_2711 : i32 to index
          %swap3A_2751 = arith.constant 16 : index
          %swap3A_2752 = tpu.vector_load %arg7[%swap3A_2750, %swap3A_2751] {strides = array<i32>} : memref<16x128xf32, #tpu.memory_space<vmem>>, vector<1x16xf32>,
          %swap3A_2753 = vector.shape_cast %swap3A_2752 : vector<1x16xf32> to vector<16xf32>
          %swap3A_2754 = vector.shape_cast %add3A_2749 : vector<16xf32> to vector<1x16xf32>
          tpu.vector_store %arg7[%swap3A_2750, %swap3A_2751], %swap3A_2754 {strides = array<i32>} : memref<16x128xf32, #tpu.memory_space<vmem>>, vector<1x16xf32>,
          %get3A_2755 = arith.index_cast %scan3A_2711 : i32 to index
          %get3A_2756 = arith.constant 32 : index
          %get3A_2757 = tpu.vector_load %arg7[%get3A_2755, %get3A_2756] {strides = array<i32>} : memref<16x128xf32, #tpu.memory_space<vmem>>, vector<1x16xf32>,
          %get3A_2758 = vector.shape_cast %get3A_2757 : vector<1x16xf32> to vector<16xf32>
          %add3A_2759 = arith.addf %get3A_2758, %parallel_loop3A_2734#2 : vector<16xf32>
          %swap3A_2760 = arith.index_cast %scan3A_2711 : i32 to index
          %swap3A_2761 = arith.constant 32 : index
          %swap3A_2762 = tpu.vector_load %arg7[%swap3A_2760, %swap3A_2761] {strides = array<i32>} : memref<16x128xf32, #tpu.memory_space<vmem>>, vector<1x16xf32>,
          %swap3A_2763 = vector.shape_cast %swap3A_2762 : vector<1x16xf32> to vector<16xf32>
          %swap3A_2764 = vector.shape_cast %add3A_2759 : vector<16xf32> to vector<1x16xf32>
          tpu.vector_store %arg7[%swap3A_2760, %swap3A_2761], %swap3A_2764 {strides = array<i32>} : memref<16x128xf32, #tpu.memory_space<vmem>>, vector<1x16xf32>,
          %get3A_2765 = arith.index_cast %scan3A_2711 : i32 to index
          %get3A_2766 = arith.constant 48 : index
          %get3A_2767 = tpu.vector_load %arg7[%get3A_2765, %get3A_2766] {strides = array<i32>} : memref<16x128xf32, #tpu.memory_space<vmem>>, vector<1x16xf32>,
          %get3A_2768 = vector.shape_cast %get3A_2767 : vector<1x16xf32> to vector<16xf32>
          %add3A_2769 = arith.addf %get3A_2768, %parallel_loop3A_2734#3 : vector<16xf32>
          %swap3A_2770 = arith.index_cast %scan3A_2711 : i32 to index
          %swap3A_2771 = arith.constant 48 : index
          %swap3A_2772 = tpu.vector_load %arg7[%swap3A_2770, %swap3A_2771] {strides = array<i32>} : memref<16x128xf32, #tpu.memory_space<vmem>>, vector<1x16xf32>,
          %swap3A_2773 = vector.shape_cast %swap3A_2772 : vector<1x16xf32> to vector<16xf32>
          %swap3A_2774 = vector.shape_cast %add3A_2769 : vector<16xf32> to vector<1x16xf32>
          tpu.vector_store %arg7[%swap3A_2770, %swap3A_2771], %swap3A_2774 {strides = array<i32>} : memref<16x128xf32, #tpu.memory_space<vmem>>, vector<1x16xf32>,
          %get3A_2775 = arith.index_cast %scan3A_2711 : i32 to index
          %get3A_2776 = arith.constant 64 : index
          %get3A_2777 = tpu.vector_load %arg7[%get3A_2775, %get3A_2776] {strides = array<i32>} : memref<16x128xf32, #tpu.memory_space<vmem>>, vector<1x16xf32>,
          %get3A_2778 = vector.shape_cast %get3A_2777 : vector<1x16xf32> to vector<16xf32>
          %add3A_2779 = arith.addf %get3A_2778, %parallel_loop3A_2734#4 : vector<16xf32>
          %swap3A_2780 = arith.index_cast %scan3A_2711 : i32 to index
          %swap3A_2781 = arith.constant 64 : index
          %swap3A_2782 = tpu.vector_load %arg7[%swap3A_2780, %swap3A_2781] {strides = array<i32>} : memref<16x128xf32, #tpu.memory_space<vmem>>, vector<1x16xf32>,
          %swap3A_2783 = vector.shape_cast %swap3A_2782 : vector<1x16xf32> to vector<16xf32>
          %swap3A_2784 = vector.shape_cast %add3A_2779 : vector<16xf32> to vector<1x16xf32>
          tpu.vector_store %arg7[%swap3A_2780, %swap3A_2781], %swap3A_2784 {strides = array<i32>} : memref<16x128xf32, #tpu.memory_space<vmem>>, vector<1x16xf32>,
          %get3A_2785 = arith.index_cast %scan3A_2711 : i32 to index
          %get3A_2786 = arith.constant 80 : index
          %get3A_2787 = tpu.vector_load %arg7[%get3A_2785, %get3A_2786] {strides = array<i32>} : memref<16x128xf32, #tpu.memory_space<vmem>>, vector<1x16xf32>,
          %get3A_2788 = vector.shape_cast %get3A_2787 : vector<1x16xf32> to vector<16xf32>
          %add3A_2789 = arith.addf %get3A_2788, %parallel_loop3A_2734#5 : vector<16xf32>
          %swap3A_2790 = arith.index_cast %scan3A_2711 : i32 to index
          %swap3A_2791 = arith.constant 80 : index
          %swap3A_2792 = tpu.vector_load %arg7[%swap3A_2790, %swap3A_2791] {strides = array<i32>} : memref<16x128xf32, #tpu.memory_space<vmem>>, vector<1x16xf32>,
          %swap3A_2793 = vector.shape_cast %swap3A_2792 : vector<1x16xf32> to vector<16xf32>
          %swap3A_2794 = vector.shape_cast %add3A_2789 : vector<16xf32> to vector<1x16xf32>
          tpu.vector_store %arg7[%swap3A_2790, %swap3A_2791], %swap3A_2794 {strides = array<i32>} : memref<16x128xf32, #tpu.memory_space<vmem>>, vector<1x16xf32>,
          %get3A_2795 = arith.index_cast %scan3A_2711 : i32 to index
          %get3A_2796 = arith.constant 96 : index
          %get3A_2797 = tpu.vector_load %arg7[%get3A_2795, %get3A_2796] {strides = array<i32>} : memref<16x128xf32, #tpu.memory_space<vmem>>, vector<1x16xf32>,
          %get3A_2798 = vector.shape_cast %get3A_2797 : vector<1x16xf32> to vector<16xf32>
          %add3A_2799 = arith.addf %get3A_2798, %parallel_loop3A_2734#6 : vector<16xf32>
          %swap3A_2800 = arith.index_cast %scan3A_2711 : i32 to index
          %swap3A_2801 = arith.constant 96 : index
          %swap3A_2802 = tpu.vector_load %arg7[%swap3A_2800, %swap3A_2801] {strides = array<i32>} : memref<16x128xf32, #tpu.memory_space<vmem>>, vector<1x16xf32>,
          %swap3A_2803 = vector.shape_cast %swap3A_2802 : vector<1x16xf32> to vector<16xf32>
          %swap3A_2804 = vector.shape_cast %add3A_2799 : vector<16xf32> to vector<1x16xf32>
          tpu.vector_store %arg7[%swap3A_2800, %swap3A_2801], %swap3A_2804 {strides = array<i32>} : memref<16x128xf32, #tpu.memory_space<vmem>>, vector<1x16xf32>,
          %get3A_2805 = arith.index_cast %scan3A_2711 : i32 to index
          %get3A_2806 = arith.constant 112 : index
          %get3A_2807 = tpu.vector_load %arg7[%get3A_2805, %get3A_2806] {strides = array<i32>} : memref<16x128xf32, #tpu.memory_space<vmem>>, vector<1x16xf32>,
          %get3A_2808 = vector.shape_cast %get3A_2807 : vector<1x16xf32> to vector<16xf32>
          %add3A_2809 = arith.addf %get3A_2808, %parallel_loop3A_2734#7 : vector<16xf32>
          %swap3A_2810 = arith.index_cast %scan3A_2711 : i32 to index
          %swap3A_2811 = arith.constant 112 : index
          %swap3A_2812 = tpu.vector_load %arg7[%swap3A_2810, %swap3A_2811] {strides = array<i32>} : memref<16x128xf32, #tpu.memory_space<vmem>>, vector<1x16xf32>,
          %swap3A_2813 = vector.shape_cast %swap3A_2812 : vector<1x16xf32> to vector<16xf32>
          %swap3A_2814 = vector.shape_cast %add3A_2809 : vector<16xf32> to vector<1x16xf32>
          tpu.vector_store %arg7[%swap3A_2810, %swap3A_2811], %swap3A_2814 {strides = array<i32>} : memref<16x128xf32, #tpu.memory_space<vmem>>, vector<1x16xf32>,
        } else {
        }
        %scan3A_2733 = arith.constant 0 : i32
        scf.yield %scan3A_2733 : i32
      }
      %scan3A_2681 = arith.constant 16 : i32
      %mul3A_2682 = arith.constant 2 : i32
      %mul3A_2683 = arith.muli %scan3A_2654, %mul3A_2682 : i32
      %add3A_2684 = arith.constant 1 : i32
      %add3A_2685 = arith.addi %mul3A_2683, %add3A_2684 : i32
      %add3A_2686 = arith.constant 1 : i32
      %add3A_2687 = arith.addi %add3A_2685, %add3A_2686 : i32
      %lt3A_2688 = arith.constant 4 : i32
      %lt3A_2689 = arith.cmpi slt, %add3A_2687, %lt3A_2688 : i32
      %convert_element_type3A_2690 = arith.extui %lt3A_2689 : i1 to i32
      %cond3A_2691 = arith.constant 0 : i32
      %cond3A_2692 = arith.cmpi ne, %convert_element_type3A_2690, %cond3A_2691 : i32
      scf.if %cond3A_2692 {
        %add3A_2711 = arith.constant 1 : i32
        %add3A_2712 = arith.addi %add3A_2685, %add3A_2711 : i32
        %mul3A_2713 = arith.constant 256 : i32
        %mul3A_2714 = arith.muli %add3A_2712, %mul3A_2713 : i32
        %add3A_2715 = arith.addi %mul3A_784, %mul3A_2714 : i32
        %dma_start3A_2716 = arith.constant 0 : i32
        %dma_start3A_2717 = tpu.memref_slice %arg2[%add3A_2715, %dma_start3A_2716] : memref<32768x128xf32, #tpu.memory_space<hbm>> -> memref<256x128xf32, #tpu.memory_space<hbm>>
        %dma_start3A_2718 = arith.constant 0 : i32
        %dma_start3A_2719 = tpu.memref_slice %arg2[%add3A_2715, %dma_start3A_2718] : memref<32768x128xf32, #tpu.memory_space<hbm>> -> memref<256x128xf32, #tpu.memory_space<hbm>>
        tpu.enqueue_dma source(%dma_start3A_2719 : memref<256x128xf32, #tpu.memory_space<hbm>>) target(%arg5 : memref<256x128xf32, #tpu.memory_space<vmem>>) target_semaphore(%arg12 : memref<!tpu.dma_semaphore, #tpu.memory_space<semaphore_mem>>)
      } else {
      }
      %mul3A_2693 = arith.constant 256 : i32
      %mul3A_2694 = arith.muli %add3A_2685, %mul3A_2693 : i32
      %add3A_2695 = arith.addi %mul3A_784, %mul3A_2694 : i32
      %dma_wait3A_2696 = arith.constant 0 : i32
      %dma_wait3A_2697 = tpu.memref_slice %arg2[%add3A_2695, %dma_wait3A_2696] : memref<32768x128xf32, #tpu.memory_space<hbm>> -> memref<256x128xf32, #tpu.memory_space<hbm>>
      %dma_wait3A_2698 = arith.constant 0 : i32
      %dma_wait3A_2699 = tpu.memref_slice %arg2[%add3A_2695, %dma_wait3A_2698] : memref<32768x128xf32, #tpu.memory_space<hbm>> -> memref<256x128xf32, #tpu.memory_space<hbm>>
      tpu.wait_dma2 semaphore(%arg13 : memref<!tpu.dma_semaphore, #tpu.memory_space<semaphore_mem>>) src(%dma_wait3A_2699 : memref<256x128xf32, #tpu.memory_space<hbm>>) dst(%arg6 : memref<256x128xf32, #tpu.memory_space<vmem>>)
      %mul3A_2700 = arith.constant 256 : i32
      %mul3A_2701 = arith.muli %add3A_2685, %mul3A_2700 : i32
      %add3A_2702 = arith.addi %mul3A_784, %mul3A_2701 : i32
      %scan3A_2703 = arith.constant 0 : i32
      %scan3A_2704 = arith.constant 0 : i32
      %scan3A_2705 = arith.constant 16 : i32
      %scan3A_2706 = arith.addi %scan3A_2704, %scan3A_2705 : i32
      %scan3A_2707 = arith.constant 1 : i32
      %scan3A_2708 = scf.for %scan3A_2711 = %scan3A_2704 to %scan3A_2706 step %scan3A_2707 iter_args(%scan3A_2712 = %scan3A_2703) -> (i32)  : i32 {
        %get3A_2713 = arith.index_cast %scan3A_2711 : i32 to index
        %get3A_2714 = tpu.vector_load %arg9[%get3A_2713] {strides = array<i32>} : memref<40xi32, #tpu.memory_space<vmem>>, vector<16xi32>,
        %get3A_2715 = vector.shape_cast %get3A_2714 : vector<16xi32> to vector<16xi32>
        %slice3A_2716 = vector.extract_strided_slice %get3A_2715 {offsets = [0], sizes = [1], strides = [1]} : vector<16xi32> to vector<1xi32>
        %squeeze3A_2717 = vector.extract %slice3A_2716[0] : i32 from vector<1xi32>
        %max3A_2718 = arith.maxsi %squeeze3A_2717, %add3A_2702 : i32
        %sub3A_2719 = arith.subi %max3A_2718, %add3A_2702 : i32
        %add3A_2720 = arith.constant 1 : i32
        %add3A_2721 = arith.addi %scan3A_2711, %add3A_2720 : i32
        %get3A_2722 = arith.index_cast %add3A_2721 : i32 to index
        %get3A_2723 = tpu.vector_load %arg9[%get3A_2722] {strides = array<i32>} : memref<40xi32, #tpu.memory_space<vmem>>, vector<16xi32>,
        %get3A_2724 = vector.shape_cast %get3A_2723 : vector<16xi32> to vector<16xi32>
        %slice3A_2725 = vector.extract_strided_slice %get3A_2724 {offsets = [0], sizes = [1], strides = [1]} : vector<16xi32> to vector<1xi32>
        %squeeze3A_2726 = vector.extract %slice3A_2725[0] : i32 from vector<1xi32>
        %add3A_2727 = arith.constant 256 : i32
        %add3A_2728 = arith.addi %add3A_2702, %add3A_2727 : i32
        %min3A = arith.minsi %squeeze3A_2726, %add3A_2728 : i32
        %sub3A_2729 = arith.subi %min3A, %add3A_2702 : i32
        %gt3A = arith.cmpi sgt, %sub3A_2729, %sub3A_2719 : i32
        %convert_element_type3A_2730 = arith.extui %gt3A : i1 to i32
        %cond3A_2731 = arith.constant 0 : i32
        %cond3A_2732 = arith.cmpi ne, %convert_element_type3A_2730, %cond3A_2731 : i32
        scf.if %cond3A_2732 {
          %parallel_loop3A = arith.constant 1 : i32
          %parallel_loop3A_2734:8 = scf.for %parallel_loop3A_2815 = %sub3A_2719 to %sub3A_2729 step %parallel_loop3A iter_args(%parallel_loop3A_2816 = %broadcast_in_dim3A_788, %parallel_loop3A_2817 = %broadcast_in_dim3A_790, %parallel_loop3A_2818 = %broadcast_in_dim3A_792, %parallel_loop3A_2819 = %broadcast_in_dim3A_794, %parallel_loop3A_2820 = %broadcast_in_dim3A_796, %parallel_loop3A_2821 = %broadcast_in_dim3A_798, %parallel_loop3A_2822 = %broadcast_in_dim3A_800, %parallel_loop3A_2823 = %broadcast_in_dim3A_802) -> (vector<16xf32>, vector<16xf32>, vector<16xf32>, vector<16xf32>, vector<16xf32>, vector<16xf32>, vector<16xf32>, vector<16xf32>)  : i32 {
            %parallel_loop3A_2824 = arith.index_cast %parallel_loop3A_2815 : i32 to index
            %parallel_loop3A_2825 = arith.constant 0 : index
            %parallel_loop3A_2826 = tpu.vector_load %arg6[%parallel_loop3A_2824, %parallel_loop3A_2825] {strides = array<i32>} : memref<256x128xf32, #tpu.memory_space<vmem>>, vector<1x16xf32>,
            %parallel_loop3A_2827 = vector.shape_cast %parallel_loop3A_2826 : vector<1x16xf32> to vector<16xf32>
            %parallel_loop3A_2828 = arith.addf %parallel_loop3A_2816, %parallel_loop3A_2827 : vector<16xf32>
            %parallel_loop3A_2829 = arith.index_cast %parallel_loop3A_2815 : i32 to index
            %parallel_loop3A_2830 = arith.constant 16 : index
            %parallel_loop3A_2831 = tpu.vector_load %arg6[%parallel_loop3A_2829, %parallel_loop3A_2830] {strides = array<i32>} : memref<256x128xf32, #tpu.memory_space<vmem>>, vector<1x16xf32>,
            %parallel_loop3A_2832 = vector.shape_cast %parallel_loop3A_2831 : vector<1x16xf32> to vector<16xf32>
            %parallel_loop3A_2833 = arith.addf %parallel_loop3A_2817, %parallel_loop3A_2832 : vector<16xf32>
            %parallel_loop3A_2834 = arith.index_cast %parallel_loop3A_2815 : i32 to index
            %parallel_loop3A_2835 = arith.constant 32 : index
            %parallel_loop3A_2836 = tpu.vector_load %arg6[%parallel_loop3A_2834, %parallel_loop3A_2835] {strides = array<i32>} : memref<256x128xf32, #tpu.memory_space<vmem>>, vector<1x16xf32>,
            %parallel_loop3A_2837 = vector.shape_cast %parallel_loop3A_2836 : vector<1x16xf32> to vector<16xf32>
            %parallel_loop3A_2838 = arith.addf %parallel_loop3A_2818, %parallel_loop3A_2837 : vector<16xf32>
            %parallel_loop3A_2839 = arith.index_cast %parallel_loop3A_2815 : i32 to index
            %parallel_loop3A_2840 = arith.constant 48 : index
            %parallel_loop3A_2841 = tpu.vector_load %arg6[%parallel_loop3A_2839, %parallel_loop3A_2840] {strides = array<i32>} : memref<256x128xf32, #tpu.memory_space<vmem>>, vector<1x16xf32>,
            %parallel_loop3A_2842 = vector.shape_cast %parallel_loop3A_2841 : vector<1x16xf32> to vector<16xf32>
            %parallel_loop3A_2843 = arith.addf %parallel_loop3A_2819, %parallel_loop3A_2842 : vector<16xf32>
            %parallel_loop3A_2844 = arith.index_cast %parallel_loop3A_2815 : i32 to index
            %parallel_loop3A_2845 = arith.constant 64 : index
            %parallel_loop3A_2846 = tpu.vector_load %arg6[%parallel_loop3A_2844, %parallel_loop3A_2845] {strides = array<i32>} : memref<256x128xf32, #tpu.memory_space<vmem>>, vector<1x16xf32>,
            %parallel_loop3A_2847 = vector.shape_cast %parallel_loop3A_2846 : vector<1x16xf32> to vector<16xf32>
            %parallel_loop3A_2848 = arith.addf %parallel_loop3A_2820, %parallel_loop3A_2847 : vector<16xf32>
            %parallel_loop3A_2849 = arith.index_cast %parallel_loop3A_2815 : i32 to index
            %parallel_loop3A_2850 = arith.constant 80 : index
            %parallel_loop3A_2851 = tpu.vector_load %arg6[%parallel_loop3A_2849, %parallel_loop3A_2850] {strides = array<i32>} : memref<256x128xf32, #tpu.memory_space<vmem>>, vector<1x16xf32>,
            %parallel_loop3A_2852 = vector.shape_cast %parallel_loop3A_2851 : vector<1x16xf32> to vector<16xf32>
            %parallel_loop3A_2853 = arith.addf %parallel_loop3A_2821, %parallel_loop3A_2852 : vector<16xf32>
            %parallel_loop3A_2854 = arith.index_cast %parallel_loop3A_2815 : i32 to index
            %parallel_loop3A_2855 = arith.constant 96 : index
            %parallel_loop3A_2856 = tpu.vector_load %arg6[%parallel_loop3A_2854, %parallel_loop3A_2855] {strides = array<i32>} : memref<256x128xf32, #tpu.memory_space<vmem>>, vector<1x16xf32>,
            %parallel_loop3A_2857 = vector.shape_cast %parallel_loop3A_2856 : vector<1x16xf32> to vector<16xf32>
            %parallel_loop3A_2858 = arith.addf %parallel_loop3A_2822, %parallel_loop3A_2857 : vector<16xf32>
            %parallel_loop3A_2859 = arith.index_cast %parallel_loop3A_2815 : i32 to index
            %parallel_loop3A_2860 = arith.constant 112 : index
            %parallel_loop3A_2861 = tpu.vector_load %arg6[%parallel_loop3A_2859, %parallel_loop3A_2860] {strides = array<i32>} : memref<256x128xf32, #tpu.memory_space<vmem>>, vector<1x16xf32>,
            %parallel_loop3A_2862 = vector.shape_cast %parallel_loop3A_2861 : vector<1x16xf32> to vector<16xf32>
            %parallel_loop3A_2863 = arith.addf %parallel_loop3A_2823, %parallel_loop3A_2862 : vector<16xf32>
            scf.yield %parallel_loop3A_2828, %parallel_loop3A_2833, %parallel_loop3A_2838, %parallel_loop3A_2843, %parallel_loop3A_2848, %parallel_loop3A_2853, %parallel_loop3A_2858, %parallel_loop3A_2863 : vector<16xf32>, vector<16xf32>, vector<16xf32>, vector<16xf32>, vector<16xf32>, vector<16xf32>, vector<16xf32>, vector<16xf32>
          } {sc.loop_unroll_factor = 4 : i64, sc.parallel_access}
          %get3A_2735 = arith.index_cast %scan3A_2711 : i32 to index
          %get3A_2736 = arith.constant 0 : index
          %get3A_2737 = tpu.vector_load %arg7[%get3A_2735, %get3A_2736] {strides = array<i32>} : memref<16x128xf32, #tpu.memory_space<vmem>>, vector<1x16xf32>,
          %get3A_2738 = vector.shape_cast %get3A_2737 : vector<1x16xf32> to vector<16xf32>
          %add3A_2739 = arith.addf %get3A_2738, %parallel_loop3A_2734#0 : vector<16xf32>
          %swap3A_2740 = arith.index_cast %scan3A_2711 : i32 to index
          %swap3A_2741 = arith.constant 0 : index
          %swap3A_2742 = tpu.vector_load %arg7[%swap3A_2740, %swap3A_2741] {strides = array<i32>} : memref<16x128xf32, #tpu.memory_space<vmem>>, vector<1x16xf32>,
          %swap3A_2743 = vector.shape_cast %swap3A_2742 : vector<1x16xf32> to vector<16xf32>
          %swap3A_2744 = vector.shape_cast %add3A_2739 : vector<16xf32> to vector<1x16xf32>
          tpu.vector_store %arg7[%swap3A_2740, %swap3A_2741], %swap3A_2744 {strides = array<i32>} : memref<16x128xf32, #tpu.memory_space<vmem>>, vector<1x16xf32>,
          %get3A_2745 = arith.index_cast %scan3A_2711 : i32 to index
          %get3A_2746 = arith.constant 16 : index
          %get3A_2747 = tpu.vector_load %arg7[%get3A_2745, %get3A_2746] {strides = array<i32>} : memref<16x128xf32, #tpu.memory_space<vmem>>, vector<1x16xf32>,
          %get3A_2748 = vector.shape_cast %get3A_2747 : vector<1x16xf32> to vector<16xf32>
          %add3A_2749 = arith.addf %get3A_2748, %parallel_loop3A_2734#1 : vector<16xf32>
          %swap3A_2750 = arith.index_cast %scan3A_2711 : i32 to index
          %swap3A_2751 = arith.constant 16 : index
          %swap3A_2752 = tpu.vector_load %arg7[%swap3A_2750, %swap3A_2751] {strides = array<i32>} : memref<16x128xf32, #tpu.memory_space<vmem>>, vector<1x16xf32>,
          %swap3A_2753 = vector.shape_cast %swap3A_2752 : vector<1x16xf32> to vector<16xf32>
          %swap3A_2754 = vector.shape_cast %add3A_2749 : vector<16xf32> to vector<1x16xf32>
          tpu.vector_store %arg7[%swap3A_2750, %swap3A_2751], %swap3A_2754 {strides = array<i32>} : memref<16x128xf32, #tpu.memory_space<vmem>>, vector<1x16xf32>,
          %get3A_2755 = arith.index_cast %scan3A_2711 : i32 to index
          %get3A_2756 = arith.constant 32 : index
          %get3A_2757 = tpu.vector_load %arg7[%get3A_2755, %get3A_2756] {strides = array<i32>} : memref<16x128xf32, #tpu.memory_space<vmem>>, vector<1x16xf32>,
          %get3A_2758 = vector.shape_cast %get3A_2757 : vector<1x16xf32> to vector<16xf32>
          %add3A_2759 = arith.addf %get3A_2758, %parallel_loop3A_2734#2 : vector<16xf32>
          %swap3A_2760 = arith.index_cast %scan3A_2711 : i32 to index
          %swap3A_2761 = arith.constant 32 : index
          %swap3A_2762 = tpu.vector_load %arg7[%swap3A_2760, %swap3A_2761] {strides = array<i32>} : memref<16x128xf32, #tpu.memory_space<vmem>>, vector<1x16xf32>,
          %swap3A_2763 = vector.shape_cast %swap3A_2762 : vector<1x16xf32> to vector<16xf32>
          %swap3A_2764 = vector.shape_cast %add3A_2759 : vector<16xf32> to vector<1x16xf32>
          tpu.vector_store %arg7[%swap3A_2760, %swap3A_2761], %swap3A_2764 {strides = array<i32>} : memref<16x128xf32, #tpu.memory_space<vmem>>, vector<1x16xf32>,
          %get3A_2765 = arith.index_cast %scan3A_2711 : i32 to index
          %get3A_2766 = arith.constant 48 : index
          %get3A_2767 = tpu.vector_load %arg7[%get3A_2765, %get3A_2766] {strides = array<i32>} : memref<16x128xf32, #tpu.memory_space<vmem>>, vector<1x16xf32>,
          %get3A_2768 = vector.shape_cast %get3A_2767 : vector<1x16xf32> to vector<16xf32>
          %add3A_2769 = arith.addf %get3A_2768, %parallel_loop3A_2734#3 : vector<16xf32>
          %swap3A_2770 = arith.index_cast %scan3A_2711 : i32 to index
          %swap3A_2771 = arith.constant 48 : index
          %swap3A_2772 = tpu.vector_load %arg7[%swap3A_2770, %swap3A_2771] {strides = array<i32>} : memref<16x128xf32, #tpu.memory_space<vmem>>, vector<1x16xf32>,
          %swap3A_2773 = vector.shape_cast %swap3A_2772 : vector<1x16xf32> to vector<16xf32>
          %swap3A_2774 = vector.shape_cast %add3A_2769 : vector<16xf32> to vector<1x16xf32>
          tpu.vector_store %arg7[%swap3A_2770, %swap3A_2771], %swap3A_2774 {strides = array<i32>} : memref<16x128xf32, #tpu.memory_space<vmem>>, vector<1x16xf32>,
          %get3A_2775 = arith.index_cast %scan3A_2711 : i32 to index
          %get3A_2776 = arith.constant 64 : index
          %get3A_2777 = tpu.vector_load %arg7[%get3A_2775, %get3A_2776] {strides = array<i32>} : memref<16x128xf32, #tpu.memory_space<vmem>>, vector<1x16xf32>,
          %get3A_2778 = vector.shape_cast %get3A_2777 : vector<1x16xf32> to vector<16xf32>
          %add3A_2779 = arith.addf %get3A_2778, %parallel_loop3A_2734#4 : vector<16xf32>
          %swap3A_2780 = arith.index_cast %scan3A_2711 : i32 to index
          %swap3A_2781 = arith.constant 64 : index
          %swap3A_2782 = tpu.vector_load %arg7[%swap3A_2780, %swap3A_2781] {strides = array<i32>} : memref<16x128xf32, #tpu.memory_space<vmem>>, vector<1x16xf32>,
          %swap3A_2783 = vector.shape_cast %swap3A_2782 : vector<1x16xf32> to vector<16xf32>
          %swap3A_2784 = vector.shape_cast %add3A_2779 : vector<16xf32> to vector<1x16xf32>
          tpu.vector_store %arg7[%swap3A_2780, %swap3A_2781], %swap3A_2784 {strides = array<i32>} : memref<16x128xf32, #tpu.memory_space<vmem>>, vector<1x16xf32>,
          %get3A_2785 = arith.index_cast %scan3A_2711 : i32 to index
          %get3A_2786 = arith.constant 80 : index
          %get3A_2787 = tpu.vector_load %arg7[%get3A_2785, %get3A_2786] {strides = array<i32>} : memref<16x128xf32, #tpu.memory_space<vmem>>, vector<1x16xf32>,
          %get3A_2788 = vector.shape_cast %get3A_2787 : vector<1x16xf32> to vector<16xf32>
          %add3A_2789 = arith.addf %get3A_2788, %parallel_loop3A_2734#5 : vector<16xf32>
          %swap3A_2790 = arith.index_cast %scan3A_2711 : i32 to index
          %swap3A_2791 = arith.constant 80 : index
          %swap3A_2792 = tpu.vector_load %arg7[%swap3A_2790, %swap3A_2791] {strides = array<i32>} : memref<16x128xf32, #tpu.memory_space<vmem>>, vector<1x16xf32>,
          %swap3A_2793 = vector.shape_cast %swap3A_2792 : vector<1x16xf32> to vector<16xf32>
          %swap3A_2794 = vector.shape_cast %add3A_2789 : vector<16xf32> to vector<1x16xf32>
          tpu.vector_store %arg7[%swap3A_2790, %swap3A_2791], %swap3A_2794 {strides = array<i32>} : memref<16x128xf32, #tpu.memory_space<vmem>>, vector<1x16xf32>,
          %get3A_2795 = arith.index_cast %scan3A_2711 : i32 to index
          %get3A_2796 = arith.constant 96 : index
          %get3A_2797 = tpu.vector_load %arg7[%get3A_2795, %get3A_2796] {strides = array<i32>} : memref<16x128xf32, #tpu.memory_space<vmem>>, vector<1x16xf32>,
          %get3A_2798 = vector.shape_cast %get3A_2797 : vector<1x16xf32> to vector<16xf32>
          %add3A_2799 = arith.addf %get3A_2798, %parallel_loop3A_2734#6 : vector<16xf32>
          %swap3A_2800 = arith.index_cast %scan3A_2711 : i32 to index
          %swap3A_2801 = arith.constant 96 : index
          %swap3A_2802 = tpu.vector_load %arg7[%swap3A_2800, %swap3A_2801] {strides = array<i32>} : memref<16x128xf32, #tpu.memory_space<vmem>>, vector<1x16xf32>,
          %swap3A_2803 = vector.shape_cast %swap3A_2802 : vector<1x16xf32> to vector<16xf32>
          %swap3A_2804 = vector.shape_cast %add3A_2799 : vector<16xf32> to vector<1x16xf32>
          tpu.vector_store %arg7[%swap3A_2800, %swap3A_2801], %swap3A_2804 {strides = array<i32>} : memref<16x128xf32, #tpu.memory_space<vmem>>, vector<1x16xf32>,
          %get3A_2805 = arith.index_cast %scan3A_2711 : i32 to index
          %get3A_2806 = arith.constant 112 : index
          %get3A_2807 = tpu.vector_load %arg7[%get3A_2805, %get3A_2806] {strides = array<i32>} : memref<16x128xf32, #tpu.memory_space<vmem>>, vector<1x16xf32>,
          %get3A_2808 = vector.shape_cast %get3A_2807 : vector<1x16xf32> to vector<16xf32>
          %add3A_2809 = arith.addf %get3A_2808, %parallel_loop3A_2734#7 : vector<16xf32>
          %swap3A_2810 = arith.index_cast %scan3A_2711 : i32 to index
          %swap3A_2811 = arith.constant 112 : index
          %swap3A_2812 = tpu.vector_load %arg7[%swap3A_2810, %swap3A_2811] {strides = array<i32>} : memref<16x128xf32, #tpu.memory_space<vmem>>, vector<1x16xf32>,
          %swap3A_2813 = vector.shape_cast %swap3A_2812 : vector<1x16xf32> to vector<16xf32>
          %swap3A_2814 = vector.shape_cast %add3A_2809 : vector<16xf32> to vector<1x16xf32>
          tpu.vector_store %arg7[%swap3A_2810, %swap3A_2811], %swap3A_2814 {strides = array<i32>} : memref<16x128xf32, #tpu.memory_space<vmem>>, vector<1x16xf32>,
        } else {
        }
        %scan3A_2733 = arith.constant 0 : i32
        scf.yield %scan3A_2733 : i32
      }
      %scan3A_2709 = arith.constant 16 : i32
      %scan3A_2710 = arith.constant 0 : i32
      scf.yield %scan3A_2710 : i32
    }
    %scan3A_813 = arith.constant 2 : i32
    %get3A = arith.constant 1 : index
    %get3A_814 = tpu.vector_load %arg9[%get3A] {strides = array<i32>} : memref<40xi32, #tpu.memory_space<vmem>>, vector<16xi32>,
    %get3A_815 = vector.shape_cast %get3A_814 : vector<16xi32> to vector<16xi32>
    %slice3A = vector.extract_strided_slice %get3A_815 {offsets = [0], sizes = [1], strides = [1]} : vector<16xi32> to vector<1xi32>
    %squeeze3A = vector.extract %slice3A[0] : i32 from vector<1xi32>
    %get3A_816 = arith.constant 0 : index
    %get3A_817 = tpu.vector_load %arg9[%get3A_816] {strides = array<i32>} : memref<40xi32, #tpu.memory_space<vmem>>, vector<16xi32>,
    %get3A_818 = vector.shape_cast %get3A_817 : vector<16xi32> to vector<16xi32>
    %slice3A_819 = vector.extract_strided_slice %get3A_818 {offsets = [0], sizes = [1], strides = [1]} : vector<16xi32> to vector<1xi32>
    %squeeze3A_820 = vector.extract %slice3A_819[0] : i32 from vector<1xi32>
    %sub3A = arith.subi %squeeze3A, %squeeze3A_820 : i32
    %broadcast_in_dim3A_821 = vector.broadcast %sub3A : i32 to vector<16xi32>
    %convert_element_type3A_822 = arith.sitofp %broadcast_in_dim3A_821 : vector<16xi32> to vector<16xf32>
    %max3A = arith.constant 1.000000e+00 : f32
    %max3A_823 = vector.broadcast %max3A : f32 to vector<16xf32>
    %max3A_824 = arith.maximumf %convert_element_type3A_822, %max3A_823 : vector<16xf32>
    %div3A = arith.constant 1.000000e+00 : f32
    %div3A_825 = vector.broadcast %div3A : f32 to vector<16xf32>
    %div3A_826 = arith.divf %div3A_825, %max3A_824 : vector<16xf32>
    %get3A_827 = arith.constant 0 : i32
    %get3A_828 = arith.index_cast %get3A_827 : i32 to index
    %get3A_829 = arith.constant 0 : index
    %get3A_830 = tpu.vector_load %arg7[%get3A_828, %get3A_829] {strides = array<i32>} : memref<16x128xf32, #tpu.memory_space<vmem>>, vector<1x16xf32>,
    %get3A_831 = vector.shape_cast %get3A_830 : vector<1x16xf32> to vector<16xf32>
    %mul3A_832 = arith.mulf %get3A_831, %div3A_826 : vector<16xf32>
    %swap3A_833 = arith.constant 0 : i32
    %swap3A_834 = arith.index_cast %swap3A_833 : i32 to index
    %swap3A_835 = arith.constant 0 : index
    %swap3A_836 = tpu.vector_load %arg7[%swap3A_834, %swap3A_835] {strides = array<i32>} : memref<16x128xf32, #tpu.memory_space<vmem>>, vector<1x16xf32>,
    %swap3A_837 = vector.shape_cast %swap3A_836 : vector<1x16xf32> to vector<16xf32>
    %swap3A_838 = vector.shape_cast %mul3A_832 : vector<16xf32> to vector<1x16xf32>
    tpu.vector_store %arg7[%swap3A_834, %swap3A_835], %swap3A_838 {strides = array<i32>} : memref<16x128xf32, #tpu.memory_space<vmem>>, vector<1x16xf32>,
    %get3A_839 = arith.constant 0 : i32
    %get3A_840 = arith.index_cast %get3A_839 : i32 to index
    %get3A_841 = arith.constant 16 : index
    %get3A_842 = tpu.vector_load %arg7[%get3A_840, %get3A_841] {strides = array<i32>} : memref<16x128xf32, #tpu.memory_space<vmem>>, vector<1x16xf32>,
    %get3A_843 = vector.shape_cast %get3A_842 : vector<1x16xf32> to vector<16xf32>
    %mul3A_844 = arith.mulf %get3A_843, %div3A_826 : vector<16xf32>
    %swap3A_845 = arith.constant 0 : i32
    %swap3A_846 = arith.index_cast %swap3A_845 : i32 to index
    %swap3A_847 = arith.constant 16 : index
    %swap3A_848 = tpu.vector_load %arg7[%swap3A_846, %swap3A_847] {strides = array<i32>} : memref<16x128xf32, #tpu.memory_space<vmem>>, vector<1x16xf32>,
    %swap3A_849 = vector.shape_cast %swap3A_848 : vector<1x16xf32> to vector<16xf32>
    %swap3A_850 = vector.shape_cast %mul3A_844 : vector<16xf32> to vector<1x16xf32>
    tpu.vector_store %arg7[%swap3A_846, %swap3A_847], %swap3A_850 {strides = array<i32>} : memref<16x128xf32, #tpu.memory_space<vmem>>, vector<1x16xf32>,
    %get3A_851 = arith.constant 0 : i32
    %get3A_852 = arith.index_cast %get3A_851 : i32 to index
    %get3A_853 = arith.constant 32 : index
    %get3A_854 = tpu.vector_load %arg7[%get3A_852, %get3A_853] {strides = array<i32>} : memref<16x128xf32, #tpu.memory_space<vmem>>, vector<1x16xf32>,
    %get3A_855 = vector.shape_cast %get3A_854 : vector<1x16xf32> to vector<16xf32>
    %mul3A_856 = arith.mulf %get3A_855, %div3A_826 : vector<16xf32>
    %swap3A_857 = arith.constant 0 : i32
    %swap3A_858 = arith.index_cast %swap3A_857 : i32 to index
    %swap3A_859 = arith.constant 32 : index
    %swap3A_860 = tpu.vector_load %arg7[%swap3A_858, %swap3A_859] {strides = array<i32>} : memref<16x128xf32, #tpu.memory_space<vmem>>, vector<1x16xf32>,
    %swap3A_861 = vector.shape_cast %swap3A_860 : vector<1x16xf32> to vector<16xf32>
    %swap3A_862 = vector.shape_cast %mul3A_856 : vector<16xf32> to vector<1x16xf32>
    tpu.vector_store %arg7[%swap3A_858, %swap3A_859], %swap3A_862 {strides = array<i32>} : memref<16x128xf32, #tpu.memory_space<vmem>>, vector<1x16xf32>,
    %get3A_863 = arith.constant 0 : i32
    %get3A_864 = arith.index_cast %get3A_863 : i32 to index
    %get3A_865 = arith.constant 48 : index
    %get3A_866 = tpu.vector_load %arg7[%get3A_864, %get3A_865] {strides = array<i32>} : memref<16x128xf32, #tpu.memory_space<vmem>>, vector<1x16xf32>,
    %get3A_867 = vector.shape_cast %get3A_866 : vector<1x16xf32> to vector<16xf32>
    %mul3A_868 = arith.mulf %get3A_867, %div3A_826 : vector<16xf32>
    %swap3A_869 = arith.constant 0 : i32
    %swap3A_870 = arith.index_cast %swap3A_869 : i32 to index
    %swap3A_871 = arith.constant 48 : index
    %swap3A_872 = tpu.vector_load %arg7[%swap3A_870, %swap3A_871] {strides = array<i32>} : memref<16x128xf32, #tpu.memory_space<vmem>>, vector<1x16xf32>,
    %swap3A_873 = vector.shape_cast %swap3A_872 : vector<1x16xf32> to vector<16xf32>
    %swap3A_874 = vector.shape_cast %mul3A_868 : vector<16xf32> to vector<1x16xf32>
    tpu.vector_store %arg7[%swap3A_870, %swap3A_871], %swap3A_874 {strides = array<i32>} : memref<16x128xf32, #tpu.memory_space<vmem>>, vector<1x16xf32>,
    %get3A_875 = arith.constant 0 : i32
    %get3A_876 = arith.index_cast %get3A_875 : i32 to index
    %get3A_877 = arith.constant 64 : index
    %get3A_878 = tpu.vector_load %arg7[%get3A_876, %get3A_877] {strides = array<i32>} : memref<16x128xf32, #tpu.memory_space<vmem>>, vector<1x16xf32>,
    %get3A_879 = vector.shape_cast %get3A_878 : vector<1x16xf32> to vector<16xf32>
    %mul3A_880 = arith.mulf %get3A_879, %div3A_826 : vector<16xf32>
    %swap3A_881 = arith.constant 0 : i32
    %swap3A_882 = arith.index_cast %swap3A_881 : i32 to index
    %swap3A_883 = arith.constant 64 : index
    %swap3A_884 = tpu.vector_load %arg7[%swap3A_882, %swap3A_883] {strides = array<i32>} : memref<16x128xf32, #tpu.memory_space<vmem>>, vector<1x16xf32>,
    %swap3A_885 = vector.shape_cast %swap3A_884 : vector<1x16xf32> to vector<16xf32>
    %swap3A_886 = vector.shape_cast %mul3A_880 : vector<16xf32> to vector<1x16xf32>
    tpu.vector_store %arg7[%swap3A_882, %swap3A_883], %swap3A_886 {strides = array<i32>} : memref<16x128xf32, #tpu.memory_space<vmem>>, vector<1x16xf32>,
    %get3A_887 = arith.constant 0 : i32
    %get3A_888 = arith.index_cast %get3A_887 : i32 to index
    %get3A_889 = arith.constant 80 : index
    %get3A_890 = tpu.vector_load %arg7[%get3A_888, %get3A_889] {strides = array<i32>} : memref<16x128xf32, #tpu.memory_space<vmem>>, vector<1x16xf32>,
    %get3A_891 = vector.shape_cast %get3A_890 : vector<1x16xf32> to vector<16xf32>
    %mul3A_892 = arith.mulf %get3A_891, %div3A_826 : vector<16xf32>
    %swap3A_893 = arith.constant 0 : i32
    %swap3A_894 = arith.index_cast %swap3A_893 : i32 to index
    %swap3A_895 = arith.constant 80 : index
    %swap3A_896 = tpu.vector_load %arg7[%swap3A_894, %swap3A_895] {strides = array<i32>} : memref<16x128xf32, #tpu.memory_space<vmem>>, vector<1x16xf32>,
    %swap3A_897 = vector.shape_cast %swap3A_896 : vector<1x16xf32> to vector<16xf32>
    %swap3A_898 = vector.shape_cast %mul3A_892 : vector<16xf32> to vector<1x16xf32>
    tpu.vector_store %arg7[%swap3A_894, %swap3A_895], %swap3A_898 {strides = array<i32>} : memref<16x128xf32, #tpu.memory_space<vmem>>, vector<1x16xf32>,
    %get3A_899 = arith.constant 0 : i32
    %get3A_900 = arith.index_cast %get3A_899 : i32 to index
    %get3A_901 = arith.constant 96 : index
    %get3A_902 = tpu.vector_load %arg7[%get3A_900, %get3A_901] {strides = array<i32>} : memref<16x128xf32, #tpu.memory_space<vmem>>, vector<1x16xf32>,
    %get3A_903 = vector.shape_cast %get3A_902 : vector<1x16xf32> to vector<16xf32>
    %mul3A_904 = arith.mulf %get3A_903, %div3A_826 : vector<16xf32>
    %swap3A_905 = arith.constant 0 : i32
    %swap3A_906 = arith.index_cast %swap3A_905 : i32 to index
    %swap3A_907 = arith.constant 96 : index
    %swap3A_908 = tpu.vector_load %arg7[%swap3A_906, %swap3A_907] {strides = array<i32>} : memref<16x128xf32, #tpu.memory_space<vmem>>, vector<1x16xf32>,
    %swap3A_909 = vector.shape_cast %swap3A_908 : vector<1x16xf32> to vector<16xf32>
    %swap3A_910 = vector.shape_cast %mul3A_904 : vector<16xf32> to vector<1x16xf32>
    tpu.vector_store %arg7[%swap3A_906, %swap3A_907], %swap3A_910 {strides = array<i32>} : memref<16x128xf32, #tpu.memory_space<vmem>>, vector<1x16xf32>,
    %get3A_911 = arith.constant 0 : i32
    %get3A_912 = arith.index_cast %get3A_911 : i32 to index
    %get3A_913 = arith.constant 112 : index
    %get3A_914 = tpu.vector_load %arg7[%get3A_912, %get3A_913] {strides = array<i32>} : memref<16x128xf32, #tpu.memory_space<vmem>>, vector<1x16xf32>,
    %get3A_915 = vector.shape_cast %get3A_914 : vector<1x16xf32> to vector<16xf32>
    %mul3A_916 = arith.mulf %get3A_915, %div3A_826 : vector<16xf32>
    %swap3A_917 = arith.constant 0 : i32
    %swap3A_918 = arith.index_cast %swap3A_917 : i32 to index
    %swap3A_919 = arith.constant 112 : index
    %swap3A_920 = tpu.vector_load %arg7[%swap3A_918, %swap3A_919] {strides = array<i32>} : memref<16x128xf32, #tpu.memory_space<vmem>>, vector<1x16xf32>,
    %swap3A_921 = vector.shape_cast %swap3A_920 : vector<1x16xf32> to vector<16xf32>
    %swap3A_922 = vector.shape_cast %mul3A_916 : vector<16xf32> to vector<1x16xf32>
    tpu.vector_store %arg7[%swap3A_918, %swap3A_919], %swap3A_922 {strides = array<i32>} : memref<16x128xf32, #tpu.memory_space<vmem>>, vector<1x16xf32>,
    %get3A_923 = arith.constant 2 : index
    %get3A_924 = tpu.vector_load %arg9[%get3A_923] {strides = array<i32>} : memref<40xi32, #tpu.memory_space<vmem>>, vector<16xi32>,
    %get3A_925 = vector.shape_cast %get3A_924 : vector<16xi32> to vector<16xi32>
    %slice3A_926 = vector.extract_strided_slice %get3A_925 {offsets = [0], sizes = [1], strides = [1]} : vector<16xi32> to vector<1xi32>
    %squeeze3A_927 = vector.extract %slice3A_926[0] : i32 from vector<1xi32>
    %get3A_928 = arith.constant 1 : index
    %get3A_929 = tpu.vector_load %arg9[%get3A_928] {strides = array<i32>} : memref<40xi32, #tpu.memory_space<vmem>>, vector<16xi32>,
    %get3A_930 = vector.shape_cast %get3A_929 : vector<16xi32> to vector<16xi32>
    %slice3A_931 = vector.extract_strided_slice %get3A_930 {offsets = [0], sizes = [1], strides = [1]} : vector<16xi32> to vector<1xi32>
    %squeeze3A_932 = vector.extract %slice3A_931[0] : i32 from vector<1xi32>
    %sub3A_933 = arith.subi %squeeze3A_927, %squeeze3A_932 : i32
    %broadcast_in_dim3A_934 = vector.broadcast %sub3A_933 : i32 to vector<16xi32>
    %convert_element_type3A_935 = arith.sitofp %broadcast_in_dim3A_934 : vector<16xi32> to vector<16xf32>
    %max3A_936 = arith.constant 1.000000e+00 : f32
    %max3A_937 = vector.broadcast %max3A_936 : f32 to vector<16xf32>
    %max3A_938 = arith.maximumf %convert_element_type3A_935, %max3A_937 : vector<16xf32>
    %div3A_939 = arith.constant 1.000000e+00 : f32
    %div3A_940 = vector.broadcast %div3A_939 : f32 to vector<16xf32>
    %div3A_941 = arith.divf %div3A_940, %max3A_938 : vector<16xf32>
    %get3A_942 = arith.constant 1 : i32
    %get3A_943 = arith.index_cast %get3A_942 : i32 to index
    %get3A_944 = arith.constant 0 : index
    %get3A_945 = tpu.vector_load %arg7[%get3A_943, %get3A_944] {strides = array<i32>} : memref<16x128xf32, #tpu.memory_space<vmem>>, vector<1x16xf32>,
    %get3A_946 = vector.shape_cast %get3A_945 : vector<1x16xf32> to vector<16xf32>
    %mul3A_947 = arith.mulf %get3A_946, %div3A_941 : vector<16xf32>
    %swap3A_948 = arith.constant 1 : i32
    %swap3A_949 = arith.index_cast %swap3A_948 : i32 to index
    %swap3A_950 = arith.constant 0 : index
    %swap3A_951 = tpu.vector_load %arg7[%swap3A_949, %swap3A_950] {strides = array<i32>} : memref<16x128xf32, #tpu.memory_space<vmem>>, vector<1x16xf32>,
    %swap3A_952 = vector.shape_cast %swap3A_951 : vector<1x16xf32> to vector<16xf32>
    %swap3A_953 = vector.shape_cast %mul3A_947 : vector<16xf32> to vector<1x16xf32>
    tpu.vector_store %arg7[%swap3A_949, %swap3A_950], %swap3A_953 {strides = array<i32>} : memref<16x128xf32, #tpu.memory_space<vmem>>, vector<1x16xf32>,
    %get3A_954 = arith.constant 1 : i32
    %get3A_955 = arith.index_cast %get3A_954 : i32 to index
    %get3A_956 = arith.constant 16 : index
    %get3A_957 = tpu.vector_load %arg7[%get3A_955, %get3A_956] {strides = array<i32>} : memref<16x128xf32, #tpu.memory_space<vmem>>, vector<1x16xf32>,
    %get3A_958 = vector.shape_cast %get3A_957 : vector<1x16xf32> to vector<16xf32>
    %mul3A_959 = arith.mulf %get3A_958, %div3A_941 : vector<16xf32>
    %swap3A_960 = arith.constant 1 : i32
    %swap3A_961 = arith.index_cast %swap3A_960 : i32 to index
    %swap3A_962 = arith.constant 16 : index
    %swap3A_963 = tpu.vector_load %arg7[%swap3A_961, %swap3A_962] {strides = array<i32>} : memref<16x128xf32, #tpu.memory_space<vmem>>, vector<1x16xf32>,
    %swap3A_964 = vector.shape_cast %swap3A_963 : vector<1x16xf32> to vector<16xf32>
    %swap3A_965 = vector.shape_cast %mul3A_959 : vector<16xf32> to vector<1x16xf32>
    tpu.vector_store %arg7[%swap3A_961, %swap3A_962], %swap3A_965 {strides = array<i32>} : memref<16x128xf32, #tpu.memory_space<vmem>>, vector<1x16xf32>,
    %get3A_966 = arith.constant 1 : i32
    %get3A_967 = arith.index_cast %get3A_966 : i32 to index
    %get3A_968 = arith.constant 32 : index
    %get3A_969 = tpu.vector_load %arg7[%get3A_967, %get3A_968] {strides = array<i32>} : memref<16x128xf32, #tpu.memory_space<vmem>>, vector<1x16xf32>,
    %get3A_970 = vector.shape_cast %get3A_969 : vector<1x16xf32> to vector<16xf32>
    %mul3A_971 = arith.mulf %get3A_970, %div3A_941 : vector<16xf32>
    %swap3A_972 = arith.constant 1 : i32
    %swap3A_973 = arith.index_cast %swap3A_972 : i32 to index
    %swap3A_974 = arith.constant 32 : index
    %swap3A_975 = tpu.vector_load %arg7[%swap3A_973, %swap3A_974] {strides = array<i32>} : memref<16x128xf32, #tpu.memory_space<vmem>>, vector<1x16xf32>,
    %swap3A_976 = vector.shape_cast %swap3A_975 : vector<1x16xf32> to vector<16xf32>
    %swap3A_977 = vector.shape_cast %mul3A_971 : vector<16xf32> to vector<1x16xf32>
    tpu.vector_store %arg7[%swap3A_973, %swap3A_974], %swap3A_977 {strides = array<i32>} : memref<16x128xf32, #tpu.memory_space<vmem>>, vector<1x16xf32>,
    %get3A_978 = arith.constant 1 : i32
    %get3A_979 = arith.index_cast %get3A_978 : i32 to index
    %get3A_980 = arith.constant 48 : index
    %get3A_981 = tpu.vector_load %arg7[%get3A_979, %get3A_980] {strides = array<i32>} : memref<16x128xf32, #tpu.memory_space<vmem>>, vector<1x16xf32>,
    %get3A_982 = vector.shape_cast %get3A_981 : vector<1x16xf32> to vector<16xf32>
    %mul3A_983 = arith.mulf %get3A_982, %div3A_941 : vector<16xf32>
    %swap3A_984 = arith.constant 1 : i32
    %swap3A_985 = arith.index_cast %swap3A_984 : i32 to index
    %swap3A_986 = arith.constant 48 : index
    %swap3A_987 = tpu.vector_load %arg7[%swap3A_985, %swap3A_986] {strides = array<i32>} : memref<16x128xf32, #tpu.memory_space<vmem>>, vector<1x16xf32>,
    %swap3A_988 = vector.shape_cast %swap3A_987 : vector<1x16xf32> to vector<16xf32>
    %swap3A_989 = vector.shape_cast %mul3A_983 : vector<16xf32> to vector<1x16xf32>
    tpu.vector_store %arg7[%swap3A_985, %swap3A_986], %swap3A_989 {strides = array<i32>} : memref<16x128xf32, #tpu.memory_space<vmem>>, vector<1x16xf32>,
    %get3A_990 = arith.constant 1 : i32
    %get3A_991 = arith.index_cast %get3A_990 : i32 to index
    %get3A_992 = arith.constant 64 : index
    %get3A_993 = tpu.vector_load %arg7[%get3A_991, %get3A_992] {strides = array<i32>} : memref<16x128xf32, #tpu.memory_space<vmem>>, vector<1x16xf32>,
    %get3A_994 = vector.shape_cast %get3A_993 : vector<1x16xf32> to vector<16xf32>
    %mul3A_995 = arith.mulf %get3A_994, %div3A_941 : vector<16xf32>
    %swap3A_996 = arith.constant 1 : i32
    %swap3A_997 = arith.index_cast %swap3A_996 : i32 to index
    %swap3A_998 = arith.constant 64 : index
    %swap3A_999 = tpu.vector_load %arg7[%swap3A_997, %swap3A_998] {strides = array<i32>} : memref<16x128xf32, #tpu.memory_space<vmem>>, vector<1x16xf32>,
    %swap3A_1000 = vector.shape_cast %swap3A_999 : vector<1x16xf32> to vector<16xf32>
    %swap3A_1001 = vector.shape_cast %mul3A_995 : vector<16xf32> to vector<1x16xf32>
    tpu.vector_store %arg7[%swap3A_997, %swap3A_998], %swap3A_1001 {strides = array<i32>} : memref<16x128xf32, #tpu.memory_space<vmem>>, vector<1x16xf32>,
    %get3A_1002 = arith.constant 1 : i32
    %get3A_1003 = arith.index_cast %get3A_1002 : i32 to index
    %get3A_1004 = arith.constant 80 : index
    %get3A_1005 = tpu.vector_load %arg7[%get3A_1003, %get3A_1004] {strides = array<i32>} : memref<16x128xf32, #tpu.memory_space<vmem>>, vector<1x16xf32>,
    %get3A_1006 = vector.shape_cast %get3A_1005 : vector<1x16xf32> to vector<16xf32>
    %mul3A_1007 = arith.mulf %get3A_1006, %div3A_941 : vector<16xf32>
    %swap3A_1008 = arith.constant 1 : i32
    %swap3A_1009 = arith.index_cast %swap3A_1008 : i32 to index
    %swap3A_1010 = arith.constant 80 : index
    %swap3A_1011 = tpu.vector_load %arg7[%swap3A_1009, %swap3A_1010] {strides = array<i32>} : memref<16x128xf32, #tpu.memory_space<vmem>>, vector<1x16xf32>,
    %swap3A_1012 = vector.shape_cast %swap3A_1011 : vector<1x16xf32> to vector<16xf32>
    %swap3A_1013 = vector.shape_cast %mul3A_1007 : vector<16xf32> to vector<1x16xf32>
    tpu.vector_store %arg7[%swap3A_1009, %swap3A_1010], %swap3A_1013 {strides = array<i32>} : memref<16x128xf32, #tpu.memory_space<vmem>>, vector<1x16xf32>,
    %get3A_1014 = arith.constant 1 : i32
    %get3A_1015 = arith.index_cast %get3A_1014 : i32 to index
    %get3A_1016 = arith.constant 96 : index
    %get3A_1017 = tpu.vector_load %arg7[%get3A_1015, %get3A_1016] {strides = array<i32>} : memref<16x128xf32, #tpu.memory_space<vmem>>, vector<1x16xf32>,
    %get3A_1018 = vector.shape_cast %get3A_1017 : vector<1x16xf32> to vector<16xf32>
    %mul3A_1019 = arith.mulf %get3A_1018, %div3A_941 : vector<16xf32>
    %swap3A_1020 = arith.constant 1 : i32
    %swap3A_1021 = arith.index_cast %swap3A_1020 : i32 to index
    %swap3A_1022 = arith.constant 96 : index
    %swap3A_1023 = tpu.vector_load %arg7[%swap3A_1021, %swap3A_1022] {strides = array<i32>} : memref<16x128xf32, #tpu.memory_space<vmem>>, vector<1x16xf32>,
    %swap3A_1024 = vector.shape_cast %swap3A_1023 : vector<1x16xf32> to vector<16xf32>
    %swap3A_1025 = vector.shape_cast %mul3A_1019 : vector<16xf32> to vector<1x16xf32>
    tpu.vector_store %arg7[%swap3A_1021, %swap3A_1022], %swap3A_1025 {strides = array<i32>} : memref<16x128xf32, #tpu.memory_space<vmem>>, vector<1x16xf32>,
    %get3A_1026 = arith.constant 1 : i32
    %get3A_1027 = arith.index_cast %get3A_1026 : i32 to index
    %get3A_1028 = arith.constant 112 : index
    %get3A_1029 = tpu.vector_load %arg7[%get3A_1027, %get3A_1028] {strides = array<i32>} : memref<16x128xf32, #tpu.memory_space<vmem>>, vector<1x16xf32>,
    %get3A_1030 = vector.shape_cast %get3A_1029 : vector<1x16xf32> to vector<16xf32>
    %mul3A_1031 = arith.mulf %get3A_1030, %div3A_941 : vector<16xf32>
    %swap3A_1032 = arith.constant 1 : i32
    %swap3A_1033 = arith.index_cast %swap3A_1032 : i32 to index
    %swap3A_1034 = arith.constant 112 : index
    %swap3A_1035 = tpu.vector_load %arg7[%swap3A_1033, %swap3A_1034] {strides = array<i32>} : memref<16x128xf32, #tpu.memory_space<vmem>>, vector<1x16xf32>,
    %swap3A_1036 = vector.shape_cast %swap3A_1035 : vector<1x16xf32> to vector<16xf32>
    %swap3A_1037 = vector.shape_cast %mul3A_1031 : vector<16xf32> to vector<1x16xf32>
    tpu.vector_store %arg7[%swap3A_1033, %swap3A_1034], %swap3A_1037 {strides = array<i32>} : memref<16x128xf32, #tpu.memory_space<vmem>>, vector<1x16xf32>,
    %get3A_1038 = arith.constant 3 : index
    %get3A_1039 = tpu.vector_load %arg9[%get3A_1038] {strides = array<i32>} : memref<40xi32, #tpu.memory_space<vmem>>, vector<16xi32>,
    %get3A_1040 = vector.shape_cast %get3A_1039 : vector<16xi32> to vector<16xi32>
    %slice3A_1041 = vector.extract_strided_slice %get3A_1040 {offsets = [0], sizes = [1], strides = [1]} : vector<16xi32> to vector<1xi32>
    %squeeze3A_1042 = vector.extract %slice3A_1041[0] : i32 from vector<1xi32>
    %get3A_1043 = arith.constant 2 : index
    %get3A_1044 = tpu.vector_load %arg9[%get3A_1043] {strides = array<i32>} : memref<40xi32, #tpu.memory_space<vmem>>, vector<16xi32>,
    %get3A_1045 = vector.shape_cast %get3A_1044 : vector<16xi32> to vector<16xi32>
    %slice3A_1046 = vector.extract_strided_slice %get3A_1045 {offsets = [0], sizes = [1], strides = [1]} : vector<16xi32> to vector<1xi32>
    %squeeze3A_1047 = vector.extract %slice3A_1046[0] : i32 from vector<1xi32>
    %sub3A_1048 = arith.subi %squeeze3A_1042, %squeeze3A_1047 : i32
    %broadcast_in_dim3A_1049 = vector.broadcast %sub3A_1048 : i32 to vector<16xi32>
    %convert_element_type3A_1050 = arith.sitofp %broadcast_in_dim3A_1049 : vector<16xi32> to vector<16xf32>
    %max3A_1051 = arith.constant 1.000000e+00 : f32
    %max3A_1052 = vector.broadcast %max3A_1051 : f32 to vector<16xf32>
    %max3A_1053 = arith.maximumf %convert_element_type3A_1050, %max3A_1052 : vector<16xf32>
    %div3A_1054 = arith.constant 1.000000e+00 : f32
    %div3A_1055 = vector.broadcast %div3A_1054 : f32 to vector<16xf32>
    %div3A_1056 = arith.divf %div3A_1055, %max3A_1053 : vector<16xf32>
    %get3A_1057 = arith.constant 2 : i32
    %get3A_1058 = arith.index_cast %get3A_1057 : i32 to index
    %get3A_1059 = arith.constant 0 : index
    %get3A_1060 = tpu.vector_load %arg7[%get3A_1058, %get3A_1059] {strides = array<i32>} : memref<16x128xf32, #tpu.memory_space<vmem>>, vector<1x16xf32>,
    %get3A_1061 = vector.shape_cast %get3A_1060 : vector<1x16xf32> to vector<16xf32>
    %mul3A_1062 = arith.mulf %get3A_1061, %div3A_1056 : vector<16xf32>
    %swap3A_1063 = arith.constant 2 : i32
    %swap3A_1064 = arith.index_cast %swap3A_1063 : i32 to index
    %swap3A_1065 = arith.constant 0 : index
    %swap3A_1066 = tpu.vector_load %arg7[%swap3A_1064, %swap3A_1065] {strides = array<i32>} : memref<16x128xf32, #tpu.memory_space<vmem>>, vector<1x16xf32>,
    %swap3A_1067 = vector.shape_cast %swap3A_1066 : vector<1x16xf32> to vector<16xf32>
    %swap3A_1068 = vector.shape_cast %mul3A_1062 : vector<16xf32> to vector<1x16xf32>
    tpu.vector_store %arg7[%swap3A_1064, %swap3A_1065], %swap3A_1068 {strides = array<i32>} : memref<16x128xf32, #tpu.memory_space<vmem>>, vector<1x16xf32>,
    %get3A_1069 = arith.constant 2 : i32
    %get3A_1070 = arith.index_cast %get3A_1069 : i32 to index
    %get3A_1071 = arith.constant 16 : index
    %get3A_1072 = tpu.vector_load %arg7[%get3A_1070, %get3A_1071] {strides = array<i32>} : memref<16x128xf32, #tpu.memory_space<vmem>>, vector<1x16xf32>,
    %get3A_1073 = vector.shape_cast %get3A_1072 : vector<1x16xf32> to vector<16xf32>
    %mul3A_1074 = arith.mulf %get3A_1073, %div3A_1056 : vector<16xf32>
    %swap3A_1075 = arith.constant 2 : i32
    %swap3A_1076 = arith.index_cast %swap3A_1075 : i32 to index
    %swap3A_1077 = arith.constant 16 : index
    %swap3A_1078 = tpu.vector_load %arg7[%swap3A_1076, %swap3A_1077] {strides = array<i32>} : memref<16x128xf32, #tpu.memory_space<vmem>>, vector<1x16xf32>,
    %swap3A_1079 = vector.shape_cast %swap3A_1078 : vector<1x16xf32> to vector<16xf32>
    %swap3A_1080 = vector.shape_cast %mul3A_1074 : vector<16xf32> to vector<1x16xf32>
    tpu.vector_store %arg7[%swap3A_1076, %swap3A_1077], %swap3A_1080 {strides = array<i32>} : memref<16x128xf32, #tpu.memory_space<vmem>>, vector<1x16xf32>,
    %get3A_1081 = arith.constant 2 : i32
    %get3A_1082 = arith.index_cast %get3A_1081 : i32 to index
    %get3A_1083 = arith.constant 32 : index
    %get3A_1084 = tpu.vector_load %arg7[%get3A_1082, %get3A_1083] {strides = array<i32>} : memref<16x128xf32, #tpu.memory_space<vmem>>, vector<1x16xf32>,
    %get3A_1085 = vector.shape_cast %get3A_1084 : vector<1x16xf32> to vector<16xf32>
    %mul3A_1086 = arith.mulf %get3A_1085, %div3A_1056 : vector<16xf32>
    %swap3A_1087 = arith.constant 2 : i32
    %swap3A_1088 = arith.index_cast %swap3A_1087 : i32 to index
    %swap3A_1089 = arith.constant 32 : index
    %swap3A_1090 = tpu.vector_load %arg7[%swap3A_1088, %swap3A_1089] {strides = array<i32>} : memref<16x128xf32, #tpu.memory_space<vmem>>, vector<1x16xf32>,
    %swap3A_1091 = vector.shape_cast %swap3A_1090 : vector<1x16xf32> to vector<16xf32>
    %swap3A_1092 = vector.shape_cast %mul3A_1086 : vector<16xf32> to vector<1x16xf32>
    tpu.vector_store %arg7[%swap3A_1088, %swap3A_1089], %swap3A_1092 {strides = array<i32>} : memref<16x128xf32, #tpu.memory_space<vmem>>, vector<1x16xf32>,
    %get3A_1093 = arith.constant 2 : i32
    %get3A_1094 = arith.index_cast %get3A_1093 : i32 to index
    %get3A_1095 = arith.constant 48 : index
    %get3A_1096 = tpu.vector_load %arg7[%get3A_1094, %get3A_1095] {strides = array<i32>} : memref<16x128xf32, #tpu.memory_space<vmem>>, vector<1x16xf32>,
    %get3A_1097 = vector.shape_cast %get3A_1096 : vector<1x16xf32> to vector<16xf32>
    %mul3A_1098 = arith.mulf %get3A_1097, %div3A_1056 : vector<16xf32>
    %swap3A_1099 = arith.constant 2 : i32
    %swap3A_1100 = arith.index_cast %swap3A_1099 : i32 to index
    %swap3A_1101 = arith.constant 48 : index
    %swap3A_1102 = tpu.vector_load %arg7[%swap3A_1100, %swap3A_1101] {strides = array<i32>} : memref<16x128xf32, #tpu.memory_space<vmem>>, vector<1x16xf32>,
    %swap3A_1103 = vector.shape_cast %swap3A_1102 : vector<1x16xf32> to vector<16xf32>
    %swap3A_1104 = vector.shape_cast %mul3A_1098 : vector<16xf32> to vector<1x16xf32>
    tpu.vector_store %arg7[%swap3A_1100, %swap3A_1101], %swap3A_1104 {strides = array<i32>} : memref<16x128xf32, #tpu.memory_space<vmem>>, vector<1x16xf32>,
    %get3A_1105 = arith.constant 2 : i32
    %get3A_1106 = arith.index_cast %get3A_1105 : i32 to index
    %get3A_1107 = arith.constant 64 : index
    %get3A_1108 = tpu.vector_load %arg7[%get3A_1106, %get3A_1107] {strides = array<i32>} : memref<16x128xf32, #tpu.memory_space<vmem>>, vector<1x16xf32>,
    %get3A_1109 = vector.shape_cast %get3A_1108 : vector<1x16xf32> to vector<16xf32>
    %mul3A_1110 = arith.mulf %get3A_1109, %div3A_1056 : vector<16xf32>
    %swap3A_1111 = arith.constant 2 : i32
    %swap3A_1112 = arith.index_cast %swap3A_1111 : i32 to index
    %swap3A_1113 = arith.constant 64 : index
    %swap3A_1114 = tpu.vector_load %arg7[%swap3A_1112, %swap3A_1113] {strides = array<i32>} : memref<16x128xf32, #tpu.memory_space<vmem>>, vector<1x16xf32>,
    %swap3A_1115 = vector.shape_cast %swap3A_1114 : vector<1x16xf32> to vector<16xf32>
    %swap3A_1116 = vector.shape_cast %mul3A_1110 : vector<16xf32> to vector<1x16xf32>
    tpu.vector_store %arg7[%swap3A_1112, %swap3A_1113], %swap3A_1116 {strides = array<i32>} : memref<16x128xf32, #tpu.memory_space<vmem>>, vector<1x16xf32>,
    %get3A_1117 = arith.constant 2 : i32
    %get3A_1118 = arith.index_cast %get3A_1117 : i32 to index
    %get3A_1119 = arith.constant 80 : index
    %get3A_1120 = tpu.vector_load %arg7[%get3A_1118, %get3A_1119] {strides = array<i32>} : memref<16x128xf32, #tpu.memory_space<vmem>>, vector<1x16xf32>,
    %get3A_1121 = vector.shape_cast %get3A_1120 : vector<1x16xf32> to vector<16xf32>
    %mul3A_1122 = arith.mulf %get3A_1121, %div3A_1056 : vector<16xf32>
    %swap3A_1123 = arith.constant 2 : i32
    %swap3A_1124 = arith.index_cast %swap3A_1123 : i32 to index
    %swap3A_1125 = arith.constant 80 : index
    %swap3A_1126 = tpu.vector_load %arg7[%swap3A_1124, %swap3A_1125] {strides = array<i32>} : memref<16x128xf32, #tpu.memory_space<vmem>>, vector<1x16xf32>,
    %swap3A_1127 = vector.shape_cast %swap3A_1126 : vector<1x16xf32> to vector<16xf32>
    %swap3A_1128 = vector.shape_cast %mul3A_1122 : vector<16xf32> to vector<1x16xf32>
    tpu.vector_store %arg7[%swap3A_1124, %swap3A_1125], %swap3A_1128 {strides = array<i32>} : memref<16x128xf32, #tpu.memory_space<vmem>>, vector<1x16xf32>,
    %get3A_1129 = arith.constant 2 : i32
    %get3A_1130 = arith.index_cast %get3A_1129 : i32 to index
    %get3A_1131 = arith.constant 96 : index
    %get3A_1132 = tpu.vector_load %arg7[%get3A_1130, %get3A_1131] {strides = array<i32>} : memref<16x128xf32, #tpu.memory_space<vmem>>, vector<1x16xf32>,
    %get3A_1133 = vector.shape_cast %get3A_1132 : vector<1x16xf32> to vector<16xf32>
    %mul3A_1134 = arith.mulf %get3A_1133, %div3A_1056 : vector<16xf32>
    %swap3A_1135 = arith.constant 2 : i32
    %swap3A_1136 = arith.index_cast %swap3A_1135 : i32 to index
    %swap3A_1137 = arith.constant 96 : index
    %swap3A_1138 = tpu.vector_load %arg7[%swap3A_1136, %swap3A_1137] {strides = array<i32>} : memref<16x128xf32, #tpu.memory_space<vmem>>, vector<1x16xf32>,
    %swap3A_1139 = vector.shape_cast %swap3A_1138 : vector<1x16xf32> to vector<16xf32>
    %swap3A_1140 = vector.shape_cast %mul3A_1134 : vector<16xf32> to vector<1x16xf32>
    tpu.vector_store %arg7[%swap3A_1136, %swap3A_1137], %swap3A_1140 {strides = array<i32>} : memref<16x128xf32, #tpu.memory_space<vmem>>, vector<1x16xf32>,
    %get3A_1141 = arith.constant 2 : i32
    %get3A_1142 = arith.index_cast %get3A_1141 : i32 to index
    %get3A_1143 = arith.constant 112 : index
    %get3A_1144 = tpu.vector_load %arg7[%get3A_1142, %get3A_1143] {strides = array<i32>} : memref<16x128xf32, #tpu.memory_space<vmem>>, vector<1x16xf32>,
    %get3A_1145 = vector.shape_cast %get3A_1144 : vector<1x16xf32> to vector<16xf32>
    %mul3A_1146 = arith.mulf %get3A_1145, %div3A_1056 : vector<16xf32>
    %swap3A_1147 = arith.constant 2 : i32
    %swap3A_1148 = arith.index_cast %swap3A_1147 : i32 to index
    %swap3A_1149 = arith.constant 112 : index
    %swap3A_1150 = tpu.vector_load %arg7[%swap3A_1148, %swap3A_1149] {strides = array<i32>} : memref<16x128xf32, #tpu.memory_space<vmem>>, vector<1x16xf32>,
    %swap3A_1151 = vector.shape_cast %swap3A_1150 : vector<1x16xf32> to vector<16xf32>
    %swap3A_1152 = vector.shape_cast %mul3A_1146 : vector<16xf32> to vector<1x16xf32>
    tpu.vector_store %arg7[%swap3A_1148, %swap3A_1149], %swap3A_1152 {strides = array<i32>} : memref<16x128xf32, #tpu.memory_space<vmem>>, vector<1x16xf32>,
    %get3A_1153 = arith.constant 4 : index
    %get3A_1154 = tpu.vector_load %arg9[%get3A_1153] {strides = array<i32>} : memref<40xi32, #tpu.memory_space<vmem>>, vector<16xi32>,
    %get3A_1155 = vector.shape_cast %get3A_1154 : vector<16xi32> to vector<16xi32>
    %slice3A_1156 = vector.extract_strided_slice %get3A_1155 {offsets = [0], sizes = [1], strides = [1]} : vector<16xi32> to vector<1xi32>
    %squeeze3A_1157 = vector.extract %slice3A_1156[0] : i32 from vector<1xi32>
    %get3A_1158 = arith.constant 3 : index
    %get3A_1159 = tpu.vector_load %arg9[%get3A_1158] {strides = array<i32>} : memref<40xi32, #tpu.memory_space<vmem>>, vector<16xi32>,
    %get3A_1160 = vector.shape_cast %get3A_1159 : vector<16xi32> to vector<16xi32>
    %slice3A_1161 = vector.extract_strided_slice %get3A_1160 {offsets = [0], sizes = [1], strides = [1]} : vector<16xi32> to vector<1xi32>
    %squeeze3A_1162 = vector.extract %slice3A_1161[0] : i32 from vector<1xi32>
    %sub3A_1163 = arith.subi %squeeze3A_1157, %squeeze3A_1162 : i32
    %broadcast_in_dim3A_1164 = vector.broadcast %sub3A_1163 : i32 to vector<16xi32>
    %convert_element_type3A_1165 = arith.sitofp %broadcast_in_dim3A_1164 : vector<16xi32> to vector<16xf32>
    %max3A_1166 = arith.constant 1.000000e+00 : f32
    %max3A_1167 = vector.broadcast %max3A_1166 : f32 to vector<16xf32>
    %max3A_1168 = arith.maximumf %convert_element_type3A_1165, %max3A_1167 : vector<16xf32>
    %div3A_1169 = arith.constant 1.000000e+00 : f32
    %div3A_1170 = vector.broadcast %div3A_1169 : f32 to vector<16xf32>
    %div3A_1171 = arith.divf %div3A_1170, %max3A_1168 : vector<16xf32>
    %get3A_1172 = arith.constant 3 : i32
    %get3A_1173 = arith.index_cast %get3A_1172 : i32 to index
    %get3A_1174 = arith.constant 0 : index
    %get3A_1175 = tpu.vector_load %arg7[%get3A_1173, %get3A_1174] {strides = array<i32>} : memref<16x128xf32, #tpu.memory_space<vmem>>, vector<1x16xf32>,
    %get3A_1176 = vector.shape_cast %get3A_1175 : vector<1x16xf32> to vector<16xf32>
    %mul3A_1177 = arith.mulf %get3A_1176, %div3A_1171 : vector<16xf32>
    %swap3A_1178 = arith.constant 3 : i32
    %swap3A_1179 = arith.index_cast %swap3A_1178 : i32 to index
    %swap3A_1180 = arith.constant 0 : index
    %swap3A_1181 = tpu.vector_load %arg7[%swap3A_1179, %swap3A_1180] {strides = array<i32>} : memref<16x128xf32, #tpu.memory_space<vmem>>, vector<1x16xf32>,
    %swap3A_1182 = vector.shape_cast %swap3A_1181 : vector<1x16xf32> to vector<16xf32>
    %swap3A_1183 = vector.shape_cast %mul3A_1177 : vector<16xf32> to vector<1x16xf32>
    tpu.vector_store %arg7[%swap3A_1179, %swap3A_1180], %swap3A_1183 {strides = array<i32>} : memref<16x128xf32, #tpu.memory_space<vmem>>, vector<1x16xf32>,
    %get3A_1184 = arith.constant 3 : i32
    %get3A_1185 = arith.index_cast %get3A_1184 : i32 to index
    %get3A_1186 = arith.constant 16 : index
    %get3A_1187 = tpu.vector_load %arg7[%get3A_1185, %get3A_1186] {strides = array<i32>} : memref<16x128xf32, #tpu.memory_space<vmem>>, vector<1x16xf32>,
    %get3A_1188 = vector.shape_cast %get3A_1187 : vector<1x16xf32> to vector<16xf32>
    %mul3A_1189 = arith.mulf %get3A_1188, %div3A_1171 : vector<16xf32>
    %swap3A_1190 = arith.constant 3 : i32
    %swap3A_1191 = arith.index_cast %swap3A_1190 : i32 to index
    %swap3A_1192 = arith.constant 16 : index
    %swap3A_1193 = tpu.vector_load %arg7[%swap3A_1191, %swap3A_1192] {strides = array<i32>} : memref<16x128xf32, #tpu.memory_space<vmem>>, vector<1x16xf32>,
    %swap3A_1194 = vector.shape_cast %swap3A_1193 : vector<1x16xf32> to vector<16xf32>
    %swap3A_1195 = vector.shape_cast %mul3A_1189 : vector<16xf32> to vector<1x16xf32>
    tpu.vector_store %arg7[%swap3A_1191, %swap3A_1192], %swap3A_1195 {strides = array<i32>} : memref<16x128xf32, #tpu.memory_space<vmem>>, vector<1x16xf32>,
    %get3A_1196 = arith.constant 3 : i32
    %get3A_1197 = arith.index_cast %get3A_1196 : i32 to index
    %get3A_1198 = arith.constant 32 : index
    %get3A_1199 = tpu.vector_load %arg7[%get3A_1197, %get3A_1198] {strides = array<i32>} : memref<16x128xf32, #tpu.memory_space<vmem>>, vector<1x16xf32>,
    %get3A_1200 = vector.shape_cast %get3A_1199 : vector<1x16xf32> to vector<16xf32>
    %mul3A_1201 = arith.mulf %get3A_1200, %div3A_1171 : vector<16xf32>
    %swap3A_1202 = arith.constant 3 : i32
    %swap3A_1203 = arith.index_cast %swap3A_1202 : i32 to index
    %swap3A_1204 = arith.constant 32 : index
    %swap3A_1205 = tpu.vector_load %arg7[%swap3A_1203, %swap3A_1204] {strides = array<i32>} : memref<16x128xf32, #tpu.memory_space<vmem>>, vector<1x16xf32>,
    %swap3A_1206 = vector.shape_cast %swap3A_1205 : vector<1x16xf32> to vector<16xf32>
    %swap3A_1207 = vector.shape_cast %mul3A_1201 : vector<16xf32> to vector<1x16xf32>
    tpu.vector_store %arg7[%swap3A_1203, %swap3A_1204], %swap3A_1207 {strides = array<i32>} : memref<16x128xf32, #tpu.memory_space<vmem>>, vector<1x16xf32>,
    %get3A_1208 = arith.constant 3 : i32
    %get3A_1209 = arith.index_cast %get3A_1208 : i32 to index
    %get3A_1210 = arith.constant 48 : index
    %get3A_1211 = tpu.vector_load %arg7[%get3A_1209, %get3A_1210] {strides = array<i32>} : memref<16x128xf32, #tpu.memory_space<vmem>>, vector<1x16xf32>,
    %get3A_1212 = vector.shape_cast %get3A_1211 : vector<1x16xf32> to vector<16xf32>
    %mul3A_1213 = arith.mulf %get3A_1212, %div3A_1171 : vector<16xf32>
    %swap3A_1214 = arith.constant 3 : i32
    %swap3A_1215 = arith.index_cast %swap3A_1214 : i32 to index
    %swap3A_1216 = arith.constant 48 : index
    %swap3A_1217 = tpu.vector_load %arg7[%swap3A_1215, %swap3A_1216] {strides = array<i32>} : memref<16x128xf32, #tpu.memory_space<vmem>>, vector<1x16xf32>,
    %swap3A_1218 = vector.shape_cast %swap3A_1217 : vector<1x16xf32> to vector<16xf32>
    %swap3A_1219 = vector.shape_cast %mul3A_1213 : vector<16xf32> to vector<1x16xf32>
    tpu.vector_store %arg7[%swap3A_1215, %swap3A_1216], %swap3A_1219 {strides = array<i32>} : memref<16x128xf32, #tpu.memory_space<vmem>>, vector<1x16xf32>,
    %get3A_1220 = arith.constant 3 : i32
    %get3A_1221 = arith.index_cast %get3A_1220 : i32 to index
    %get3A_1222 = arith.constant 64 : index
    %get3A_1223 = tpu.vector_load %arg7[%get3A_1221, %get3A_1222] {strides = array<i32>} : memref<16x128xf32, #tpu.memory_space<vmem>>, vector<1x16xf32>,
    %get3A_1224 = vector.shape_cast %get3A_1223 : vector<1x16xf32> to vector<16xf32>
    %mul3A_1225 = arith.mulf %get3A_1224, %div3A_1171 : vector<16xf32>
    %swap3A_1226 = arith.constant 3 : i32
    %swap3A_1227 = arith.index_cast %swap3A_1226 : i32 to index
    %swap3A_1228 = arith.constant 64 : index
    %swap3A_1229 = tpu.vector_load %arg7[%swap3A_1227, %swap3A_1228] {strides = array<i32>} : memref<16x128xf32, #tpu.memory_space<vmem>>, vector<1x16xf32>,
    %swap3A_1230 = vector.shape_cast %swap3A_1229 : vector<1x16xf32> to vector<16xf32>
    %swap3A_1231 = vector.shape_cast %mul3A_1225 : vector<16xf32> to vector<1x16xf32>
    tpu.vector_store %arg7[%swap3A_1227, %swap3A_1228], %swap3A_1231 {strides = array<i32>} : memref<16x128xf32, #tpu.memory_space<vmem>>, vector<1x16xf32>,
    %get3A_1232 = arith.constant 3 : i32
    %get3A_1233 = arith.index_cast %get3A_1232 : i32 to index
    %get3A_1234 = arith.constant 80 : index
    %get3A_1235 = tpu.vector_load %arg7[%get3A_1233, %get3A_1234] {strides = array<i32>} : memref<16x128xf32, #tpu.memory_space<vmem>>, vector<1x16xf32>,
    %get3A_1236 = vector.shape_cast %get3A_1235 : vector<1x16xf32> to vector<16xf32>
    %mul3A_1237 = arith.mulf %get3A_1236, %div3A_1171 : vector<16xf32>
    %swap3A_1238 = arith.constant 3 : i32
    %swap3A_1239 = arith.index_cast %swap3A_1238 : i32 to index
    %swap3A_1240 = arith.constant 80 : index
    %swap3A_1241 = tpu.vector_load %arg7[%swap3A_1239, %swap3A_1240] {strides = array<i32>} : memref<16x128xf32, #tpu.memory_space<vmem>>, vector<1x16xf32>,
    %swap3A_1242 = vector.shape_cast %swap3A_1241 : vector<1x16xf32> to vector<16xf32>
    %swap3A_1243 = vector.shape_cast %mul3A_1237 : vector<16xf32> to vector<1x16xf32>
    tpu.vector_store %arg7[%swap3A_1239, %swap3A_1240], %swap3A_1243 {strides = array<i32>} : memref<16x128xf32, #tpu.memory_space<vmem>>, vector<1x16xf32>,
    %get3A_1244 = arith.constant 3 : i32
    %get3A_1245 = arith.index_cast %get3A_1244 : i32 to index
    %get3A_1246 = arith.constant 96 : index
    %get3A_1247 = tpu.vector_load %arg7[%get3A_1245, %get3A_1246] {strides = array<i32>} : memref<16x128xf32, #tpu.memory_space<vmem>>, vector<1x16xf32>,
    %get3A_1248 = vector.shape_cast %get3A_1247 : vector<1x16xf32> to vector<16xf32>
    %mul3A_1249 = arith.mulf %get3A_1248, %div3A_1171 : vector<16xf32>
    %swap3A_1250 = arith.constant 3 : i32
    %swap3A_1251 = arith.index_cast %swap3A_1250 : i32 to index
    %swap3A_1252 = arith.constant 96 : index
    %swap3A_1253 = tpu.vector_load %arg7[%swap3A_1251, %swap3A_1252] {strides = array<i32>} : memref<16x128xf32, #tpu.memory_space<vmem>>, vector<1x16xf32>,
    %swap3A_1254 = vector.shape_cast %swap3A_1253 : vector<1x16xf32> to vector<16xf32>
    %swap3A_1255 = vector.shape_cast %mul3A_1249 : vector<16xf32> to vector<1x16xf32>
    tpu.vector_store %arg7[%swap3A_1251, %swap3A_1252], %swap3A_1255 {strides = array<i32>} : memref<16x128xf32, #tpu.memory_space<vmem>>, vector<1x16xf32>,
    %get3A_1256 = arith.constant 3 : i32
    %get3A_1257 = arith.index_cast %get3A_1256 : i32 to index
    %get3A_1258 = arith.constant 112 : index
    %get3A_1259 = tpu.vector_load %arg7[%get3A_1257, %get3A_1258] {strides = array<i32>} : memref<16x128xf32, #tpu.memory_space<vmem>>, vector<1x16xf32>,
    %get3A_1260 = vector.shape_cast %get3A_1259 : vector<1x16xf32> to vector<16xf32>
    %mul3A_1261 = arith.mulf %get3A_1260, %div3A_1171 : vector<16xf32>
    %swap3A_1262 = arith.constant 3 : i32
    %swap3A_1263 = arith.index_cast %swap3A_1262 : i32 to index
    %swap3A_1264 = arith.constant 112 : index
    %swap3A_1265 = tpu.vector_load %arg7[%swap3A_1263, %swap3A_1264] {strides = array<i32>} : memref<16x128xf32, #tpu.memory_space<vmem>>, vector<1x16xf32>,
    %swap3A_1266 = vector.shape_cast %swap3A_1265 : vector<1x16xf32> to vector<16xf32>
    %swap3A_1267 = vector.shape_cast %mul3A_1261 : vector<16xf32> to vector<1x16xf32>
    tpu.vector_store %arg7[%swap3A_1263, %swap3A_1264], %swap3A_1267 {strides = array<i32>} : memref<16x128xf32, #tpu.memory_space<vmem>>, vector<1x16xf32>,
    %get3A_1268 = arith.constant 5 : index
    %get3A_1269 = tpu.vector_load %arg9[%get3A_1268] {strides = array<i32>} : memref<40xi32, #tpu.memory_space<vmem>>, vector<16xi32>,
    %get3A_1270 = vector.shape_cast %get3A_1269 : vector<16xi32> to vector<16xi32>
    %slice3A_1271 = vector.extract_strided_slice %get3A_1270 {offsets = [0], sizes = [1], strides = [1]} : vector<16xi32> to vector<1xi32>
    %squeeze3A_1272 = vector.extract %slice3A_1271[0] : i32 from vector<1xi32>
    %get3A_1273 = arith.constant 4 : index
    %get3A_1274 = tpu.vector_load %arg9[%get3A_1273] {strides = array<i32>} : memref<40xi32, #tpu.memory_space<vmem>>, vector<16xi32>,
    %get3A_1275 = vector.shape_cast %get3A_1274 : vector<16xi32> to vector<16xi32>
    %slice3A_1276 = vector.extract_strided_slice %get3A_1275 {offsets = [0], sizes = [1], strides = [1]} : vector<16xi32> to vector<1xi32>
    %squeeze3A_1277 = vector.extract %slice3A_1276[0] : i32 from vector<1xi32>
    %sub3A_1278 = arith.subi %squeeze3A_1272, %squeeze3A_1277 : i32
    %broadcast_in_dim3A_1279 = vector.broadcast %sub3A_1278 : i32 to vector<16xi32>
    %convert_element_type3A_1280 = arith.sitofp %broadcast_in_dim3A_1279 : vector<16xi32> to vector<16xf32>
    %max3A_1281 = arith.constant 1.000000e+00 : f32
    %max3A_1282 = vector.broadcast %max3A_1281 : f32 to vector<16xf32>
    %max3A_1283 = arith.maximumf %convert_element_type3A_1280, %max3A_1282 : vector<16xf32>
    %div3A_1284 = arith.constant 1.000000e+00 : f32
    %div3A_1285 = vector.broadcast %div3A_1284 : f32 to vector<16xf32>
    %div3A_1286 = arith.divf %div3A_1285, %max3A_1283 : vector<16xf32>
    %get3A_1287 = arith.constant 4 : i32
    %get3A_1288 = arith.index_cast %get3A_1287 : i32 to index
    %get3A_1289 = arith.constant 0 : index
    %get3A_1290 = tpu.vector_load %arg7[%get3A_1288, %get3A_1289] {strides = array<i32>} : memref<16x128xf32, #tpu.memory_space<vmem>>, vector<1x16xf32>,
    %get3A_1291 = vector.shape_cast %get3A_1290 : vector<1x16xf32> to vector<16xf32>
    %mul3A_1292 = arith.mulf %get3A_1291, %div3A_1286 : vector<16xf32>
    %swap3A_1293 = arith.constant 4 : i32
    %swap3A_1294 = arith.index_cast %swap3A_1293 : i32 to index
    %swap3A_1295 = arith.constant 0 : index
    %swap3A_1296 = tpu.vector_load %arg7[%swap3A_1294, %swap3A_1295] {strides = array<i32>} : memref<16x128xf32, #tpu.memory_space<vmem>>, vector<1x16xf32>,
    %swap3A_1297 = vector.shape_cast %swap3A_1296 : vector<1x16xf32> to vector<16xf32>
    %swap3A_1298 = vector.shape_cast %mul3A_1292 : vector<16xf32> to vector<1x16xf32>
    tpu.vector_store %arg7[%swap3A_1294, %swap3A_1295], %swap3A_1298 {strides = array<i32>} : memref<16x128xf32, #tpu.memory_space<vmem>>, vector<1x16xf32>,
    %get3A_1299 = arith.constant 4 : i32
    %get3A_1300 = arith.index_cast %get3A_1299 : i32 to index
    %get3A_1301 = arith.constant 16 : index
    %get3A_1302 = tpu.vector_load %arg7[%get3A_1300, %get3A_1301] {strides = array<i32>} : memref<16x128xf32, #tpu.memory_space<vmem>>, vector<1x16xf32>,
    %get3A_1303 = vector.shape_cast %get3A_1302 : vector<1x16xf32> to vector<16xf32>
    %mul3A_1304 = arith.mulf %get3A_1303, %div3A_1286 : vector<16xf32>
    %swap3A_1305 = arith.constant 4 : i32
    %swap3A_1306 = arith.index_cast %swap3A_1305 : i32 to index
    %swap3A_1307 = arith.constant 16 : index
    %swap3A_1308 = tpu.vector_load %arg7[%swap3A_1306, %swap3A_1307] {strides = array<i32>} : memref<16x128xf32, #tpu.memory_space<vmem>>, vector<1x16xf32>,
    %swap3A_1309 = vector.shape_cast %swap3A_1308 : vector<1x16xf32> to vector<16xf32>
    %swap3A_1310 = vector.shape_cast %mul3A_1304 : vector<16xf32> to vector<1x16xf32>
    tpu.vector_store %arg7[%swap3A_1306, %swap3A_1307], %swap3A_1310 {strides = array<i32>} : memref<16x128xf32, #tpu.memory_space<vmem>>, vector<1x16xf32>,
    %get3A_1311 = arith.constant 4 : i32
    %get3A_1312 = arith.index_cast %get3A_1311 : i32 to index
    %get3A_1313 = arith.constant 32 : index
    %get3A_1314 = tpu.vector_load %arg7[%get3A_1312, %get3A_1313] {strides = array<i32>} : memref<16x128xf32, #tpu.memory_space<vmem>>, vector<1x16xf32>,
    %get3A_1315 = vector.shape_cast %get3A_1314 : vector<1x16xf32> to vector<16xf32>
    %mul3A_1316 = arith.mulf %get3A_1315, %div3A_1286 : vector<16xf32>
    %swap3A_1317 = arith.constant 4 : i32
    %swap3A_1318 = arith.index_cast %swap3A_1317 : i32 to index
    %swap3A_1319 = arith.constant 32 : index
    %swap3A_1320 = tpu.vector_load %arg7[%swap3A_1318, %swap3A_1319] {strides = array<i32>} : memref<16x128xf32, #tpu.memory_space<vmem>>, vector<1x16xf32>,
    %swap3A_1321 = vector.shape_cast %swap3A_1320 : vector<1x16xf32> to vector<16xf32>
    %swap3A_1322 = vector.shape_cast %mul3A_1316 : vector<16xf32> to vector<1x16xf32>
    tpu.vector_store %arg7[%swap3A_1318, %swap3A_1319], %swap3A_1322 {strides = array<i32>} : memref<16x128xf32, #tpu.memory_space<vmem>>, vector<1x16xf32>,
    %get3A_1323 = arith.constant 4 : i32
    %get3A_1324 = arith.index_cast %get3A_1323 : i32 to index
    %get3A_1325 = arith.constant 48 : index
    %get3A_1326 = tpu.vector_load %arg7[%get3A_1324, %get3A_1325] {strides = array<i32>} : memref<16x128xf32, #tpu.memory_space<vmem>>, vector<1x16xf32>,
    %get3A_1327 = vector.shape_cast %get3A_1326 : vector<1x16xf32> to vector<16xf32>
    %mul3A_1328 = arith.mulf %get3A_1327, %div3A_1286 : vector<16xf32>
    %swap3A_1329 = arith.constant 4 : i32
    %swap3A_1330 = arith.index_cast %swap3A_1329 : i32 to index
    %swap3A_1331 = arith.constant 48 : index
    %swap3A_1332 = tpu.vector_load %arg7[%swap3A_1330, %swap3A_1331] {strides = array<i32>} : memref<16x128xf32, #tpu.memory_space<vmem>>, vector<1x16xf32>,
    %swap3A_1333 = vector.shape_cast %swap3A_1332 : vector<1x16xf32> to vector<16xf32>
    %swap3A_1334 = vector.shape_cast %mul3A_1328 : vector<16xf32> to vector<1x16xf32>
    tpu.vector_store %arg7[%swap3A_1330, %swap3A_1331], %swap3A_1334 {strides = array<i32>} : memref<16x128xf32, #tpu.memory_space<vmem>>, vector<1x16xf32>,
    %get3A_1335 = arith.constant 4 : i32
    %get3A_1336 = arith.index_cast %get3A_1335 : i32 to index
    %get3A_1337 = arith.constant 64 : index
    %get3A_1338 = tpu.vector_load %arg7[%get3A_1336, %get3A_1337] {strides = array<i32>} : memref<16x128xf32, #tpu.memory_space<vmem>>, vector<1x16xf32>,
    %get3A_1339 = vector.shape_cast %get3A_1338 : vector<1x16xf32> to vector<16xf32>
    %mul3A_1340 = arith.mulf %get3A_1339, %div3A_1286 : vector<16xf32>
    %swap3A_1341 = arith.constant 4 : i32
    %swap3A_1342 = arith.index_cast %swap3A_1341 : i32 to index
    %swap3A_1343 = arith.constant 64 : index
    %swap3A_1344 = tpu.vector_load %arg7[%swap3A_1342, %swap3A_1343] {strides = array<i32>} : memref<16x128xf32, #tpu.memory_space<vmem>>, vector<1x16xf32>,
    %swap3A_1345 = vector.shape_cast %swap3A_1344 : vector<1x16xf32> to vector<16xf32>
    %swap3A_1346 = vector.shape_cast %mul3A_1340 : vector<16xf32> to vector<1x16xf32>
    tpu.vector_store %arg7[%swap3A_1342, %swap3A_1343], %swap3A_1346 {strides = array<i32>} : memref<16x128xf32, #tpu.memory_space<vmem>>, vector<1x16xf32>,
    %get3A_1347 = arith.constant 4 : i32
    %get3A_1348 = arith.index_cast %get3A_1347 : i32 to index
    %get3A_1349 = arith.constant 80 : index
    %get3A_1350 = tpu.vector_load %arg7[%get3A_1348, %get3A_1349] {strides = array<i32>} : memref<16x128xf32, #tpu.memory_space<vmem>>, vector<1x16xf32>,
    %get3A_1351 = vector.shape_cast %get3A_1350 : vector<1x16xf32> to vector<16xf32>
    %mul3A_1352 = arith.mulf %get3A_1351, %div3A_1286 : vector<16xf32>
    %swap3A_1353 = arith.constant 4 : i32
    %swap3A_1354 = arith.index_cast %swap3A_1353 : i32 to index
    %swap3A_1355 = arith.constant 80 : index
    %swap3A_1356 = tpu.vector_load %arg7[%swap3A_1354, %swap3A_1355] {strides = array<i32>} : memref<16x128xf32, #tpu.memory_space<vmem>>, vector<1x16xf32>,
    %swap3A_1357 = vector.shape_cast %swap3A_1356 : vector<1x16xf32> to vector<16xf32>
    %swap3A_1358 = vector.shape_cast %mul3A_1352 : vector<16xf32> to vector<1x16xf32>
    tpu.vector_store %arg7[%swap3A_1354, %swap3A_1355], %swap3A_1358 {strides = array<i32>} : memref<16x128xf32, #tpu.memory_space<vmem>>, vector<1x16xf32>,
    %get3A_1359 = arith.constant 4 : i32
    %get3A_1360 = arith.index_cast %get3A_1359 : i32 to index
    %get3A_1361 = arith.constant 96 : index
    %get3A_1362 = tpu.vector_load %arg7[%get3A_1360, %get3A_1361] {strides = array<i32>} : memref<16x128xf32, #tpu.memory_space<vmem>>, vector<1x16xf32>,
    %get3A_1363 = vector.shape_cast %get3A_1362 : vector<1x16xf32> to vector<16xf32>
    %mul3A_1364 = arith.mulf %get3A_1363, %div3A_1286 : vector<16xf32>
    %swap3A_1365 = arith.constant 4 : i32
    %swap3A_1366 = arith.index_cast %swap3A_1365 : i32 to index
    %swap3A_1367 = arith.constant 96 : index
    %swap3A_1368 = tpu.vector_load %arg7[%swap3A_1366, %swap3A_1367] {strides = array<i32>} : memref<16x128xf32, #tpu.memory_space<vmem>>, vector<1x16xf32>,
    %swap3A_1369 = vector.shape_cast %swap3A_1368 : vector<1x16xf32> to vector<16xf32>
    %swap3A_1370 = vector.shape_cast %mul3A_1364 : vector<16xf32> to vector<1x16xf32>
    tpu.vector_store %arg7[%swap3A_1366, %swap3A_1367], %swap3A_1370 {strides = array<i32>} : memref<16x128xf32, #tpu.memory_space<vmem>>, vector<1x16xf32>,
    %get3A_1371 = arith.constant 4 : i32
    %get3A_1372 = arith.index_cast %get3A_1371 : i32 to index
    %get3A_1373 = arith.constant 112 : index
    %get3A_1374 = tpu.vector_load %arg7[%get3A_1372, %get3A_1373] {strides = array<i32>} : memref<16x128xf32, #tpu.memory_space<vmem>>, vector<1x16xf32>,
    %get3A_1375 = vector.shape_cast %get3A_1374 : vector<1x16xf32> to vector<16xf32>
    %mul3A_1376 = arith.mulf %get3A_1375, %div3A_1286 : vector<16xf32>
    %swap3A_1377 = arith.constant 4 : i32
    %swap3A_1378 = arith.index_cast %swap3A_1377 : i32 to index
    %swap3A_1379 = arith.constant 112 : index
    %swap3A_1380 = tpu.vector_load %arg7[%swap3A_1378, %swap3A_1379] {strides = array<i32>} : memref<16x128xf32, #tpu.memory_space<vmem>>, vector<1x16xf32>,
    %swap3A_1381 = vector.shape_cast %swap3A_1380 : vector<1x16xf32> to vector<16xf32>
    %swap3A_1382 = vector.shape_cast %mul3A_1376 : vector<16xf32> to vector<1x16xf32>
    tpu.vector_store %arg7[%swap3A_1378, %swap3A_1379], %swap3A_1382 {strides = array<i32>} : memref<16x128xf32, #tpu.memory_space<vmem>>, vector<1x16xf32>,
    %get3A_1383 = arith.constant 6 : index
    %get3A_1384 = tpu.vector_load %arg9[%get3A_1383] {strides = array<i32>} : memref<40xi32, #tpu.memory_space<vmem>>, vector<16xi32>,
    %get3A_1385 = vector.shape_cast %get3A_1384 : vector<16xi32> to vector<16xi32>
    %slice3A_1386 = vector.extract_strided_slice %get3A_1385 {offsets = [0], sizes = [1], strides = [1]} : vector<16xi32> to vector<1xi32>
    %squeeze3A_1387 = vector.extract %slice3A_1386[0] : i32 from vector<1xi32>
    %get3A_1388 = arith.constant 5 : index
    %get3A_1389 = tpu.vector_load %arg9[%get3A_1388] {strides = array<i32>} : memref<40xi32, #tpu.memory_space<vmem>>, vector<16xi32>,
    %get3A_1390 = vector.shape_cast %get3A_1389 : vector<16xi32> to vector<16xi32>
    %slice3A_1391 = vector.extract_strided_slice %get3A_1390 {offsets = [0], sizes = [1], strides = [1]} : vector<16xi32> to vector<1xi32>
    %squeeze3A_1392 = vector.extract %slice3A_1391[0] : i32 from vector<1xi32>
    %sub3A_1393 = arith.subi %squeeze3A_1387, %squeeze3A_1392 : i32
    %broadcast_in_dim3A_1394 = vector.broadcast %sub3A_1393 : i32 to vector<16xi32>
    %convert_element_type3A_1395 = arith.sitofp %broadcast_in_dim3A_1394 : vector<16xi32> to vector<16xf32>
    %max3A_1396 = arith.constant 1.000000e+00 : f32
    %max3A_1397 = vector.broadcast %max3A_1396 : f32 to vector<16xf32>
    %max3A_1398 = arith.maximumf %convert_element_type3A_1395, %max3A_1397 : vector<16xf32>
    %div3A_1399 = arith.constant 1.000000e+00 : f32
    %div3A_1400 = vector.broadcast %div3A_1399 : f32 to vector<16xf32>
    %div3A_1401 = arith.divf %div3A_1400, %max3A_1398 : vector<16xf32>
    %get3A_1402 = arith.constant 5 : i32
    %get3A_1403 = arith.index_cast %get3A_1402 : i32 to index
    %get3A_1404 = arith.constant 0 : index
    %get3A_1405 = tpu.vector_load %arg7[%get3A_1403, %get3A_1404] {strides = array<i32>} : memref<16x128xf32, #tpu.memory_space<vmem>>, vector<1x16xf32>,
    %get3A_1406 = vector.shape_cast %get3A_1405 : vector<1x16xf32> to vector<16xf32>
    %mul3A_1407 = arith.mulf %get3A_1406, %div3A_1401 : vector<16xf32>
    %swap3A_1408 = arith.constant 5 : i32
    %swap3A_1409 = arith.index_cast %swap3A_1408 : i32 to index
    %swap3A_1410 = arith.constant 0 : index
    %swap3A_1411 = tpu.vector_load %arg7[%swap3A_1409, %swap3A_1410] {strides = array<i32>} : memref<16x128xf32, #tpu.memory_space<vmem>>, vector<1x16xf32>,
    %swap3A_1412 = vector.shape_cast %swap3A_1411 : vector<1x16xf32> to vector<16xf32>
    %swap3A_1413 = vector.shape_cast %mul3A_1407 : vector<16xf32> to vector<1x16xf32>
    tpu.vector_store %arg7[%swap3A_1409, %swap3A_1410], %swap3A_1413 {strides = array<i32>} : memref<16x128xf32, #tpu.memory_space<vmem>>, vector<1x16xf32>,
    %get3A_1414 = arith.constant 5 : i32
    %get3A_1415 = arith.index_cast %get3A_1414 : i32 to index
    %get3A_1416 = arith.constant 16 : index
    %get3A_1417 = tpu.vector_load %arg7[%get3A_1415, %get3A_1416] {strides = array<i32>} : memref<16x128xf32, #tpu.memory_space<vmem>>, vector<1x16xf32>,
    %get3A_1418 = vector.shape_cast %get3A_1417 : vector<1x16xf32> to vector<16xf32>
    %mul3A_1419 = arith.mulf %get3A_1418, %div3A_1401 : vector<16xf32>
    %swap3A_1420 = arith.constant 5 : i32
    %swap3A_1421 = arith.index_cast %swap3A_1420 : i32 to index
    %swap3A_1422 = arith.constant 16 : index
    %swap3A_1423 = tpu.vector_load %arg7[%swap3A_1421, %swap3A_1422] {strides = array<i32>} : memref<16x128xf32, #tpu.memory_space<vmem>>, vector<1x16xf32>,
    %swap3A_1424 = vector.shape_cast %swap3A_1423 : vector<1x16xf32> to vector<16xf32>
    %swap3A_1425 = vector.shape_cast %mul3A_1419 : vector<16xf32> to vector<1x16xf32>
    tpu.vector_store %arg7[%swap3A_1421, %swap3A_1422], %swap3A_1425 {strides = array<i32>} : memref<16x128xf32, #tpu.memory_space<vmem>>, vector<1x16xf32>,
    %get3A_1426 = arith.constant 5 : i32
    %get3A_1427 = arith.index_cast %get3A_1426 : i32 to index
    %get3A_1428 = arith.constant 32 : index
    %get3A_1429 = tpu.vector_load %arg7[%get3A_1427, %get3A_1428] {strides = array<i32>} : memref<16x128xf32, #tpu.memory_space<vmem>>, vector<1x16xf32>,
    %get3A_1430 = vector.shape_cast %get3A_1429 : vector<1x16xf32> to vector<16xf32>
    %mul3A_1431 = arith.mulf %get3A_1430, %div3A_1401 : vector<16xf32>
    %swap3A_1432 = arith.constant 5 : i32
    %swap3A_1433 = arith.index_cast %swap3A_1432 : i32 to index
    %swap3A_1434 = arith.constant 32 : index
    %swap3A_1435 = tpu.vector_load %arg7[%swap3A_1433, %swap3A_1434] {strides = array<i32>} : memref<16x128xf32, #tpu.memory_space<vmem>>, vector<1x16xf32>,
    %swap3A_1436 = vector.shape_cast %swap3A_1435 : vector<1x16xf32> to vector<16xf32>
    %swap3A_1437 = vector.shape_cast %mul3A_1431 : vector<16xf32> to vector<1x16xf32>
    tpu.vector_store %arg7[%swap3A_1433, %swap3A_1434], %swap3A_1437 {strides = array<i32>} : memref<16x128xf32, #tpu.memory_space<vmem>>, vector<1x16xf32>,
    %get3A_1438 = arith.constant 5 : i32
    %get3A_1439 = arith.index_cast %get3A_1438 : i32 to index
    %get3A_1440 = arith.constant 48 : index
    %get3A_1441 = tpu.vector_load %arg7[%get3A_1439, %get3A_1440] {strides = array<i32>} : memref<16x128xf32, #tpu.memory_space<vmem>>, vector<1x16xf32>,
    %get3A_1442 = vector.shape_cast %get3A_1441 : vector<1x16xf32> to vector<16xf32>
    %mul3A_1443 = arith.mulf %get3A_1442, %div3A_1401 : vector<16xf32>
    %swap3A_1444 = arith.constant 5 : i32
    %swap3A_1445 = arith.index_cast %swap3A_1444 : i32 to index
    %swap3A_1446 = arith.constant 48 : index
    %swap3A_1447 = tpu.vector_load %arg7[%swap3A_1445, %swap3A_1446] {strides = array<i32>} : memref<16x128xf32, #tpu.memory_space<vmem>>, vector<1x16xf32>,
    %swap3A_1448 = vector.shape_cast %swap3A_1447 : vector<1x16xf32> to vector<16xf32>
    %swap3A_1449 = vector.shape_cast %mul3A_1443 : vector<16xf32> to vector<1x16xf32>
    tpu.vector_store %arg7[%swap3A_1445, %swap3A_1446], %swap3A_1449 {strides = array<i32>} : memref<16x128xf32, #tpu.memory_space<vmem>>, vector<1x16xf32>,
    %get3A_1450 = arith.constant 5 : i32
    %get3A_1451 = arith.index_cast %get3A_1450 : i32 to index
    %get3A_1452 = arith.constant 64 : index
    %get3A_1453 = tpu.vector_load %arg7[%get3A_1451, %get3A_1452] {strides = array<i32>} : memref<16x128xf32, #tpu.memory_space<vmem>>, vector<1x16xf32>,
    %get3A_1454 = vector.shape_cast %get3A_1453 : vector<1x16xf32> to vector<16xf32>
    %mul3A_1455 = arith.mulf %get3A_1454, %div3A_1401 : vector<16xf32>
    %swap3A_1456 = arith.constant 5 : i32
    %swap3A_1457 = arith.index_cast %swap3A_1456 : i32 to index
    %swap3A_1458 = arith.constant 64 : index
    %swap3A_1459 = tpu.vector_load %arg7[%swap3A_1457, %swap3A_1458] {strides = array<i32>} : memref<16x128xf32, #tpu.memory_space<vmem>>, vector<1x16xf32>,
    %swap3A_1460 = vector.shape_cast %swap3A_1459 : vector<1x16xf32> to vector<16xf32>
    %swap3A_1461 = vector.shape_cast %mul3A_1455 : vector<16xf32> to vector<1x16xf32>
    tpu.vector_store %arg7[%swap3A_1457, %swap3A_1458], %swap3A_1461 {strides = array<i32>} : memref<16x128xf32, #tpu.memory_space<vmem>>, vector<1x16xf32>,
    %get3A_1462 = arith.constant 5 : i32
    %get3A_1463 = arith.index_cast %get3A_1462 : i32 to index
    %get3A_1464 = arith.constant 80 : index
    %get3A_1465 = tpu.vector_load %arg7[%get3A_1463, %get3A_1464] {strides = array<i32>} : memref<16x128xf32, #tpu.memory_space<vmem>>, vector<1x16xf32>,
    %get3A_1466 = vector.shape_cast %get3A_1465 : vector<1x16xf32> to vector<16xf32>
    %mul3A_1467 = arith.mulf %get3A_1466, %div3A_1401 : vector<16xf32>
    %swap3A_1468 = arith.constant 5 : i32
    %swap3A_1469 = arith.index_cast %swap3A_1468 : i32 to index
    %swap3A_1470 = arith.constant 80 : index
    %swap3A_1471 = tpu.vector_load %arg7[%swap3A_1469, %swap3A_1470] {strides = array<i32>} : memref<16x128xf32, #tpu.memory_space<vmem>>, vector<1x16xf32>,
    %swap3A_1472 = vector.shape_cast %swap3A_1471 : vector<1x16xf32> to vector<16xf32>
    %swap3A_1473 = vector.shape_cast %mul3A_1467 : vector<16xf32> to vector<1x16xf32>
    tpu.vector_store %arg7[%swap3A_1469, %swap3A_1470], %swap3A_1473 {strides = array<i32>} : memref<16x128xf32, #tpu.memory_space<vmem>>, vector<1x16xf32>,
    %get3A_1474 = arith.constant 5 : i32
    %get3A_1475 = arith.index_cast %get3A_1474 : i32 to index
    %get3A_1476 = arith.constant 96 : index
    %get3A_1477 = tpu.vector_load %arg7[%get3A_1475, %get3A_1476] {strides = array<i32>} : memref<16x128xf32, #tpu.memory_space<vmem>>, vector<1x16xf32>,
    %get3A_1478 = vector.shape_cast %get3A_1477 : vector<1x16xf32> to vector<16xf32>
    %mul3A_1479 = arith.mulf %get3A_1478, %div3A_1401 : vector<16xf32>
    %swap3A_1480 = arith.constant 5 : i32
    %swap3A_1481 = arith.index_cast %swap3A_1480 : i32 to index
    %swap3A_1482 = arith.constant 96 : index
    %swap3A_1483 = tpu.vector_load %arg7[%swap3A_1481, %swap3A_1482] {strides = array<i32>} : memref<16x128xf32, #tpu.memory_space<vmem>>, vector<1x16xf32>,
    %swap3A_1484 = vector.shape_cast %swap3A_1483 : vector<1x16xf32> to vector<16xf32>
    %swap3A_1485 = vector.shape_cast %mul3A_1479 : vector<16xf32> to vector<1x16xf32>
    tpu.vector_store %arg7[%swap3A_1481, %swap3A_1482], %swap3A_1485 {strides = array<i32>} : memref<16x128xf32, #tpu.memory_space<vmem>>, vector<1x16xf32>,
    %get3A_1486 = arith.constant 5 : i32
    %get3A_1487 = arith.index_cast %get3A_1486 : i32 to index
    %get3A_1488 = arith.constant 112 : index
    %get3A_1489 = tpu.vector_load %arg7[%get3A_1487, %get3A_1488] {strides = array<i32>} : memref<16x128xf32, #tpu.memory_space<vmem>>, vector<1x16xf32>,
    %get3A_1490 = vector.shape_cast %get3A_1489 : vector<1x16xf32> to vector<16xf32>
    %mul3A_1491 = arith.mulf %get3A_1490, %div3A_1401 : vector<16xf32>
    %swap3A_1492 = arith.constant 5 : i32
    %swap3A_1493 = arith.index_cast %swap3A_1492 : i32 to index
    %swap3A_1494 = arith.constant 112 : index
    %swap3A_1495 = tpu.vector_load %arg7[%swap3A_1493, %swap3A_1494] {strides = array<i32>} : memref<16x128xf32, #tpu.memory_space<vmem>>, vector<1x16xf32>,
    %swap3A_1496 = vector.shape_cast %swap3A_1495 : vector<1x16xf32> to vector<16xf32>
    %swap3A_1497 = vector.shape_cast %mul3A_1491 : vector<16xf32> to vector<1x16xf32>
    tpu.vector_store %arg7[%swap3A_1493, %swap3A_1494], %swap3A_1497 {strides = array<i32>} : memref<16x128xf32, #tpu.memory_space<vmem>>, vector<1x16xf32>,
    %get3A_1498 = arith.constant 7 : index
    %get3A_1499 = tpu.vector_load %arg9[%get3A_1498] {strides = array<i32>} : memref<40xi32, #tpu.memory_space<vmem>>, vector<16xi32>,
    %get3A_1500 = vector.shape_cast %get3A_1499 : vector<16xi32> to vector<16xi32>
    %slice3A_1501 = vector.extract_strided_slice %get3A_1500 {offsets = [0], sizes = [1], strides = [1]} : vector<16xi32> to vector<1xi32>
    %squeeze3A_1502 = vector.extract %slice3A_1501[0] : i32 from vector<1xi32>
    %get3A_1503 = arith.constant 6 : index
    %get3A_1504 = tpu.vector_load %arg9[%get3A_1503] {strides = array<i32>} : memref<40xi32, #tpu.memory_space<vmem>>, vector<16xi32>,
    %get3A_1505 = vector.shape_cast %get3A_1504 : vector<16xi32> to vector<16xi32>
    %slice3A_1506 = vector.extract_strided_slice %get3A_1505 {offsets = [0], sizes = [1], strides = [1]} : vector<16xi32> to vector<1xi32>
    %squeeze3A_1507 = vector.extract %slice3A_1506[0] : i32 from vector<1xi32>
    %sub3A_1508 = arith.subi %squeeze3A_1502, %squeeze3A_1507 : i32
    %broadcast_in_dim3A_1509 = vector.broadcast %sub3A_1508 : i32 to vector<16xi32>
    %convert_element_type3A_1510 = arith.sitofp %broadcast_in_dim3A_1509 : vector<16xi32> to vector<16xf32>
    %max3A_1511 = arith.constant 1.000000e+00 : f32
    %max3A_1512 = vector.broadcast %max3A_1511 : f32 to vector<16xf32>
    %max3A_1513 = arith.maximumf %convert_element_type3A_1510, %max3A_1512 : vector<16xf32>
    %div3A_1514 = arith.constant 1.000000e+00 : f32
    %div3A_1515 = vector.broadcast %div3A_1514 : f32 to vector<16xf32>
    %div3A_1516 = arith.divf %div3A_1515, %max3A_1513 : vector<16xf32>
    %get3A_1517 = arith.constant 6 : i32
    %get3A_1518 = arith.index_cast %get3A_1517 : i32 to index
    %get3A_1519 = arith.constant 0 : index
    %get3A_1520 = tpu.vector_load %arg7[%get3A_1518, %get3A_1519] {strides = array<i32>} : memref<16x128xf32, #tpu.memory_space<vmem>>, vector<1x16xf32>,
    %get3A_1521 = vector.shape_cast %get3A_1520 : vector<1x16xf32> to vector<16xf32>
    %mul3A_1522 = arith.mulf %get3A_1521, %div3A_1516 : vector<16xf32>
    %swap3A_1523 = arith.constant 6 : i32
    %swap3A_1524 = arith.index_cast %swap3A_1523 : i32 to index
    %swap3A_1525 = arith.constant 0 : index
    %swap3A_1526 = tpu.vector_load %arg7[%swap3A_1524, %swap3A_1525] {strides = array<i32>} : memref<16x128xf32, #tpu.memory_space<vmem>>, vector<1x16xf32>,
    %swap3A_1527 = vector.shape_cast %swap3A_1526 : vector<1x16xf32> to vector<16xf32>
    %swap3A_1528 = vector.shape_cast %mul3A_1522 : vector<16xf32> to vector<1x16xf32>
    tpu.vector_store %arg7[%swap3A_1524, %swap3A_1525], %swap3A_1528 {strides = array<i32>} : memref<16x128xf32, #tpu.memory_space<vmem>>, vector<1x16xf32>,
    %get3A_1529 = arith.constant 6 : i32
    %get3A_1530 = arith.index_cast %get3A_1529 : i32 to index
    %get3A_1531 = arith.constant 16 : index
    %get3A_1532 = tpu.vector_load %arg7[%get3A_1530, %get3A_1531] {strides = array<i32>} : memref<16x128xf32, #tpu.memory_space<vmem>>, vector<1x16xf32>,
    %get3A_1533 = vector.shape_cast %get3A_1532 : vector<1x16xf32> to vector<16xf32>
    %mul3A_1534 = arith.mulf %get3A_1533, %div3A_1516 : vector<16xf32>
    %swap3A_1535 = arith.constant 6 : i32
    %swap3A_1536 = arith.index_cast %swap3A_1535 : i32 to index
    %swap3A_1537 = arith.constant 16 : index
    %swap3A_1538 = tpu.vector_load %arg7[%swap3A_1536, %swap3A_1537] {strides = array<i32>} : memref<16x128xf32, #tpu.memory_space<vmem>>, vector<1x16xf32>,
    %swap3A_1539 = vector.shape_cast %swap3A_1538 : vector<1x16xf32> to vector<16xf32>
    %swap3A_1540 = vector.shape_cast %mul3A_1534 : vector<16xf32> to vector<1x16xf32>
    tpu.vector_store %arg7[%swap3A_1536, %swap3A_1537], %swap3A_1540 {strides = array<i32>} : memref<16x128xf32, #tpu.memory_space<vmem>>, vector<1x16xf32>,
    %get3A_1541 = arith.constant 6 : i32
    %get3A_1542 = arith.index_cast %get3A_1541 : i32 to index
    %get3A_1543 = arith.constant 32 : index
    %get3A_1544 = tpu.vector_load %arg7[%get3A_1542, %get3A_1543] {strides = array<i32>} : memref<16x128xf32, #tpu.memory_space<vmem>>, vector<1x16xf32>,
    %get3A_1545 = vector.shape_cast %get3A_1544 : vector<1x16xf32> to vector<16xf32>
    %mul3A_1546 = arith.mulf %get3A_1545, %div3A_1516 : vector<16xf32>
    %swap3A_1547 = arith.constant 6 : i32
    %swap3A_1548 = arith.index_cast %swap3A_1547 : i32 to index
    %swap3A_1549 = arith.constant 32 : index
    %swap3A_1550 = tpu.vector_load %arg7[%swap3A_1548, %swap3A_1549] {strides = array<i32>} : memref<16x128xf32, #tpu.memory_space<vmem>>, vector<1x16xf32>,
    %swap3A_1551 = vector.shape_cast %swap3A_1550 : vector<1x16xf32> to vector<16xf32>
    %swap3A_1552 = vector.shape_cast %mul3A_1546 : vector<16xf32> to vector<1x16xf32>
    tpu.vector_store %arg7[%swap3A_1548, %swap3A_1549], %swap3A_1552 {strides = array<i32>} : memref<16x128xf32, #tpu.memory_space<vmem>>, vector<1x16xf32>,
    %get3A_1553 = arith.constant 6 : i32
    %get3A_1554 = arith.index_cast %get3A_1553 : i32 to index
    %get3A_1555 = arith.constant 48 : index
    %get3A_1556 = tpu.vector_load %arg7[%get3A_1554, %get3A_1555] {strides = array<i32>} : memref<16x128xf32, #tpu.memory_space<vmem>>, vector<1x16xf32>,
    %get3A_1557 = vector.shape_cast %get3A_1556 : vector<1x16xf32> to vector<16xf32>
    %mul3A_1558 = arith.mulf %get3A_1557, %div3A_1516 : vector<16xf32>
    %swap3A_1559 = arith.constant 6 : i32
    %swap3A_1560 = arith.index_cast %swap3A_1559 : i32 to index
    %swap3A_1561 = arith.constant 48 : index
    %swap3A_1562 = tpu.vector_load %arg7[%swap3A_1560, %swap3A_1561] {strides = array<i32>} : memref<16x128xf32, #tpu.memory_space<vmem>>, vector<1x16xf32>,
    %swap3A_1563 = vector.shape_cast %swap3A_1562 : vector<1x16xf32> to vector<16xf32>
    %swap3A_1564 = vector.shape_cast %mul3A_1558 : vector<16xf32> to vector<1x16xf32>
    tpu.vector_store %arg7[%swap3A_1560, %swap3A_1561], %swap3A_1564 {strides = array<i32>} : memref<16x128xf32, #tpu.memory_space<vmem>>, vector<1x16xf32>,
    %get3A_1565 = arith.constant 6 : i32
    %get3A_1566 = arith.index_cast %get3A_1565 : i32 to index
    %get3A_1567 = arith.constant 64 : index
    %get3A_1568 = tpu.vector_load %arg7[%get3A_1566, %get3A_1567] {strides = array<i32>} : memref<16x128xf32, #tpu.memory_space<vmem>>, vector<1x16xf32>,
    %get3A_1569 = vector.shape_cast %get3A_1568 : vector<1x16xf32> to vector<16xf32>
    %mul3A_1570 = arith.mulf %get3A_1569, %div3A_1516 : vector<16xf32>
    %swap3A_1571 = arith.constant 6 : i32
    %swap3A_1572 = arith.index_cast %swap3A_1571 : i32 to index
    %swap3A_1573 = arith.constant 64 : index
    %swap3A_1574 = tpu.vector_load %arg7[%swap3A_1572, %swap3A_1573] {strides = array<i32>} : memref<16x128xf32, #tpu.memory_space<vmem>>, vector<1x16xf32>,
    %swap3A_1575 = vector.shape_cast %swap3A_1574 : vector<1x16xf32> to vector<16xf32>
    %swap3A_1576 = vector.shape_cast %mul3A_1570 : vector<16xf32> to vector<1x16xf32>
    tpu.vector_store %arg7[%swap3A_1572, %swap3A_1573], %swap3A_1576 {strides = array<i32>} : memref<16x128xf32, #tpu.memory_space<vmem>>, vector<1x16xf32>,
    %get3A_1577 = arith.constant 6 : i32
    %get3A_1578 = arith.index_cast %get3A_1577 : i32 to index
    %get3A_1579 = arith.constant 80 : index
    %get3A_1580 = tpu.vector_load %arg7[%get3A_1578, %get3A_1579] {strides = array<i32>} : memref<16x128xf32, #tpu.memory_space<vmem>>, vector<1x16xf32>,
    %get3A_1581 = vector.shape_cast %get3A_1580 : vector<1x16xf32> to vector<16xf32>
    %mul3A_1582 = arith.mulf %get3A_1581, %div3A_1516 : vector<16xf32>
    %swap3A_1583 = arith.constant 6 : i32
    %swap3A_1584 = arith.index_cast %swap3A_1583 : i32 to index
    %swap3A_1585 = arith.constant 80 : index
    %swap3A_1586 = tpu.vector_load %arg7[%swap3A_1584, %swap3A_1585] {strides = array<i32>} : memref<16x128xf32, #tpu.memory_space<vmem>>, vector<1x16xf32>,
    %swap3A_1587 = vector.shape_cast %swap3A_1586 : vector<1x16xf32> to vector<16xf32>
    %swap3A_1588 = vector.shape_cast %mul3A_1582 : vector<16xf32> to vector<1x16xf32>
    tpu.vector_store %arg7[%swap3A_1584, %swap3A_1585], %swap3A_1588 {strides = array<i32>} : memref<16x128xf32, #tpu.memory_space<vmem>>, vector<1x16xf32>,
    %get3A_1589 = arith.constant 6 : i32
    %get3A_1590 = arith.index_cast %get3A_1589 : i32 to index
    %get3A_1591 = arith.constant 96 : index
    %get3A_1592 = tpu.vector_load %arg7[%get3A_1590, %get3A_1591] {strides = array<i32>} : memref<16x128xf32, #tpu.memory_space<vmem>>, vector<1x16xf32>,
    %get3A_1593 = vector.shape_cast %get3A_1592 : vector<1x16xf32> to vector<16xf32>
    %mul3A_1594 = arith.mulf %get3A_1593, %div3A_1516 : vector<16xf32>
    %swap3A_1595 = arith.constant 6 : i32
    %swap3A_1596 = arith.index_cast %swap3A_1595 : i32 to index
    %swap3A_1597 = arith.constant 96 : index
    %swap3A_1598 = tpu.vector_load %arg7[%swap3A_1596, %swap3A_1597] {strides = array<i32>} : memref<16x128xf32, #tpu.memory_space<vmem>>, vector<1x16xf32>,
    %swap3A_1599 = vector.shape_cast %swap3A_1598 : vector<1x16xf32> to vector<16xf32>
    %swap3A_1600 = vector.shape_cast %mul3A_1594 : vector<16xf32> to vector<1x16xf32>
    tpu.vector_store %arg7[%swap3A_1596, %swap3A_1597], %swap3A_1600 {strides = array<i32>} : memref<16x128xf32, #tpu.memory_space<vmem>>, vector<1x16xf32>,
    %get3A_1601 = arith.constant 6 : i32
    %get3A_1602 = arith.index_cast %get3A_1601 : i32 to index
    %get3A_1603 = arith.constant 112 : index
    %get3A_1604 = tpu.vector_load %arg7[%get3A_1602, %get3A_1603] {strides = array<i32>} : memref<16x128xf32, #tpu.memory_space<vmem>>, vector<1x16xf32>,
    %get3A_1605 = vector.shape_cast %get3A_1604 : vector<1x16xf32> to vector<16xf32>
    %mul3A_1606 = arith.mulf %get3A_1605, %div3A_1516 : vector<16xf32>
    %swap3A_1607 = arith.constant 6 : i32
    %swap3A_1608 = arith.index_cast %swap3A_1607 : i32 to index
    %swap3A_1609 = arith.constant 112 : index
    %swap3A_1610 = tpu.vector_load %arg7[%swap3A_1608, %swap3A_1609] {strides = array<i32>} : memref<16x128xf32, #tpu.memory_space<vmem>>, vector<1x16xf32>,
    %swap3A_1611 = vector.shape_cast %swap3A_1610 : vector<1x16xf32> to vector<16xf32>
    %swap3A_1612 = vector.shape_cast %mul3A_1606 : vector<16xf32> to vector<1x16xf32>
    tpu.vector_store %arg7[%swap3A_1608, %swap3A_1609], %swap3A_1612 {strides = array<i32>} : memref<16x128xf32, #tpu.memory_space<vmem>>, vector<1x16xf32>,
    %get3A_1613 = arith.constant 8 : index
    %get3A_1614 = tpu.vector_load %arg9[%get3A_1613] {strides = array<i32>} : memref<40xi32, #tpu.memory_space<vmem>>, vector<16xi32>,
    %get3A_1615 = vector.shape_cast %get3A_1614 : vector<16xi32> to vector<16xi32>
    %slice3A_1616 = vector.extract_strided_slice %get3A_1615 {offsets = [0], sizes = [1], strides = [1]} : vector<16xi32> to vector<1xi32>
    %squeeze3A_1617 = vector.extract %slice3A_1616[0] : i32 from vector<1xi32>
    %get3A_1618 = arith.constant 7 : index
    %get3A_1619 = tpu.vector_load %arg9[%get3A_1618] {strides = array<i32>} : memref<40xi32, #tpu.memory_space<vmem>>, vector<16xi32>,
    %get3A_1620 = vector.shape_cast %get3A_1619 : vector<16xi32> to vector<16xi32>
    %slice3A_1621 = vector.extract_strided_slice %get3A_1620 {offsets = [0], sizes = [1], strides = [1]} : vector<16xi32> to vector<1xi32>
    %squeeze3A_1622 = vector.extract %slice3A_1621[0] : i32 from vector<1xi32>
    %sub3A_1623 = arith.subi %squeeze3A_1617, %squeeze3A_1622 : i32
    %broadcast_in_dim3A_1624 = vector.broadcast %sub3A_1623 : i32 to vector<16xi32>
    %convert_element_type3A_1625 = arith.sitofp %broadcast_in_dim3A_1624 : vector<16xi32> to vector<16xf32>
    %max3A_1626 = arith.constant 1.000000e+00 : f32
    %max3A_1627 = vector.broadcast %max3A_1626 : f32 to vector<16xf32>
    %max3A_1628 = arith.maximumf %convert_element_type3A_1625, %max3A_1627 : vector<16xf32>
    %div3A_1629 = arith.constant 1.000000e+00 : f32
    %div3A_1630 = vector.broadcast %div3A_1629 : f32 to vector<16xf32>
    %div3A_1631 = arith.divf %div3A_1630, %max3A_1628 : vector<16xf32>
    %get3A_1632 = arith.constant 7 : i32
    %get3A_1633 = arith.index_cast %get3A_1632 : i32 to index
    %get3A_1634 = arith.constant 0 : index
    %get3A_1635 = tpu.vector_load %arg7[%get3A_1633, %get3A_1634] {strides = array<i32>} : memref<16x128xf32, #tpu.memory_space<vmem>>, vector<1x16xf32>,
    %get3A_1636 = vector.shape_cast %get3A_1635 : vector<1x16xf32> to vector<16xf32>
    %mul3A_1637 = arith.mulf %get3A_1636, %div3A_1631 : vector<16xf32>
    %swap3A_1638 = arith.constant 7 : i32
    %swap3A_1639 = arith.index_cast %swap3A_1638 : i32 to index
    %swap3A_1640 = arith.constant 0 : index
    %swap3A_1641 = tpu.vector_load %arg7[%swap3A_1639, %swap3A_1640] {strides = array<i32>} : memref<16x128xf32, #tpu.memory_space<vmem>>, vector<1x16xf32>,
    %swap3A_1642 = vector.shape_cast %swap3A_1641 : vector<1x16xf32> to vector<16xf32>
    %swap3A_1643 = vector.shape_cast %mul3A_1637 : vector<16xf32> to vector<1x16xf32>
    tpu.vector_store %arg7[%swap3A_1639, %swap3A_1640], %swap3A_1643 {strides = array<i32>} : memref<16x128xf32, #tpu.memory_space<vmem>>, vector<1x16xf32>,
    %get3A_1644 = arith.constant 7 : i32
    %get3A_1645 = arith.index_cast %get3A_1644 : i32 to index
    %get3A_1646 = arith.constant 16 : index
    %get3A_1647 = tpu.vector_load %arg7[%get3A_1645, %get3A_1646] {strides = array<i32>} : memref<16x128xf32, #tpu.memory_space<vmem>>, vector<1x16xf32>,
    %get3A_1648 = vector.shape_cast %get3A_1647 : vector<1x16xf32> to vector<16xf32>
    %mul3A_1649 = arith.mulf %get3A_1648, %div3A_1631 : vector<16xf32>
    %swap3A_1650 = arith.constant 7 : i32
    %swap3A_1651 = arith.index_cast %swap3A_1650 : i32 to index
    %swap3A_1652 = arith.constant 16 : index
    %swap3A_1653 = tpu.vector_load %arg7[%swap3A_1651, %swap3A_1652] {strides = array<i32>} : memref<16x128xf32, #tpu.memory_space<vmem>>, vector<1x16xf32>,
    %swap3A_1654 = vector.shape_cast %swap3A_1653 : vector<1x16xf32> to vector<16xf32>
    %swap3A_1655 = vector.shape_cast %mul3A_1649 : vector<16xf32> to vector<1x16xf32>
    tpu.vector_store %arg7[%swap3A_1651, %swap3A_1652], %swap3A_1655 {strides = array<i32>} : memref<16x128xf32, #tpu.memory_space<vmem>>, vector<1x16xf32>,
    %get3A_1656 = arith.constant 7 : i32
    %get3A_1657 = arith.index_cast %get3A_1656 : i32 to index
    %get3A_1658 = arith.constant 32 : index
    %get3A_1659 = tpu.vector_load %arg7[%get3A_1657, %get3A_1658] {strides = array<i32>} : memref<16x128xf32, #tpu.memory_space<vmem>>, vector<1x16xf32>,
    %get3A_1660 = vector.shape_cast %get3A_1659 : vector<1x16xf32> to vector<16xf32>
    %mul3A_1661 = arith.mulf %get3A_1660, %div3A_1631 : vector<16xf32>
    %swap3A_1662 = arith.constant 7 : i32
    %swap3A_1663 = arith.index_cast %swap3A_1662 : i32 to index
    %swap3A_1664 = arith.constant 32 : index
    %swap3A_1665 = tpu.vector_load %arg7[%swap3A_1663, %swap3A_1664] {strides = array<i32>} : memref<16x128xf32, #tpu.memory_space<vmem>>, vector<1x16xf32>,
    %swap3A_1666 = vector.shape_cast %swap3A_1665 : vector<1x16xf32> to vector<16xf32>
    %swap3A_1667 = vector.shape_cast %mul3A_1661 : vector<16xf32> to vector<1x16xf32>
    tpu.vector_store %arg7[%swap3A_1663, %swap3A_1664], %swap3A_1667 {strides = array<i32>} : memref<16x128xf32, #tpu.memory_space<vmem>>, vector<1x16xf32>,
    %get3A_1668 = arith.constant 7 : i32
    %get3A_1669 = arith.index_cast %get3A_1668 : i32 to index
    %get3A_1670 = arith.constant 48 : index
    %get3A_1671 = tpu.vector_load %arg7[%get3A_1669, %get3A_1670] {strides = array<i32>} : memref<16x128xf32, #tpu.memory_space<vmem>>, vector<1x16xf32>,
    %get3A_1672 = vector.shape_cast %get3A_1671 : vector<1x16xf32> to vector<16xf32>
    %mul3A_1673 = arith.mulf %get3A_1672, %div3A_1631 : vector<16xf32>
    %swap3A_1674 = arith.constant 7 : i32
    %swap3A_1675 = arith.index_cast %swap3A_1674 : i32 to index
    %swap3A_1676 = arith.constant 48 : index
    %swap3A_1677 = tpu.vector_load %arg7[%swap3A_1675, %swap3A_1676] {strides = array<i32>} : memref<16x128xf32, #tpu.memory_space<vmem>>, vector<1x16xf32>,
    %swap3A_1678 = vector.shape_cast %swap3A_1677 : vector<1x16xf32> to vector<16xf32>
    %swap3A_1679 = vector.shape_cast %mul3A_1673 : vector<16xf32> to vector<1x16xf32>
    tpu.vector_store %arg7[%swap3A_1675, %swap3A_1676], %swap3A_1679 {strides = array<i32>} : memref<16x128xf32, #tpu.memory_space<vmem>>, vector<1x16xf32>,
    %get3A_1680 = arith.constant 7 : i32
    %get3A_1681 = arith.index_cast %get3A_1680 : i32 to index
    %get3A_1682 = arith.constant 64 : index
    %get3A_1683 = tpu.vector_load %arg7[%get3A_1681, %get3A_1682] {strides = array<i32>} : memref<16x128xf32, #tpu.memory_space<vmem>>, vector<1x16xf32>,
    %get3A_1684 = vector.shape_cast %get3A_1683 : vector<1x16xf32> to vector<16xf32>
    %mul3A_1685 = arith.mulf %get3A_1684, %div3A_1631 : vector<16xf32>
    %swap3A_1686 = arith.constant 7 : i32
    %swap3A_1687 = arith.index_cast %swap3A_1686 : i32 to index
    %swap3A_1688 = arith.constant 64 : index
    %swap3A_1689 = tpu.vector_load %arg7[%swap3A_1687, %swap3A_1688] {strides = array<i32>} : memref<16x128xf32, #tpu.memory_space<vmem>>, vector<1x16xf32>,
    %swap3A_1690 = vector.shape_cast %swap3A_1689 : vector<1x16xf32> to vector<16xf32>
    %swap3A_1691 = vector.shape_cast %mul3A_1685 : vector<16xf32> to vector<1x16xf32>
    tpu.vector_store %arg7[%swap3A_1687, %swap3A_1688], %swap3A_1691 {strides = array<i32>} : memref<16x128xf32, #tpu.memory_space<vmem>>, vector<1x16xf32>,
    %get3A_1692 = arith.constant 7 : i32
    %get3A_1693 = arith.index_cast %get3A_1692 : i32 to index
    %get3A_1694 = arith.constant 80 : index
    %get3A_1695 = tpu.vector_load %arg7[%get3A_1693, %get3A_1694] {strides = array<i32>} : memref<16x128xf32, #tpu.memory_space<vmem>>, vector<1x16xf32>,
    %get3A_1696 = vector.shape_cast %get3A_1695 : vector<1x16xf32> to vector<16xf32>
    %mul3A_1697 = arith.mulf %get3A_1696, %div3A_1631 : vector<16xf32>
    %swap3A_1698 = arith.constant 7 : i32
    %swap3A_1699 = arith.index_cast %swap3A_1698 : i32 to index
    %swap3A_1700 = arith.constant 80 : index
    %swap3A_1701 = tpu.vector_load %arg7[%swap3A_1699, %swap3A_1700] {strides = array<i32>} : memref<16x128xf32, #tpu.memory_space<vmem>>, vector<1x16xf32>,
    %swap3A_1702 = vector.shape_cast %swap3A_1701 : vector<1x16xf32> to vector<16xf32>
    %swap3A_1703 = vector.shape_cast %mul3A_1697 : vector<16xf32> to vector<1x16xf32>
    tpu.vector_store %arg7[%swap3A_1699, %swap3A_1700], %swap3A_1703 {strides = array<i32>} : memref<16x128xf32, #tpu.memory_space<vmem>>, vector<1x16xf32>,
    %get3A_1704 = arith.constant 7 : i32
    %get3A_1705 = arith.index_cast %get3A_1704 : i32 to index
    %get3A_1706 = arith.constant 96 : index
    %get3A_1707 = tpu.vector_load %arg7[%get3A_1705, %get3A_1706] {strides = array<i32>} : memref<16x128xf32, #tpu.memory_space<vmem>>, vector<1x16xf32>,
    %get3A_1708 = vector.shape_cast %get3A_1707 : vector<1x16xf32> to vector<16xf32>
    %mul3A_1709 = arith.mulf %get3A_1708, %div3A_1631 : vector<16xf32>
    %swap3A_1710 = arith.constant 7 : i32
    %swap3A_1711 = arith.index_cast %swap3A_1710 : i32 to index
    %swap3A_1712 = arith.constant 96 : index
    %swap3A_1713 = tpu.vector_load %arg7[%swap3A_1711, %swap3A_1712] {strides = array<i32>} : memref<16x128xf32, #tpu.memory_space<vmem>>, vector<1x16xf32>,
    %swap3A_1714 = vector.shape_cast %swap3A_1713 : vector<1x16xf32> to vector<16xf32>
    %swap3A_1715 = vector.shape_cast %mul3A_1709 : vector<16xf32> to vector<1x16xf32>
    tpu.vector_store %arg7[%swap3A_1711, %swap3A_1712], %swap3A_1715 {strides = array<i32>} : memref<16x128xf32, #tpu.memory_space<vmem>>, vector<1x16xf32>,
    %get3A_1716 = arith.constant 7 : i32
    %get3A_1717 = arith.index_cast %get3A_1716 : i32 to index
    %get3A_1718 = arith.constant 112 : index
    %get3A_1719 = tpu.vector_load %arg7[%get3A_1717, %get3A_1718] {strides = array<i32>} : memref<16x128xf32, #tpu.memory_space<vmem>>, vector<1x16xf32>,
    %get3A_1720 = vector.shape_cast %get3A_1719 : vector<1x16xf32> to vector<16xf32>
    %mul3A_1721 = arith.mulf %get3A_1720, %div3A_1631 : vector<16xf32>
    %swap3A_1722 = arith.constant 7 : i32
    %swap3A_1723 = arith.index_cast %swap3A_1722 : i32 to index
    %swap3A_1724 = arith.constant 112 : index
    %swap3A_1725 = tpu.vector_load %arg7[%swap3A_1723, %swap3A_1724] {strides = array<i32>} : memref<16x128xf32, #tpu.memory_space<vmem>>, vector<1x16xf32>,
    %swap3A_1726 = vector.shape_cast %swap3A_1725 : vector<1x16xf32> to vector<16xf32>
    %swap3A_1727 = vector.shape_cast %mul3A_1721 : vector<16xf32> to vector<1x16xf32>
    tpu.vector_store %arg7[%swap3A_1723, %swap3A_1724], %swap3A_1727 {strides = array<i32>} : memref<16x128xf32, #tpu.memory_space<vmem>>, vector<1x16xf32>,
    %get3A_1728 = arith.constant 9 : index
    %get3A_1729 = tpu.vector_load %arg9[%get3A_1728] {strides = array<i32>} : memref<40xi32, #tpu.memory_space<vmem>>, vector<16xi32>,
    %get3A_1730 = vector.shape_cast %get3A_1729 : vector<16xi32> to vector<16xi32>
    %slice3A_1731 = vector.extract_strided_slice %get3A_1730 {offsets = [0], sizes = [1], strides = [1]} : vector<16xi32> to vector<1xi32>
    %squeeze3A_1732 = vector.extract %slice3A_1731[0] : i32 from vector<1xi32>
    %get3A_1733 = arith.constant 8 : index
    %get3A_1734 = tpu.vector_load %arg9[%get3A_1733] {strides = array<i32>} : memref<40xi32, #tpu.memory_space<vmem>>, vector<16xi32>,
    %get3A_1735 = vector.shape_cast %get3A_1734 : vector<16xi32> to vector<16xi32>
    %slice3A_1736 = vector.extract_strided_slice %get3A_1735 {offsets = [0], sizes = [1], strides = [1]} : vector<16xi32> to vector<1xi32>
    %squeeze3A_1737 = vector.extract %slice3A_1736[0] : i32 from vector<1xi32>
    %sub3A_1738 = arith.subi %squeeze3A_1732, %squeeze3A_1737 : i32
    %broadcast_in_dim3A_1739 = vector.broadcast %sub3A_1738 : i32 to vector<16xi32>
    %convert_element_type3A_1740 = arith.sitofp %broadcast_in_dim3A_1739 : vector<16xi32> to vector<16xf32>
    %max3A_1741 = arith.constant 1.000000e+00 : f32
    %max3A_1742 = vector.broadcast %max3A_1741 : f32 to vector<16xf32>
    %max3A_1743 = arith.maximumf %convert_element_type3A_1740, %max3A_1742 : vector<16xf32>
    %div3A_1744 = arith.constant 1.000000e+00 : f32
    %div3A_1745 = vector.broadcast %div3A_1744 : f32 to vector<16xf32>
    %div3A_1746 = arith.divf %div3A_1745, %max3A_1743 : vector<16xf32>
    %get3A_1747 = arith.constant 8 : i32
    %get3A_1748 = arith.index_cast %get3A_1747 : i32 to index
    %get3A_1749 = arith.constant 0 : index
    %get3A_1750 = tpu.vector_load %arg7[%get3A_1748, %get3A_1749] {strides = array<i32>} : memref<16x128xf32, #tpu.memory_space<vmem>>, vector<1x16xf32>,
    %get3A_1751 = vector.shape_cast %get3A_1750 : vector<1x16xf32> to vector<16xf32>
    %mul3A_1752 = arith.mulf %get3A_1751, %div3A_1746 : vector<16xf32>
    %swap3A_1753 = arith.constant 8 : i32
    %swap3A_1754 = arith.index_cast %swap3A_1753 : i32 to index
    %swap3A_1755 = arith.constant 0 : index
    %swap3A_1756 = tpu.vector_load %arg7[%swap3A_1754, %swap3A_1755] {strides = array<i32>} : memref<16x128xf32, #tpu.memory_space<vmem>>, vector<1x16xf32>,
    %swap3A_1757 = vector.shape_cast %swap3A_1756 : vector<1x16xf32> to vector<16xf32>
    %swap3A_1758 = vector.shape_cast %mul3A_1752 : vector<16xf32> to vector<1x16xf32>
    tpu.vector_store %arg7[%swap3A_1754, %swap3A_1755], %swap3A_1758 {strides = array<i32>} : memref<16x128xf32, #tpu.memory_space<vmem>>, vector<1x16xf32>,
    %get3A_1759 = arith.constant 8 : i32
    %get3A_1760 = arith.index_cast %get3A_1759 : i32 to index
    %get3A_1761 = arith.constant 16 : index
    %get3A_1762 = tpu.vector_load %arg7[%get3A_1760, %get3A_1761] {strides = array<i32>} : memref<16x128xf32, #tpu.memory_space<vmem>>, vector<1x16xf32>,
    %get3A_1763 = vector.shape_cast %get3A_1762 : vector<1x16xf32> to vector<16xf32>
    %mul3A_1764 = arith.mulf %get3A_1763, %div3A_1746 : vector<16xf32>
    %swap3A_1765 = arith.constant 8 : i32
    %swap3A_1766 = arith.index_cast %swap3A_1765 : i32 to index
    %swap3A_1767 = arith.constant 16 : index
    %swap3A_1768 = tpu.vector_load %arg7[%swap3A_1766, %swap3A_1767] {strides = array<i32>} : memref<16x128xf32, #tpu.memory_space<vmem>>, vector<1x16xf32>,
    %swap3A_1769 = vector.shape_cast %swap3A_1768 : vector<1x16xf32> to vector<16xf32>
    %swap3A_1770 = vector.shape_cast %mul3A_1764 : vector<16xf32> to vector<1x16xf32>
    tpu.vector_store %arg7[%swap3A_1766, %swap3A_1767], %swap3A_1770 {strides = array<i32>} : memref<16x128xf32, #tpu.memory_space<vmem>>, vector<1x16xf32>,
    %get3A_1771 = arith.constant 8 : i32
    %get3A_1772 = arith.index_cast %get3A_1771 : i32 to index
    %get3A_1773 = arith.constant 32 : index
    %get3A_1774 = tpu.vector_load %arg7[%get3A_1772, %get3A_1773] {strides = array<i32>} : memref<16x128xf32, #tpu.memory_space<vmem>>, vector<1x16xf32>,
    %get3A_1775 = vector.shape_cast %get3A_1774 : vector<1x16xf32> to vector<16xf32>
    %mul3A_1776 = arith.mulf %get3A_1775, %div3A_1746 : vector<16xf32>
    %swap3A_1777 = arith.constant 8 : i32
    %swap3A_1778 = arith.index_cast %swap3A_1777 : i32 to index
    %swap3A_1779 = arith.constant 32 : index
    %swap3A_1780 = tpu.vector_load %arg7[%swap3A_1778, %swap3A_1779] {strides = array<i32>} : memref<16x128xf32, #tpu.memory_space<vmem>>, vector<1x16xf32>,
    %swap3A_1781 = vector.shape_cast %swap3A_1780 : vector<1x16xf32> to vector<16xf32>
    %swap3A_1782 = vector.shape_cast %mul3A_1776 : vector<16xf32> to vector<1x16xf32>
    tpu.vector_store %arg7[%swap3A_1778, %swap3A_1779], %swap3A_1782 {strides = array<i32>} : memref<16x128xf32, #tpu.memory_space<vmem>>, vector<1x16xf32>,
    %get3A_1783 = arith.constant 8 : i32
    %get3A_1784 = arith.index_cast %get3A_1783 : i32 to index
    %get3A_1785 = arith.constant 48 : index
    %get3A_1786 = tpu.vector_load %arg7[%get3A_1784, %get3A_1785] {strides = array<i32>} : memref<16x128xf32, #tpu.memory_space<vmem>>, vector<1x16xf32>,
    %get3A_1787 = vector.shape_cast %get3A_1786 : vector<1x16xf32> to vector<16xf32>
    %mul3A_1788 = arith.mulf %get3A_1787, %div3A_1746 : vector<16xf32>
    %swap3A_1789 = arith.constant 8 : i32
    %swap3A_1790 = arith.index_cast %swap3A_1789 : i32 to index
    %swap3A_1791 = arith.constant 48 : index
    %swap3A_1792 = tpu.vector_load %arg7[%swap3A_1790, %swap3A_1791] {strides = array<i32>} : memref<16x128xf32, #tpu.memory_space<vmem>>, vector<1x16xf32>,
    %swap3A_1793 = vector.shape_cast %swap3A_1792 : vector<1x16xf32> to vector<16xf32>
    %swap3A_1794 = vector.shape_cast %mul3A_1788 : vector<16xf32> to vector<1x16xf32>
    tpu.vector_store %arg7[%swap3A_1790, %swap3A_1791], %swap3A_1794 {strides = array<i32>} : memref<16x128xf32, #tpu.memory_space<vmem>>, vector<1x16xf32>,
    %get3A_1795 = arith.constant 8 : i32
    %get3A_1796 = arith.index_cast %get3A_1795 : i32 to index
    %get3A_1797 = arith.constant 64 : index
    %get3A_1798 = tpu.vector_load %arg7[%get3A_1796, %get3A_1797] {strides = array<i32>} : memref<16x128xf32, #tpu.memory_space<vmem>>, vector<1x16xf32>,
    %get3A_1799 = vector.shape_cast %get3A_1798 : vector<1x16xf32> to vector<16xf32>
    %mul3A_1800 = arith.mulf %get3A_1799, %div3A_1746 : vector<16xf32>
    %swap3A_1801 = arith.constant 8 : i32
    %swap3A_1802 = arith.index_cast %swap3A_1801 : i32 to index
    %swap3A_1803 = arith.constant 64 : index
    %swap3A_1804 = tpu.vector_load %arg7[%swap3A_1802, %swap3A_1803] {strides = array<i32>} : memref<16x128xf32, #tpu.memory_space<vmem>>, vector<1x16xf32>,
    %swap3A_1805 = vector.shape_cast %swap3A_1804 : vector<1x16xf32> to vector<16xf32>
    %swap3A_1806 = vector.shape_cast %mul3A_1800 : vector<16xf32> to vector<1x16xf32>
    tpu.vector_store %arg7[%swap3A_1802, %swap3A_1803], %swap3A_1806 {strides = array<i32>} : memref<16x128xf32, #tpu.memory_space<vmem>>, vector<1x16xf32>,
    %get3A_1807 = arith.constant 8 : i32
    %get3A_1808 = arith.index_cast %get3A_1807 : i32 to index
    %get3A_1809 = arith.constant 80 : index
    %get3A_1810 = tpu.vector_load %arg7[%get3A_1808, %get3A_1809] {strides = array<i32>} : memref<16x128xf32, #tpu.memory_space<vmem>>, vector<1x16xf32>,
    %get3A_1811 = vector.shape_cast %get3A_1810 : vector<1x16xf32> to vector<16xf32>
    %mul3A_1812 = arith.mulf %get3A_1811, %div3A_1746 : vector<16xf32>
    %swap3A_1813 = arith.constant 8 : i32
    %swap3A_1814 = arith.index_cast %swap3A_1813 : i32 to index
    %swap3A_1815 = arith.constant 80 : index
    %swap3A_1816 = tpu.vector_load %arg7[%swap3A_1814, %swap3A_1815] {strides = array<i32>} : memref<16x128xf32, #tpu.memory_space<vmem>>, vector<1x16xf32>,
    %swap3A_1817 = vector.shape_cast %swap3A_1816 : vector<1x16xf32> to vector<16xf32>
    %swap3A_1818 = vector.shape_cast %mul3A_1812 : vector<16xf32> to vector<1x16xf32>
    tpu.vector_store %arg7[%swap3A_1814, %swap3A_1815], %swap3A_1818 {strides = array<i32>} : memref<16x128xf32, #tpu.memory_space<vmem>>, vector<1x16xf32>,
    %get3A_1819 = arith.constant 8 : i32
    %get3A_1820 = arith.index_cast %get3A_1819 : i32 to index
    %get3A_1821 = arith.constant 96 : index
    %get3A_1822 = tpu.vector_load %arg7[%get3A_1820, %get3A_1821] {strides = array<i32>} : memref<16x128xf32, #tpu.memory_space<vmem>>, vector<1x16xf32>,
    %get3A_1823 = vector.shape_cast %get3A_1822 : vector<1x16xf32> to vector<16xf32>
    %mul3A_1824 = arith.mulf %get3A_1823, %div3A_1746 : vector<16xf32>
    %swap3A_1825 = arith.constant 8 : i32
    %swap3A_1826 = arith.index_cast %swap3A_1825 : i32 to index
    %swap3A_1827 = arith.constant 96 : index
    %swap3A_1828 = tpu.vector_load %arg7[%swap3A_1826, %swap3A_1827] {strides = array<i32>} : memref<16x128xf32, #tpu.memory_space<vmem>>, vector<1x16xf32>,
    %swap3A_1829 = vector.shape_cast %swap3A_1828 : vector<1x16xf32> to vector<16xf32>
    %swap3A_1830 = vector.shape_cast %mul3A_1824 : vector<16xf32> to vector<1x16xf32>
    tpu.vector_store %arg7[%swap3A_1826, %swap3A_1827], %swap3A_1830 {strides = array<i32>} : memref<16x128xf32, #tpu.memory_space<vmem>>, vector<1x16xf32>,
    %get3A_1831 = arith.constant 8 : i32
    %get3A_1832 = arith.index_cast %get3A_1831 : i32 to index
    %get3A_1833 = arith.constant 112 : index
    %get3A_1834 = tpu.vector_load %arg7[%get3A_1832, %get3A_1833] {strides = array<i32>} : memref<16x128xf32, #tpu.memory_space<vmem>>, vector<1x16xf32>,
    %get3A_1835 = vector.shape_cast %get3A_1834 : vector<1x16xf32> to vector<16xf32>
    %mul3A_1836 = arith.mulf %get3A_1835, %div3A_1746 : vector<16xf32>
    %swap3A_1837 = arith.constant 8 : i32
    %swap3A_1838 = arith.index_cast %swap3A_1837 : i32 to index
    %swap3A_1839 = arith.constant 112 : index
    %swap3A_1840 = tpu.vector_load %arg7[%swap3A_1838, %swap3A_1839] {strides = array<i32>} : memref<16x128xf32, #tpu.memory_space<vmem>>, vector<1x16xf32>,
    %swap3A_1841 = vector.shape_cast %swap3A_1840 : vector<1x16xf32> to vector<16xf32>
    %swap3A_1842 = vector.shape_cast %mul3A_1836 : vector<16xf32> to vector<1x16xf32>
    tpu.vector_store %arg7[%swap3A_1838, %swap3A_1839], %swap3A_1842 {strides = array<i32>} : memref<16x128xf32, #tpu.memory_space<vmem>>, vector<1x16xf32>,
    %get3A_1843 = arith.constant 10 : index
    %get3A_1844 = tpu.vector_load %arg9[%get3A_1843] {strides = array<i32>} : memref<40xi32, #tpu.memory_space<vmem>>, vector<16xi32>,
    %get3A_1845 = vector.shape_cast %get3A_1844 : vector<16xi32> to vector<16xi32>
    %slice3A_1846 = vector.extract_strided_slice %get3A_1845 {offsets = [0], sizes = [1], strides = [1]} : vector<16xi32> to vector<1xi32>
    %squeeze3A_1847 = vector.extract %slice3A_1846[0] : i32 from vector<1xi32>
    %get3A_1848 = arith.constant 9 : index
    %get3A_1849 = tpu.vector_load %arg9[%get3A_1848] {strides = array<i32>} : memref<40xi32, #tpu.memory_space<vmem>>, vector<16xi32>,
    %get3A_1850 = vector.shape_cast %get3A_1849 : vector<16xi32> to vector<16xi32>
    %slice3A_1851 = vector.extract_strided_slice %get3A_1850 {offsets = [0], sizes = [1], strides = [1]} : vector<16xi32> to vector<1xi32>
    %squeeze3A_1852 = vector.extract %slice3A_1851[0] : i32 from vector<1xi32>
    %sub3A_1853 = arith.subi %squeeze3A_1847, %squeeze3A_1852 : i32
    %broadcast_in_dim3A_1854 = vector.broadcast %sub3A_1853 : i32 to vector<16xi32>
    %convert_element_type3A_1855 = arith.sitofp %broadcast_in_dim3A_1854 : vector<16xi32> to vector<16xf32>
    %max3A_1856 = arith.constant 1.000000e+00 : f32
    %max3A_1857 = vector.broadcast %max3A_1856 : f32 to vector<16xf32>
    %max3A_1858 = arith.maximumf %convert_element_type3A_1855, %max3A_1857 : vector<16xf32>
    %div3A_1859 = arith.constant 1.000000e+00 : f32
    %div3A_1860 = vector.broadcast %div3A_1859 : f32 to vector<16xf32>
    %div3A_1861 = arith.divf %div3A_1860, %max3A_1858 : vector<16xf32>
    %get3A_1862 = arith.constant 9 : i32
    %get3A_1863 = arith.index_cast %get3A_1862 : i32 to index
    %get3A_1864 = arith.constant 0 : index
    %get3A_1865 = tpu.vector_load %arg7[%get3A_1863, %get3A_1864] {strides = array<i32>} : memref<16x128xf32, #tpu.memory_space<vmem>>, vector<1x16xf32>,
    %get3A_1866 = vector.shape_cast %get3A_1865 : vector<1x16xf32> to vector<16xf32>
    %mul3A_1867 = arith.mulf %get3A_1866, %div3A_1861 : vector<16xf32>
    %swap3A_1868 = arith.constant 9 : i32
    %swap3A_1869 = arith.index_cast %swap3A_1868 : i32 to index
    %swap3A_1870 = arith.constant 0 : index
    %swap3A_1871 = tpu.vector_load %arg7[%swap3A_1869, %swap3A_1870] {strides = array<i32>} : memref<16x128xf32, #tpu.memory_space<vmem>>, vector<1x16xf32>,
    %swap3A_1872 = vector.shape_cast %swap3A_1871 : vector<1x16xf32> to vector<16xf32>
    %swap3A_1873 = vector.shape_cast %mul3A_1867 : vector<16xf32> to vector<1x16xf32>
    tpu.vector_store %arg7[%swap3A_1869, %swap3A_1870], %swap3A_1873 {strides = array<i32>} : memref<16x128xf32, #tpu.memory_space<vmem>>, vector<1x16xf32>,
    %get3A_1874 = arith.constant 9 : i32
    %get3A_1875 = arith.index_cast %get3A_1874 : i32 to index
    %get3A_1876 = arith.constant 16 : index
    %get3A_1877 = tpu.vector_load %arg7[%get3A_1875, %get3A_1876] {strides = array<i32>} : memref<16x128xf32, #tpu.memory_space<vmem>>, vector<1x16xf32>,
    %get3A_1878 = vector.shape_cast %get3A_1877 : vector<1x16xf32> to vector<16xf32>
    %mul3A_1879 = arith.mulf %get3A_1878, %div3A_1861 : vector<16xf32>
    %swap3A_1880 = arith.constant 9 : i32
    %swap3A_1881 = arith.index_cast %swap3A_1880 : i32 to index
    %swap3A_1882 = arith.constant 16 : index
    %swap3A_1883 = tpu.vector_load %arg7[%swap3A_1881, %swap3A_1882] {strides = array<i32>} : memref<16x128xf32, #tpu.memory_space<vmem>>, vector<1x16xf32>,
    %swap3A_1884 = vector.shape_cast %swap3A_1883 : vector<1x16xf32> to vector<16xf32>
    %swap3A_1885 = vector.shape_cast %mul3A_1879 : vector<16xf32> to vector<1x16xf32>
    tpu.vector_store %arg7[%swap3A_1881, %swap3A_1882], %swap3A_1885 {strides = array<i32>} : memref<16x128xf32, #tpu.memory_space<vmem>>, vector<1x16xf32>,
    %get3A_1886 = arith.constant 9 : i32
    %get3A_1887 = arith.index_cast %get3A_1886 : i32 to index
    %get3A_1888 = arith.constant 32 : index
    %get3A_1889 = tpu.vector_load %arg7[%get3A_1887, %get3A_1888] {strides = array<i32>} : memref<16x128xf32, #tpu.memory_space<vmem>>, vector<1x16xf32>,
    %get3A_1890 = vector.shape_cast %get3A_1889 : vector<1x16xf32> to vector<16xf32>
    %mul3A_1891 = arith.mulf %get3A_1890, %div3A_1861 : vector<16xf32>
    %swap3A_1892 = arith.constant 9 : i32
    %swap3A_1893 = arith.index_cast %swap3A_1892 : i32 to index
    %swap3A_1894 = arith.constant 32 : index
    %swap3A_1895 = tpu.vector_load %arg7[%swap3A_1893, %swap3A_1894] {strides = array<i32>} : memref<16x128xf32, #tpu.memory_space<vmem>>, vector<1x16xf32>,
    %swap3A_1896 = vector.shape_cast %swap3A_1895 : vector<1x16xf32> to vector<16xf32>
    %swap3A_1897 = vector.shape_cast %mul3A_1891 : vector<16xf32> to vector<1x16xf32>
    tpu.vector_store %arg7[%swap3A_1893, %swap3A_1894], %swap3A_1897 {strides = array<i32>} : memref<16x128xf32, #tpu.memory_space<vmem>>, vector<1x16xf32>,
    %get3A_1898 = arith.constant 9 : i32
    %get3A_1899 = arith.index_cast %get3A_1898 : i32 to index
    %get3A_1900 = arith.constant 48 : index
    %get3A_1901 = tpu.vector_load %arg7[%get3A_1899, %get3A_1900] {strides = array<i32>} : memref<16x128xf32, #tpu.memory_space<vmem>>, vector<1x16xf32>,
    %get3A_1902 = vector.shape_cast %get3A_1901 : vector<1x16xf32> to vector<16xf32>
    %mul3A_1903 = arith.mulf %get3A_1902, %div3A_1861 : vector<16xf32>
    %swap3A_1904 = arith.constant 9 : i32
    %swap3A_1905 = arith.index_cast %swap3A_1904 : i32 to index
    %swap3A_1906 = arith.constant 48 : index
    %swap3A_1907 = tpu.vector_load %arg7[%swap3A_1905, %swap3A_1906] {strides = array<i32>} : memref<16x128xf32, #tpu.memory_space<vmem>>, vector<1x16xf32>,
    %swap3A_1908 = vector.shape_cast %swap3A_1907 : vector<1x16xf32> to vector<16xf32>
    %swap3A_1909 = vector.shape_cast %mul3A_1903 : vector<16xf32> to vector<1x16xf32>
    tpu.vector_store %arg7[%swap3A_1905, %swap3A_1906], %swap3A_1909 {strides = array<i32>} : memref<16x128xf32, #tpu.memory_space<vmem>>, vector<1x16xf32>,
    %get3A_1910 = arith.constant 9 : i32
    %get3A_1911 = arith.index_cast %get3A_1910 : i32 to index
    %get3A_1912 = arith.constant 64 : index
    %get3A_1913 = tpu.vector_load %arg7[%get3A_1911, %get3A_1912] {strides = array<i32>} : memref<16x128xf32, #tpu.memory_space<vmem>>, vector<1x16xf32>,
    %get3A_1914 = vector.shape_cast %get3A_1913 : vector<1x16xf32> to vector<16xf32>
    %mul3A_1915 = arith.mulf %get3A_1914, %div3A_1861 : vector<16xf32>
    %swap3A_1916 = arith.constant 9 : i32
    %swap3A_1917 = arith.index_cast %swap3A_1916 : i32 to index
    %swap3A_1918 = arith.constant 64 : index
    %swap3A_1919 = tpu.vector_load %arg7[%swap3A_1917, %swap3A_1918] {strides = array<i32>} : memref<16x128xf32, #tpu.memory_space<vmem>>, vector<1x16xf32>,
    %swap3A_1920 = vector.shape_cast %swap3A_1919 : vector<1x16xf32> to vector<16xf32>
    %swap3A_1921 = vector.shape_cast %mul3A_1915 : vector<16xf32> to vector<1x16xf32>
    tpu.vector_store %arg7[%swap3A_1917, %swap3A_1918], %swap3A_1921 {strides = array<i32>} : memref<16x128xf32, #tpu.memory_space<vmem>>, vector<1x16xf32>,
    %get3A_1922 = arith.constant 9 : i32
    %get3A_1923 = arith.index_cast %get3A_1922 : i32 to index
    %get3A_1924 = arith.constant 80 : index
    %get3A_1925 = tpu.vector_load %arg7[%get3A_1923, %get3A_1924] {strides = array<i32>} : memref<16x128xf32, #tpu.memory_space<vmem>>, vector<1x16xf32>,
    %get3A_1926 = vector.shape_cast %get3A_1925 : vector<1x16xf32> to vector<16xf32>
    %mul3A_1927 = arith.mulf %get3A_1926, %div3A_1861 : vector<16xf32>
    %swap3A_1928 = arith.constant 9 : i32
    %swap3A_1929 = arith.index_cast %swap3A_1928 : i32 to index
    %swap3A_1930 = arith.constant 80 : index
    %swap3A_1931 = tpu.vector_load %arg7[%swap3A_1929, %swap3A_1930] {strides = array<i32>} : memref<16x128xf32, #tpu.memory_space<vmem>>, vector<1x16xf32>,
    %swap3A_1932 = vector.shape_cast %swap3A_1931 : vector<1x16xf32> to vector<16xf32>
    %swap3A_1933 = vector.shape_cast %mul3A_1927 : vector<16xf32> to vector<1x16xf32>
    tpu.vector_store %arg7[%swap3A_1929, %swap3A_1930], %swap3A_1933 {strides = array<i32>} : memref<16x128xf32, #tpu.memory_space<vmem>>, vector<1x16xf32>,
    %get3A_1934 = arith.constant 9 : i32
    %get3A_1935 = arith.index_cast %get3A_1934 : i32 to index
    %get3A_1936 = arith.constant 96 : index
    %get3A_1937 = tpu.vector_load %arg7[%get3A_1935, %get3A_1936] {strides = array<i32>} : memref<16x128xf32, #tpu.memory_space<vmem>>, vector<1x16xf32>,
    %get3A_1938 = vector.shape_cast %get3A_1937 : vector<1x16xf32> to vector<16xf32>
    %mul3A_1939 = arith.mulf %get3A_1938, %div3A_1861 : vector<16xf32>
    %swap3A_1940 = arith.constant 9 : i32
    %swap3A_1941 = arith.index_cast %swap3A_1940 : i32 to index
    %swap3A_1942 = arith.constant 96 : index
    %swap3A_1943 = tpu.vector_load %arg7[%swap3A_1941, %swap3A_1942] {strides = array<i32>} : memref<16x128xf32, #tpu.memory_space<vmem>>, vector<1x16xf32>,
    %swap3A_1944 = vector.shape_cast %swap3A_1943 : vector<1x16xf32> to vector<16xf32>
    %swap3A_1945 = vector.shape_cast %mul3A_1939 : vector<16xf32> to vector<1x16xf32>
    tpu.vector_store %arg7[%swap3A_1941, %swap3A_1942], %swap3A_1945 {strides = array<i32>} : memref<16x128xf32, #tpu.memory_space<vmem>>, vector<1x16xf32>,
    %get3A_1946 = arith.constant 9 : i32
    %get3A_1947 = arith.index_cast %get3A_1946 : i32 to index
    %get3A_1948 = arith.constant 112 : index
    %get3A_1949 = tpu.vector_load %arg7[%get3A_1947, %get3A_1948] {strides = array<i32>} : memref<16x128xf32, #tpu.memory_space<vmem>>, vector<1x16xf32>,
    %get3A_1950 = vector.shape_cast %get3A_1949 : vector<1x16xf32> to vector<16xf32>
    %mul3A_1951 = arith.mulf %get3A_1950, %div3A_1861 : vector<16xf32>
    %swap3A_1952 = arith.constant 9 : i32
    %swap3A_1953 = arith.index_cast %swap3A_1952 : i32 to index
    %swap3A_1954 = arith.constant 112 : index
    %swap3A_1955 = tpu.vector_load %arg7[%swap3A_1953, %swap3A_1954] {strides = array<i32>} : memref<16x128xf32, #tpu.memory_space<vmem>>, vector<1x16xf32>,
    %swap3A_1956 = vector.shape_cast %swap3A_1955 : vector<1x16xf32> to vector<16xf32>
    %swap3A_1957 = vector.shape_cast %mul3A_1951 : vector<16xf32> to vector<1x16xf32>
    tpu.vector_store %arg7[%swap3A_1953, %swap3A_1954], %swap3A_1957 {strides = array<i32>} : memref<16x128xf32, #tpu.memory_space<vmem>>, vector<1x16xf32>,
    %get3A_1958 = arith.constant 11 : index
    %get3A_1959 = tpu.vector_load %arg9[%get3A_1958] {strides = array<i32>} : memref<40xi32, #tpu.memory_space<vmem>>, vector<16xi32>,
    %get3A_1960 = vector.shape_cast %get3A_1959 : vector<16xi32> to vector<16xi32>
    %slice3A_1961 = vector.extract_strided_slice %get3A_1960 {offsets = [0], sizes = [1], strides = [1]} : vector<16xi32> to vector<1xi32>
    %squeeze3A_1962 = vector.extract %slice3A_1961[0] : i32 from vector<1xi32>
    %get3A_1963 = arith.constant 10 : index
    %get3A_1964 = tpu.vector_load %arg9[%get3A_1963] {strides = array<i32>} : memref<40xi32, #tpu.memory_space<vmem>>, vector<16xi32>,
    %get3A_1965 = vector.shape_cast %get3A_1964 : vector<16xi32> to vector<16xi32>
    %slice3A_1966 = vector.extract_strided_slice %get3A_1965 {offsets = [0], sizes = [1], strides = [1]} : vector<16xi32> to vector<1xi32>
    %squeeze3A_1967 = vector.extract %slice3A_1966[0] : i32 from vector<1xi32>
    %sub3A_1968 = arith.subi %squeeze3A_1962, %squeeze3A_1967 : i32
    %broadcast_in_dim3A_1969 = vector.broadcast %sub3A_1968 : i32 to vector<16xi32>
    %convert_element_type3A_1970 = arith.sitofp %broadcast_in_dim3A_1969 : vector<16xi32> to vector<16xf32>
    %max3A_1971 = arith.constant 1.000000e+00 : f32
    %max3A_1972 = vector.broadcast %max3A_1971 : f32 to vector<16xf32>
    %max3A_1973 = arith.maximumf %convert_element_type3A_1970, %max3A_1972 : vector<16xf32>
    %div3A_1974 = arith.constant 1.000000e+00 : f32
    %div3A_1975 = vector.broadcast %div3A_1974 : f32 to vector<16xf32>
    %div3A_1976 = arith.divf %div3A_1975, %max3A_1973 : vector<16xf32>
    %get3A_1977 = arith.constant 10 : i32
    %get3A_1978 = arith.index_cast %get3A_1977 : i32 to index
    %get3A_1979 = arith.constant 0 : index
    %get3A_1980 = tpu.vector_load %arg7[%get3A_1978, %get3A_1979] {strides = array<i32>} : memref<16x128xf32, #tpu.memory_space<vmem>>, vector<1x16xf32>,
    %get3A_1981 = vector.shape_cast %get3A_1980 : vector<1x16xf32> to vector<16xf32>
    %mul3A_1982 = arith.mulf %get3A_1981, %div3A_1976 : vector<16xf32>
    %swap3A_1983 = arith.constant 10 : i32
    %swap3A_1984 = arith.index_cast %swap3A_1983 : i32 to index
    %swap3A_1985 = arith.constant 0 : index
    %swap3A_1986 = tpu.vector_load %arg7[%swap3A_1984, %swap3A_1985] {strides = array<i32>} : memref<16x128xf32, #tpu.memory_space<vmem>>, vector<1x16xf32>,
    %swap3A_1987 = vector.shape_cast %swap3A_1986 : vector<1x16xf32> to vector<16xf32>
    %swap3A_1988 = vector.shape_cast %mul3A_1982 : vector<16xf32> to vector<1x16xf32>
    tpu.vector_store %arg7[%swap3A_1984, %swap3A_1985], %swap3A_1988 {strides = array<i32>} : memref<16x128xf32, #tpu.memory_space<vmem>>, vector<1x16xf32>,
    %get3A_1989 = arith.constant 10 : i32
    %get3A_1990 = arith.index_cast %get3A_1989 : i32 to index
    %get3A_1991 = arith.constant 16 : index
    %get3A_1992 = tpu.vector_load %arg7[%get3A_1990, %get3A_1991] {strides = array<i32>} : memref<16x128xf32, #tpu.memory_space<vmem>>, vector<1x16xf32>,
    %get3A_1993 = vector.shape_cast %get3A_1992 : vector<1x16xf32> to vector<16xf32>
    %mul3A_1994 = arith.mulf %get3A_1993, %div3A_1976 : vector<16xf32>
    %swap3A_1995 = arith.constant 10 : i32
    %swap3A_1996 = arith.index_cast %swap3A_1995 : i32 to index
    %swap3A_1997 = arith.constant 16 : index
    %swap3A_1998 = tpu.vector_load %arg7[%swap3A_1996, %swap3A_1997] {strides = array<i32>} : memref<16x128xf32, #tpu.memory_space<vmem>>, vector<1x16xf32>,
    %swap3A_1999 = vector.shape_cast %swap3A_1998 : vector<1x16xf32> to vector<16xf32>
    %swap3A_2000 = vector.shape_cast %mul3A_1994 : vector<16xf32> to vector<1x16xf32>
    tpu.vector_store %arg7[%swap3A_1996, %swap3A_1997], %swap3A_2000 {strides = array<i32>} : memref<16x128xf32, #tpu.memory_space<vmem>>, vector<1x16xf32>,
    %get3A_2001 = arith.constant 10 : i32
    %get3A_2002 = arith.index_cast %get3A_2001 : i32 to index
    %get3A_2003 = arith.constant 32 : index
    %get3A_2004 = tpu.vector_load %arg7[%get3A_2002, %get3A_2003] {strides = array<i32>} : memref<16x128xf32, #tpu.memory_space<vmem>>, vector<1x16xf32>,
    %get3A_2005 = vector.shape_cast %get3A_2004 : vector<1x16xf32> to vector<16xf32>
    %mul3A_2006 = arith.mulf %get3A_2005, %div3A_1976 : vector<16xf32>
    %swap3A_2007 = arith.constant 10 : i32
    %swap3A_2008 = arith.index_cast %swap3A_2007 : i32 to index
    %swap3A_2009 = arith.constant 32 : index
    %swap3A_2010 = tpu.vector_load %arg7[%swap3A_2008, %swap3A_2009] {strides = array<i32>} : memref<16x128xf32, #tpu.memory_space<vmem>>, vector<1x16xf32>,
    %swap3A_2011 = vector.shape_cast %swap3A_2010 : vector<1x16xf32> to vector<16xf32>
    %swap3A_2012 = vector.shape_cast %mul3A_2006 : vector<16xf32> to vector<1x16xf32>
    tpu.vector_store %arg7[%swap3A_2008, %swap3A_2009], %swap3A_2012 {strides = array<i32>} : memref<16x128xf32, #tpu.memory_space<vmem>>, vector<1x16xf32>,
    %get3A_2013 = arith.constant 10 : i32
    %get3A_2014 = arith.index_cast %get3A_2013 : i32 to index
    %get3A_2015 = arith.constant 48 : index
    %get3A_2016 = tpu.vector_load %arg7[%get3A_2014, %get3A_2015] {strides = array<i32>} : memref<16x128xf32, #tpu.memory_space<vmem>>, vector<1x16xf32>,
    %get3A_2017 = vector.shape_cast %get3A_2016 : vector<1x16xf32> to vector<16xf32>
    %mul3A_2018 = arith.mulf %get3A_2017, %div3A_1976 : vector<16xf32>
    %swap3A_2019 = arith.constant 10 : i32
    %swap3A_2020 = arith.index_cast %swap3A_2019 : i32 to index
    %swap3A_2021 = arith.constant 48 : index
    %swap3A_2022 = tpu.vector_load %arg7[%swap3A_2020, %swap3A_2021] {strides = array<i32>} : memref<16x128xf32, #tpu.memory_space<vmem>>, vector<1x16xf32>,
    %swap3A_2023 = vector.shape_cast %swap3A_2022 : vector<1x16xf32> to vector<16xf32>
    %swap3A_2024 = vector.shape_cast %mul3A_2018 : vector<16xf32> to vector<1x16xf32>
    tpu.vector_store %arg7[%swap3A_2020, %swap3A_2021], %swap3A_2024 {strides = array<i32>} : memref<16x128xf32, #tpu.memory_space<vmem>>, vector<1x16xf32>,
    %get3A_2025 = arith.constant 10 : i32
    %get3A_2026 = arith.index_cast %get3A_2025 : i32 to index
    %get3A_2027 = arith.constant 64 : index
    %get3A_2028 = tpu.vector_load %arg7[%get3A_2026, %get3A_2027] {strides = array<i32>} : memref<16x128xf32, #tpu.memory_space<vmem>>, vector<1x16xf32>,
    %get3A_2029 = vector.shape_cast %get3A_2028 : vector<1x16xf32> to vector<16xf32>
    %mul3A_2030 = arith.mulf %get3A_2029, %div3A_1976 : vector<16xf32>
    %swap3A_2031 = arith.constant 10 : i32
    %swap3A_2032 = arith.index_cast %swap3A_2031 : i32 to index
    %swap3A_2033 = arith.constant 64 : index
    %swap3A_2034 = tpu.vector_load %arg7[%swap3A_2032, %swap3A_2033] {strides = array<i32>} : memref<16x128xf32, #tpu.memory_space<vmem>>, vector<1x16xf32>,
    %swap3A_2035 = vector.shape_cast %swap3A_2034 : vector<1x16xf32> to vector<16xf32>
    %swap3A_2036 = vector.shape_cast %mul3A_2030 : vector<16xf32> to vector<1x16xf32>
    tpu.vector_store %arg7[%swap3A_2032, %swap3A_2033], %swap3A_2036 {strides = array<i32>} : memref<16x128xf32, #tpu.memory_space<vmem>>, vector<1x16xf32>,
    %get3A_2037 = arith.constant 10 : i32
    %get3A_2038 = arith.index_cast %get3A_2037 : i32 to index
    %get3A_2039 = arith.constant 80 : index
    %get3A_2040 = tpu.vector_load %arg7[%get3A_2038, %get3A_2039] {strides = array<i32>} : memref<16x128xf32, #tpu.memory_space<vmem>>, vector<1x16xf32>,
    %get3A_2041 = vector.shape_cast %get3A_2040 : vector<1x16xf32> to vector<16xf32>
    %mul3A_2042 = arith.mulf %get3A_2041, %div3A_1976 : vector<16xf32>
    %swap3A_2043 = arith.constant 10 : i32
    %swap3A_2044 = arith.index_cast %swap3A_2043 : i32 to index
    %swap3A_2045 = arith.constant 80 : index
    %swap3A_2046 = tpu.vector_load %arg7[%swap3A_2044, %swap3A_2045] {strides = array<i32>} : memref<16x128xf32, #tpu.memory_space<vmem>>, vector<1x16xf32>,
    %swap3A_2047 = vector.shape_cast %swap3A_2046 : vector<1x16xf32> to vector<16xf32>
    %swap3A_2048 = vector.shape_cast %mul3A_2042 : vector<16xf32> to vector<1x16xf32>
    tpu.vector_store %arg7[%swap3A_2044, %swap3A_2045], %swap3A_2048 {strides = array<i32>} : memref<16x128xf32, #tpu.memory_space<vmem>>, vector<1x16xf32>,
    %get3A_2049 = arith.constant 10 : i32
    %get3A_2050 = arith.index_cast %get3A_2049 : i32 to index
    %get3A_2051 = arith.constant 96 : index
    %get3A_2052 = tpu.vector_load %arg7[%get3A_2050, %get3A_2051] {strides = array<i32>} : memref<16x128xf32, #tpu.memory_space<vmem>>, vector<1x16xf32>,
    %get3A_2053 = vector.shape_cast %get3A_2052 : vector<1x16xf32> to vector<16xf32>
    %mul3A_2054 = arith.mulf %get3A_2053, %div3A_1976 : vector<16xf32>
    %swap3A_2055 = arith.constant 10 : i32
    %swap3A_2056 = arith.index_cast %swap3A_2055 : i32 to index
    %swap3A_2057 = arith.constant 96 : index
    %swap3A_2058 = tpu.vector_load %arg7[%swap3A_2056, %swap3A_2057] {strides = array<i32>} : memref<16x128xf32, #tpu.memory_space<vmem>>, vector<1x16xf32>,
    %swap3A_2059 = vector.shape_cast %swap3A_2058 : vector<1x16xf32> to vector<16xf32>
    %swap3A_2060 = vector.shape_cast %mul3A_2054 : vector<16xf32> to vector<1x16xf32>
    tpu.vector_store %arg7[%swap3A_2056, %swap3A_2057], %swap3A_2060 {strides = array<i32>} : memref<16x128xf32, #tpu.memory_space<vmem>>, vector<1x16xf32>,
    %get3A_2061 = arith.constant 10 : i32
    %get3A_2062 = arith.index_cast %get3A_2061 : i32 to index
    %get3A_2063 = arith.constant 112 : index
    %get3A_2064 = tpu.vector_load %arg7[%get3A_2062, %get3A_2063] {strides = array<i32>} : memref<16x128xf32, #tpu.memory_space<vmem>>, vector<1x16xf32>,
    %get3A_2065 = vector.shape_cast %get3A_2064 : vector<1x16xf32> to vector<16xf32>
    %mul3A_2066 = arith.mulf %get3A_2065, %div3A_1976 : vector<16xf32>
    %swap3A_2067 = arith.constant 10 : i32
    %swap3A_2068 = arith.index_cast %swap3A_2067 : i32 to index
    %swap3A_2069 = arith.constant 112 : index
    %swap3A_2070 = tpu.vector_load %arg7[%swap3A_2068, %swap3A_2069] {strides = array<i32>} : memref<16x128xf32, #tpu.memory_space<vmem>>, vector<1x16xf32>,
    %swap3A_2071 = vector.shape_cast %swap3A_2070 : vector<1x16xf32> to vector<16xf32>
    %swap3A_2072 = vector.shape_cast %mul3A_2066 : vector<16xf32> to vector<1x16xf32>
    tpu.vector_store %arg7[%swap3A_2068, %swap3A_2069], %swap3A_2072 {strides = array<i32>} : memref<16x128xf32, #tpu.memory_space<vmem>>, vector<1x16xf32>,
    %get3A_2073 = arith.constant 12 : index
    %get3A_2074 = tpu.vector_load %arg9[%get3A_2073] {strides = array<i32>} : memref<40xi32, #tpu.memory_space<vmem>>, vector<16xi32>,
    %get3A_2075 = vector.shape_cast %get3A_2074 : vector<16xi32> to vector<16xi32>
    %slice3A_2076 = vector.extract_strided_slice %get3A_2075 {offsets = [0], sizes = [1], strides = [1]} : vector<16xi32> to vector<1xi32>
    %squeeze3A_2077 = vector.extract %slice3A_2076[0] : i32 from vector<1xi32>
    %get3A_2078 = arith.constant 11 : index
    %get3A_2079 = tpu.vector_load %arg9[%get3A_2078] {strides = array<i32>} : memref<40xi32, #tpu.memory_space<vmem>>, vector<16xi32>,
    %get3A_2080 = vector.shape_cast %get3A_2079 : vector<16xi32> to vector<16xi32>
    %slice3A_2081 = vector.extract_strided_slice %get3A_2080 {offsets = [0], sizes = [1], strides = [1]} : vector<16xi32> to vector<1xi32>
    %squeeze3A_2082 = vector.extract %slice3A_2081[0] : i32 from vector<1xi32>
    %sub3A_2083 = arith.subi %squeeze3A_2077, %squeeze3A_2082 : i32
    %broadcast_in_dim3A_2084 = vector.broadcast %sub3A_2083 : i32 to vector<16xi32>
    %convert_element_type3A_2085 = arith.sitofp %broadcast_in_dim3A_2084 : vector<16xi32> to vector<16xf32>
    %max3A_2086 = arith.constant 1.000000e+00 : f32
    %max3A_2087 = vector.broadcast %max3A_2086 : f32 to vector<16xf32>
    %max3A_2088 = arith.maximumf %convert_element_type3A_2085, %max3A_2087 : vector<16xf32>
    %div3A_2089 = arith.constant 1.000000e+00 : f32
    %div3A_2090 = vector.broadcast %div3A_2089 : f32 to vector<16xf32>
    %div3A_2091 = arith.divf %div3A_2090, %max3A_2088 : vector<16xf32>
    %get3A_2092 = arith.constant 11 : i32
    %get3A_2093 = arith.index_cast %get3A_2092 : i32 to index
    %get3A_2094 = arith.constant 0 : index
    %get3A_2095 = tpu.vector_load %arg7[%get3A_2093, %get3A_2094] {strides = array<i32>} : memref<16x128xf32, #tpu.memory_space<vmem>>, vector<1x16xf32>,
    %get3A_2096 = vector.shape_cast %get3A_2095 : vector<1x16xf32> to vector<16xf32>
    %mul3A_2097 = arith.mulf %get3A_2096, %div3A_2091 : vector<16xf32>
    %swap3A_2098 = arith.constant 11 : i32
    %swap3A_2099 = arith.index_cast %swap3A_2098 : i32 to index
    %swap3A_2100 = arith.constant 0 : index
    %swap3A_2101 = tpu.vector_load %arg7[%swap3A_2099, %swap3A_2100] {strides = array<i32>} : memref<16x128xf32, #tpu.memory_space<vmem>>, vector<1x16xf32>,
    %swap3A_2102 = vector.shape_cast %swap3A_2101 : vector<1x16xf32> to vector<16xf32>
    %swap3A_2103 = vector.shape_cast %mul3A_2097 : vector<16xf32> to vector<1x16xf32>
    tpu.vector_store %arg7[%swap3A_2099, %swap3A_2100], %swap3A_2103 {strides = array<i32>} : memref<16x128xf32, #tpu.memory_space<vmem>>, vector<1x16xf32>,
    %get3A_2104 = arith.constant 11 : i32
    %get3A_2105 = arith.index_cast %get3A_2104 : i32 to index
    %get3A_2106 = arith.constant 16 : index
    %get3A_2107 = tpu.vector_load %arg7[%get3A_2105, %get3A_2106] {strides = array<i32>} : memref<16x128xf32, #tpu.memory_space<vmem>>, vector<1x16xf32>,
    %get3A_2108 = vector.shape_cast %get3A_2107 : vector<1x16xf32> to vector<16xf32>
    %mul3A_2109 = arith.mulf %get3A_2108, %div3A_2091 : vector<16xf32>
    %swap3A_2110 = arith.constant 11 : i32
    %swap3A_2111 = arith.index_cast %swap3A_2110 : i32 to index
    %swap3A_2112 = arith.constant 16 : index
    %swap3A_2113 = tpu.vector_load %arg7[%swap3A_2111, %swap3A_2112] {strides = array<i32>} : memref<16x128xf32, #tpu.memory_space<vmem>>, vector<1x16xf32>,
    %swap3A_2114 = vector.shape_cast %swap3A_2113 : vector<1x16xf32> to vector<16xf32>
    %swap3A_2115 = vector.shape_cast %mul3A_2109 : vector<16xf32> to vector<1x16xf32>
    tpu.vector_store %arg7[%swap3A_2111, %swap3A_2112], %swap3A_2115 {strides = array<i32>} : memref<16x128xf32, #tpu.memory_space<vmem>>, vector<1x16xf32>,
    %get3A_2116 = arith.constant 11 : i32
    %get3A_2117 = arith.index_cast %get3A_2116 : i32 to index
    %get3A_2118 = arith.constant 32 : index
    %get3A_2119 = tpu.vector_load %arg7[%get3A_2117, %get3A_2118] {strides = array<i32>} : memref<16x128xf32, #tpu.memory_space<vmem>>, vector<1x16xf32>,
    %get3A_2120 = vector.shape_cast %get3A_2119 : vector<1x16xf32> to vector<16xf32>
    %mul3A_2121 = arith.mulf %get3A_2120, %div3A_2091 : vector<16xf32>
    %swap3A_2122 = arith.constant 11 : i32
    %swap3A_2123 = arith.index_cast %swap3A_2122 : i32 to index
    %swap3A_2124 = arith.constant 32 : index
    %swap3A_2125 = tpu.vector_load %arg7[%swap3A_2123, %swap3A_2124] {strides = array<i32>} : memref<16x128xf32, #tpu.memory_space<vmem>>, vector<1x16xf32>,
    %swap3A_2126 = vector.shape_cast %swap3A_2125 : vector<1x16xf32> to vector<16xf32>
    %swap3A_2127 = vector.shape_cast %mul3A_2121 : vector<16xf32> to vector<1x16xf32>
    tpu.vector_store %arg7[%swap3A_2123, %swap3A_2124], %swap3A_2127 {strides = array<i32>} : memref<16x128xf32, #tpu.memory_space<vmem>>, vector<1x16xf32>,
    %get3A_2128 = arith.constant 11 : i32
    %get3A_2129 = arith.index_cast %get3A_2128 : i32 to index
    %get3A_2130 = arith.constant 48 : index
    %get3A_2131 = tpu.vector_load %arg7[%get3A_2129, %get3A_2130] {strides = array<i32>} : memref<16x128xf32, #tpu.memory_space<vmem>>, vector<1x16xf32>,
    %get3A_2132 = vector.shape_cast %get3A_2131 : vector<1x16xf32> to vector<16xf32>
    %mul3A_2133 = arith.mulf %get3A_2132, %div3A_2091 : vector<16xf32>
    %swap3A_2134 = arith.constant 11 : i32
    %swap3A_2135 = arith.index_cast %swap3A_2134 : i32 to index
    %swap3A_2136 = arith.constant 48 : index
    %swap3A_2137 = tpu.vector_load %arg7[%swap3A_2135, %swap3A_2136] {strides = array<i32>} : memref<16x128xf32, #tpu.memory_space<vmem>>, vector<1x16xf32>,
    %swap3A_2138 = vector.shape_cast %swap3A_2137 : vector<1x16xf32> to vector<16xf32>
    %swap3A_2139 = vector.shape_cast %mul3A_2133 : vector<16xf32> to vector<1x16xf32>
    tpu.vector_store %arg7[%swap3A_2135, %swap3A_2136], %swap3A_2139 {strides = array<i32>} : memref<16x128xf32, #tpu.memory_space<vmem>>, vector<1x16xf32>,
    %get3A_2140 = arith.constant 11 : i32
    %get3A_2141 = arith.index_cast %get3A_2140 : i32 to index
    %get3A_2142 = arith.constant 64 : index
    %get3A_2143 = tpu.vector_load %arg7[%get3A_2141, %get3A_2142] {strides = array<i32>} : memref<16x128xf32, #tpu.memory_space<vmem>>, vector<1x16xf32>,
    %get3A_2144 = vector.shape_cast %get3A_2143 : vector<1x16xf32> to vector<16xf32>
    %mul3A_2145 = arith.mulf %get3A_2144, %div3A_2091 : vector<16xf32>
    %swap3A_2146 = arith.constant 11 : i32
    %swap3A_2147 = arith.index_cast %swap3A_2146 : i32 to index
    %swap3A_2148 = arith.constant 64 : index
    %swap3A_2149 = tpu.vector_load %arg7[%swap3A_2147, %swap3A_2148] {strides = array<i32>} : memref<16x128xf32, #tpu.memory_space<vmem>>, vector<1x16xf32>,
    %swap3A_2150 = vector.shape_cast %swap3A_2149 : vector<1x16xf32> to vector<16xf32>
    %swap3A_2151 = vector.shape_cast %mul3A_2145 : vector<16xf32> to vector<1x16xf32>
    tpu.vector_store %arg7[%swap3A_2147, %swap3A_2148], %swap3A_2151 {strides = array<i32>} : memref<16x128xf32, #tpu.memory_space<vmem>>, vector<1x16xf32>,
    %get3A_2152 = arith.constant 11 : i32
    %get3A_2153 = arith.index_cast %get3A_2152 : i32 to index
    %get3A_2154 = arith.constant 80 : index
    %get3A_2155 = tpu.vector_load %arg7[%get3A_2153, %get3A_2154] {strides = array<i32>} : memref<16x128xf32, #tpu.memory_space<vmem>>, vector<1x16xf32>,
    %get3A_2156 = vector.shape_cast %get3A_2155 : vector<1x16xf32> to vector<16xf32>
    %mul3A_2157 = arith.mulf %get3A_2156, %div3A_2091 : vector<16xf32>
    %swap3A_2158 = arith.constant 11 : i32
    %swap3A_2159 = arith.index_cast %swap3A_2158 : i32 to index
    %swap3A_2160 = arith.constant 80 : index
    %swap3A_2161 = tpu.vector_load %arg7[%swap3A_2159, %swap3A_2160] {strides = array<i32>} : memref<16x128xf32, #tpu.memory_space<vmem>>, vector<1x16xf32>,
    %swap3A_2162 = vector.shape_cast %swap3A_2161 : vector<1x16xf32> to vector<16xf32>
    %swap3A_2163 = vector.shape_cast %mul3A_2157 : vector<16xf32> to vector<1x16xf32>
    tpu.vector_store %arg7[%swap3A_2159, %swap3A_2160], %swap3A_2163 {strides = array<i32>} : memref<16x128xf32, #tpu.memory_space<vmem>>, vector<1x16xf32>,
    %get3A_2164 = arith.constant 11 : i32
    %get3A_2165 = arith.index_cast %get3A_2164 : i32 to index
    %get3A_2166 = arith.constant 96 : index
    %get3A_2167 = tpu.vector_load %arg7[%get3A_2165, %get3A_2166] {strides = array<i32>} : memref<16x128xf32, #tpu.memory_space<vmem>>, vector<1x16xf32>,
    %get3A_2168 = vector.shape_cast %get3A_2167 : vector<1x16xf32> to vector<16xf32>
    %mul3A_2169 = arith.mulf %get3A_2168, %div3A_2091 : vector<16xf32>
    %swap3A_2170 = arith.constant 11 : i32
    %swap3A_2171 = arith.index_cast %swap3A_2170 : i32 to index
    %swap3A_2172 = arith.constant 96 : index
    %swap3A_2173 = tpu.vector_load %arg7[%swap3A_2171, %swap3A_2172] {strides = array<i32>} : memref<16x128xf32, #tpu.memory_space<vmem>>, vector<1x16xf32>,
    %swap3A_2174 = vector.shape_cast %swap3A_2173 : vector<1x16xf32> to vector<16xf32>
    %swap3A_2175 = vector.shape_cast %mul3A_2169 : vector<16xf32> to vector<1x16xf32>
    tpu.vector_store %arg7[%swap3A_2171, %swap3A_2172], %swap3A_2175 {strides = array<i32>} : memref<16x128xf32, #tpu.memory_space<vmem>>, vector<1x16xf32>,
    %get3A_2176 = arith.constant 11 : i32
    %get3A_2177 = arith.index_cast %get3A_2176 : i32 to index
    %get3A_2178 = arith.constant 112 : index
    %get3A_2179 = tpu.vector_load %arg7[%get3A_2177, %get3A_2178] {strides = array<i32>} : memref<16x128xf32, #tpu.memory_space<vmem>>, vector<1x16xf32>,
    %get3A_2180 = vector.shape_cast %get3A_2179 : vector<1x16xf32> to vector<16xf32>
    %mul3A_2181 = arith.mulf %get3A_2180, %div3A_2091 : vector<16xf32>
    %swap3A_2182 = arith.constant 11 : i32
    %swap3A_2183 = arith.index_cast %swap3A_2182 : i32 to index
    %swap3A_2184 = arith.constant 112 : index
    %swap3A_2185 = tpu.vector_load %arg7[%swap3A_2183, %swap3A_2184] {strides = array<i32>} : memref<16x128xf32, #tpu.memory_space<vmem>>, vector<1x16xf32>,
    %swap3A_2186 = vector.shape_cast %swap3A_2185 : vector<1x16xf32> to vector<16xf32>
    %swap3A_2187 = vector.shape_cast %mul3A_2181 : vector<16xf32> to vector<1x16xf32>
    tpu.vector_store %arg7[%swap3A_2183, %swap3A_2184], %swap3A_2187 {strides = array<i32>} : memref<16x128xf32, #tpu.memory_space<vmem>>, vector<1x16xf32>,
    %get3A_2188 = arith.constant 13 : index
    %get3A_2189 = tpu.vector_load %arg9[%get3A_2188] {strides = array<i32>} : memref<40xi32, #tpu.memory_space<vmem>>, vector<16xi32>,
    %get3A_2190 = vector.shape_cast %get3A_2189 : vector<16xi32> to vector<16xi32>
    %slice3A_2191 = vector.extract_strided_slice %get3A_2190 {offsets = [0], sizes = [1], strides = [1]} : vector<16xi32> to vector<1xi32>
    %squeeze3A_2192 = vector.extract %slice3A_2191[0] : i32 from vector<1xi32>
    %get3A_2193 = arith.constant 12 : index
    %get3A_2194 = tpu.vector_load %arg9[%get3A_2193] {strides = array<i32>} : memref<40xi32, #tpu.memory_space<vmem>>, vector<16xi32>,
    %get3A_2195 = vector.shape_cast %get3A_2194 : vector<16xi32> to vector<16xi32>
    %slice3A_2196 = vector.extract_strided_slice %get3A_2195 {offsets = [0], sizes = [1], strides = [1]} : vector<16xi32> to vector<1xi32>
    %squeeze3A_2197 = vector.extract %slice3A_2196[0] : i32 from vector<1xi32>
    %sub3A_2198 = arith.subi %squeeze3A_2192, %squeeze3A_2197 : i32
    %broadcast_in_dim3A_2199 = vector.broadcast %sub3A_2198 : i32 to vector<16xi32>
    %convert_element_type3A_2200 = arith.sitofp %broadcast_in_dim3A_2199 : vector<16xi32> to vector<16xf32>
    %max3A_2201 = arith.constant 1.000000e+00 : f32
    %max3A_2202 = vector.broadcast %max3A_2201 : f32 to vector<16xf32>
    %max3A_2203 = arith.maximumf %convert_element_type3A_2200, %max3A_2202 : vector<16xf32>
    %div3A_2204 = arith.constant 1.000000e+00 : f32
    %div3A_2205 = vector.broadcast %div3A_2204 : f32 to vector<16xf32>
    %div3A_2206 = arith.divf %div3A_2205, %max3A_2203 : vector<16xf32>
    %get3A_2207 = arith.constant 12 : i32
    %get3A_2208 = arith.index_cast %get3A_2207 : i32 to index
    %get3A_2209 = arith.constant 0 : index
    %get3A_2210 = tpu.vector_load %arg7[%get3A_2208, %get3A_2209] {strides = array<i32>} : memref<16x128xf32, #tpu.memory_space<vmem>>, vector<1x16xf32>,
    %get3A_2211 = vector.shape_cast %get3A_2210 : vector<1x16xf32> to vector<16xf32>
    %mul3A_2212 = arith.mulf %get3A_2211, %div3A_2206 : vector<16xf32>
    %swap3A_2213 = arith.constant 12 : i32
    %swap3A_2214 = arith.index_cast %swap3A_2213 : i32 to index
    %swap3A_2215 = arith.constant 0 : index
    %swap3A_2216 = tpu.vector_load %arg7[%swap3A_2214, %swap3A_2215] {strides = array<i32>} : memref<16x128xf32, #tpu.memory_space<vmem>>, vector<1x16xf32>,
    %swap3A_2217 = vector.shape_cast %swap3A_2216 : vector<1x16xf32> to vector<16xf32>
    %swap3A_2218 = vector.shape_cast %mul3A_2212 : vector<16xf32> to vector<1x16xf32>
    tpu.vector_store %arg7[%swap3A_2214, %swap3A_2215], %swap3A_2218 {strides = array<i32>} : memref<16x128xf32, #tpu.memory_space<vmem>>, vector<1x16xf32>,
    %get3A_2219 = arith.constant 12 : i32
    %get3A_2220 = arith.index_cast %get3A_2219 : i32 to index
    %get3A_2221 = arith.constant 16 : index
    %get3A_2222 = tpu.vector_load %arg7[%get3A_2220, %get3A_2221] {strides = array<i32>} : memref<16x128xf32, #tpu.memory_space<vmem>>, vector<1x16xf32>,
    %get3A_2223 = vector.shape_cast %get3A_2222 : vector<1x16xf32> to vector<16xf32>
    %mul3A_2224 = arith.mulf %get3A_2223, %div3A_2206 : vector<16xf32>
    %swap3A_2225 = arith.constant 12 : i32
    %swap3A_2226 = arith.index_cast %swap3A_2225 : i32 to index
    %swap3A_2227 = arith.constant 16 : index
    %swap3A_2228 = tpu.vector_load %arg7[%swap3A_2226, %swap3A_2227] {strides = array<i32>} : memref<16x128xf32, #tpu.memory_space<vmem>>, vector<1x16xf32>,
    %swap3A_2229 = vector.shape_cast %swap3A_2228 : vector<1x16xf32> to vector<16xf32>
    %swap3A_2230 = vector.shape_cast %mul3A_2224 : vector<16xf32> to vector<1x16xf32>
    tpu.vector_store %arg7[%swap3A_2226, %swap3A_2227], %swap3A_2230 {strides = array<i32>} : memref<16x128xf32, #tpu.memory_space<vmem>>, vector<1x16xf32>,
    %get3A_2231 = arith.constant 12 : i32
    %get3A_2232 = arith.index_cast %get3A_2231 : i32 to index
    %get3A_2233 = arith.constant 32 : index
    %get3A_2234 = tpu.vector_load %arg7[%get3A_2232, %get3A_2233] {strides = array<i32>} : memref<16x128xf32, #tpu.memory_space<vmem>>, vector<1x16xf32>,
    %get3A_2235 = vector.shape_cast %get3A_2234 : vector<1x16xf32> to vector<16xf32>
    %mul3A_2236 = arith.mulf %get3A_2235, %div3A_2206 : vector<16xf32>
    %swap3A_2237 = arith.constant 12 : i32
    %swap3A_2238 = arith.index_cast %swap3A_2237 : i32 to index
    %swap3A_2239 = arith.constant 32 : index
    %swap3A_2240 = tpu.vector_load %arg7[%swap3A_2238, %swap3A_2239] {strides = array<i32>} : memref<16x128xf32, #tpu.memory_space<vmem>>, vector<1x16xf32>,
    %swap3A_2241 = vector.shape_cast %swap3A_2240 : vector<1x16xf32> to vector<16xf32>
    %swap3A_2242 = vector.shape_cast %mul3A_2236 : vector<16xf32> to vector<1x16xf32>
    tpu.vector_store %arg7[%swap3A_2238, %swap3A_2239], %swap3A_2242 {strides = array<i32>} : memref<16x128xf32, #tpu.memory_space<vmem>>, vector<1x16xf32>,
    %get3A_2243 = arith.constant 12 : i32
    %get3A_2244 = arith.index_cast %get3A_2243 : i32 to index
    %get3A_2245 = arith.constant 48 : index
    %get3A_2246 = tpu.vector_load %arg7[%get3A_2244, %get3A_2245] {strides = array<i32>} : memref<16x128xf32, #tpu.memory_space<vmem>>, vector<1x16xf32>,
    %get3A_2247 = vector.shape_cast %get3A_2246 : vector<1x16xf32> to vector<16xf32>
    %mul3A_2248 = arith.mulf %get3A_2247, %div3A_2206 : vector<16xf32>
    %swap3A_2249 = arith.constant 12 : i32
    %swap3A_2250 = arith.index_cast %swap3A_2249 : i32 to index
    %swap3A_2251 = arith.constant 48 : index
    %swap3A_2252 = tpu.vector_load %arg7[%swap3A_2250, %swap3A_2251] {strides = array<i32>} : memref<16x128xf32, #tpu.memory_space<vmem>>, vector<1x16xf32>,
    %swap3A_2253 = vector.shape_cast %swap3A_2252 : vector<1x16xf32> to vector<16xf32>
    %swap3A_2254 = vector.shape_cast %mul3A_2248 : vector<16xf32> to vector<1x16xf32>
    tpu.vector_store %arg7[%swap3A_2250, %swap3A_2251], %swap3A_2254 {strides = array<i32>} : memref<16x128xf32, #tpu.memory_space<vmem>>, vector<1x16xf32>,
    %get3A_2255 = arith.constant 12 : i32
    %get3A_2256 = arith.index_cast %get3A_2255 : i32 to index
    %get3A_2257 = arith.constant 64 : index
    %get3A_2258 = tpu.vector_load %arg7[%get3A_2256, %get3A_2257] {strides = array<i32>} : memref<16x128xf32, #tpu.memory_space<vmem>>, vector<1x16xf32>,
    %get3A_2259 = vector.shape_cast %get3A_2258 : vector<1x16xf32> to vector<16xf32>
    %mul3A_2260 = arith.mulf %get3A_2259, %div3A_2206 : vector<16xf32>
    %swap3A_2261 = arith.constant 12 : i32
    %swap3A_2262 = arith.index_cast %swap3A_2261 : i32 to index
    %swap3A_2263 = arith.constant 64 : index
    %swap3A_2264 = tpu.vector_load %arg7[%swap3A_2262, %swap3A_2263] {strides = array<i32>} : memref<16x128xf32, #tpu.memory_space<vmem>>, vector<1x16xf32>,
    %swap3A_2265 = vector.shape_cast %swap3A_2264 : vector<1x16xf32> to vector<16xf32>
    %swap3A_2266 = vector.shape_cast %mul3A_2260 : vector<16xf32> to vector<1x16xf32>
    tpu.vector_store %arg7[%swap3A_2262, %swap3A_2263], %swap3A_2266 {strides = array<i32>} : memref<16x128xf32, #tpu.memory_space<vmem>>, vector<1x16xf32>,
    %get3A_2267 = arith.constant 12 : i32
    %get3A_2268 = arith.index_cast %get3A_2267 : i32 to index
    %get3A_2269 = arith.constant 80 : index
    %get3A_2270 = tpu.vector_load %arg7[%get3A_2268, %get3A_2269] {strides = array<i32>} : memref<16x128xf32, #tpu.memory_space<vmem>>, vector<1x16xf32>,
    %get3A_2271 = vector.shape_cast %get3A_2270 : vector<1x16xf32> to vector<16xf32>
    %mul3A_2272 = arith.mulf %get3A_2271, %div3A_2206 : vector<16xf32>
    %swap3A_2273 = arith.constant 12 : i32
    %swap3A_2274 = arith.index_cast %swap3A_2273 : i32 to index
    %swap3A_2275 = arith.constant 80 : index
    %swap3A_2276 = tpu.vector_load %arg7[%swap3A_2274, %swap3A_2275] {strides = array<i32>} : memref<16x128xf32, #tpu.memory_space<vmem>>, vector<1x16xf32>,
    %swap3A_2277 = vector.shape_cast %swap3A_2276 : vector<1x16xf32> to vector<16xf32>
    %swap3A_2278 = vector.shape_cast %mul3A_2272 : vector<16xf32> to vector<1x16xf32>
    tpu.vector_store %arg7[%swap3A_2274, %swap3A_2275], %swap3A_2278 {strides = array<i32>} : memref<16x128xf32, #tpu.memory_space<vmem>>, vector<1x16xf32>,
    %get3A_2279 = arith.constant 12 : i32
    %get3A_2280 = arith.index_cast %get3A_2279 : i32 to index
    %get3A_2281 = arith.constant 96 : index
    %get3A_2282 = tpu.vector_load %arg7[%get3A_2280, %get3A_2281] {strides = array<i32>} : memref<16x128xf32, #tpu.memory_space<vmem>>, vector<1x16xf32>,
    %get3A_2283 = vector.shape_cast %get3A_2282 : vector<1x16xf32> to vector<16xf32>
    %mul3A_2284 = arith.mulf %get3A_2283, %div3A_2206 : vector<16xf32>
    %swap3A_2285 = arith.constant 12 : i32
    %swap3A_2286 = arith.index_cast %swap3A_2285 : i32 to index
    %swap3A_2287 = arith.constant 96 : index
    %swap3A_2288 = tpu.vector_load %arg7[%swap3A_2286, %swap3A_2287] {strides = array<i32>} : memref<16x128xf32, #tpu.memory_space<vmem>>, vector<1x16xf32>,
    %swap3A_2289 = vector.shape_cast %swap3A_2288 : vector<1x16xf32> to vector<16xf32>
    %swap3A_2290 = vector.shape_cast %mul3A_2284 : vector<16xf32> to vector<1x16xf32>
    tpu.vector_store %arg7[%swap3A_2286, %swap3A_2287], %swap3A_2290 {strides = array<i32>} : memref<16x128xf32, #tpu.memory_space<vmem>>, vector<1x16xf32>,
    %get3A_2291 = arith.constant 12 : i32
    %get3A_2292 = arith.index_cast %get3A_2291 : i32 to index
    %get3A_2293 = arith.constant 112 : index
    %get3A_2294 = tpu.vector_load %arg7[%get3A_2292, %get3A_2293] {strides = array<i32>} : memref<16x128xf32, #tpu.memory_space<vmem>>, vector<1x16xf32>,
    %get3A_2295 = vector.shape_cast %get3A_2294 : vector<1x16xf32> to vector<16xf32>
    %mul3A_2296 = arith.mulf %get3A_2295, %div3A_2206 : vector<16xf32>
    %swap3A_2297 = arith.constant 12 : i32
    %swap3A_2298 = arith.index_cast %swap3A_2297 : i32 to index
    %swap3A_2299 = arith.constant 112 : index
    %swap3A_2300 = tpu.vector_load %arg7[%swap3A_2298, %swap3A_2299] {strides = array<i32>} : memref<16x128xf32, #tpu.memory_space<vmem>>, vector<1x16xf32>,
    %swap3A_2301 = vector.shape_cast %swap3A_2300 : vector<1x16xf32> to vector<16xf32>
    %swap3A_2302 = vector.shape_cast %mul3A_2296 : vector<16xf32> to vector<1x16xf32>
    tpu.vector_store %arg7[%swap3A_2298, %swap3A_2299], %swap3A_2302 {strides = array<i32>} : memref<16x128xf32, #tpu.memory_space<vmem>>, vector<1x16xf32>,
    %get3A_2303 = arith.constant 14 : index
    %get3A_2304 = tpu.vector_load %arg9[%get3A_2303] {strides = array<i32>} : memref<40xi32, #tpu.memory_space<vmem>>, vector<16xi32>,
    %get3A_2305 = vector.shape_cast %get3A_2304 : vector<16xi32> to vector<16xi32>
    %slice3A_2306 = vector.extract_strided_slice %get3A_2305 {offsets = [0], sizes = [1], strides = [1]} : vector<16xi32> to vector<1xi32>
    %squeeze3A_2307 = vector.extract %slice3A_2306[0] : i32 from vector<1xi32>
    %get3A_2308 = arith.constant 13 : index
    %get3A_2309 = tpu.vector_load %arg9[%get3A_2308] {strides = array<i32>} : memref<40xi32, #tpu.memory_space<vmem>>, vector<16xi32>,
    %get3A_2310 = vector.shape_cast %get3A_2309 : vector<16xi32> to vector<16xi32>
    %slice3A_2311 = vector.extract_strided_slice %get3A_2310 {offsets = [0], sizes = [1], strides = [1]} : vector<16xi32> to vector<1xi32>
    %squeeze3A_2312 = vector.extract %slice3A_2311[0] : i32 from vector<1xi32>
    %sub3A_2313 = arith.subi %squeeze3A_2307, %squeeze3A_2312 : i32
    %broadcast_in_dim3A_2314 = vector.broadcast %sub3A_2313 : i32 to vector<16xi32>
    %convert_element_type3A_2315 = arith.sitofp %broadcast_in_dim3A_2314 : vector<16xi32> to vector<16xf32>
    %max3A_2316 = arith.constant 1.000000e+00 : f32
    %max3A_2317 = vector.broadcast %max3A_2316 : f32 to vector<16xf32>
    %max3A_2318 = arith.maximumf %convert_element_type3A_2315, %max3A_2317 : vector<16xf32>
    %div3A_2319 = arith.constant 1.000000e+00 : f32
    %div3A_2320 = vector.broadcast %div3A_2319 : f32 to vector<16xf32>
    %div3A_2321 = arith.divf %div3A_2320, %max3A_2318 : vector<16xf32>
    %get3A_2322 = arith.constant 13 : i32
    %get3A_2323 = arith.index_cast %get3A_2322 : i32 to index
    %get3A_2324 = arith.constant 0 : index
    %get3A_2325 = tpu.vector_load %arg7[%get3A_2323, %get3A_2324] {strides = array<i32>} : memref<16x128xf32, #tpu.memory_space<vmem>>, vector<1x16xf32>,
    %get3A_2326 = vector.shape_cast %get3A_2325 : vector<1x16xf32> to vector<16xf32>
    %mul3A_2327 = arith.mulf %get3A_2326, %div3A_2321 : vector<16xf32>
    %swap3A_2328 = arith.constant 13 : i32
    %swap3A_2329 = arith.index_cast %swap3A_2328 : i32 to index
    %swap3A_2330 = arith.constant 0 : index
    %swap3A_2331 = tpu.vector_load %arg7[%swap3A_2329, %swap3A_2330] {strides = array<i32>} : memref<16x128xf32, #tpu.memory_space<vmem>>, vector<1x16xf32>,
    %swap3A_2332 = vector.shape_cast %swap3A_2331 : vector<1x16xf32> to vector<16xf32>
    %swap3A_2333 = vector.shape_cast %mul3A_2327 : vector<16xf32> to vector<1x16xf32>
    tpu.vector_store %arg7[%swap3A_2329, %swap3A_2330], %swap3A_2333 {strides = array<i32>} : memref<16x128xf32, #tpu.memory_space<vmem>>, vector<1x16xf32>,
    %get3A_2334 = arith.constant 13 : i32
    %get3A_2335 = arith.index_cast %get3A_2334 : i32 to index
    %get3A_2336 = arith.constant 16 : index
    %get3A_2337 = tpu.vector_load %arg7[%get3A_2335, %get3A_2336] {strides = array<i32>} : memref<16x128xf32, #tpu.memory_space<vmem>>, vector<1x16xf32>,
    %get3A_2338 = vector.shape_cast %get3A_2337 : vector<1x16xf32> to vector<16xf32>
    %mul3A_2339 = arith.mulf %get3A_2338, %div3A_2321 : vector<16xf32>
    %swap3A_2340 = arith.constant 13 : i32
    %swap3A_2341 = arith.index_cast %swap3A_2340 : i32 to index
    %swap3A_2342 = arith.constant 16 : index
    %swap3A_2343 = tpu.vector_load %arg7[%swap3A_2341, %swap3A_2342] {strides = array<i32>} : memref<16x128xf32, #tpu.memory_space<vmem>>, vector<1x16xf32>,
    %swap3A_2344 = vector.shape_cast %swap3A_2343 : vector<1x16xf32> to vector<16xf32>
    %swap3A_2345 = vector.shape_cast %mul3A_2339 : vector<16xf32> to vector<1x16xf32>
    tpu.vector_store %arg7[%swap3A_2341, %swap3A_2342], %swap3A_2345 {strides = array<i32>} : memref<16x128xf32, #tpu.memory_space<vmem>>, vector<1x16xf32>,
    %get3A_2346 = arith.constant 13 : i32
    %get3A_2347 = arith.index_cast %get3A_2346 : i32 to index
    %get3A_2348 = arith.constant 32 : index
    %get3A_2349 = tpu.vector_load %arg7[%get3A_2347, %get3A_2348] {strides = array<i32>} : memref<16x128xf32, #tpu.memory_space<vmem>>, vector<1x16xf32>,
    %get3A_2350 = vector.shape_cast %get3A_2349 : vector<1x16xf32> to vector<16xf32>
    %mul3A_2351 = arith.mulf %get3A_2350, %div3A_2321 : vector<16xf32>
    %swap3A_2352 = arith.constant 13 : i32
    %swap3A_2353 = arith.index_cast %swap3A_2352 : i32 to index
    %swap3A_2354 = arith.constant 32 : index
    %swap3A_2355 = tpu.vector_load %arg7[%swap3A_2353, %swap3A_2354] {strides = array<i32>} : memref<16x128xf32, #tpu.memory_space<vmem>>, vector<1x16xf32>,
    %swap3A_2356 = vector.shape_cast %swap3A_2355 : vector<1x16xf32> to vector<16xf32>
    %swap3A_2357 = vector.shape_cast %mul3A_2351 : vector<16xf32> to vector<1x16xf32>
    tpu.vector_store %arg7[%swap3A_2353, %swap3A_2354], %swap3A_2357 {strides = array<i32>} : memref<16x128xf32, #tpu.memory_space<vmem>>, vector<1x16xf32>,
    %get3A_2358 = arith.constant 13 : i32
    %get3A_2359 = arith.index_cast %get3A_2358 : i32 to index
    %get3A_2360 = arith.constant 48 : index
    %get3A_2361 = tpu.vector_load %arg7[%get3A_2359, %get3A_2360] {strides = array<i32>} : memref<16x128xf32, #tpu.memory_space<vmem>>, vector<1x16xf32>,
    %get3A_2362 = vector.shape_cast %get3A_2361 : vector<1x16xf32> to vector<16xf32>
    %mul3A_2363 = arith.mulf %get3A_2362, %div3A_2321 : vector<16xf32>
    %swap3A_2364 = arith.constant 13 : i32
    %swap3A_2365 = arith.index_cast %swap3A_2364 : i32 to index
    %swap3A_2366 = arith.constant 48 : index
    %swap3A_2367 = tpu.vector_load %arg7[%swap3A_2365, %swap3A_2366] {strides = array<i32>} : memref<16x128xf32, #tpu.memory_space<vmem>>, vector<1x16xf32>,
    %swap3A_2368 = vector.shape_cast %swap3A_2367 : vector<1x16xf32> to vector<16xf32>
    %swap3A_2369 = vector.shape_cast %mul3A_2363 : vector<16xf32> to vector<1x16xf32>
    tpu.vector_store %arg7[%swap3A_2365, %swap3A_2366], %swap3A_2369 {strides = array<i32>} : memref<16x128xf32, #tpu.memory_space<vmem>>, vector<1x16xf32>,
    %get3A_2370 = arith.constant 13 : i32
    %get3A_2371 = arith.index_cast %get3A_2370 : i32 to index
    %get3A_2372 = arith.constant 64 : index
    %get3A_2373 = tpu.vector_load %arg7[%get3A_2371, %get3A_2372] {strides = array<i32>} : memref<16x128xf32, #tpu.memory_space<vmem>>, vector<1x16xf32>,
    %get3A_2374 = vector.shape_cast %get3A_2373 : vector<1x16xf32> to vector<16xf32>
    %mul3A_2375 = arith.mulf %get3A_2374, %div3A_2321 : vector<16xf32>
    %swap3A_2376 = arith.constant 13 : i32
    %swap3A_2377 = arith.index_cast %swap3A_2376 : i32 to index
    %swap3A_2378 = arith.constant 64 : index
    %swap3A_2379 = tpu.vector_load %arg7[%swap3A_2377, %swap3A_2378] {strides = array<i32>} : memref<16x128xf32, #tpu.memory_space<vmem>>, vector<1x16xf32>,
    %swap3A_2380 = vector.shape_cast %swap3A_2379 : vector<1x16xf32> to vector<16xf32>
    %swap3A_2381 = vector.shape_cast %mul3A_2375 : vector<16xf32> to vector<1x16xf32>
    tpu.vector_store %arg7[%swap3A_2377, %swap3A_2378], %swap3A_2381 {strides = array<i32>} : memref<16x128xf32, #tpu.memory_space<vmem>>, vector<1x16xf32>,
    %get3A_2382 = arith.constant 13 : i32
    %get3A_2383 = arith.index_cast %get3A_2382 : i32 to index
    %get3A_2384 = arith.constant 80 : index
    %get3A_2385 = tpu.vector_load %arg7[%get3A_2383, %get3A_2384] {strides = array<i32>} : memref<16x128xf32, #tpu.memory_space<vmem>>, vector<1x16xf32>,
    %get3A_2386 = vector.shape_cast %get3A_2385 : vector<1x16xf32> to vector<16xf32>
    %mul3A_2387 = arith.mulf %get3A_2386, %div3A_2321 : vector<16xf32>
    %swap3A_2388 = arith.constant 13 : i32
    %swap3A_2389 = arith.index_cast %swap3A_2388 : i32 to index
    %swap3A_2390 = arith.constant 80 : index
    %swap3A_2391 = tpu.vector_load %arg7[%swap3A_2389, %swap3A_2390] {strides = array<i32>} : memref<16x128xf32, #tpu.memory_space<vmem>>, vector<1x16xf32>,
    %swap3A_2392 = vector.shape_cast %swap3A_2391 : vector<1x16xf32> to vector<16xf32>
    %swap3A_2393 = vector.shape_cast %mul3A_2387 : vector<16xf32> to vector<1x16xf32>
    tpu.vector_store %arg7[%swap3A_2389, %swap3A_2390], %swap3A_2393 {strides = array<i32>} : memref<16x128xf32, #tpu.memory_space<vmem>>, vector<1x16xf32>,
    %get3A_2394 = arith.constant 13 : i32
    %get3A_2395 = arith.index_cast %get3A_2394 : i32 to index
    %get3A_2396 = arith.constant 96 : index
    %get3A_2397 = tpu.vector_load %arg7[%get3A_2395, %get3A_2396] {strides = array<i32>} : memref<16x128xf32, #tpu.memory_space<vmem>>, vector<1x16xf32>,
    %get3A_2398 = vector.shape_cast %get3A_2397 : vector<1x16xf32> to vector<16xf32>
    %mul3A_2399 = arith.mulf %get3A_2398, %div3A_2321 : vector<16xf32>
    %swap3A_2400 = arith.constant 13 : i32
    %swap3A_2401 = arith.index_cast %swap3A_2400 : i32 to index
    %swap3A_2402 = arith.constant 96 : index
    %swap3A_2403 = tpu.vector_load %arg7[%swap3A_2401, %swap3A_2402] {strides = array<i32>} : memref<16x128xf32, #tpu.memory_space<vmem>>, vector<1x16xf32>,
    %swap3A_2404 = vector.shape_cast %swap3A_2403 : vector<1x16xf32> to vector<16xf32>
    %swap3A_2405 = vector.shape_cast %mul3A_2399 : vector<16xf32> to vector<1x16xf32>
    tpu.vector_store %arg7[%swap3A_2401, %swap3A_2402], %swap3A_2405 {strides = array<i32>} : memref<16x128xf32, #tpu.memory_space<vmem>>, vector<1x16xf32>,
    %get3A_2406 = arith.constant 13 : i32
    %get3A_2407 = arith.index_cast %get3A_2406 : i32 to index
    %get3A_2408 = arith.constant 112 : index
    %get3A_2409 = tpu.vector_load %arg7[%get3A_2407, %get3A_2408] {strides = array<i32>} : memref<16x128xf32, #tpu.memory_space<vmem>>, vector<1x16xf32>,
    %get3A_2410 = vector.shape_cast %get3A_2409 : vector<1x16xf32> to vector<16xf32>
    %mul3A_2411 = arith.mulf %get3A_2410, %div3A_2321 : vector<16xf32>
    %swap3A_2412 = arith.constant 13 : i32
    %swap3A_2413 = arith.index_cast %swap3A_2412 : i32 to index
    %swap3A_2414 = arith.constant 112 : index
    %swap3A_2415 = tpu.vector_load %arg7[%swap3A_2413, %swap3A_2414] {strides = array<i32>} : memref<16x128xf32, #tpu.memory_space<vmem>>, vector<1x16xf32>,
    %swap3A_2416 = vector.shape_cast %swap3A_2415 : vector<1x16xf32> to vector<16xf32>
    %swap3A_2417 = vector.shape_cast %mul3A_2411 : vector<16xf32> to vector<1x16xf32>
    tpu.vector_store %arg7[%swap3A_2413, %swap3A_2414], %swap3A_2417 {strides = array<i32>} : memref<16x128xf32, #tpu.memory_space<vmem>>, vector<1x16xf32>,
    %get3A_2418 = arith.constant 15 : index
    %get3A_2419 = tpu.vector_load %arg9[%get3A_2418] {strides = array<i32>} : memref<40xi32, #tpu.memory_space<vmem>>, vector<16xi32>,
    %get3A_2420 = vector.shape_cast %get3A_2419 : vector<16xi32> to vector<16xi32>
    %slice3A_2421 = vector.extract_strided_slice %get3A_2420 {offsets = [0], sizes = [1], strides = [1]} : vector<16xi32> to vector<1xi32>
    %squeeze3A_2422 = vector.extract %slice3A_2421[0] : i32 from vector<1xi32>
    %get3A_2423 = arith.constant 14 : index
    %get3A_2424 = tpu.vector_load %arg9[%get3A_2423] {strides = array<i32>} : memref<40xi32, #tpu.memory_space<vmem>>, vector<16xi32>,
    %get3A_2425 = vector.shape_cast %get3A_2424 : vector<16xi32> to vector<16xi32>
    %slice3A_2426 = vector.extract_strided_slice %get3A_2425 {offsets = [0], sizes = [1], strides = [1]} : vector<16xi32> to vector<1xi32>
    %squeeze3A_2427 = vector.extract %slice3A_2426[0] : i32 from vector<1xi32>
    %sub3A_2428 = arith.subi %squeeze3A_2422, %squeeze3A_2427 : i32
    %broadcast_in_dim3A_2429 = vector.broadcast %sub3A_2428 : i32 to vector<16xi32>
    %convert_element_type3A_2430 = arith.sitofp %broadcast_in_dim3A_2429 : vector<16xi32> to vector<16xf32>
    %max3A_2431 = arith.constant 1.000000e+00 : f32
    %max3A_2432 = vector.broadcast %max3A_2431 : f32 to vector<16xf32>
    %max3A_2433 = arith.maximumf %convert_element_type3A_2430, %max3A_2432 : vector<16xf32>
    %div3A_2434 = arith.constant 1.000000e+00 : f32
    %div3A_2435 = vector.broadcast %div3A_2434 : f32 to vector<16xf32>
    %div3A_2436 = arith.divf %div3A_2435, %max3A_2433 : vector<16xf32>
    %get3A_2437 = arith.constant 14 : i32
    %get3A_2438 = arith.index_cast %get3A_2437 : i32 to index
    %get3A_2439 = arith.constant 0 : index
    %get3A_2440 = tpu.vector_load %arg7[%get3A_2438, %get3A_2439] {strides = array<i32>} : memref<16x128xf32, #tpu.memory_space<vmem>>, vector<1x16xf32>,
    %get3A_2441 = vector.shape_cast %get3A_2440 : vector<1x16xf32> to vector<16xf32>
    %mul3A_2442 = arith.mulf %get3A_2441, %div3A_2436 : vector<16xf32>
    %swap3A_2443 = arith.constant 14 : i32
    %swap3A_2444 = arith.index_cast %swap3A_2443 : i32 to index
    %swap3A_2445 = arith.constant 0 : index
    %swap3A_2446 = tpu.vector_load %arg7[%swap3A_2444, %swap3A_2445] {strides = array<i32>} : memref<16x128xf32, #tpu.memory_space<vmem>>, vector<1x16xf32>,
    %swap3A_2447 = vector.shape_cast %swap3A_2446 : vector<1x16xf32> to vector<16xf32>
    %swap3A_2448 = vector.shape_cast %mul3A_2442 : vector<16xf32> to vector<1x16xf32>
    tpu.vector_store %arg7[%swap3A_2444, %swap3A_2445], %swap3A_2448 {strides = array<i32>} : memref<16x128xf32, #tpu.memory_space<vmem>>, vector<1x16xf32>,
    %get3A_2449 = arith.constant 14 : i32
    %get3A_2450 = arith.index_cast %get3A_2449 : i32 to index
    %get3A_2451 = arith.constant 16 : index
    %get3A_2452 = tpu.vector_load %arg7[%get3A_2450, %get3A_2451] {strides = array<i32>} : memref<16x128xf32, #tpu.memory_space<vmem>>, vector<1x16xf32>,
    %get3A_2453 = vector.shape_cast %get3A_2452 : vector<1x16xf32> to vector<16xf32>
    %mul3A_2454 = arith.mulf %get3A_2453, %div3A_2436 : vector<16xf32>
    %swap3A_2455 = arith.constant 14 : i32
    %swap3A_2456 = arith.index_cast %swap3A_2455 : i32 to index
    %swap3A_2457 = arith.constant 16 : index
    %swap3A_2458 = tpu.vector_load %arg7[%swap3A_2456, %swap3A_2457] {strides = array<i32>} : memref<16x128xf32, #tpu.memory_space<vmem>>, vector<1x16xf32>,
    %swap3A_2459 = vector.shape_cast %swap3A_2458 : vector<1x16xf32> to vector<16xf32>
    %swap3A_2460 = vector.shape_cast %mul3A_2454 : vector<16xf32> to vector<1x16xf32>
    tpu.vector_store %arg7[%swap3A_2456, %swap3A_2457], %swap3A_2460 {strides = array<i32>} : memref<16x128xf32, #tpu.memory_space<vmem>>, vector<1x16xf32>,
    %get3A_2461 = arith.constant 14 : i32
    %get3A_2462 = arith.index_cast %get3A_2461 : i32 to index
    %get3A_2463 = arith.constant 32 : index
    %get3A_2464 = tpu.vector_load %arg7[%get3A_2462, %get3A_2463] {strides = array<i32>} : memref<16x128xf32, #tpu.memory_space<vmem>>, vector<1x16xf32>,
    %get3A_2465 = vector.shape_cast %get3A_2464 : vector<1x16xf32> to vector<16xf32>
    %mul3A_2466 = arith.mulf %get3A_2465, %div3A_2436 : vector<16xf32>
    %swap3A_2467 = arith.constant 14 : i32
    %swap3A_2468 = arith.index_cast %swap3A_2467 : i32 to index
    %swap3A_2469 = arith.constant 32 : index
    %swap3A_2470 = tpu.vector_load %arg7[%swap3A_2468, %swap3A_2469] {strides = array<i32>} : memref<16x128xf32, #tpu.memory_space<vmem>>, vector<1x16xf32>,
    %swap3A_2471 = vector.shape_cast %swap3A_2470 : vector<1x16xf32> to vector<16xf32>
    %swap3A_2472 = vector.shape_cast %mul3A_2466 : vector<16xf32> to vector<1x16xf32>
    tpu.vector_store %arg7[%swap3A_2468, %swap3A_2469], %swap3A_2472 {strides = array<i32>} : memref<16x128xf32, #tpu.memory_space<vmem>>, vector<1x16xf32>,
    %get3A_2473 = arith.constant 14 : i32
    %get3A_2474 = arith.index_cast %get3A_2473 : i32 to index
    %get3A_2475 = arith.constant 48 : index
    %get3A_2476 = tpu.vector_load %arg7[%get3A_2474, %get3A_2475] {strides = array<i32>} : memref<16x128xf32, #tpu.memory_space<vmem>>, vector<1x16xf32>,
    %get3A_2477 = vector.shape_cast %get3A_2476 : vector<1x16xf32> to vector<16xf32>
    %mul3A_2478 = arith.mulf %get3A_2477, %div3A_2436 : vector<16xf32>
    %swap3A_2479 = arith.constant 14 : i32
    %swap3A_2480 = arith.index_cast %swap3A_2479 : i32 to index
    %swap3A_2481 = arith.constant 48 : index
    %swap3A_2482 = tpu.vector_load %arg7[%swap3A_2480, %swap3A_2481] {strides = array<i32>} : memref<16x128xf32, #tpu.memory_space<vmem>>, vector<1x16xf32>,
    %swap3A_2483 = vector.shape_cast %swap3A_2482 : vector<1x16xf32> to vector<16xf32>
    %swap3A_2484 = vector.shape_cast %mul3A_2478 : vector<16xf32> to vector<1x16xf32>
    tpu.vector_store %arg7[%swap3A_2480, %swap3A_2481], %swap3A_2484 {strides = array<i32>} : memref<16x128xf32, #tpu.memory_space<vmem>>, vector<1x16xf32>,
    %get3A_2485 = arith.constant 14 : i32
    %get3A_2486 = arith.index_cast %get3A_2485 : i32 to index
    %get3A_2487 = arith.constant 64 : index
    %get3A_2488 = tpu.vector_load %arg7[%get3A_2486, %get3A_2487] {strides = array<i32>} : memref<16x128xf32, #tpu.memory_space<vmem>>, vector<1x16xf32>,
    %get3A_2489 = vector.shape_cast %get3A_2488 : vector<1x16xf32> to vector<16xf32>
    %mul3A_2490 = arith.mulf %get3A_2489, %div3A_2436 : vector<16xf32>
    %swap3A_2491 = arith.constant 14 : i32
    %swap3A_2492 = arith.index_cast %swap3A_2491 : i32 to index
    %swap3A_2493 = arith.constant 64 : index
    %swap3A_2494 = tpu.vector_load %arg7[%swap3A_2492, %swap3A_2493] {strides = array<i32>} : memref<16x128xf32, #tpu.memory_space<vmem>>, vector<1x16xf32>,
    %swap3A_2495 = vector.shape_cast %swap3A_2494 : vector<1x16xf32> to vector<16xf32>
    %swap3A_2496 = vector.shape_cast %mul3A_2490 : vector<16xf32> to vector<1x16xf32>
    tpu.vector_store %arg7[%swap3A_2492, %swap3A_2493], %swap3A_2496 {strides = array<i32>} : memref<16x128xf32, #tpu.memory_space<vmem>>, vector<1x16xf32>,
    %get3A_2497 = arith.constant 14 : i32
    %get3A_2498 = arith.index_cast %get3A_2497 : i32 to index
    %get3A_2499 = arith.constant 80 : index
    %get3A_2500 = tpu.vector_load %arg7[%get3A_2498, %get3A_2499] {strides = array<i32>} : memref<16x128xf32, #tpu.memory_space<vmem>>, vector<1x16xf32>,
    %get3A_2501 = vector.shape_cast %get3A_2500 : vector<1x16xf32> to vector<16xf32>
    %mul3A_2502 = arith.mulf %get3A_2501, %div3A_2436 : vector<16xf32>
    %swap3A_2503 = arith.constant 14 : i32
    %swap3A_2504 = arith.index_cast %swap3A_2503 : i32 to index
    %swap3A_2505 = arith.constant 80 : index
    %swap3A_2506 = tpu.vector_load %arg7[%swap3A_2504, %swap3A_2505] {strides = array<i32>} : memref<16x128xf32, #tpu.memory_space<vmem>>, vector<1x16xf32>,
    %swap3A_2507 = vector.shape_cast %swap3A_2506 : vector<1x16xf32> to vector<16xf32>
    %swap3A_2508 = vector.shape_cast %mul3A_2502 : vector<16xf32> to vector<1x16xf32>
    tpu.vector_store %arg7[%swap3A_2504, %swap3A_2505], %swap3A_2508 {strides = array<i32>} : memref<16x128xf32, #tpu.memory_space<vmem>>, vector<1x16xf32>,
    %get3A_2509 = arith.constant 14 : i32
    %get3A_2510 = arith.index_cast %get3A_2509 : i32 to index
    %get3A_2511 = arith.constant 96 : index
    %get3A_2512 = tpu.vector_load %arg7[%get3A_2510, %get3A_2511] {strides = array<i32>} : memref<16x128xf32, #tpu.memory_space<vmem>>, vector<1x16xf32>,
    %get3A_2513 = vector.shape_cast %get3A_2512 : vector<1x16xf32> to vector<16xf32>
    %mul3A_2514 = arith.mulf %get3A_2513, %div3A_2436 : vector<16xf32>
    %swap3A_2515 = arith.constant 14 : i32
    %swap3A_2516 = arith.index_cast %swap3A_2515 : i32 to index
    %swap3A_2517 = arith.constant 96 : index
    %swap3A_2518 = tpu.vector_load %arg7[%swap3A_2516, %swap3A_2517] {strides = array<i32>} : memref<16x128xf32, #tpu.memory_space<vmem>>, vector<1x16xf32>,
    %swap3A_2519 = vector.shape_cast %swap3A_2518 : vector<1x16xf32> to vector<16xf32>
    %swap3A_2520 = vector.shape_cast %mul3A_2514 : vector<16xf32> to vector<1x16xf32>
    tpu.vector_store %arg7[%swap3A_2516, %swap3A_2517], %swap3A_2520 {strides = array<i32>} : memref<16x128xf32, #tpu.memory_space<vmem>>, vector<1x16xf32>,
    %get3A_2521 = arith.constant 14 : i32
    %get3A_2522 = arith.index_cast %get3A_2521 : i32 to index
    %get3A_2523 = arith.constant 112 : index
    %get3A_2524 = tpu.vector_load %arg7[%get3A_2522, %get3A_2523] {strides = array<i32>} : memref<16x128xf32, #tpu.memory_space<vmem>>, vector<1x16xf32>,
    %get3A_2525 = vector.shape_cast %get3A_2524 : vector<1x16xf32> to vector<16xf32>
    %mul3A_2526 = arith.mulf %get3A_2525, %div3A_2436 : vector<16xf32>
    %swap3A_2527 = arith.constant 14 : i32
    %swap3A_2528 = arith.index_cast %swap3A_2527 : i32 to index
    %swap3A_2529 = arith.constant 112 : index
    %swap3A_2530 = tpu.vector_load %arg7[%swap3A_2528, %swap3A_2529] {strides = array<i32>} : memref<16x128xf32, #tpu.memory_space<vmem>>, vector<1x16xf32>,
    %swap3A_2531 = vector.shape_cast %swap3A_2530 : vector<1x16xf32> to vector<16xf32>
    %swap3A_2532 = vector.shape_cast %mul3A_2526 : vector<16xf32> to vector<1x16xf32>
    tpu.vector_store %arg7[%swap3A_2528, %swap3A_2529], %swap3A_2532 {strides = array<i32>} : memref<16x128xf32, #tpu.memory_space<vmem>>, vector<1x16xf32>,
    %get3A_2533 = arith.constant 16 : index
    %get3A_2534 = tpu.vector_load %arg9[%get3A_2533] {strides = array<i32>} : memref<40xi32, #tpu.memory_space<vmem>>, vector<16xi32>,
    %get3A_2535 = vector.shape_cast %get3A_2534 : vector<16xi32> to vector<16xi32>
    %slice3A_2536 = vector.extract_strided_slice %get3A_2535 {offsets = [0], sizes = [1], strides = [1]} : vector<16xi32> to vector<1xi32>
    %squeeze3A_2537 = vector.extract %slice3A_2536[0] : i32 from vector<1xi32>
    %get3A_2538 = arith.constant 15 : index
    %get3A_2539 = tpu.vector_load %arg9[%get3A_2538] {strides = array<i32>} : memref<40xi32, #tpu.memory_space<vmem>>, vector<16xi32>,
    %get3A_2540 = vector.shape_cast %get3A_2539 : vector<16xi32> to vector<16xi32>
    %slice3A_2541 = vector.extract_strided_slice %get3A_2540 {offsets = [0], sizes = [1], strides = [1]} : vector<16xi32> to vector<1xi32>
    %squeeze3A_2542 = vector.extract %slice3A_2541[0] : i32 from vector<1xi32>
    %sub3A_2543 = arith.subi %squeeze3A_2537, %squeeze3A_2542 : i32
    %broadcast_in_dim3A_2544 = vector.broadcast %sub3A_2543 : i32 to vector<16xi32>
    %convert_element_type3A_2545 = arith.sitofp %broadcast_in_dim3A_2544 : vector<16xi32> to vector<16xf32>
    %max3A_2546 = arith.constant 1.000000e+00 : f32
    %max3A_2547 = vector.broadcast %max3A_2546 : f32 to vector<16xf32>
    %max3A_2548 = arith.maximumf %convert_element_type3A_2545, %max3A_2547 : vector<16xf32>
    %div3A_2549 = arith.constant 1.000000e+00 : f32
    %div3A_2550 = vector.broadcast %div3A_2549 : f32 to vector<16xf32>
    %div3A_2551 = arith.divf %div3A_2550, %max3A_2548 : vector<16xf32>
    %get3A_2552 = arith.constant 15 : i32
    %get3A_2553 = arith.index_cast %get3A_2552 : i32 to index
    %get3A_2554 = arith.constant 0 : index
    %get3A_2555 = tpu.vector_load %arg7[%get3A_2553, %get3A_2554] {strides = array<i32>} : memref<16x128xf32, #tpu.memory_space<vmem>>, vector<1x16xf32>,
    %get3A_2556 = vector.shape_cast %get3A_2555 : vector<1x16xf32> to vector<16xf32>
    %mul3A_2557 = arith.mulf %get3A_2556, %div3A_2551 : vector<16xf32>
    %swap3A_2558 = arith.constant 15 : i32
    %swap3A_2559 = arith.index_cast %swap3A_2558 : i32 to index
    %swap3A_2560 = arith.constant 0 : index
    %swap3A_2561 = tpu.vector_load %arg7[%swap3A_2559, %swap3A_2560] {strides = array<i32>} : memref<16x128xf32, #tpu.memory_space<vmem>>, vector<1x16xf32>,
    %swap3A_2562 = vector.shape_cast %swap3A_2561 : vector<1x16xf32> to vector<16xf32>
    %swap3A_2563 = vector.shape_cast %mul3A_2557 : vector<16xf32> to vector<1x16xf32>
    tpu.vector_store %arg7[%swap3A_2559, %swap3A_2560], %swap3A_2563 {strides = array<i32>} : memref<16x128xf32, #tpu.memory_space<vmem>>, vector<1x16xf32>,
    %get3A_2564 = arith.constant 15 : i32
    %get3A_2565 = arith.index_cast %get3A_2564 : i32 to index
    %get3A_2566 = arith.constant 16 : index
    %get3A_2567 = tpu.vector_load %arg7[%get3A_2565, %get3A_2566] {strides = array<i32>} : memref<16x128xf32, #tpu.memory_space<vmem>>, vector<1x16xf32>,
    %get3A_2568 = vector.shape_cast %get3A_2567 : vector<1x16xf32> to vector<16xf32>
    %mul3A_2569 = arith.mulf %get3A_2568, %div3A_2551 : vector<16xf32>
    %swap3A_2570 = arith.constant 15 : i32
    %swap3A_2571 = arith.index_cast %swap3A_2570 : i32 to index
    %swap3A_2572 = arith.constant 16 : index
    %swap3A_2573 = tpu.vector_load %arg7[%swap3A_2571, %swap3A_2572] {strides = array<i32>} : memref<16x128xf32, #tpu.memory_space<vmem>>, vector<1x16xf32>,
    %swap3A_2574 = vector.shape_cast %swap3A_2573 : vector<1x16xf32> to vector<16xf32>
    %swap3A_2575 = vector.shape_cast %mul3A_2569 : vector<16xf32> to vector<1x16xf32>
    tpu.vector_store %arg7[%swap3A_2571, %swap3A_2572], %swap3A_2575 {strides = array<i32>} : memref<16x128xf32, #tpu.memory_space<vmem>>, vector<1x16xf32>,
    %get3A_2576 = arith.constant 15 : i32
    %get3A_2577 = arith.index_cast %get3A_2576 : i32 to index
    %get3A_2578 = arith.constant 32 : index
    %get3A_2579 = tpu.vector_load %arg7[%get3A_2577, %get3A_2578] {strides = array<i32>} : memref<16x128xf32, #tpu.memory_space<vmem>>, vector<1x16xf32>,
    %get3A_2580 = vector.shape_cast %get3A_2579 : vector<1x16xf32> to vector<16xf32>
    %mul3A_2581 = arith.mulf %get3A_2580, %div3A_2551 : vector<16xf32>
    %swap3A_2582 = arith.constant 15 : i32
    %swap3A_2583 = arith.index_cast %swap3A_2582 : i32 to index
    %swap3A_2584 = arith.constant 32 : index
    %swap3A_2585 = tpu.vector_load %arg7[%swap3A_2583, %swap3A_2584] {strides = array<i32>} : memref<16x128xf32, #tpu.memory_space<vmem>>, vector<1x16xf32>,
    %swap3A_2586 = vector.shape_cast %swap3A_2585 : vector<1x16xf32> to vector<16xf32>
    %swap3A_2587 = vector.shape_cast %mul3A_2581 : vector<16xf32> to vector<1x16xf32>
    tpu.vector_store %arg7[%swap3A_2583, %swap3A_2584], %swap3A_2587 {strides = array<i32>} : memref<16x128xf32, #tpu.memory_space<vmem>>, vector<1x16xf32>,
    %get3A_2588 = arith.constant 15 : i32
    %get3A_2589 = arith.index_cast %get3A_2588 : i32 to index
    %get3A_2590 = arith.constant 48 : index
    %get3A_2591 = tpu.vector_load %arg7[%get3A_2589, %get3A_2590] {strides = array<i32>} : memref<16x128xf32, #tpu.memory_space<vmem>>, vector<1x16xf32>,
    %get3A_2592 = vector.shape_cast %get3A_2591 : vector<1x16xf32> to vector<16xf32>
    %mul3A_2593 = arith.mulf %get3A_2592, %div3A_2551 : vector<16xf32>
    %swap3A_2594 = arith.constant 15 : i32
    %swap3A_2595 = arith.index_cast %swap3A_2594 : i32 to index
    %swap3A_2596 = arith.constant 48 : index
    %swap3A_2597 = tpu.vector_load %arg7[%swap3A_2595, %swap3A_2596] {strides = array<i32>} : memref<16x128xf32, #tpu.memory_space<vmem>>, vector<1x16xf32>,
    %swap3A_2598 = vector.shape_cast %swap3A_2597 : vector<1x16xf32> to vector<16xf32>
    %swap3A_2599 = vector.shape_cast %mul3A_2593 : vector<16xf32> to vector<1x16xf32>
    tpu.vector_store %arg7[%swap3A_2595, %swap3A_2596], %swap3A_2599 {strides = array<i32>} : memref<16x128xf32, #tpu.memory_space<vmem>>, vector<1x16xf32>,
    %get3A_2600 = arith.constant 15 : i32
    %get3A_2601 = arith.index_cast %get3A_2600 : i32 to index
    %get3A_2602 = arith.constant 64 : index
    %get3A_2603 = tpu.vector_load %arg7[%get3A_2601, %get3A_2602] {strides = array<i32>} : memref<16x128xf32, #tpu.memory_space<vmem>>, vector<1x16xf32>,
    %get3A_2604 = vector.shape_cast %get3A_2603 : vector<1x16xf32> to vector<16xf32>
    %mul3A_2605 = arith.mulf %get3A_2604, %div3A_2551 : vector<16xf32>
    %swap3A_2606 = arith.constant 15 : i32
    %swap3A_2607 = arith.index_cast %swap3A_2606 : i32 to index
    %swap3A_2608 = arith.constant 64 : index
    %swap3A_2609 = tpu.vector_load %arg7[%swap3A_2607, %swap3A_2608] {strides = array<i32>} : memref<16x128xf32, #tpu.memory_space<vmem>>, vector<1x16xf32>,
    %swap3A_2610 = vector.shape_cast %swap3A_2609 : vector<1x16xf32> to vector<16xf32>
    %swap3A_2611 = vector.shape_cast %mul3A_2605 : vector<16xf32> to vector<1x16xf32>
    tpu.vector_store %arg7[%swap3A_2607, %swap3A_2608], %swap3A_2611 {strides = array<i32>} : memref<16x128xf32, #tpu.memory_space<vmem>>, vector<1x16xf32>,
    %get3A_2612 = arith.constant 15 : i32
    %get3A_2613 = arith.index_cast %get3A_2612 : i32 to index
    %get3A_2614 = arith.constant 80 : index
    %get3A_2615 = tpu.vector_load %arg7[%get3A_2613, %get3A_2614] {strides = array<i32>} : memref<16x128xf32, #tpu.memory_space<vmem>>, vector<1x16xf32>,
    %get3A_2616 = vector.shape_cast %get3A_2615 : vector<1x16xf32> to vector<16xf32>
    %mul3A_2617 = arith.mulf %get3A_2616, %div3A_2551 : vector<16xf32>
    %swap3A_2618 = arith.constant 15 : i32
    %swap3A_2619 = arith.index_cast %swap3A_2618 : i32 to index
    %swap3A_2620 = arith.constant 80 : index
    %swap3A_2621 = tpu.vector_load %arg7[%swap3A_2619, %swap3A_2620] {strides = array<i32>} : memref<16x128xf32, #tpu.memory_space<vmem>>, vector<1x16xf32>,
    %swap3A_2622 = vector.shape_cast %swap3A_2621 : vector<1x16xf32> to vector<16xf32>
    %swap3A_2623 = vector.shape_cast %mul3A_2617 : vector<16xf32> to vector<1x16xf32>
    tpu.vector_store %arg7[%swap3A_2619, %swap3A_2620], %swap3A_2623 {strides = array<i32>} : memref<16x128xf32, #tpu.memory_space<vmem>>, vector<1x16xf32>,
    %get3A_2624 = arith.constant 15 : i32
    %get3A_2625 = arith.index_cast %get3A_2624 : i32 to index
    %get3A_2626 = arith.constant 96 : index
    %get3A_2627 = tpu.vector_load %arg7[%get3A_2625, %get3A_2626] {strides = array<i32>} : memref<16x128xf32, #tpu.memory_space<vmem>>, vector<1x16xf32>,
    %get3A_2628 = vector.shape_cast %get3A_2627 : vector<1x16xf32> to vector<16xf32>
    %mul3A_2629 = arith.mulf %get3A_2628, %div3A_2551 : vector<16xf32>
    %swap3A_2630 = arith.constant 15 : i32
    %swap3A_2631 = arith.index_cast %swap3A_2630 : i32 to index
    %swap3A_2632 = arith.constant 96 : index
    %swap3A_2633 = tpu.vector_load %arg7[%swap3A_2631, %swap3A_2632] {strides = array<i32>} : memref<16x128xf32, #tpu.memory_space<vmem>>, vector<1x16xf32>,
    %swap3A_2634 = vector.shape_cast %swap3A_2633 : vector<1x16xf32> to vector<16xf32>
    %swap3A_2635 = vector.shape_cast %mul3A_2629 : vector<16xf32> to vector<1x16xf32>
    tpu.vector_store %arg7[%swap3A_2631, %swap3A_2632], %swap3A_2635 {strides = array<i32>} : memref<16x128xf32, #tpu.memory_space<vmem>>, vector<1x16xf32>,
    %get3A_2636 = arith.constant 15 : i32
    %get3A_2637 = arith.index_cast %get3A_2636 : i32 to index
    %get3A_2638 = arith.constant 112 : index
    %get3A_2639 = tpu.vector_load %arg7[%get3A_2637, %get3A_2638] {strides = array<i32>} : memref<16x128xf32, #tpu.memory_space<vmem>>, vector<1x16xf32>,
    %get3A_2640 = vector.shape_cast %get3A_2639 : vector<1x16xf32> to vector<16xf32>
    %mul3A_2641 = arith.mulf %get3A_2640, %div3A_2551 : vector<16xf32>
    %swap3A_2642 = arith.constant 15 : i32
    %swap3A_2643 = arith.index_cast %swap3A_2642 : i32 to index
    %swap3A_2644 = arith.constant 112 : index
    %swap3A_2645 = tpu.vector_load %arg7[%swap3A_2643, %swap3A_2644] {strides = array<i32>} : memref<16x128xf32, #tpu.memory_space<vmem>>, vector<1x16xf32>,
    %swap3A_2646 = vector.shape_cast %swap3A_2645 : vector<1x16xf32> to vector<16xf32>
    %swap3A_2647 = vector.shape_cast %mul3A_2641 : vector<16xf32> to vector<1x16xf32>
    tpu.vector_store %arg7[%swap3A_2643, %swap3A_2644], %swap3A_2647 {strides = array<i32>} : memref<16x128xf32, #tpu.memory_space<vmem>>, vector<1x16xf32>,
    %barrier3A = arith.constant 0 : index
    tpu.barrier barrier_id(%barrier3A)
    "tpu.region"() ({
      %run_scoped3A = tpu.sem_alloc : memref<!tpu.dma_semaphore, #tpu.memory_space<semaphore_mem>>
      %dma_start3A_2654 = arith.constant 0 : i32
      %dma_start3A_2655 = arith.constant 0 : i32
      %dma_start3A_2656 = tpu.memref_slice %arg11[%dma_start3A_2654, %dma_start3A_2655] : memref<16x128xf32, #tpu.memory_space<vmem_shared>> -> memref<16x128xf32, #tpu.memory_space<vmem_shared>>
      tpu.enqueue_indirect_dma source(%arg7 : memref<16x128xf32, #tpu.memory_space<vmem>>) target(%dma_start3A_2656 : memref<16x128xf32, #tpu.memory_space<vmem_shared>>) offsets(%arg10 : memref<16xi32, #tpu.memory_space<vmem>>) semaphore(%run_scoped3A : memref<!tpu.dma_semaphore, #tpu.memory_space<semaphore_mem>>) {add = true}
      %dma_wait3A = arith.constant 0 : i32
      %dma_wait3A_2657 = arith.constant 0 : i32
      %dma_wait3A_2658 = tpu.memref_slice %arg11[%dma_wait3A, %dma_wait3A_2657] : memref<16x128xf32, #tpu.memory_space<vmem_shared>> -> memref<16x128xf32, #tpu.memory_space<vmem_shared>>
      tpu.wait_indirect_dma semaphore(%run_scoped3A : memref<!tpu.dma_semaphore, #tpu.memory_space<semaphore_mem>>) src(%arg7 : memref<16x128xf32, #tpu.memory_space<vmem>>) dst(%dma_wait3A_2658 : memref<16x128xf32, #tpu.memory_space<vmem_shared>>)
      tpu.yield
    }) : () -> ()
    %barrier3A_2648 = arith.constant 0 : index
    tpu.barrier barrier_id(%barrier3A_2648)
    %eq3A_2649 = arith.constant 0 : i32
    %eq3A_2650 = arith.cmpi eq, %arg1, %eq3A_2649 : i32
    %convert_element_type3A_2651 = arith.extui %eq3A_2650 : i1 to i32
    %cond3A_2652 = arith.constant 0 : i32
    %cond3A_2653 = arith.cmpi ne, %convert_element_type3A_2651, %cond3A_2652 : i32
    scf.if %cond3A_2653 {
      "tpu.region"() ({
        %run_scoped3A = tpu.sem_alloc : memref<!tpu.dma_semaphore, #tpu.memory_space<semaphore_mem>>
        %dma_start3A_2654 = arith.constant 0 : i32
        %dma_start3A_2655 = arith.constant 0 : i32
        %dma_start3A_2656 = tpu.memref_slice %arg4[%arg0, %dma_start3A_2654, %dma_start3A_2655] : memref<2x16x128xf32, #tpu.memory_space<hbm>> -> memref<1x16x128xf32, #tpu.memory_space<hbm>>
        %dma_start3A_2657 = tpu.memref_squeeze %dma_start3A_2656 : memref<1x16x128xf32, #tpu.memory_space<hbm>> -> memref<16x128xf32, #tpu.memory_space<hbm>>
        tpu.enqueue_dma source(%arg11 : memref<16x128xf32, #tpu.memory_space<vmem_shared>>) target(%dma_start3A_2657 : memref<16x128xf32, #tpu.memory_space<hbm>>) target_semaphore(%run_scoped3A : memref<!tpu.dma_semaphore, #tpu.memory_space<semaphore_mem>>)
        %dma_wait3A = arith.constant 0 : i32
        %dma_wait3A_2658 = arith.constant 0 : i32
        %dma_wait3A_2659 = tpu.memref_slice %arg4[%arg0, %dma_wait3A, %dma_wait3A_2658] : memref<2x16x128xf32, #tpu.memory_space<hbm>> -> memref<1x16x128xf32, #tpu.memory_space<hbm>>
        %dma_wait3A_2660 = tpu.memref_squeeze %dma_wait3A_2659 : memref<1x16x128xf32, #tpu.memory_space<hbm>> -> memref<16x128xf32, #tpu.memory_space<hbm>>
        tpu.wait_dma2 semaphore(%run_scoped3A : memref<!tpu.dma_semaphore, #tpu.memory_space<semaphore_mem>>) src(%arg11 : memref<16x128xf32, #tpu.memory_space<vmem_shared>>) dst(%dma_wait3A_2660 : memref<16x128xf32, #tpu.memory_space<hbm>>)
        tpu.yield
      }) : () -> ()
    } else {
    }
    return
  }
}

module attributes {stable_mosaic.version = 14 : i64} {
  func.func @_tc_combine_body(%arg0: memref<2x16x128xf32, #tpu.memory_space<vmem>>, %arg1: memref<16x162xf32, #tpu.memory_space<vmem>>) attributes {dimension_semantics = [], scalar_prefetch = 0 : i64, scratch_operands = 0 : i64, tpu.core_type = #tpu.core_type<tc>} {
    %get3A = arith.constant 0 : index
    %get3A_0 = arith.constant 0 : index
    %get3A_1 = arith.constant 0 : index
    %get3A_2 = vector.load %arg0[%get3A, %get3A_0, %get3A_1] : memref<2x16x128xf32, #tpu.memory_space<vmem>>, vector<1x16x128xf32>
    %get3A_3 = vector.shape_cast %get3A_2 : vector<1x16x128xf32> to vector<16x128xf32>
    %get3A_4 = arith.constant 1 : index
    %get3A_5 = arith.constant 0 : index
    %get3A_6 = arith.constant 0 : index
    %get3A_7 = vector.load %arg0[%get3A_4, %get3A_5, %get3A_6] : memref<2x16x128xf32, #tpu.memory_space<vmem>>, vector<1x16x128xf32>
    %get3A_8 = vector.shape_cast %get3A_7 : vector<1x16x128xf32> to vector<16x128xf32>
    %add3A = arith.addf %get3A_3, %get3A_8 : vector<16x128xf32>
    %broadcast_in_dim3A = arith.constant 0.000000e+00 : f32
    %broadcast_in_dim3A_9 = vector.broadcast %broadcast_in_dim3A : f32 to vector<16x34xf32>
    %concatenate3A = tpu.concatenate %add3A, %broadcast_in_dim3A_9 in 1 : vector<16x128xf32>, vector<16x34xf32> -> vector<16x162xf32>
    %swap3A = arith.constant 0 : index
    %swap3A_10 = arith.constant 0 : index
    %swap3A_11 = vector.load %arg1[%swap3A, %swap3A_10] : memref<16x162xf32, #tpu.memory_space<vmem>>, vector<16x162xf32>
    tpu.vector_store %arg1[%swap3A, %swap3A_10], %concatenate3A {strides = array<i32>} : memref<16x162xf32, #tpu.memory_space<vmem>>, vector<16x162xf32>,
    return
  }
}

</mosaic_0001>

<sc_bundles>
// kernel: kernel.4.cloned.1.call-start
scs
__scs_entry_jumppad:
0x0: {  	(pc) =	sbr.rel $0x88, $3  }
0x1: {  	(tag) =	ssettag $0x0;
	lr =	simm.s32 $0x1  }
0x2: {  	[smem:$0x3F9F] =	sst lr;
	_ =	strace $0xD0000000  }
0x3: {  	_ = 	snop  }
0x4: {  	_ = 	snop  }
0x5: {  	_ = 	snop  }
0x6: {  	_ = 	snop  }
0x7: {  	_ = 	snop  }
__scs_overlays_trampoline_lowered:
0x8: {  	[smem:$0x3FAE] =	sst s0  }
0x9: {  	[smem:$0x3FAF] =	sst s1  }
0xa: {  	[smem:$0x3FB0] =	sst s2  }
0xb: {  	[smem:$0x3FB1] =	sst s3  }
0xc: {  	[smem:$0x3FB2] =	sst s4  }
0xd: {  	[smem:$0x3FB3] =	sst s5  }
0xe: {  	[smem:$0x3FB4] =	sst s6  }
0xf: {  	[smem:$0x3FB5] =	sst s7  }
0x10: {  	[smem:$0x3FB6] =	sst s8  }
0x11: {  	[smem:$0x3FB7] =	sst s9;
	s0 =	simm.s32 @!p0 $0x0  }
0x12: {  	s1 =	sld [smem:$0x3F9D];
	s0 =	simm.s32 @p0 $0x1  }
0x13: {  	[smem:$0x3FB8] =	sst s0;
	s0 =	simm.s32 @!p1 $0x0  }
0x14: {  	s2 =	sld [smem:$0x3F9C];
	s0 =	simm.s32 @p1 $0x1  }
0x15: {  	[smem:$0x3FB9] =	sst s0;
	s0 =	simm.s32 @!p2 $0x0  }
0x16: {  	s3 =	sld [smem:$0x3FDB];
	s0 =	simm.s32 @p2 $0x1  }
0x17: {  	s4 =	simm.s32 $0x1BF5;
	[smem:$0x3FBB] =	sst s0  }
0x18: {  	s0 =	sld [smem:$0x3F9E];
	_ =	swait.ge [sflag:s4], $0x0  }
0x19: {  	s7 =	sld [smem:$0x3F9F]  }
0x1a: {  	s8 =	sadd.s32 $0xFFFFE003, lr  }
0x1b: {  	s9 =	sadd.s32 $0xFFFFFEF7, lr;
	s5 =	simm.s32 $0xFFFFFFFF;
	p2 =	slt.u32 s8, $0xFFFFF086  }
0x1c: {  	p1 =	slt.u32 s9, $0xF7A;
	s5 =	simm.s32 @!p2 $0x0  }
0x1d: {  	s5 =	simm.s32 @p1 $0x1;
	p0 =	seq.s32 s7, s2  }
0x1e: {  	s7 =	smul.u32 @!p0 $0xF7A, s2;
	p2 =	seq.s32 @!p0 s5, $0x0  }
0x1f: {  	s9 =	smul.u32 $0xF7A, s1;
	s8 =	simm.s32 @!p0 $0x1BF5;
	p2 =	por !p2, p0  }
0x20: {  	[sflag:s8] =	ssyncset.s32 @!p0 $0xFFFFF086;
	s6 =	sadd.s32 @!p0 s3, s7;
	s7 =	simm.s32 @!p0 $0x108  }
0x21: {  	s3 =	sadd.s32 s3, s9;
	s6 =	sadd.s32 @!p0 $0x88, s6;
	s7 =	simm.s32 @p2 $0x1082  }
0x22: {  	[simem:s7], [sflag:s8] =	dma.local @!p0 [hbm:s6], $0xF7A  }
0x23: {  	s9 =	sor.u32 $0xD0000000, s2;
	s6 =	simm.s32 $0x108;
	_ =	swait.ge @!p0 [sflag:s8], $0x0  }
0x24: {  	s3 =	sadd.s32 $0x88, s3;
	s6 =	simm.s32 @!p1 $0x1082;
	[sflag:s4] =	ssyncset.s32 $0xFFFFF086  }
0x25: {  	[simem:s6], [sflag:s4] =	dma.local [hbm:s3], $0xF7A  }
0x26: {  	[smem:$0x3F9F] =	sst s1;
	(tag) =	ssettag s2;
	_ =	strace s9  }
0x27: {  	s1 =	sld [smem:$0x3FAF]  }
0x28: {  	s2 =	sld [smem:$0x3FB0]  }
0x29: {  	s4 =	sld [smem:$0x3FB2]  }
0x2a: {  	p0 =	seq.s32 s5, $0x0;
	s5 =	sld [smem:$0x3FB3]  }
0x2b: {  	s6 =	sld [smem:$0x3FB4]  }
0x2c: {  	s7 =	sld [smem:$0x3FB5]  }
0x2d: {  	s3 =	simm.s32 $0x108;
	s8 =	sld [smem:$0x3FB6]  }
0x2e: {  	s3 =	simm.s32 @!p0 $0x1082;
	s9 =	sld [smem:$0x3FB7]  }
0x2f: {  	lr =	sadd.s32 s0, s3;
	s0 =	sld [smem:$0x3FAE]  }
0x30: {  	s3 =	sld [smem:$0x3FB1]  }
0x31: {  	[smem:$0x3FBA] =	sst s10  }
0x32: {  	s10 =	sld [smem:$0x3FB8];
	_ =	sdelay $0x3  }
0x33: {  	p0 =	seq.s32 s10, $0x1;
	s10 =	sld [smem:$0x3FBA];
	_ =	sdelay $0x3  }
0x34: {  	[smem:$0x3FBA] =	sst s10  }
0x35: {  	s10 =	sld [smem:$0x3FB9];
	_ =	sdelay $0x3  }
0x36: {  	p1 =	seq.s32 s10, $0x1;
	s10 =	sld [smem:$0x3FBA];
	_ =	sdelay $0x3  }
0x37: {  	[smem:$0x3FBA] =	sst s10  }
0x38: {  	s10 =	sld [smem:$0x3FBB]  }
0x39: {  	_ = 	snop;
	(pc) =	sbr.ind lr, $3  }
0x3a: {  	_ = 	snop  }
0x3b: {  	_ = 	snop  }
0x3c: {  	p2 =	seq.s32 s10, $0x1;
	s10 =	sld [smem:$0x3FBA]  }
0x3d: {  	_ =	shalt  }
0x3e: {  	_ =	shalt  }
0x3f: {  	_ =	shalt  }
0x40: {  	_ =	shalt  }
0x41: {  	_ =	shalt  }
0x42: {  	_ =	shalt  }
0x43: {  	_ =	shalt  }
0x44: {  	_ =	shalt  }
0x45: {  	_ =	shalt  }
0x46: {  	_ =	shalt  }
0x47: {  	_ =	shalt  }
0x48: {  	_ =	shalt  }
0x49: {  	_ =	shalt  }
0x4a: {  	_ =	shalt  }
0x4b: {  	_ =	shalt  }
0x4c: {  	_ =	shalt  }
0x4d: {  	_ =	shalt  }
0x4e: {  	_ =	shalt  }
0x4f: {  	_ =	shalt  }
0x50: {  	_ =	shalt  }
0x51: {  	_ =	shalt  }
0x52: {  	_ =	shalt  }
0x53: {  	_ =	shalt  }
0x54: {  	_ =	shalt  }
0x55: {  	_ =	shalt  }
0x56: {  	_ =	shalt  }
0x57: {  	_ =	shalt  }
0x58: {  	_ =	shalt  }
0x59: {  	_ =	shalt  }
0x5a: {  	_ =	shalt  }
0x5b: {  	_ =	shalt  }
0x5c: {  	_ =	shalt  }
0x5d: {  	_ =	shalt  }
0x5e: {  	_ =	shalt  }
0x5f: {  	_ =	shalt  }
0x60: {  	_ =	shalt  }
0x61: {  	_ =	shalt  }
0x62: {  	_ =	shalt  }
0x63: {  	_ =	shalt  }
0x64: {  	_ =	shalt  }
0x65: {  	_ =	shalt  }
0x66: {  	_ =	shalt  }
0x67: {  	_ =	shalt  }
0x68: {  	_ =	shalt  }
0x69: {  	_ =	shalt  }
0x6a: {  	_ =	shalt  }
0x6b: {  	_ =	shalt  }
0x6c: {  	_ =	shalt  }
0x6d: {  	_ =	shalt  }
0x6e: {  	_ =	shalt  }
0x6f: {  	_ =	shalt  }
0x70: {  	_ =	shalt  }
0x71: {  	_ =	shalt  }
0x72: {  	_ =	shalt  }
0x73: {  	_ =	shalt  }
0x74: {  	_ =	shalt  }
0x75: {  	_ =	shalt  }
0x76: {  	_ =	shalt  }
0x77: {  	_ =	shalt  }
0x78: {  	_ =	shalt  }
0x79: {  	_ =	shalt  }
0x7a: {  	_ =	shalt  }
0x7b: {  	_ =	shalt  }
0x7c: {  	_ =	shalt  }
0x7d: {  	_ =	shalt  }
0x7e: {  	_ =	shalt  }
0x7f: {  	_ =	shalt  }
0x80: {  	_ =	shalt  }
0x81: {  	_ =	shalt  }
0x82: {  	_ =	shalt  }
0x83: {  	_ =	shalt  }
0x84: {  	_ =	shalt  }
0x85: {  	_ =	shalt  }
0x86: {  	_ =	shalt  }
0x87: {  	_ =	shalt  }
.Lfunc_end0:
.L_simem_size_0:
called_computation_lowered:
.L_overlay_start_0:
0x88: {  	s2 =	sld [smem:$0x3FD9]  }
0x89: {  	s3 =	sld [smem:$0x3FFE];
	_ =	sdelay $0x1  }
0x8a: {  	s1 =	srdreg.scid  }
0x8b: {  	s0 =	sand.u32 $0x1, s1  }
0x8c: {  	s18 =	sshll.u32 s0, $0xA;
	s2 =	sadd.s32 s3, s2  }
0x8d: {  	s2 =	sadd.s32 s2, s18  }
0x8e: {  	[smem:$0x3FC6] =	sst s2  }
0x8f: {  	_ = 	snop  }
0x90: {  	s2 =	sld [smem:$0x3FC9]  }
0x91: {  	s19 =	sld [smem:$0x3FC8]  }
0x92: {  	s4 =	sld [smem:$0x3FD0];
	(tm) =	ssettm $0x1  }
0x93: {  	s5 =	sld [smem:$0x3FFB];
	_ =	sdelay $0x3  }
0x94: {  	_ =	strace s5  }
0x95: {  	s5 =	sld [smem:$0x3FFC];
	_ =	sdelay $0x3  }
0x96: {  	_ =	strace s5  }
0x97: {  	s5 =	sld [smem:$0x3FFD];
	_ =	sdelay $0x3  }
0x98: {  	_ =	strace s5  }
0x99: {  	_ =	strace $0x8FFFFFFF  }
0x9a: {  	s20 =	sld [smem:$0x3FDB];
	_ =	sdelay $0x1  }
0x9b: {  	s6 =	simm.s32 $_scs_section_size  }
0x9c: {  	s7 =	simm.s32 $_size__tile_overlayer_lowered;
	s8 =	simm.s32 $_tile_overlayer_lowered  }
0x9d: {  	s23 =	simm.s32 $0x1BFF;
	s22 =	sshll.u32 s8, $0x1;
	s5 =	sadd.s32 s6, s20  }
0x9e: {  	s9 =	simm.s32 $0x0;
	s21 =	sshll.u32 s7, $0x1;
	s7 =	sadd.s32 s22, s5  }
0x9f: {  	[timem:s9], [sflag:s23] =	dma.local [hbm:s7], s21  }
0xa0: {  	_ =	swait.ge [sflag:s23], s21  }
0xa1: {  	s6 =	ssub.s32 $0x0, s21;
	[sflag:s23] =	ssyncset.done $0x0  }
0xa2: {  	[sflag:s23] =	ssyncadd.s32 s6;
	_ =	sdelay $0x1  }
0xa3: {  	s24 =	simm.s32 $0x1B8B  }
0xa4: {  	_ =	swait.ge [sflag:s24], $0x1  }
0xa5: {  	[sflag:s24] =	ssyncset.done $0x0  }
0xa6: {  	s25 =	simm.s32 $0x1B8E;
	[sflag:s24] =	ssyncadd.s32 $0xFFFFFFFF  }
0xa7: {  	s26 =	simm.s32 $execute0_lowered;
	[smem:$0x3FD2] =	sst s25  }
0xa8: {  	s6 =	sshll.u32 s26, $0x1;
	_ =	strace $0x80000046;
	[dreg:$0x1] =	wrdreg $0xFFFFFFFF  }
0xa9: {  	s28 =	simm.s32 $_size_execute0_lowered;
	s5 =	sadd.s32 s5, s6;
	[dreg:$0x0] =	wrdreg $0x0  }
0xaa: {  	s6 =	sshll.u32 s28, $0x1;
	[dreg:$0x2] =	wrdreg s5  }
0xab: {  	[dreg:$0x3] =	wrdreg s6  }
0xac: {  	[dreg:$0x4] =	wrdreg $0xC0  }
0xad: {  	_ =	task [dreg:s9], $0x5FFFF  }
0xae: {  	[dreg:$0x1] =	wrdreg $0xFFFFFFFF  }
0xaf: {  	[dreg:$0x0] =	wrdreg $0x60  }
0xb0: {  	[dreg:$0x2] =	wrdreg s2  }
0xb1: {  	[dreg:$0x3] =	wrdreg s19  }
0xb2: {  	[dreg:$0x4] =	wrdreg s4  }
0xb3: {  	[dreg:$0x5] =	wrdreg $0x111000  }
0xb4: {  	[dreg:$0x6] =	wrdreg $0x9  }
0xb5: {  	_ =	task.clear_ibuf [dreg:s9], $0x7FFFF;
	_ =	strace $0x90000046  }
0xb6: {  	s29 =	simm.s32 $0x9;
	_ =	strace $0x80000048  }
0xb7: {  	_ =	swait.ge [sflag:s29], $0x1  }
0xb8: {  	[sflag:s29] =	ssyncadd.s32 $0xFFFFFFFF  }
0xb9: {  	_ =	strace $0x90000048  }
0xba: {  	_ =	sfence  }
0xbb: {  	s30 =	sld [smem:$0x0];
	_ =	sdelay $0x2  }
0xbc: {  	s31 =	sshll.u32 s1, $0xD;
	s1 =	sshrl.u32 s1, $0x2  }
0xbd: {  	s3 =	sand.u32 $0x4000, s31;
	s1 =	sadd.s32 s1, s30  }
0xbe: {  	s0 =	sor.u32 s3, s0;
	s1 =	sshll.u32 s1, $0x11  }
0xbf: {  	s0 =	sor.u32 s1, s0  }
0xc0: {  	s0 =	sadd.s32 $0x8F2B, s0  }
0xc1: {  	[sflag:s0] =	ssyncadd.remote.s32 $0x1  }
0xc2: {  	_ =	sfence.sel $0xFFFF  }
0xc3: {  	[dreg:$0x0] =	wrdreg $0xFFFFFFFF;
	(pc) =	sbr.abs _section_cstart, $3  }
0xc4: {  	[dreg:$0x1] =	wrdreg $0xFFFFFFFF  }
0xc5: {  	_ =	task.clear_ibuf [dreg:s9], $0x2FFFF;
	_ =	strace $0x9FFFFFFF  }
0xc6: {  	(tm) =	ssettm $0x7FFFFFFF  }
0xc7: {  	_ =	shalt  }
tec
execute0_lowered:
.L_overlay_start_1:
0x0: {  	(tag) =	ssettag $0x1  }
0x1: {  	s5 =	rddreg [dreg:$0x0]  }
0x2: {  	s1 =	rddreg [dreg:$0x1]  }
0x3: {  	s7 =	rddreg [dreg:$0x2]  }
0x4: {  	s2 =	rddreg [dreg:$0x3]  }
0x5: {  	s0 =	rddreg [dreg:$0x4]  }
0x6: {  	s3 =	simm.s32 $0x0;
	s4 =	srdreg.scid;
	s10 =	stileid.u32  }
0x7: {  	s14 =	simm.s32 $0x1;
	s15 =	simm.s32 $0x2;
	s16 =	simm.s32 $0x10  }
0x8: {  	s17 =	simm.s32 $0x11080;
	s18 =	simm.s32 $0x10000;
	s19 =	simm.s32 $0x0  }
0x9: {  	[smem:$0x7FF] =	sst s3;
	s8 =	sand.u32 $0x1, s4;
	s30 =	sshll.u32 s10, $0xB  }
0xa: {  	s13 =	sshll.u32 s10, $0x14;
	p0 =	sne.s32 s10, $0x0;
	s10 =	simm.s32 $0x11000  }
0xb: {  	s6 =	ssub.s32 $0x2, s8;
	s9 =	sshll.u32 s8, $0xA;
	_ =	strace $0x80000047  }
0xc: {  	s12 =	sshll.u32 s8, $0x13;
	s8 =	sshll.u32 s8, $0x8;
	s11 =	sshrl.u32 s6, $0x1  }
.Ltmp0:
0xd: {  	s4 =	sor.u32 s9, s30;
	s31 =	sor.u32 s13, s12;
	(pc) =	sbr.rel .LBB2_1-.Ltmp0, $4  }
0xe: {  	s7 =	sadd.s32 s7, s8;
	s12 =	simm.s32 $0x10800;
	s9 =	sshll.u32 s4, $0x4  }
0xf: {  	s11 =	ssub.s32 s6, s11;
	s5 =	sadd.s32 s5, s9;
	s9 =	sxor.u32 $0xFFFE0100, s31  }
0x10: {  	s13 =	simm.s32 $0x8000;
	s8 =	smax.u32 s11, $0x1;
	s9 =	sshra.s32 s9, $0x2  }
0x11: {  	v0 =	vimm.s32 $0x8000;
	v1 =	vlaneseq.u32;
	v2 =	vimm.f32 $0.0e+00;
	s11 =	simm.s32 $0x3;
	s6 =	sadd.s32 $0x2000, s5;
	s9 =	sadd.s32 $0x8000, s9  }
.LBB2_17:
0x12: {  	v3 =	vld [tilespmem:$0x11001]  }
0x13: {  	v4 =	vld [tilespmem:$0x11000];
	_ =	sdelay $0x2  }
0x14: {  	v5 =	vld [tilespmem:$0x10000]  }
0x15: {  	v51 =	vld [tilespmem:$0x10020];
	(v2sf) =	vpush v3, $0x0  }
0x16: {  	v6 =	vld [tilespmem:$0x10030];
	(v2sf) =	vpush v4, $0x0  }
0x17: {  	v7 =	vld [tilespmem:$0x11002]  }
0x18: {  	v8 =	vld [tilespmem:$0x11001]  }
0x19: {  	v9 =	vld [tilespmem:$0x10040]  }
0x1a: {  	v10 =	vld [tilespmem:$0x10050]  }
0x1b: {  	v11 =	vld [tilespmem:$0x10060]  }
0x1c: {  	v12 =	vld [tilespmem:$0x10070];
	(v2sf) =	vpush v7, $0x0  }
0x1d: {  	v52 =	vld [tilespmem:$0x10080];
	(v2sf) =	vpush v8, $0x0  }
0x1e: {  	v53 =	vld [tilespmem:$0x10090]  }
0x1f: {  	v13 =	vld [tilespmem:$0x11003]  }
0x20: {  	v14 =	vld [tilespmem:$0x11002]  }
0x21: {  	v15 =	vld [tilespmem:$0x100A0]  }
0x22: {  	v16 =	vld [tilespmem:$0x100B0]  }
0x23: {  	v17 =	vld [tilespmem:$0x100C0]  }
0x24: {  	v18 =	vld [tilespmem:$0x100D0];
	s20 =	spop (v2sf)  }
0x25: {  	v54 =	vld [tilespmem:$0x100E0];
	(v2sf) =	vpush v13, $0x0;
	s21 =	spop (v2sf)  }
0x26: {  	v20 =	vld [tilespmem:$0x11004];
	(v2sf) =	vpush v14, $0x0;
	s20 =	ssub.s32 s20, s21  }
0x27: {  	v21 =	vld [tilespmem:$0x11003];
	v55 =	vmov s20  }
0x28: {  	v19 =	vld [tilespmem:$0x100F0];
	v14 =	vcvt.s32.f32 v55  }
0x29: {  	v22 =	vld [tilespmem:$0x10100]  }
0x2a: {  	v23 =	vld [tilespmem:$0x10110];
	v14 =	vmax.f32 v14, $1.000000000e+00  }
0x2b: {  	v24 =	vld [tilespmem:$0x10120];
	s21 =	spop (v2sf);
	(v2sf) =	vpush v20, $0x0;
	v14 =	vbroadcast v14, $0x0  }
0x2c: {  	v56 =	vld [tilespmem:$0x10130];
	s22 =	spop (v2sf);
	(v2sf) =	vpush v21, $0x0  }
0x2d: {  	v57 =	vld [tilespmem:$0x10140];
	(erf) = vrcp.f32 v14  }
0x2e: {  	v25 =	vld [tilespmem:$0x10150];
	s20 =	ssub.s32 s21, s22  }
0x2f: {  	v26 =	vld [tilespmem:$0x11005];
	v58 =	vmov s20  }
0x30: {  	v27 =	vld [tilespmem:$0x11004];
	v21 =	vcvt.s32.f32 v58  }
0x31: {  	v28 =	vld [tilespmem:$0x10160]  }
0x32: {  	v29 =	vld [tilespmem:$0x10170];
	v21 =	vmax.f32 v21, $1.000000000e+00  }
0x33: {  	v3 =	vld [tilespmem:$0x10010];
	v21 =	vbroadcast v21, $0x0  }
0x34: {  	v30 =	vld [tilespmem:$0x10180];
	s23 =	spop (v2sf)  }
0x35: {  	v31 =	vld [tilespmem:$0x101A0];
	(erf) = vrcp.f32 v21;
	(v2sf) =	vpush v26, $0x0;
	s24 =	spop (v2sf)  }
0x36: {  	v32 =	vld [tilespmem:$0x101B0];
	(v2sf) =	vpush v27, $0x0;
	s20 =	ssub.s32 s23, s24;
	v59 =	vpop (erf)  }
0x37: {  	v33 =	vld [tilespmem:$0x11006];
	v60 =	vmov s20;
	v5 =	vmul.f32 v59, v5  }
0x38: {  	v61 =	vld [tilespmem:$0x11005];
	v3 =	vmul.f32 v59, v3;
	v27 =	vcvt.s32.f32 v60  }
0x39: {  	v34 =	vld [tilespmem:$0x101D0];
	v4 =	vmul.f32 v59, v51;
	[tilespmem:$0x10000] =	vst v5  }
0x3a: {  	v35 =	vld [tilespmem:$0x101E0];
	s25 =	spop (v2sf);
	[tilespmem:$0x10010] =	vst v3;
	v3 =	vmul.f32 v59, v6;
	v62 =	vmax.f32 v27, $1.000000000e+00  }
0x3b: {  	v37 =	vld [tilespmem:$0x101F0];
	s26 =	spop (v2sf);
	v63 =	vmul.f32 v9, v59;
	[tilespmem:$0x10020] =	vst v4;
	v6 =	vbroadcast v62, $0x0  }
0x3c: {  	v41 =	vld [tilespmem:$0x11007];
	(v2sf) =	vpush v33, $0x0;
	s20 =	ssub.s32 s25, s26;
	[tilespmem:$0x10030] =	vst v3;
	v3 =	vmul.f32 v10, v59  }
0x3d: {  	v43 =	vld [tilespmem:$0x11006];
	v36 =	vmul.f32 v11, v59;
	v40 =	vmov s20;
	[tilespmem:$0x10040] =	vst v63;
	(erf) = vrcp.f32 v6  }
0x3e: {  	v44 =	vld [tilespmem:$0x10220];
	(v2sf) =	vpush v61, $0x0;
	v38 =	vpop (erf);
	v5 =	vcvt.s32.f32 v40;
	[tilespmem:$0x10050] =	vst v3;
	v3 =	vmul.f32 v12, v59  }
0x3f: {  	v46 =	vld [tilespmem:$0x10230];
	[tilespmem:$0x10060] =	vst v36;
	v39 =	vmul.f32 v38, v52  }
0x40: {  	v47 =	vld [tilespmem:$0x10240];
	v5 =	vmax.f32 v5, $1.000000000e+00;
	[tilespmem:$0x10070] =	vst v3;
	v3 =	vmul.f32 v38, v53  }
0x41: {  	v7 =	vld [tilespmem:$0x10210];
	v42 =	vmul.f32 v38, v15;
	[tilespmem:$0x10080] =	vst v39;
	v5 =	vbroadcast v5, $0x0  }
0x42: {  	v55 =	vld [tilespmem:$0x10280];
	[tilespmem:$0x10090] =	vst v3;
	v3 =	vmul.f32 v38, v16  }
0x43: {  	v21 =	vld [tilespmem:$0x10190];
	v45 =	vmul.f32 v17, v38;
	[tilespmem:$0x100A0] =	vst v42;
	(erf) = vrcp.f32 v5  }
0x44: {  	v26 =	vld [tilespmem:$0x103E0];
	s28 =	spop (v2sf);
	[tilespmem:$0x100B0] =	vst v3;
	v3 =	vmul.f32 v18, v38  }
0x45: {  	v33 =	vld [tilespmem:$0x102F0];
	v48 =	vmul.f32 v54, v38;
	[tilespmem:$0x100C0] =	vst v45;
	(v2sf) =	vpush v41, $0x0;
	s29 =	spop (v2sf)  }
0x46: {  	v11 =	vld [tilespmem:$0x10260];
	(v2sf) =	vpush v43, $0x0;
	s20 =	ssub.s32 s28, s29;
	[tilespmem:$0x100D0] =	vst v3;
	v3 =	vmul.f32 v19, v38;
	v49 =	vpop (erf)  }
0x47: {  	v27 =	vld [tilespmem:$0x101C0];
	[tilespmem:$0x100E0] =	vst v48;
	v51 =	vmov s20;
	v50 =	vmul.f32 v49, v22  }
0x48: {  	v52 =	vld [tilespmem:$0x11008];
	v13 =	vcvt.s32.f32 v51;
	[tilespmem:$0x100F0] =	vst v3;
	v3 =	vmul.f32 v49, v23  }
0x49: {  	v54 =	vld [tilespmem:$0x11007];
	v53 =	vmul.f32 v49, v24;
	[tilespmem:$0x10100] =	vst v50  }
0x4a: {  	v15 =	vld [tilespmem:$0x10270];
	v13 =	vmax.f32 v13, $1.000000000e+00;
	[tilespmem:$0x10110] =	vst v3;
	v3 =	vmul.f32 v49, v56  }
0x4b: {  	v63 =	vld [tilespmem:$0x11009];
	v58 =	vmul.f32 v28, v49;
	[tilespmem:$0x10120] =	vst v53;
	v13 =	vbroadcast v13, $0x0  }
0x4c: {  	v36 =	vld [tilespmem:$0x10310];
	s30 =	spop (v2sf);
	v59 =	vpop (erf);
	[tilespmem:$0x10130] =	vst v3;
	v3 =	vmul.f32 v25, v49  }
0x4d: {  	v45 =	vld [tilespmem:$0x11009];
	(v2sf) =	vpush v52, $0x0;
	s31 =	spop (v2sf);
	[tilespmem:$0x10160] =	vst v58;
	v60 =	vmul.f32 v59, v30;
	(erf) = vrcp.f32 v13  }
0x4e: {  	v48 =	vld [tilespmem:$0x10350];
	(v2sf) =	vpush v54, $0x0;
	s20 =	ssub.s32 s30, s31;
	[tilespmem:$0x10150] =	vst v3;
	v3 =	vmul.f32 v29, v49  }
0x4f: {  	v12 =	vld [tilespmem:$0x10200];
	v61 =	vmov s20;
	v35 =	vmul.f32 v35, v59;
	[tilespmem:$0x10180] =	vst v60  }
0x50: {  	v5 =	vld [tilespmem:$0x10250];
	v62 =	vcvt.s32.f32 v61;
	[tilespmem:$0x10170] =	vst v3;
	v3 =	vmul.f32 v59, v21  }
0x51: {  	v30 =	vld [tilespmem:$0x11008];
	v56 =	vmul.f32 v57, v49;
	[tilespmem:$0x101E0] =	vst v35  }
0x52: {  	v41 =	vld [tilespmem:$0x10330];
	v21 =	vmax.f32 v62, $1.000000000e+00;
	[tilespmem:$0x10190] =	vst v3;
	v3 =	vmul.f32 v59, v32  }
0x53: {  	v43 =	vld [tilespmem:$0x1100A];
	[tilespmem:$0x10140] =	vst v56;
	v29 =	vmul.f32 v59, v31;
	v21 =	vbroadcast v21, $0x0  }
0x54: {  	v18 =	vld [tilespmem:$0x104D0];
	s21 =	spop (v2sf);
	[tilespmem:$0x101B0] =	vst v3;
	v3 =	vmul.f32 v34, v59  }
0x55: {  	v19 =	vld [tilespmem:$0x102C0];
	[tilespmem:$0x101A0] =	vst v29;
	v32 =	vmul.f32 v27, v59;
	(v2sf) =	vpush v63, $0x0;
	(erf) = vrcp.f32 v21;
	s22 =	spop (v2sf)  }
0x56: {  	v38 =	vld [tilespmem:$0x10320];
	(v2sf) =	vpush v30, $0x0;
	s20 =	ssub.s32 s21, s22;
	[tilespmem:$0x101D0] =	vst v3;
	v3 =	vmul.f32 v37, v59;
	v37 =	vpop (erf)  }
0x57: {  	v24 =	vld [tilespmem:$0x102D0];
	[tilespmem:$0x101C0] =	vst v32;
	v40 =	vmov s20;
	v39 =	vmul.f32 v37, v12  }
0x58: {  	v51 =	vld [tilespmem:$0x10370];
	v42 =	vcvt.s32.f32 v40;
	[tilespmem:$0x101F0] =	vst v3;
	v3 =	vmul.f32 v37, v7  }
0x59: {  	v28 =	vld [tilespmem:$0x103F0];
	v44 =	vmul.f32 v37, v44;
	[tilespmem:$0x10200] =	vst v39  }
0x5a: {  	v23 =	vld [tilespmem:$0x102A0];
	v7 =	vmax.f32 v42, $1.000000000e+00;
	[tilespmem:$0x10210] =	vst v3;
	v3 =	vmul.f32 v37, v46  }
0x5b: {  	v57 =	vld [tilespmem:$0x10290];
	v47 =	vmul.f32 v47, v37;
	[tilespmem:$0x10220] =	vst v44;
	v7 =	vbroadcast v7, $0x0  }
0x5c: {  	v53 =	vld [tilespmem:$0x10380];
	s23 =	spop (v2sf);
	[tilespmem:$0x10230] =	vst v3;
	v3 =	vmul.f32 v5, v37  }
0x5d: {  	v13 =	vld [tilespmem:$0x102B0];
	(v2sf) =	vpush v43, $0x0;
	s24 =	spop (v2sf);
	v50 =	vmul.f32 v11, v37;
	[tilespmem:$0x10240] =	vst v47;
	(erf) = vrcp.f32 v7  }
0x5e: {  	v60 =	vld [tilespmem:$0x103A0];
	(v2sf) =	vpush v45, $0x0;
	s20 =	ssub.s32 s23, s24;
	v52 =	vpop (erf);
	[tilespmem:$0x10250] =	vst v3;
	v3 =	vmul.f32 v15, v37  }
0x5f: {  	v31 =	vld [tilespmem:$0x102E0];
	[tilespmem:$0x10260] =	vst v50;
	v54 =	vmul.f32 v52, v55;
	v55 =	vmov s20  }
0x60: {  	v12 =	vcvt.s32.f32 v55;
	[tilespmem:$0x10270] =	vst v3;
	v3 =	vmul.f32 v52, v57;
	v57 =	vld [tilespmem:$0x1100B]  }
0x61: {  	v59 =	vld [tilespmem:$0x1100A];
	v58 =	vmul.f32 v52, v23;
	[tilespmem:$0x10280] =	vst v54  }
0x62: {  	v34 =	vld [tilespmem:$0x10300];
	v12 =	vmax.f32 v12, $1.000000000e+00;
	[tilespmem:$0x10290] =	vst v3;
	v3 =	vmul.f32 v52, v13  }
0x63: {  	v56 =	vld [tilespmem:$0x10390];
	v61 =	vmul.f32 v19, v52;
	[tilespmem:$0x102A0] =	vst v58;
	v12 =	vbroadcast v12, $0x0  }
0x64: {  	v49 =	vld [tilespmem:$0x10360];
	s25 =	spop (v2sf);
	[tilespmem:$0x102B0] =	vst v3;
	v3 =	vmul.f32 v24, v52  }
0x65: {  	v62 =	vld [tilespmem:$0x103B0];
	v23 =	vmul.f32 v31, v52;
	[tilespmem:$0x102C0] =	vst v61;
	s26 =	spop (v2sf);
	(erf) = vrcp.f32 v12;
	(v2sf) =	vpush v57, $0x0  }
0x66: {  	v46 =	vld [tilespmem:$0x10340];
	s20 =	ssub.s32 s25, s26;
	v25 =	vpop (erf);
	[tilespmem:$0x102D0] =	vst v3;
	v3 =	vmul.f32 v33, v52;
	(v2sf) =	vpush v59, $0x0  }
0x67: {  	v63 =	vld [tilespmem:$0x103C0];
	[tilespmem:$0x102E0] =	vst v23;
	v29 =	vmov s20;
	v27 =	vmul.f32 v25, v34  }
0x68: {  	v31 =	vld [tilespmem:$0x1100C];
	v30 =	vcvt.s32.f32 v29;
	[tilespmem:$0x102F0] =	vst v3;
	v3 =	vmul.f32 v25, v36  }
0x69: {  	v32 =	vmul.f32 v25, v38;
	v33 =	vld [tilespmem:$0x1100B];
	[tilespmem:$0x10300] =	vst v27  }
0x6a: {  	v21 =	vld [tilespmem:$0x104F0];
	v10 =	vmax.f32 v30, $1.000000000e+00;
	[tilespmem:$0x10310] =	vst v3;
	v3 =	vmul.f32 v25, v41  }
0x6b: {  	v43 =	vld [tilespmem:$0x10450];
	v35 =	vmul.f32 v46, v25;
	[tilespmem:$0x10320] =	vst v32;
	v10 =	vbroadcast v10, $0x0  }
0x6c: {  	v45 =	vld [tilespmem:$0x1100D];
	s28 =	spop (v2sf);
	[tilespmem:$0x10330] =	vst v3;
	v3 =	vmul.f32 v48, v25  }
0x6d: {  	v39 =	vld [tilespmem:$0x10430];
	s29 =	spop (v2sf);
	v38 =	vmul.f32 v49, v25;
	[tilespmem:$0x10340] =	vst v35;
	(v2sf) =	vpush v31, $0x0;
	(erf) = vrcp.f32 v10  }
0x6e: {  	v47 =	vld [tilespmem:$0x1100C];
	s20 =	ssub.s32 s28, s29;
	(v2sf) =	vpush v33, $0x0;
	v40 =	vpop (erf);
	[tilespmem:$0x10350] =	vst v3;
	v3 =	vmul.f32 v51, v25  }
0x6f: {  	v24 =	vld [tilespmem:$0x103D0];
	v44 =	vmov s20;
	[tilespmem:$0x10360] =	vst v38;
	v42 =	vmul.f32 v40, v53  }
0x70: {  	v50 =	vld [tilespmem:$0x10470];
	v10 =	vcvt.s32.f32 v44;
	[tilespmem:$0x10370] =	vst v3;
	v3 =	vmul.f32 v40, v56  }
0x71: {  	v19 =	vld [tilespmem:$0x104E0];
	v46 =	vmul.f32 v40, v60;
	[tilespmem:$0x10380] =	vst v42  }
0x72: {  	v34 =	vld [tilespmem:$0x10400];
	v10 =	vmax.f32 v10, $1.000000000e+00;
	[tilespmem:$0x10390] =	vst v3;
	v3 =	vmul.f32 v40, v62  }
0x73: {  	v36 =	vld [tilespmem:$0x10410];
	v49 =	vmul.f32 v63, v40;
	v10 =	vbroadcast v10, $0x0;
	[tilespmem:$0x103A0] =	vst v46  }
0x74: {  	v37 =	vld [tilespmem:$0x10420];
	[tilespmem:$0x103B0] =	vst v3;
	v3 =	vmul.f32 v24, v40;
	s30 =	spop (v2sf)  }
0x75: {  	v55 =	vld [tilespmem:$0x104A0];
	v52 =	vmul.f32 v26, v40;
	[tilespmem:$0x103C0] =	vst v49;
	(erf) = vrcp.f32 v10;
	(v2sf) =	vpush v45, $0x0;
	s31 =	spop (v2sf)  }
0x76: {  	v41 =	vld [tilespmem:$0x10440];
	v54 =	vpop (erf);
	(v2sf) =	vpush v47, $0x0;
	[tilespmem:$0x103D0] =	vst v3;
	v3 =	vmul.f32 v28, v40;
	s20 =	ssub.s32 s30, s31  }
0x77: {  	v59 =	vld [tilespmem:$0x1100E];
	[tilespmem:$0x103E0] =	vst v52;
	v56 =	vmul.f32 v54, v34;
	v58 =	vmov s20  }
0x78: {  	v48 =	vld [tilespmem:$0x10460];
	[tilespmem:$0x103F0] =	vst v3;
	v3 =	vmul.f32 v54, v36;
	v13 =	vcvt.s32.f32 v58  }
0x79: {  	v61 =	vld [tilespmem:$0x1100D];
	v60 =	vmul.f32 v54, v37;
	[tilespmem:$0x10400] =	vst v56  }
0x7a: {  	v51 =	vld [tilespmem:$0x10480];
	[tilespmem:$0x10410] =	vst v3;
	v3 =	vmul.f32 v54, v39;
	v13 =	vmax.f32 v13, $1.000000000e+00  }
0x7b: {  	v53 =	vld [tilespmem:$0x10490];
	v63 =	vmul.f32 v41, v54;
	[tilespmem:$0x10420] =	vst v60;
	v13 =	vbroadcast v13, $0x0  }
0x7c: {  	v23 =	vld [tilespmem:$0x10500];
	s21 =	spop (v2sf);
	[tilespmem:$0x10430] =	vst v3;
	v3 =	vmul.f32 v43, v54  }
0x7d: {  	v57 =	vld [tilespmem:$0x104B0];
	v20 =	vmul.f32 v48, v54;
	[tilespmem:$0x10440] =	vst v63;
	(v2sf) =	vpush v59, $0x0;
	s22 =	spop (v2sf);
	(erf) = vrcp.f32 v13  }
0x7e: {  	v62 =	vld [tilespmem:$0x104C0];
	v22 =	vpop (erf);
	(v2sf) =	vpush v61, $0x0;
	s20 =	ssub.s32 s21, s22;
	[tilespmem:$0x10450] =	vst v3;
	v3 =	vmul.f32 v50, v54  }
0x7f: {  	v30 =	vld [tilespmem:$0x1100E];
	[tilespmem:$0x10460] =	vst v20;
	v24 =	vmul.f32 v22, v51;
	v26 =	vmov s20  }
0x80: {  	v28 =	vld [tilespmem:$0x1100F];
	v27 =	vcvt.s32.f32 v26;
	[tilespmem:$0x10470] =	vst v3;
	v3 =	vmul.f32 v22, v53  }
0x81: {  	v31 =	vld [tilespmem:$0x10520];
	v29 =	vmul.f32 v22, v55;
	[tilespmem:$0x10480] =	vst v24  }
0x82: {  	v38 =	vld [tilespmem:$0x10560];
	v10 =	vmax.f32 v27, $1.000000000e+00;
	[tilespmem:$0x10490] =	vst v3;
	v3 =	vmul.f32 v22, v57  }
0x83: {  	v25 =	vld [tilespmem:$0x10510];
	v32 =	vmul.f32 v62, v22;
	[tilespmem:$0x104A0] =	vst v29;
	v10 =	vbroadcast v10, $0x0  }
0x84: {  	v33 =	vld [tilespmem:$0x10530];
	s23 =	spop (v2sf);
	[tilespmem:$0x104B0] =	vst v3;
	v3 =	vmul.f32 v18, v22  }
0x85: {  	v34 =	vld [tilespmem:$0x10540];
	v35 =	vmul.f32 v19, v22;
	[tilespmem:$0x104C0] =	vst v32;
	(erf) = vrcp.f32 v10;
	(v2sf) =	vpush v28, $0x0;
	s24 =	spop (v2sf)  }
0x86: {  	v45 =	vld [tilespmem:$0x1100F];
	(v2sf) =	vpush v30, $0x0;
	s20 =	ssub.s32 s23, s24;
	[tilespmem:$0x104D0] =	vst v3;
	v3 =	vmul.f32 v21, v22;
	v37 =	vpop (erf)  }
0x87: {  	v36 =	vld [tilespmem:$0x10550];
	[tilespmem:$0x104E0] =	vst v35;
	v41 =	vmov s20;
	v39 =	vmul.f32 v37, v23  }
0x88: {  	v43 =	vld [tilespmem:$0x11010];
	v42 =	vcvt.s32.f32 v41;
	[tilespmem:$0x104F0] =	vst v3;
	v3 =	vmul.f32 v37, v25  }
0x89: {  	v40 =	vld [tilespmem:$0x10570];
	v44 =	vmul.f32 v37, v31;
	[tilespmem:$0x10500] =	vst v39  }
0x8a: {  	v46 =	vld [tilespmem:$0x10580];
	v12 =	vmax.f32 v42, $1.000000000e+00;
	[tilespmem:$0x10510] =	vst v3;
	v3 =	vmul.f32 v37, v33  }
0x8b: {  	v48 =	vld [tilespmem:$0x10590];
	v47 =	vmul.f32 v34, v37;
	[tilespmem:$0x10520] =	vst v44;
	v12 =	vbroadcast v12, $0x0  }
0x8c: {  	v49 =	vld [tilespmem:$0x105A0];
	s25 =	spop (v2sf);
	[tilespmem:$0x10530] =	vst v3;
	v3 =	vmul.f32 v36, v37  }
0x8d: {  	v51 =	vld [tilespmem:$0x105B0];
	(v2sf) =	vpush v43, $0x0;
	v50 =	vmul.f32 v38, v37;
	[tilespmem:$0x10540] =	vst v47;
	s26 =	spop (v2sf);
	(erf) = vrcp.f32 v12  }
0x8e: {  	v53 =	vld [tilespmem:$0x105C0];
	(v2sf) =	vpush v45, $0x0;
	s20 =	ssub.s32 s25, s26;
	v52 =	vpop (erf);
	[tilespmem:$0x10550] =	vst v3;
	v3 =	vmul.f32 v40, v37  }
0x8f: {  	v55 =	vld [tilespmem:$0x105D0];
	[tilespmem:$0x10560] =	vst v50;
	v56 =	vmov s20;
	v54 =	vmul.f32 v52, v46  }
0x90: {  	v57 =	vld [tilespmem:$0x105E0];
	v11 =	vcvt.s32.f32 v56;
	[tilespmem:$0x10570] =	vst v3;
	v3 =	vmul.f32 v52, v48  }
0x91: {  	v59 =	vld [tilespmem:$0x105F0];
	v58 =	vmul.f32 v52, v49;
	[tilespmem:$0x10580] =	vst v54  }
0x92: {  	v60 =	vld [tilespmem:$0x10600];
	v11 =	vmax.f32 v11, $1.000000000e+00;
	[tilespmem:$0x10590] =	vst v3;
	v3 =	vmul.f32 v52, v51  }
0x93: {  	v62 =	vld [tilespmem:$0x10610];
	v61 =	vmul.f32 v53, v52;
	[tilespmem:$0x105A0] =	vst v58;
	v11 =	vbroadcast v11, $0x0  }
0x94: {  	v63 =	vld [tilespmem:$0x10620];
	s28 =	spop (v2sf);
	[tilespmem:$0x105B0] =	vst v3;
	v3 =	vmul.f32 v55, v52  }
0x95: {  	v13 =	vld [tilespmem:$0x10630];
	v12 =	vmul.f32 v57, v52;
	[tilespmem:$0x105C0] =	vst v61;
	(erf) = vrcp.f32 v11;
	s29 =	spop (v2sf)  }
0x96: {  	v15 =	vld [tilespmem:$0x10640];
	s20 =	ssub.s32 s28, s29;
	v14 =	vpop (erf);
	[tilespmem:$0x105D0] =	vst v3;
	v3 =	vmul.f32 v59, v52  }
0x97: {  	v17 =	vld [tilespmem:$0x10650];
	[tilespmem:$0x105E0] =	vst v12;
	v18 =	vmov s20;
	v16 =	vmul.f32 v14, v60  }
0x98: {  	v19 =	vld [tilespmem:$0x10660];
	v11 =	vcvt.s32.f32 v18;
	[tilespmem:$0x105F0] =	vst v3;
	v3 =	vmul.f32 v14, v62  }
0x99: {  	v21 =	vld [tilespmem:$0x10670];
	v20 =	vmul.f32 v14, v63;
	[tilespmem:$0x10600] =	vst v16  }
0x9a: {  	v22 =	vld [tilespmem:$0x10680];
	v11 =	vmax.f32 v11, $1.000000000e+00;
	[tilespmem:$0x10610] =	vst v3;
	v3 =	vmul.f32 v14, v13  }
0x9b: {  	v24 =	vld [tilespmem:$0x10690];
	v23 =	vmul.f32 v15, v14;
	[tilespmem:$0x10620] =	vst v20;
	v11 =	vbroadcast v11, $0x0  }
0x9c: {  	v25 =	vld [tilespmem:$0x106A0];
	s30 =	spop (v2sf);
	[tilespmem:$0x10630] =	vst v3;
	v3 =	vmul.f32 v17, v14  }
0x9d: {  	v27 =	vld [tilespmem:$0x106B0];
	v26 =	vmul.f32 v19, v14;
	[tilespmem:$0x10640] =	vst v23;
	s31 =	spop (v2sf);
	(erf) = vrcp.f32 v11  }
0x9e: {  	v29 =	vld [tilespmem:$0x106C0];
	s20 =	ssub.s32 s30, s31;
	v28 =	vpop (erf);
	[tilespmem:$0x10650] =	vst v3;
	v3 =	vmul.f32 v21, v14  }
0x9f: {  	v31 =	vld [tilespmem:$0x106D0];
	[tilespmem:$0x10660] =	vst v26;
	v32 =	vmov s20;
	v30 =	vmul.f32 v28, v22  }
0xa0: {  	v33 =	vld [tilespmem:$0x106E0];
	v11 =	vcvt.s32.f32 v32;
	[tilespmem:$0x10670] =	vst v3;
	v3 =	vmul.f32 v28, v24  }
0xa1: {  	v35 =	vld [tilespmem:$0x106F0];
	v34 =	vmul.f32 v28, v25;
	[tilespmem:$0x10680] =	vst v30  }
0xa2: {  	v36 =	vld [tilespmem:$0x10700];
	v11 =	vmax.f32 v11, $1.000000000e+00;
	[tilespmem:$0x10690] =	vst v3;
	v3 =	vmul.f32 v28, v27  }
0xa3: {  	v38 =	vld [tilespmem:$0x10710];
	v37 =	vmul.f32 v29, v28;
	[tilespmem:$0x106A0] =	vst v34;
	v11 =	vbroadcast v11, $0x0  }
0xa4: {  	v39 =	vld [tilespmem:$0x10720];
	[tilespmem:$0x106B0] =	vst v3;
	v3 =	vmul.f32 v31, v28  }
0xa5: {  	v41 =	vld [tilespmem:$0x10730];
	v40 =	vmul.f32 v33, v28;
	[tilespmem:$0x106C0] =	vst v37;
	(erf) = vrcp.f32 v11  }
0xa6: {  	v43 =	vld [tilespmem:$0x10740];
	v42 =	vpop (erf);
	[tilespmem:$0x106D0] =	vst v3;
	v3 =	vmul.f32 v35, v28  }
0xa7: {  	v45 =	vld [tilespmem:$0x10750];
	[tilespmem:$0x106E0] =	vst v40;
	v44 =	vmul.f32 v42, v36  }
0xa8: {  	v46 =	vld [tilespmem:$0x10760];
	[tilespmem:$0x106F0] =	vst v3;
	v3 =	vmul.f32 v42, v38  }
0xa9: {  	v48 =	vld [tilespmem:$0x10770];
	v47 =	vmul.f32 v42, v39;
	[tilespmem:$0x10700] =	vst v44  }
0xaa: {  	v49 =	vld [tilespmem:$0x10780];
	[tilespmem:$0x10710] =	vst v3;
	v3 =	vmul.f32 v42, v41  }
0xab: {  	v51 =	vld [tilespmem:$0x10790];
	v50 =	vmul.f32 v43, v42;
	[tilespmem:$0x10720] =	vst v47  }
0xac: {  	v52 =	vld [tilespmem:$0x107A0];
	[tilespmem:$0x10730] =	vst v3;
	v3 =	vmul.f32 v45, v42  }
0xad: {  	v54 =	vld [tilespmem:$0x107B0];
	v53 =	vmul.f32 v46, v42;
	[tilespmem:$0x10740] =	vst v50  }
0xae: {  	v56 =	vld [tilespmem:$0x107C0];
	v55 =	vpop (erf);
	[tilespmem:$0x10750] =	vst v3;
	v3 =	vmul.f32 v48, v42  }
0xaf: {  	v58 =	vld [tilespmem:$0x107D0];
	[tilespmem:$0x10760] =	vst v53;
	v57 =	vmul.f32 v55, v49  }
0xb0: {  	v59 =	vld [tilespmem:$0x107E0];
	[tilespmem:$0x10770] =	vst v3;
	v3 =	vmul.f32 v55, v51  }
0xb1: {  	v61 =	vld [tilespmem:$0x107F0];
	v60 =	vmul.f32 v55, v52;
	[tilespmem:$0x10780] =	vst v57  }
0xb2: {  	[tilespmem:$0x10790] =	vst v3;
	v3 =	vmul.f32 v55, v54  }
0xb3: {  	v62 =	vmul.f32 v56, v55;
	[tilespmem:$0x107A0] =	vst v60  }
0xb4: {  	[tilespmem:$0x107B0] =	vst v3;
	v3 =	vmul.f32 v58, v55  }
0xb5: {  	v63 =	vmul.f32 v59, v55;
	[tilespmem:$0x107C0] =	vst v62  }
0xb6: {  	[tilespmem:$0x107D0] =	vst v3;
	v3 =	vmul.f32 v61, v55  }
0xb7: {  	[tilespmem:$0x107E0] =	vst v63  }
0xb8: {  	[tilespmem:$0x107F0] =	vst v3  }
0xb9: {  	[bflag:$0x0] =	sbarrier.arrive $0xFFFF  }
0xba: {  	[spmem:s2] =	stream.indirect.scatter.add.f32 [tilespmem:s18], [sflag:$0x3], $0x80, s17, s16, $0xb8;
	[tilespmem:$0x11180] =	vst v63  }
0xbb: {  	_ =	swait.ge [sflag:s11], $0x800  }
0xbc: {  	s19 =	sadd.s32 $0x1, s19;
	[sflag:s11] =	ssyncset.done $0x0  }
0xbd: {  	p1 =	sne.s32 s19, s8;
	[sflag:s11] =	ssyncadd.s32 $0xFFFFF800  }
0xbe: {  	s21 =	simm.s32 @!p0 $0x1C03;
	s20 =	sshrl.u32 @!p0 s2, $0x3;
	[bflag:$0x0] =	sbarrier.arrive $0xFFFF  }
0xbf: {  	[hbm:s7], [sflag:s21] =	dma.local @!p0 [spmem:s20], $0x100  }
.Ltmp1:
0xc0: {  	_ = 	snop;
	(pc) =	sbr.rel @!p1 .LBB2_18-.Ltmp1, $4  }
0xc1: {  	s20 =	simm.s32 @!p0 $0x3  }
0xc2: {  	_ =	swait.ge @!p0 [sflag:s20], $0x100  }
0xc3: {  	[sflag:s20] =	ssyncset.done @!p0 $0x0  }
0xc4: {  	[sflag:s20] =	ssyncadd.s32 @!p0 $0xFFFFFF00  }
.LBB2_1:
0xc5: {  	[tilespmem:$0x11008] =	vst v0  }
0xc6: {  	[tilespmem:$0x11018] =	vst v0  }
0xc7: {  	[tilespmem:s10], [sflag:$0x3] =	stream.linear.gather [hbm4b:s1+s3], $0x11, $0x38;
	[tilespmem:$0x11180] =	vst v63  }
0xc8: {  	_ =	swait.ge [sflag:s11], $0x11  }
0xc9: {  	[sflag:s11] =	ssyncset.done $0x0  }
0xca: {  	[sflag:s11] =	ssyncadd.s32 $0xFFFFFFEF  }
0xcb: {  	[tilespmem:$0x11080] =	vst v1  }
0xcc: {  	[tilespmem:$0x10000] =	vst v2  }
0xcd: {  	[tilespmem:$0x10010] =	vst v2  }
0xce: {  	[tilespmem:$0x10020] =	vst v2  }
0xcf: {  	[tilespmem:$0x10030] =	vst v2  }
0xd0: {  	[tilespmem:$0x10040] =	vst v2  }
0xd1: {  	[tilespmem:$0x10050] =	vst v2  }
0xd2: {  	[tilespmem:$0x10060] =	vst v2  }
0xd3: {  	[tilespmem:$0x10070] =	vst v2  }
0xd4: {  	[tilespmem:$0x10080] =	vst v2  }
0xd5: {  	[tilespmem:$0x10090] =	vst v2  }
0xd6: {  	[tilespmem:$0x100A0] =	vst v2  }
0xd7: {  	[tilespmem:$0x100B0] =	vst v2  }
0xd8: {  	[tilespmem:$0x100C0] =	vst v2  }
0xd9: {  	[tilespmem:$0x100D0] =	vst v2  }
0xda: {  	[tilespmem:$0x100E0] =	vst v2  }
0xdb: {  	[tilespmem:$0x100F0] =	vst v2  }
0xdc: {  	[tilespmem:$0x10100] =	vst v2  }
0xdd: {  	[tilespmem:$0x10110] =	vst v2  }
0xde: {  	[tilespmem:$0x10120] =	vst v2  }
0xdf: {  	[tilespmem:$0x10130] =	vst v2  }
0xe0: {  	[tilespmem:$0x10140] =	vst v2  }
0xe1: {  	[tilespmem:$0x10150] =	vst v2  }
0xe2: {  	[tilespmem:$0x10160] =	vst v2  }
0xe3: {  	[tilespmem:$0x10170] =	vst v2  }
0xe4: {  	[tilespmem:$0x10180] =	vst v2  }
0xe5: {  	[tilespmem:$0x10190] =	vst v2  }
0xe6: {  	[tilespmem:$0x101A0] =	vst v2  }
0xe7: {  	[tilespmem:$0x101B0] =	vst v2  }
0xe8: {  	[tilespmem:$0x101C0] =	vst v2  }
0xe9: {  	[tilespmem:$0x101D0] =	vst v2  }
0xea: {  	[tilespmem:$0x101E0] =	vst v2  }
0xeb: {  	[tilespmem:$0x101F0] =	vst v2  }
0xec: {  	[tilespmem:$0x10200] =	vst v2  }
0xed: {  	[tilespmem:$0x10210] =	vst v2  }
0xee: {  	[tilespmem:$0x10220] =	vst v2  }
0xef: {  	[tilespmem:$0x10230] =	vst v2  }
0xf0: {  	[tilespmem:$0x10240] =	vst v2  }
0xf1: {  	[tilespmem:$0x10250] =	vst v2  }
0xf2: {  	[tilespmem:$0x10260] =	vst v2  }
0xf3: {  	[tilespmem:$0x10270] =	vst v2  }
0xf4: {  	[tilespmem:$0x10280] =	vst v2  }
0xf5: {  	[tilespmem:$0x10290] =	vst v2  }
0xf6: {  	[tilespmem:$0x102A0] =	vst v2  }
0xf7: {  	[tilespmem:$0x102B0] =	vst v2  }
0xf8: {  	[tilespmem:$0x102C0] =	vst v2  }
0xf9: {  	[tilespmem:$0x102D0] =	vst v2  }
0xfa: {  	[tilespmem:$0x102E0] =	vst v2  }
0xfb: {  	[tilespmem:$0x102F0] =	vst v2  }
0xfc: {  	[tilespmem:$0x10300] =	vst v2  }
0xfd: {  	[tilespmem:$0x10310] =	vst v2  }
0xfe: {  	[tilespmem:$0x10320] =	vst v2  }
0xff: {  	[tilespmem:$0x10330] =	vst v2  }
0x100: {  	[tilespmem:$0x10340] =	vst v2  }
0x101: {  	[tilespmem:$0x10350] =	vst v2  }
0x102: {  	[tilespmem:$0x10360] =	vst v2  }
0x103: {  	[tilespmem:$0x10370] =	vst v2  }
0x104: {  	[tilespmem:$0x10380] =	vst v2  }
0x105: {  	[tilespmem:$0x10390] =	vst v2  }
0x106: {  	[tilespmem:$0x103A0] =	vst v2  }
0x107: {  	[tilespmem:$0x103B0] =	vst v2  }
0x108: {  	[tilespmem:$0x103C0] =	vst v2  }
0x109: {  	[tilespmem:$0x103D0] =	vst v2  }
0x10a: {  	[tilespmem:$0x103E0] =	vst v2  }
0x10b: {  	[tilespmem:$0x103F0] =	vst v2  }
0x10c: {  	[tilespmem:$0x10400] =	vst v2  }
0x10d: {  	[tilespmem:$0x10410] =	vst v2  }
0x10e: {  	[tilespmem:$0x10420] =	vst v2  }
0x10f: {  	[tilespmem:$0x10430] =	vst v2  }
0x110: {  	[tilespmem:$0x10440] =	vst v2  }
0x111: {  	[tilespmem:$0x10450] =	vst v2  }
0x112: {  	[tilespmem:$0x10460] =	vst v2  }
0x113: {  	[tilespmem:$0x10470] =	vst v2  }
0x114: {  	[tilespmem:$0x10480] =	vst v2  }
0x115: {  	[tilespmem:$0x10490] =	vst v2  }
0x116: {  	[tilespmem:$0x104A0] =	vst v2  }
0x117: {  	[tilespmem:$0x104B0] =	vst v2  }
0x118: {  	[tilespmem:$0x104C0] =	vst v2  }
0x119: {  	[tilespmem:$0x104D0] =	vst v2  }
0x11a: {  	[tilespmem:$0x104E0] =	vst v2  }
0x11b: {  	[tilespmem:$0x104F0] =	vst v2  }
0x11c: {  	[tilespmem:$0x10500] =	vst v2  }
0x11d: {  	[tilespmem:$0x10510] =	vst v2  }
0x11e: {  	[tilespmem:$0x10520] =	vst v2  }
0x11f: {  	[tilespmem:$0x10530] =	vst v2  }
0x120: {  	[tilespmem:$0x10540] =	vst v2  }
0x121: {  	[tilespmem:$0x10550] =	vst v2  }
0x122: {  	[tilespmem:$0x10560] =	vst v2  }
0x123: {  	[tilespmem:$0x10570] =	vst v2  }
0x124: {  	[tilespmem:$0x10580] =	vst v2  }
0x125: {  	[tilespmem:$0x10590] =	vst v2  }
0x126: {  	[tilespmem:$0x105A0] =	vst v2  }
0x127: {  	[tilespmem:$0x105B0] =	vst v2  }
0x128: {  	[tilespmem:$0x105C0] =	vst v2  }
0x129: {  	[tilespmem:$0x105D0] =	vst v2  }
0x12a: {  	[tilespmem:$0x105E0] =	vst v2  }
0x12b: {  	[tilespmem:$0x105F0] =	vst v2  }
0x12c: {  	[tilespmem:$0x10600] =	vst v2  }
0x12d: {  	[tilespmem:$0x10610] =	vst v2  }
0x12e: {  	[tilespmem:$0x10620] =	vst v2  }
0x12f: {  	[tilespmem:$0x10630] =	vst v2  }
0x130: {  	[tilespmem:$0x10640] =	vst v2  }
0x131: {  	[tilespmem:$0x10650] =	vst v2  }
0x132: {  	[tilespmem:$0x10660] =	vst v2  }
0x133: {  	[tilespmem:$0x10670] =	vst v2  }
0x134: {  	[tilespmem:$0x10680] =	vst v2  }
0x135: {  	[tilespmem:$0x10690] =	vst v2  }
0x136: {  	[tilespmem:$0x106A0] =	vst v2  }
0x137: {  	[tilespmem:$0x106B0] =	vst v2  }
0x138: {  	[tilespmem:$0x106C0] =	vst v2  }
0x139: {  	[tilespmem:$0x106D0] =	vst v2  }
0x13a: {  	[tilespmem:$0x106E0] =	vst v2  }
0x13b: {  	[tilespmem:$0x106F0] =	vst v2  }
0x13c: {  	[tilespmem:$0x10700] =	vst v2  }
0x13d: {  	[tilespmem:$0x10710] =	vst v2  }
0x13e: {  	[tilespmem:$0x10720] =	vst v2  }
0x13f: {  	[tilespmem:$0x10730] =	vst v2  }
0x140: {  	[tilespmem:$0x10740] =	vst v2  }
0x141: {  	[tilespmem:$0x10750] =	vst v2  }
0x142: {  	[tilespmem:$0x10760] =	vst v2  }
0x143: {  	[tilespmem:$0x10770] =	vst v2  }
0x144: {  	[tilespmem:$0x10780] =	vst v2  }
0x145: {  	[tilespmem:$0x10790] =	vst v2  }
0x146: {  	[tilespmem:$0x107A0] =	vst v2  }
.Ltmp2:
0x147: {  	[tilespmem:$0x107B0] =	vst v2;
	(pc) =	sbr.rel @p0 .LBB2_3-.Ltmp2, $4  }
0x148: {  	[tilespmem:$0x107C0] =	vst v2  }
0x149: {  	[tilespmem:$0x107D0] =	vst v2  }
0x14a: {  	[tilespmem:$0x107E0] =	vst v2  }
0x14b: {  	[tilespmem:$0x107F0] =	vst v2  }
0x14c: {  	[tilespmem:$0x10800] =	vst v2  }
0x14d: {  	[tilespmem:$0x10810] =	vst v2  }
0x14e: {  	[tilespmem:$0x10820] =	vst v2  }
0x14f: {  	[tilespmem:$0x10830] =	vst v2  }
0x150: {  	[tilespmem:$0x10840] =	vst v2  }
0x151: {  	[tilespmem:$0x10850] =	vst v2  }
0x152: {  	[tilespmem:$0x10860] =	vst v2  }
0x153: {  	[tilespmem:$0x10870] =	vst v2  }
0x154: {  	[tilespmem:$0x10880] =	vst v2  }
0x155: {  	[tilespmem:$0x10890] =	vst v2  }
0x156: {  	[tilespmem:$0x108A0] =	vst v2  }
0x157: {  	[tilespmem:$0x108B0] =	vst v2  }
0x158: {  	[tilespmem:$0x108C0] =	vst v2  }
0x159: {  	[tilespmem:$0x108D0] =	vst v2  }
0x15a: {  	[tilespmem:$0x108E0] =	vst v2  }
0x15b: {  	[tilespmem:$0x108F0] =	vst v2  }
0x15c: {  	[tilespmem:$0x10900] =	vst v2  }
0x15d: {  	[tilespmem:$0x10910] =	vst v2  }
0x15e: {  	[tilespmem:$0x10920] =	vst v2  }
0x15f: {  	[tilespmem:$0x10930] =	vst v2  }
0x160: {  	[tilespmem:$0x10940] =	vst v2  }
0x161: {  	[tilespmem:$0x10950] =	vst v2  }
0x162: {  	[tilespmem:$0x10960] =	vst v2  }
0x163: {  	[tilespmem:$0x10970] =	vst v2  }
0x164: {  	[tilespmem:$0x10980] =	vst v2  }
0x165: {  	[tilespmem:$0x10990] =	vst v2  }
0x166: {  	[tilespmem:$0x109A0] =	vst v2  }
0x167: {  	[tilespmem:$0x109B0] =	vst v2  }
0x168: {  	[tilespmem:$0x109C0] =	vst v2  }
0x169: {  	[tilespmem:$0x109D0] =	vst v2  }
0x16a: {  	[tilespmem:$0x109E0] =	vst v2  }
0x16b: {  	[tilespmem:$0x109F0] =	vst v2  }
0x16c: {  	[tilespmem:$0x10A00] =	vst v2  }
0x16d: {  	[tilespmem:$0x10A10] =	vst v2  }
0x16e: {  	[tilespmem:$0x10A20] =	vst v2  }
0x16f: {  	[tilespmem:$0x10A30] =	vst v2  }
0x170: {  	[tilespmem:$0x10A40] =	vst v2  }
0x171: {  	[tilespmem:$0x10A50] =	vst v2  }
0x172: {  	[tilespmem:$0x10A60] =	vst v2  }
0x173: {  	[tilespmem:$0x10A70] =	vst v2  }
0x174: {  	[tilespmem:$0x10A80] =	vst v2  }
0x175: {  	[tilespmem:$0x10A90] =	vst v2  }
0x176: {  	[tilespmem:$0x10AA0] =	vst v2  }
0x177: {  	[tilespmem:$0x10AB0] =	vst v2  }
0x178: {  	[tilespmem:$0x10AC0] =	vst v2  }
0x179: {  	[tilespmem:$0x10AD0] =	vst v2  }
0x17a: {  	[tilespmem:$0x10AE0] =	vst v2  }
0x17b: {  	[tilespmem:$0x10AF0] =	vst v2  }
0x17c: {  	[tilespmem:$0x10B00] =	vst v2  }
0x17d: {  	[tilespmem:$0x10B10] =	vst v2  }
0x17e: {  	[tilespmem:$0x10B20] =	vst v2  }
0x17f: {  	[tilespmem:$0x10B30] =	vst v2  }
0x180: {  	[tilespmem:$0x10B40] =	vst v2  }
0x181: {  	[tilespmem:$0x10B50] =	vst v2  }
0x182: {  	[tilespmem:$0x10B60] =	vst v2  }
0x183: {  	[tilespmem:$0x10B70] =	vst v2  }
0x184: {  	[tilespmem:$0x10B80] =	vst v2  }
0x185: {  	[tilespmem:$0x10B90] =	vst v2  }
0x186: {  	[tilespmem:$0x10BA0] =	vst v2  }
0x187: {  	[tilespmem:$0x10BB0] =	vst v2  }
0x188: {  	[tilespmem:$0x10BC0] =	vst v2  }
0x189: {  	[tilespmem:$0x10BD0] =	vst v2  }
0x18a: {  	[tilespmem:$0x10BE0] =	vst v2  }
0x18b: {  	[tilespmem:$0x10BF0] =	vst v2  }
0x18c: {  	[tilespmem:$0x10C00] =	vst v2  }
0x18d: {  	[tilespmem:$0x10C10] =	vst v2  }
0x18e: {  	[tilespmem:$0x10C20] =	vst v2  }
0x18f: {  	[tilespmem:$0x10C30] =	vst v2  }
0x190: {  	[tilespmem:$0x10C40] =	vst v2  }
0x191: {  	[tilespmem:$0x10C50] =	vst v2  }
0x192: {  	[tilespmem:$0x10C60] =	vst v2  }
0x193: {  	[tilespmem:$0x10C70] =	vst v2  }
0x194: {  	[tilespmem:$0x10C80] =	vst v2  }
0x195: {  	[tilespmem:$0x10C90] =	vst v2  }
0x196: {  	[tilespmem:$0x10CA0] =	vst v2  }
0x197: {  	[tilespmem:$0x10CB0] =	vst v2  }
0x198: {  	[tilespmem:$0x10CC0] =	vst v2  }
0x199: {  	[tilespmem:$0x10CD0] =	vst v2  }
0x19a: {  	[tilespmem:$0x10CE0] =	vst v2  }
0x19b: {  	[tilespmem:$0x10CF0] =	vst v2  }
0x19c: {  	[tilespmem:$0x10D00] =	vst v2  }
0x19d: {  	[tilespmem:$0x10D10] =	vst v2  }
0x19e: {  	[tilespmem:$0x10D20] =	vst v2  }
0x19f: {  	[tilespmem:$0x10D30] =	vst v2  }
0x1a0: {  	[tilespmem:$0x10D40] =	vst v2  }
0x1a1: {  	[tilespmem:$0x10D50] =	vst v2  }
0x1a2: {  	[tilespmem:$0x10D60] =	vst v2  }
0x1a3: {  	[tilespmem:$0x10D70] =	vst v2  }
0x1a4: {  	[tilespmem:$0x10D80] =	vst v2  }
0x1a5: {  	[tilespmem:$0x10D90] =	vst v2  }
0x1a6: {  	[tilespmem:$0x10DA0] =	vst v2  }
0x1a7: {  	[tilespmem:$0x10DB0] =	vst v2  }
0x1a8: {  	[tilespmem:$0x10DC0] =	vst v2  }
0x1a9: {  	[tilespmem:$0x10DD0] =	vst v2  }
0x1aa: {  	[tilespmem:$0x10DE0] =	vst v2  }
0x1ab: {  	[tilespmem:$0x10DF0] =	vst v2  }
0x1ac: {  	[tilespmem:$0x10E00] =	vst v2  }
0x1ad: {  	[tilespmem:$0x10E10] =	vst v2  }
0x1ae: {  	[tilespmem:$0x10E20] =	vst v2  }
0x1af: {  	[tilespmem:$0x10E30] =	vst v2  }
0x1b0: {  	[tilespmem:$0x10E40] =	vst v2  }
0x1b1: {  	[tilespmem:$0x10E50] =	vst v2  }
0x1b2: {  	[tilespmem:$0x10E60] =	vst v2  }
0x1b3: {  	[tilespmem:$0x10E70] =	vst v2  }
0x1b4: {  	[tilespmem:$0x10E80] =	vst v2  }
0x1b5: {  	[tilespmem:$0x10E90] =	vst v2  }
0x1b6: {  	[tilespmem:$0x10EA0] =	vst v2  }
0x1b7: {  	[tilespmem:$0x10EB0] =	vst v2  }
0x1b8: {  	[tilespmem:$0x10EC0] =	vst v2  }
0x1b9: {  	[tilespmem:$0x10ED0] =	vst v2  }
0x1ba: {  	[tilespmem:$0x10EE0] =	vst v2  }
0x1bb: {  	[tilespmem:$0x10EF0] =	vst v2  }
0x1bc: {  	[tilespmem:$0x10F00] =	vst v2  }
0x1bd: {  	[tilespmem:$0x10F10] =	vst v2  }
0x1be: {  	[tilespmem:$0x10F20] =	vst v2  }
0x1bf: {  	[tilespmem:$0x10F30] =	vst v2  }
0x1c0: {  	[tilespmem:$0x10F40] =	vst v2  }
0x1c1: {  	[tilespmem:$0x10F50] =	vst v2  }
0x1c2: {  	[tilespmem:$0x10F60] =	vst v2  }
0x1c3: {  	[tilespmem:$0x10F70] =	vst v2  }
0x1c4: {  	[tilespmem:$0x10F80] =	vst v2  }
0x1c5: {  	[tilespmem:$0x10F90] =	vst v2  }
0x1c6: {  	[tilespmem:$0x10FA0] =	vst v2  }
0x1c7: {  	[tilespmem:$0x10FB0] =	vst v2  }
0x1c8: {  	[tilespmem:$0x10FC0] =	vst v2  }
0x1c9: {  	[tilespmem:$0x10FD0] =	vst v2  }
0x1ca: {  	[tilespmem:$0x10FE0] =	vst v2  }
0x1cb: {  	[tilespmem:$0x10FF0] =	vst v2  }
0x1cc: {  	[spmem:s2] =	stream.linear.scatter [tilespmem:s12], [sflag:$0x3], $0x800, $0x38;
	[tilespmem:$0x11180] =	vst v63  }
0x1cd: {  	_ =	swait.ge [sflag:s11], $0x800  }
0x1ce: {  	[sflag:s11] =	ssyncset.done $0x0  }
0x1cf: {  	[sflag:s11] =	ssyncadd.s32 $0xFFFFF800  }
.LBB2_3:
.Ltmp3:
0x1d0: {  	(pc) =	sbr.rel .LBB2_4-.Ltmp3, $3  }
0x1d1: {  	_ =	sdelay $0x1  }
0x1d2: {  	s20 =	simm.s32 $0x0;
	p2 =	por $0x1, $0x1;
	s21 =	simm.s32 $0x0  }
0x1d3: {  	[tilespmem:s20], [sflag:$0x1] =	stream.linear.gather [hbm4b:s5+s20], $0x8000, $0x38;
	[tilespmem:$0x11180] =	vst v63  }
.LBB2_16:
.Ltmp4:
0x1d4: {  	(pc) =	sbr.rel @!p1 .LBB2_17-.Ltmp4, $2  }
0x1d5: {  	_ =	sdelay $0x2  }
0x1d6: {  	s21 =	simm.s32 $0x1;
	p2 =	por $0x0, $0x0  }
.LBB2_4:
0x1d7: {  	s22 =	sshllo.u32 s21, $0x1;
	s31 =	sshll.u32 s21, $0x9  }
0x1d8: {  	p1 =	por p2, p2;
	s23 =	sshll.u32 s22, $0xC;
	s24 =	sadd.s32 s31, s4  }
.Ltmp5:
0x1d9: {  	s23 =	sadd.s32 s23, s5;
	s24 =	sshll.u32 s24, $0x9;
	(pc) =	sbr.rel .LBB2_5-.Ltmp5, $4  }
0x1da: {  	[tilespmem:s13], [sflag:$0x2] =	stream.linear.gather [hbm4b:s23+s20], $0x8000, $0x38;
	[tilespmem:$0x11180] =	vst v63  }
0x1db: {  	s26 =	simm.s32 $0x0;
	s24 =	ssub.s32 $0x0, s24;
	_ =	swait.ge [sflag:s14], $0x8000  }
0x1dc: {  	s23 =	sor.u32 s4, s31;
	s25 =	sshra.s32 s24, $0x2;
	[sflag:s14] =	ssyncset.done $0x0  }
0x1dd: {  	s24 =	sor.u32 $0x100, s23;
	s25 =	sor.u32 $0x40, s25;
	[sflag:s14] =	ssyncadd.s32 $0xFFFF8000  }
.LBB2_8:
0x1de: {  	s28 =	sshll.u32 s26, $0x7  }
0x1df: {  	s28 =	sand.u32 $0x3FFFFF80, s28  }
0x1e0: {  	v16 =	vld [tilespmem:s28+$0x10000]  }
0x1e1: {  	v17 =	vld [tilespmem:s28+$0x10010]  }
0x1e2: {  	v18 =	vld [tilespmem:s28+$0x10020]  }
0x1e3: {  	v14 =	vadd.f32 v15, v14;
	v58 =	vld [tilespmem:s28+$0x10030]  }
0x1e4: {  	v19 =	vld [tilespmem:s28+$0x10040]  }
0x1e5: {  	v59 =	vld [tilespmem:s28+$0x10050];
	v14 =	vadd.f32 v16, v14  }
0x1e6: {  	v4 =	vadd.f32 v13, v4;
	v60 =	vld [tilespmem:s28+$0x10060];
	v9 =	vadd.f32 v17, v9  }
0x1e7: {  	v10 =	vadd.f32 v11, v10;
	v61 =	vld [tilespmem:s28+$0x10070];
	v6 =	vadd.f32 v18, v6;
	[tilespmem:s28+$0x10000] =	vst v14  }
0x1e8: {  	v7 =	vadd.f32 v7, v8;
	v4 =	vadd.f32 v58, v4;
	[tilespmem:s28+$0x10010] =	vst v9  }
0x1e9: {  	v5 =	vadd.f32 v12, v5;
	v62 =	vadd.f32 v19, v10;
	[tilespmem:s28+$0x10020] =	vst v6  }
0x1ea: {  	v63 =	vadd.f32 v59, v7;
	[tilespmem:s28+$0x10030] =	vst v4  }
0x1eb: {  	v5 =	vadd.f32 v60, v5;
	[tilespmem:s28+$0x10040] =	vst v62  }
0x1ec: {  	v3 =	vadd.f32 v61, v3;
	[tilespmem:s28+$0x10050] =	vst v63  }
0x1ed: {  	[tilespmem:s28+$0x10060] =	vst v5  }
0x1ee: {  	[tilespmem:s28+$0x10070] =	vst v3  }
.LBB2_9:
0x1ef: {  	s26 =	sadd.s32 $0x1, s26  }
0x1f0: {  	p2 =	sne.s32 s26, $0x10  }
.Ltmp6:
0x1f1: {  	_ = 	snop;
	(pc) =	sbr.rel @!p2 .LBB2_10-.Ltmp6, $1  }
0x1f2: {  	_ =	sdelay $0x3  }
.LBB2_5:
0x1f3: {  	v3 =	vld [tilespmem:s26+$0x11000]  }
0x1f4: {  	v4 =	vld [tilespmem:s26+$0x11001];
	_ =	sdelay $0x3  }
0x1f5: {  	(v2sf) =	vpush v3, $0x0  }
0x1f6: {  	(v2sf) =	vpush v4, $0x0;
	_ =	sdelay $0xd  }
0x1f7: {  	s28 =	spop (v2sf)  }
0x1f8: {  	s30 =	smov.u32 s23;
	s29 =	spop (v2sf)  }
0x1f9: {  	s31 =	smov.u32 s24;
	p2 =	sgt.s32 s28, s23;
	p3 =	slt.s32 s29, s24  }
0x1fa: {  	s30 =	smov.u32 @p2 s28;
	s31 =	smov.u32 @p3 s29  }
0x1fb: {  	s29 =	ssub.s32 s30, s23;
	s28 =	ssub.s32 s31, s23  }
0x1fc: {  	p2 =	sle.s32 s28, s29  }
.Ltmp7:
0x1fd: {  	_ = 	snop;
	(pc) =	sbr.rel @p2 .LBB2_9-.Ltmp7, $1  }
0x1fe: {  	_ =	sdelay $0x3  }
0x1ff: {  	s30 =	sshll.u32 s30, $0x9  }
0x200: {  	s30 =	sshra.s32 s30, $0x2  }
0x201: {  	s30 =	sadd.s32 s30, s25  }
0x202: {  	v3 =	vld [tilespmem:s30+$0x30]  }
0x203: {  	s29 =	sadd.s32 $0x1, s29;
	v5 =	vld [tilespmem:s30+$0xFFFFFFD0]  }
0x204: {  	p2 =	slt.s32 s29, s28;
	v6 =	vld [tilespmem:s30+$0xFFFFFFE0]  }
.Ltmp8:
0x205: {  	v13 =	vld [tilespmem:s30+$0xFFFFFFF0];
	(pc) =	sbr.rel @!p2 .LBB2_8-.Ltmp8, $4  }
0x206: {  	v11 =	vld [tilespmem:s30+$0x0]  }
0x207: {  	v4 =	vimm.f32 $0.0e+00;
	v10 =	vimm.f32 $0.0e+00;
	v7 =	vld [tilespmem:s30+$0x10]  }
0x208: {  	v8 =	vimm.f32 $0.0e+00;
	v14 =	vimm.f32 $0.0e+00;
	v12 =	vld [tilespmem:s30+$0x20];
	v3 =	vadd.f32 v3, v4  }
0x209: {  	v15 =	vld [tilespmem:s30+$0xFFFFFFC0];
	s30 =	sadd.s32 $0x80, s30;
	v9 =	vadd.f32 v5, v4;
	v6 =	vadd.f32 v6, v4;
	v5 =	vimm.f32 $0.0e+00  }
.LBB2_7:
0x20a: {  	v16 =	vld [tilespmem:s30+$0x30];
	s29 =	sadd.s32 $0x1, s29;
	v4 =	vadd.f32 v13, v4  }
0x20b: {  	v10 =	vadd.f32 v11, v10;
	v17 =	vld [tilespmem:s30+$0xFFFFFFD0];
	p2 =	slt.s32 s29, s28  }
0x20c: {  	v8 =	vadd.f32 v7, v8;
	v18 =	vld [tilespmem:s30+$0xFFFFFFE0]  }
.Ltmp9:
0x20d: {  	v5 =	vadd.f32 v12, v5;
	v13 =	vld [tilespmem:s30+$0xFFFFFFF0];
	(pc) =	sbr.rel @p2 .LBB2_7-.Ltmp9, $4  }
0x20e: {  	v14 =	vadd.f32 v15, v14;
	v11 =	vld [tilespmem:s30+$0x0]  }
0x20f: {  	v7 =	vld [tilespmem:s30+$0x10];
	v3 =	vadd.f32 v16, v3  }
0x210: {  	v9 =	vadd.f32 v17, v9;
	v12 =	vld [tilespmem:s30+$0x20]  }
0x211: {  	v15 =	vld [tilespmem:s30+$0xFFFFFFC0];
	v6 =	vadd.f32 v18, v6;
	s30 =	sadd.s32 $0x80, s30  }
.Ltmp10:
0x212: {  	_ = 	snop;
	(pc) =	sbr.rel .LBB2_8-.Ltmp10, $1  }
0x213: {  	_ =	sdelay $0x3  }
.LBB2_10:
0x214: {  	s23 =	simm.s32 @p1 $0x0  }
.Ltmp11:
0x215: {  	s21 =	sshll.u32 s21, $0x12;
	s22 =	sshll.u32 s22, $0x8;
	(pc) =	sbr.rel .LBB2_11-.Ltmp11, $4  }
0x216: {  	[tilespmem:s23], [sflag:$0x1] =	stream.linear.gather @p1 [hbm4b:s6+s23], $0x8000, $0x38;
	[tilespmem:$0x11180] =	vst v63  }
0x217: {  	s24 =	simm.s32 $0x0;
	s31 =	ssub.s32 $0x0, s21;
	_ =	swait.ge [sflag:s15], $0x8000  }
0x218: {  	s21 =	sor.u32 s4, s22;
	s23 =	sshra.s32 s31, $0x2;
	[sflag:s15] =	ssyncset.done $0x0  }
0x219: {  	s22 =	sadd.s32 $0x100, s21;
	s23 =	sadd.s32 s23, s9;
	[sflag:s15] =	ssyncadd.s32 $0xFFFF8000  }
.LBB2_14:
0x21a: {  	s25 =	sshll.u32 s24, $0x7  }
0x21b: {  	s25 =	sand.u32 $0x3FFFFF80, s25  }
0x21c: {  	v16 =	vld [tilespmem:s25+$0x10000]  }
0x21d: {  	v17 =	vld [tilespmem:s25+$0x10010]  }
0x21e: {  	v18 =	vld [tilespmem:s25+$0x10020]  }
0x21f: {  	v14 =	vadd.f32 v15, v14;
	v58 =	vld [tilespmem:s25+$0x10030]  }
0x220: {  	v19 =	vld [tilespmem:s25+$0x10040]  }
0x221: {  	v59 =	vld [tilespmem:s25+$0x10050];
	v14 =	vadd.f32 v16, v14  }
0x222: {  	v4 =	vadd.f32 v13, v4;
	v60 =	vld [tilespmem:s25+$0x10060];
	v9 =	vadd.f32 v17, v9  }
0x223: {  	v10 =	vadd.f32 v11, v10;
	v61 =	vld [tilespmem:s25+$0x10070];
	v6 =	vadd.f32 v18, v6;
	[tilespmem:s25+$0x10000] =	vst v14  }
0x224: {  	v7 =	vadd.f32 v7, v8;
	v4 =	vadd.f32 v58, v4;
	[tilespmem:s25+$0x10010] =	vst v9  }
0x225: {  	v5 =	vadd.f32 v12, v5;
	v62 =	vadd.f32 v19, v10;
	[tilespmem:s25+$0x10020] =	vst v6  }
0x226: {  	v63 =	vadd.f32 v59, v7;
	[tilespmem:s25+$0x10030] =	vst v4  }
0x227: {  	v5 =	vadd.f32 v60, v5;
	[tilespmem:s25+$0x10040] =	vst v62  }
0x228: {  	v3 =	vadd.f32 v61, v3;
	[tilespmem:s25+$0x10050] =	vst v63  }
0x229: {  	[tilespmem:s25+$0x10060] =	vst v5  }
0x22a: {  	[tilespmem:s25+$0x10070] =	vst v3  }
.LBB2_15:
0x22b: {  	s24 =	sadd.s32 $0x1, s24  }
0x22c: {  	p2 =	sne.s32 s24, $0x10  }
.Ltmp12:
0x22d: {  	_ = 	snop;
	(pc) =	sbr.rel @!p2 .LBB2_16-.Ltmp12, $1  }
0x22e: {  	_ =	sdelay $0x3  }
.LBB2_11:
0x22f: {  	v3 =	vld [tilespmem:s24+$0x11000]  }
0x230: {  	v4 =	vld [tilespmem:s24+$0x11001];
	_ =	sdelay $0x3  }
0x231: {  	(v2sf) =	vpush v3, $0x0  }
0x232: {  	(v2sf) =	vpush v4, $0x0;
	_ =	sdelay $0xd  }
0x233: {  	s25 =	spop (v2sf)  }
0x234: {  	s28 =	smov.u32 s21;
	s26 =	spop (v2sf)  }
0x235: {  	s29 =	smov.u32 s22;
	p2 =	sgt.s32 s25, s21;
	p3 =	slt.s32 s26, s22  }
0x236: {  	s28 =	smov.u32 @p2 s25;
	s29 =	smov.u32 @p3 s26  }
0x237: {  	s26 =	ssub.s32 s28, s21;
	s25 =	ssub.s32 s29, s21  }
0x238: {  	p2 =	sle.s32 s25, s26  }
.Ltmp13:
0x239: {  	_ = 	snop;
	(pc) =	sbr.rel @p2 .LBB2_15-.Ltmp13, $1  }
0x23a: {  	_ =	sdelay $0x3  }
0x23b: {  	s28 =	sshll.u32 s28, $0x9  }
0x23c: {  	s28 =	sshra.s32 s28, $0x2  }
0x23d: {  	s28 =	sadd.s32 s28, s23  }
0x23e: {  	v3 =	vld [tilespmem:s28+$0x30]  }
0x23f: {  	s26 =	sadd.s32 $0x1, s26;
	v5 =	vld [tilespmem:s28+$0xFFFFFFD0]  }
0x240: {  	p2 =	slt.s32 s26, s25;
	v6 =	vld [tilespmem:s28+$0xFFFFFFE0]  }
.Ltmp14:
0x241: {  	v13 =	vld [tilespmem:s28+$0xFFFFFFF0];
	(pc) =	sbr.rel @!p2 .LBB2_14-.Ltmp14, $4  }
0x242: {  	v11 =	vld [tilespmem:s28+$0x0]  }
0x243: {  	v4 =	vimm.f32 $0.0e+00;
	v10 =	vimm.f32 $0.0e+00;
	v7 =	vld [tilespmem:s28+$0x10]  }
0x244: {  	v8 =	vimm.f32 $0.0e+00;
	v14 =	vimm.f32 $0.0e+00;
	v12 =	vld [tilespmem:s28+$0x20];
	v3 =	vadd.f32 v3, v4  }
0x245: {  	v15 =	vld [tilespmem:s28+$0xFFFFFFC0];
	s28 =	sadd.s32 $0x80, s28;
	v9 =	vadd.f32 v5, v4;
	v6 =	vadd.f32 v6, v4;
	v5 =	vimm.f32 $0.0e+00  }
.LBB2_13:
0x246: {  	v16 =	vld [tilespmem:s28+$0x30];
	s26 =	sadd.s32 $0x1, s26;
	v4 =	vadd.f32 v13, v4  }
0x247: {  	v10 =	vadd.f32 v11, v10;
	v17 =	vld [tilespmem:s28+$0xFFFFFFD0];
	p2 =	slt.s32 s26, s25  }
0x248: {  	v8 =	vadd.f32 v7, v8;
	v18 =	vld [tilespmem:s28+$0xFFFFFFE0]  }
.Ltmp15:
0x249: {  	v5 =	vadd.f32 v12, v5;
	v13 =	vld [tilespmem:s28+$0xFFFFFFF0];
	(pc) =	sbr.rel @p2 .LBB2_13-.Ltmp15, $4  }
0x24a: {  	v14 =	vadd.f32 v15, v14;
	v11 =	vld [tilespmem:s28+$0x0]  }
0x24b: {  	v7 =	vld [tilespmem:s28+$0x10];
	v3 =	vadd.f32 v16, v3  }
0x24c: {  	v9 =	vadd.f32 v17, v9;
	v12 =	vld [tilespmem:s28+$0x20]  }
0x24d: {  	v15 =	vld [tilespmem:s28+$0xFFFFFFC0];
	v6 =	vadd.f32 v18, v6;
	s28 =	sadd.s32 $0x80, s28  }
.Ltmp16:
0x24e: {  	_ = 	snop;
	(pc) =	sbr.rel .LBB2_14-.Ltmp16, $1  }
0x24f: {  	_ =	sdelay $0x3  }
.LBB2_18:
0x250: {  	_ =	sfence.sel $0x180000  }
0x251: {  	[bflag:$0x0] =	sbarrier.arrive $0xFFFF  }
0x252: {  	_ =	strace $0x90000047  }
0x253: {  	s0 =	sadd.s32 @!p0 $0x100000, s0;
	[bflag:$0x2] =	sbarrier.arrive $0xFFFF  }
0x254: {  	[sflag:s0] =	ssyncadd.tile.s32 @!p0 $0x1;
	_ =	shalt  }
.Lfunc_end2:
_tile_overlayer_lowered:
.L_overlay_start_2:
0x255: {  	(tag) =	ssettag $0x2  }
0x256: {  	s0 =	rddreg [dreg:$0x0];
	s2 =	stileid.u32  }
0x257: {  	s1 =	rddreg [dreg:$0x1];
	p0 =	sne.s32 s2, $0x0  }
0x258: {  	s3 =	rddreg [dreg:$0x2];
	[bflag:$0x3] =	sbarrier.arrive $0xFFFF;
	s2 =	simm.s32 @!p0 $0x1C03  }
0x259: {  	[timem:s3], [sflag:s2] =	dma.local @!p0 [hbm:s0], s1  }
0x25a: {  	s0 =	simm.s32 @!p0 $0x3  }
0x25b: {  	_ =	swait.ge @!p0 [sflag:s0], s1  }
0x25c: {  	s1 =	ssub.s32 @!p0 $0x0, s1;
	[sflag:s0] =	ssyncset.done @!p0 $0x0  }
0x25d: {  	[sflag:s0] =	ssyncadd.s32 @!p0 s1  }
0x25e: {  	[bflag:$0x3] =	sbarrier.arrive $0xFFFF  }
0x25f: {  	_ =	shalt  }

</sc_bundles>
